<compile_context>
chip_gen: v7x
topology: tpu7x:2x2x1
jax: 0.10.2.dev20260603
libtpu: 0.0.44.dev20260713+nightly
codegen_flags: <defaults>
</compile_context>

<pallas_src>
import functools

import jax
import jax.numpy as jnp
from jax import lax
from jax._src import config as jax_config
from jax.experimental import pallas as pl
from jax.experimental.pallas import tpu as pltpu
from jax.experimental.pallas import tpu_sc as plsc

N = 10000
E = 320000
D = 128
NC = 2
NS = 16
NW = NC * NS
EPT = E // NW
CHUNK = 125
NB = EPT // CHUNK
NPAD = 10240
RPT = NPAD // NS
ZC = 64
NB2 = NB // 2
RB = RPT // ZC

@functools.lru_cache(maxsize=None)
def _mesh():
    return plsc.VectorSubcoreMesh(core_axis_name="c", subcore_axis_name="s",
                                  num_cores=NC, num_subcores=NS)



DEG_R = 5
DEG_C = 2048
EPV = EPT // 16


def _degree_body(dstd_hbm, zeros_hbm, out_hbm, dstd_v, deg_v, sem):
    cid = lax.axis_index("c")
    sid = lax.axis_index("s")
    wid = cid * NS + sid
    pltpu.sync_copy(dstd_hbm.at[wid], dstd_v)
    pltpu.sync_copy(zeros_hbm, deg_v)
    ones = jnp.ones((16,), jnp.float32)

    @pl.loop(jnp.int32(0), jnp.int32(EPV))
    def _(i):
        idx = dstd_v[i]
        plsc.addupdate_scatter(deg_v, [lax.shift_right_logical(idx, 11),
                                       lax.bitwise_and(idx, 2047)], ones)

    pltpu.sync_copy(deg_v, out_hbm.at[wid])


@functools.lru_cache(maxsize=None)
def _degree_kernel():
    return pl.kernel(
        _degree_body,
        out_type=jax.ShapeDtypeStruct((NW, DEG_R, DEG_C), jnp.float32),
        mesh=_mesh(),
        scratch_types=[
            pltpu.VMEM((EPV, 16), jnp.int32),
            pltpu.VMEM((DEG_R, DEG_C), jnp.float32),
            pltpu.SemaphoreType.DMA,
        ],
        compiler_params=pltpu.CompilerParams(needs_layout_passes=False,
                                             skip_device_barrier=True),
    )


def _degree_call(dstd, zeros_deg):
    return _degree_kernel()(dstd, zeros_deg)


def _scatter_body(g_hbm, src_hbm, dst_hbm, zeros_hbm, out0_hbm, out1_hbm,
                  src_v, dst_v, rows0, rows1, acc_sh,
                  sem0, sem1, sems0, sems1):
    cid = lax.axis_index("c")
    sid = lax.axis_index("s")
    wid = cid * NS + sid
    pltpu.sync_copy(src_hbm.at[wid, pl.ds(0, NB2)], src_v)
    pltpu.sync_copy(dst_hbm.at[wid, pl.ds(0, NB2)], dst_v)
    pltpu.async_copy(g_hbm.at[src_v.at[0]], rows0, sem0)
    pltpu.sync_copy(zeros_hbm, rows1.at[pl.ds(0, ZC)])
    for r in range(RB):
        pltpu.sync_copy(rows1.at[pl.ds(0, ZC)],
                        acc_sh.at[pl.ds(sid * RPT + r * ZC, ZC)])
    plsc.subcore_barrier()

    for stage in range(NB // NB2):
        if stage > 0:
            s0 = stage * NB2
            pltpu.sync_copy(src_hbm.at[wid, pl.ds(s0, NB2)], src_v)
            pltpu.sync_copy(dst_hbm.at[wid, pl.ds(s0, NB2)], dst_v)
            pltpu.async_copy(g_hbm.at[src_v.at[0]], rows0, sem0)

        @pl.loop(jnp.int32(0), jnp.int32(NB2), step=2)
        def _(j):
            pltpu.async_copy(g_hbm.at[src_v.at[j + 1]], rows1, sem1)
            pltpu.make_async_copy(g_hbm.at[src_v.at[j]], rows0, sem0).wait()
            pltpu.sync_copy(rows0, acc_sh.at[dst_v.at[j]], add=True)

            @pl.when(j + 2 < NB2)
            def _():
                pltpu.async_copy(g_hbm.at[src_v.at[j + 2]], rows0, sem0)

            pltpu.make_async_copy(g_hbm.at[src_v.at[j + 1]], rows1,
                                  sem1).wait()
            pltpu.sync_copy(rows1, acc_sh.at[dst_v.at[j + 1]], add=True)

    plsc.subcore_barrier()

    @pl.when(cid == 0)
    def _():
        pltpu.sync_copy(acc_sh.at[pl.ds(sid * RPT, RPT)],
                        out0_hbm.at[pl.ds(sid * RPT, RPT)])

    @pl.when(cid == 1)
    def _():
        pltpu.sync_copy(acc_sh.at[pl.ds(sid * RPT, RPT)],
                        out1_hbm.at[pl.ds(sid * RPT, RPT)])


@functools.lru_cache(maxsize=None)
def _scatter_kernel():
    return pl.kernel(
        _scatter_body,
        out_type=[jax.ShapeDtypeStruct((NPAD, D), jnp.float32),
                  jax.ShapeDtypeStruct((NPAD, D), jnp.float32)],
        mesh=_mesh(),
        scratch_types=[
            pltpu.VMEM((NB2, CHUNK), jnp.int32),
            pltpu.VMEM((NB2, CHUNK), jnp.int32),
            pltpu.VMEM((CHUNK, D), jnp.float32),
            pltpu.VMEM((CHUNK, D), jnp.float32),
            pltpu.VMEM_SHARED((NPAD, D), jnp.float32),
            pltpu.SemaphoreType.DMA,
            pltpu.SemaphoreType.DMA,
            pltpu.SemaphoreType.DMA,
            pltpu.SemaphoreType.DMA,
        ],
        compiler_params=pltpu.CompilerParams(skip_device_barrier=True),
    )


def _scatter_call(g, src, dst, zeros128):
    return _scatter_kernel()(g, src, dst, zeros128)



BN = 1024
GRID = NPAD // BN
BT = 2048
GT = NPAD // BT


def _elu(p):
    return jnp.where(p > 0, p, jnp.exp(jnp.minimum(p, 0.0)) - 1.0)


def _tg_body(dp_ref, x_ref, w_ref, t_ref, g_ref):
    deg = jnp.sum(dp_ref[...], axis=0) + 1.0
    tcols = lax.transpose(lax.rsqrt(deg), (1, 0))
    i = pl.program_id(0)
    sel = lax.broadcasted_iota(jnp.int32, (BT, GT), 1) == i
    tcol = jnp.sum(jnp.where(sel, tcols, 0.0), axis=1, keepdims=True)
    tb = jnp.broadcast_to(tcol, (BT, D))
    t_ref[...] = tb
    h = jnp.dot(x_ref[...], w_ref[...], preferred_element_type=jnp.float32)
    g_ref[...] = h * tb


def _tg_call(dp, x, w):
    return pl.pallas_call(
        _tg_body,
        grid=(GT,),
        in_specs=[
            pl.BlockSpec((NW, DEG_R, DEG_C), lambda i: (0, 0, 0)),
            pl.BlockSpec((BT, D), lambda i: (i, 0)),
            pl.BlockSpec((D, D), lambda i: (0, 0)),
        ],
        out_specs=[
            pl.BlockSpec((BT, D), lambda i: (i, 0)),
            pl.BlockSpec((BT, D), lambda i: (i, 0)),
        ],
        out_shape=[
            jax.ShapeDtypeStruct((NPAD, D), jnp.float32),
            jax.ShapeDtypeStruct((NPAD, D), jnp.float32),
        ],
    )(dp, x, w)


def _xg_body(s0_ref, s1_ref, g_ref, t_ref, b_ref, wn_ref, x_ref, gn_ref):
    pre = t_ref[...] * (s0_ref[...] + s1_ref[...] + g_ref[...]) + b_ref[...]
    xl = _elu(pre)
    x_ref[...] = xl
    gn_ref[...] = jnp.dot(xl, wn_ref[...],
                          preferred_element_type=jnp.float32) * t_ref[...]


def _xg_call(s0, s1, g, t, b, wn):
    return pl.pallas_call(
        _xg_body,
        grid=(GRID,),
        in_specs=[
            pl.BlockSpec((BN, D), lambda i: (i, 0)),
            pl.BlockSpec((BN, D), lambda i: (i, 0)),
            pl.BlockSpec((BN, D), lambda i: (i, 0)),
            pl.BlockSpec((BN, D), lambda i: (i, 0)),
            pl.BlockSpec((1, D), lambda i: (0, 0)),
            pl.BlockSpec((D, D), lambda i: (0, 0)),
        ],
        out_specs=[
            pl.BlockSpec((BN, D), lambda i: (i, 0)),
            pl.BlockSpec((BN, D), lambda i: (i, 0)),
        ],
        out_shape=[
            jax.ShapeDtypeStruct((NPAD, D), jnp.float32),
            jax.ShapeDtypeStruct((NPAD, D), jnp.float32),
        ],
    )(s0, s1, g, t, b.reshape(1, D), wn)


def _y_body(*refs, with_blin):
    if with_blin:
        x_ref, wl_ref, blin_ref, y_ref = refs
    else:
        x_ref, wl_ref, y_ref = refs
        blin_ref = None
    y = jnp.dot(x_ref[...], wl_ref[...], preferred_element_type=jnp.float32)
    if blin_ref is not None:
        y = y + blin_ref[...]
    y_ref[...] = y


def _y_call(xl, wl, blin=None):
    with_blin = blin is not None
    in_specs = [
        pl.BlockSpec((BN, D), lambda i: (i, 0)),
        pl.BlockSpec((D, D), lambda i: (0, 0)),
    ]
    args = [xl, wl]
    if with_blin:
        in_specs.append(pl.BlockSpec((1, D), lambda i: (0, 0)))
        args.append(blin.reshape(1, D))
    return pl.pallas_call(
        functools.partial(_y_body, with_blin=with_blin),
        grid=(GRID,),
        in_specs=in_specs,
        out_specs=pl.BlockSpec((BN, D), lambda i: (i, 0)),
        out_shape=jax.ShapeDtypeStruct((NPAD, D), jnp.float32),
    )(*args)


def _last_body(s0_ref, s1_ref, g_ref, t_ref, b_ref, wl_ref,
               y0_ref, y1_ref, y2_ref, y_ref):
    pre = t_ref[...] * (s0_ref[...] + s1_ref[...] + g_ref[...]) + b_ref[...]
    xl = _elu(pre)
    y = jnp.dot(xl, wl_ref[...], preferred_element_type=jnp.float32)
    y_ref[...] = y + y0_ref[...] + y1_ref[...] + y2_ref[...]


def _last_call(s0, s1, g, t, b, wl, y0, y1, y2):
    return pl.pallas_call(
        _last_body,
        grid=(GRID,),
        in_specs=[
            pl.BlockSpec((BN, D), lambda i: (i, 0)),
            pl.BlockSpec((BN, D), lambda i: (i, 0)),
            pl.BlockSpec((BN, D), lambda i: (i, 0)),
            pl.BlockSpec((BN, D), lambda i: (i, 0)),
            pl.BlockSpec((1, D), lambda i: (0, 0)),
            pl.BlockSpec((D, D), lambda i: (0, 0)),
            pl.BlockSpec((BN, D), lambda i: (i, 0)),
            pl.BlockSpec((BN, D), lambda i: (i, 0)),
            pl.BlockSpec((BN, D), lambda i: (i, 0)),
        ],
        out_specs=pl.BlockSpec((BN, D), lambda i: (i, 0)),
        out_shape=jax.ShapeDtypeStruct((N, D), jnp.float32),
    )(s0, s1, g, t, b.reshape(1, D), wl, y0, y1, y2)



@jax.jit
def _run(x, src, dst, dstd, W1, b1, W2, b2, W3, b3, Wlin, blin):
    zeros128 = jnp.zeros((ZC, D), jnp.float32)
    zeros_deg = jnp.zeros((DEG_R, DEG_C), jnp.float32)

    dp = _degree_call(dstd, zeros_deg)
    t, g = _tg_call(dp, x, W1)

    wl = [Wlin[0:D], Wlin[D:2 * D], Wlin[2 * D:3 * D], Wlin[3 * D:4 * D]]
    ws = [W2, W3, W3]
    bs = [b1, b2, b3, b3]

    xs = []
    for l in range(3):
        s0, s1 = _scatter_call(g, src, dst, zeros128)
        xl, g = _xg_call(s0, s1, g, t, bs[l], ws[l])
        xs.append(xl)
    ys = [_y_call(xs[l], wl[l], blin=blin if l == 0 else None)
          for l in range(3)]
    s0, s1 = _scatter_call(g, src, dst, zeros128)
    return _last_call(s0, s1, g, t, bs[3], wl[3], ys[0], ys[1], ys[2])


def kernel(x, edge_index, edge_attr, W1, b1, W2, b2, W3, b3, W4, b4,
           Wlin, blin):
    del edge_attr, W4, b4
    ei = edge_index.astype(jnp.int32)
    src = ei[0].reshape(NW, NB, CHUNK)
    dst = ei[1].reshape(NW, NB, CHUNK)
    dstd = ei[1].reshape(NW, EPV, 16)
    with jax_config.enable_x64(False):
        return _run(x.astype(jnp.float32), src, dst, dstd,
                    W1, b1, W2, b2, W3, b3, Wlin, blin)

# --- scband reference (transcript-rebuilt; emitter-appended) ---
"""Pipeline reference for scband-graph-test-36567351558184 (READ-ONLY COPY).

The authoritative reference and input builder live on the scoring server;
editing this copy changes nothing except your own understanding.
"""

import jax, jax.numpy as jnp
import numpy as np
jax.config.update("jax_enable_x64", True)

N = 10000
E = 320000
D_IN = 128
D_H = 128
D_OUT = 128
D_EDGE = 16


def _glorot(key, fan_in, fan_out):
    lim = np.sqrt(6.0 / (fan_in + fan_out))
    return jax.random.uniform(key, (fan_in, fan_out), dtype=jnp.float32, minval=-lim, maxval=lim)


def setup_inputs(seed: int = 0) -> dict:
    key = jax.random.key(seed)
    ks = jax.random.split(key, 16)
    x = jax.random.normal(ks[0], (N, D_IN), dtype=jnp.float32)
    edge_index = jax.random.randint(ks[1], (2, E), 0, N, dtype=jnp.int64)
    edge_attr = jax.random.normal(ks[2], (E, D_EDGE), dtype=jnp.float32)
    W1 = _glorot(ks[3], D_IN, D_H)
    b1 = jnp.zeros((D_H,), jnp.float32)
    W2 = _glorot(ks[4], D_H, D_H)
    b2 = jnp.zeros((D_H,), jnp.float32)
    W3 = _glorot(ks[5], D_H, D_H)
    b3 = jnp.zeros((D_H,), jnp.float32)
    W4 = _glorot(ks[6], D_H, D_H)
    b4 = jnp.zeros((D_H,), jnp.float32)
    Wlin = _glorot(ks[7], 4 * D_H, D_OUT)
    blin = jnp.zeros((D_OUT,), jnp.float32)
    return {"x": x, "edge_index": edge_index, "edge_attr": edge_attr,
            "W1": W1, "b1": b1, "W2": W2, "b2": b2, "W3": W3, "b3": b3,
            "W4": W4, "b4": b4, "Wlin": Wlin, "blin": blin}


def _gcn_conv(x, src, dst, norm, W, b):
    # GCNConv: out[i] = sum_{j->i} norm_ij * (x[j] @ W) + b  (with self-loops already in src/dst)
    h = x @ W
    msg = jnp.take(h, src, axis=0) * norm[:, None]
    out = jnp.zeros((x.shape[0], W.shape[1]), dtype=h.dtype).at[dst].add(msg)
    return out + b


def reference(x, edge_index, edge_attr, W1, b1, W2, b2, W3, b3, W4, b4, Wlin, blin):
    # edge_attr is accepted by the original forward but never used (GCNConv layers)
    src = edge_index[0]
    dst = edge_index[1]
    loop = jnp.arange(N, dtype=src.dtype)
    s = jnp.concatenate([src, loop])
    d = jnp.concatenate([dst, loop])
    deg = jnp.zeros((N,), jnp.float32).at[d].add(1.0)
    dinv = jax.lax.rsqrt(deg)  # deg >= 1 thanks to self-loops
    norm = dinv[s] * dinv[d]
    # dropout is identity in eval mode
    x1 = jax.nn.elu(_gcn_conv(x, s, d, norm, W1, b1))
    x2 = jax.nn.elu(_gcn_conv(x1, s, d, norm, W2, b2))
    x3 = jax.nn.elu(_gcn_conv(x2, s, d, norm, W3, b3))
    # NOTE: the original torch code reuses self.model[2] for the 4th layer (model[3]/W4 is dead)
    x4 = jax.nn.elu(_gcn_conv(x3, s, d, norm, W3, b3))
    x5 = jnp.concatenate([x1, x2, x3, x4], axis=1)  # JumpingKnowledge('cat')
    return x5 @ Wlin + blin

if __name__ == "__main__":
    import jax
    _d = setup_inputs()
    print(jax.jit(kernel)(*tuple(_d.values())))

</pallas_src>

<mosaic_0001>
#map = affine_map<(d0, d1) -> (0, 0)>
#map1 = affine_map<(d0, d1) -> (0, 0, 0)>
module attributes {stable_mosaic.version = 14 : i64} {
  func.func @_scatter_body(%arg0: i32, %arg1: i32, %arg2: memref<10240x128xf32, #tpu.memory_space<hbm>>, %arg3: memref<32x80x125xi32, #tpu.memory_space<hbm>>, %arg4: memref<32x80x125xi32, #tpu.memory_space<hbm>>, %arg5: memref<64x128xf32, #tpu.memory_space<hbm>>, %arg6: memref<10240x128xf32, #tpu.memory_space<hbm>>, %arg7: memref<10240x128xf32, #tpu.memory_space<hbm>>, %arg8: memref<40x125xi32, #tpu.memory_space<vmem>>, %arg9: memref<40x125xi32, #tpu.memory_space<vmem>>, %arg10: memref<125x128xf32, #tpu.memory_space<vmem>>, %arg11: memref<125x128xf32, #tpu.memory_space<vmem>>, %arg12: memref<10240x128xf32, #tpu.memory_space<vmem_shared>>, %arg13: memref<!tpu.dma_semaphore, #tpu.memory_space<semaphore_mem>>, %arg14: memref<!tpu.dma_semaphore, #tpu.memory_space<semaphore_mem>>, %arg15: memref<!tpu.dma_semaphore, #tpu.memory_space<semaphore_mem>>, %arg16: memref<!tpu.dma_semaphore, #tpu.memory_space<semaphore_mem>>) attributes {dimension_semantics = [#tpu.dimension_semantics<core_parallel>, #tpu.dimension_semantics<subcore_parallel>], iteration_bounds = array<i64: 2, 16>, scalar_prefetch = 0 : i64, scratch_operands = 9 : i64, tpu.core_type = #tpu.core_type<sc_vector_subcore>, window_params = [{transform_indices = #map}, {transform_indices = #map1}, {transform_indices = #map1}, {transform_indices = #map}, {transform_indices = #map}, {transform_indices = #map}]} {
    %mul3A = arith.constant 16 : i32
    %mul3A_0 = arith.muli %arg0, %mul3A : i32
    %add3A = arith.addi %mul3A_0, %arg1 : i32
    "tpu.region"() ({
      %run_scoped3A = tpu.sem_alloc : memref<!tpu.dma_semaphore, #tpu.memory_space<semaphore_mem>>
      %dma_start3A_99 = arith.constant 0 : i32
      %dma_start3A_100 = arith.constant 0 : i32
      %dma_start3A_101 = tpu.memref_slice %arg3[%add3A, %dma_start3A_99, %dma_start3A_100] : memref<32x80x125xi32, #tpu.memory_space<hbm>> -> memref<1x40x125xi32, #tpu.memory_space<hbm>>
      %dma_start3A_102 = tpu.memref_squeeze %dma_start3A_101 : memref<1x40x125xi32, #tpu.memory_space<hbm>> -> memref<40x125xi32, #tpu.memory_space<hbm>>
      %dma_start3A_103 = arith.constant 0 : i32
      %dma_start3A_104 = arith.constant 0 : i32
      %dma_start3A_105 = tpu.memref_slice %arg3[%add3A, %dma_start3A_103, %dma_start3A_104] : memref<32x80x125xi32, #tpu.memory_space<hbm>> -> memref<1x40x125xi32, #tpu.memory_space<hbm>>
      %dma_start3A_106 = tpu.memref_squeeze %dma_start3A_105 : memref<1x40x125xi32, #tpu.memory_space<hbm>> -> memref<40x125xi32, #tpu.memory_space<hbm>>
      tpu.enqueue_dma source(%dma_start3A_106 : memref<40x125xi32, #tpu.memory_space<hbm>>) target(%arg8 : memref<40x125xi32, #tpu.memory_space<vmem>>) target_semaphore(%run_scoped3A : memref<!tpu.dma_semaphore, #tpu.memory_space<semaphore_mem>>)
      %dma_wait3A = arith.constant 0 : i32
      %dma_wait3A_107 = arith.constant 0 : i32
      %dma_wait3A_108 = tpu.memref_slice %arg3[%add3A, %dma_wait3A, %dma_wait3A_107] : memref<32x80x125xi32, #tpu.memory_space<hbm>> -> memref<1x40x125xi32, #tpu.memory_space<hbm>>
      %dma_wait3A_109 = tpu.memref_squeeze %dma_wait3A_108 : memref<1x40x125xi32, #tpu.memory_space<hbm>> -> memref<40x125xi32, #tpu.memory_space<hbm>>
      %dma_wait3A_110 = arith.constant 0 : i32
      %dma_wait3A_111 = arith.constant 0 : i32
      %dma_wait3A_112 = tpu.memref_slice %arg3[%add3A, %dma_wait3A_110, %dma_wait3A_111] : memref<32x80x125xi32, #tpu.memory_space<hbm>> -> memref<1x40x125xi32, #tpu.memory_space<hbm>>
      %dma_wait3A_113 = tpu.memref_squeeze %dma_wait3A_112 : memref<1x40x125xi32, #tpu.memory_space<hbm>> -> memref<40x125xi32, #tpu.memory_space<hbm>>
      tpu.wait_dma2 semaphore(%run_scoped3A : memref<!tpu.dma_semaphore, #tpu.memory_space<semaphore_mem>>) src(%dma_wait3A_113 : memref<40x125xi32, #tpu.memory_space<hbm>>) dst(%arg8 : memref<40x125xi32, #tpu.memory_space<vmem>>)
      tpu.yield
    }) : () -> ()
    "tpu.region"() ({
      %run_scoped3A = tpu.sem_alloc : memref<!tpu.dma_semaphore, #tpu.memory_space<semaphore_mem>>
      %dma_start3A_99 = arith.constant 0 : i32
      %dma_start3A_100 = arith.constant 0 : i32
      %dma_start3A_101 = tpu.memref_slice %arg4[%add3A, %dma_start3A_99, %dma_start3A_100] : memref<32x80x125xi32, #tpu.memory_space<hbm>> -> memref<1x40x125xi32, #tpu.memory_space<hbm>>
      %dma_start3A_102 = tpu.memref_squeeze %dma_start3A_101 : memref<1x40x125xi32, #tpu.memory_space<hbm>> -> memref<40x125xi32, #tpu.memory_space<hbm>>
      %dma_start3A_103 = arith.constant 0 : i32
      %dma_start3A_104 = arith.constant 0 : i32
      %dma_start3A_105 = tpu.memref_slice %arg4[%add3A, %dma_start3A_103, %dma_start3A_104] : memref<32x80x125xi32, #tpu.memory_space<hbm>> -> memref<1x40x125xi32, #tpu.memory_space<hbm>>
      %dma_start3A_106 = tpu.memref_squeeze %dma_start3A_105 : memref<1x40x125xi32, #tpu.memory_space<hbm>> -> memref<40x125xi32, #tpu.memory_space<hbm>>
      tpu.enqueue_dma source(%dma_start3A_106 : memref<40x125xi32, #tpu.memory_space<hbm>>) target(%arg9 : memref<40x125xi32, #tpu.memory_space<vmem>>) target_semaphore(%run_scoped3A : memref<!tpu.dma_semaphore, #tpu.memory_space<semaphore_mem>>)
      %dma_wait3A = arith.constant 0 : i32
      %dma_wait3A_107 = arith.constant 0 : i32
      %dma_wait3A_108 = tpu.memref_slice %arg4[%add3A, %dma_wait3A, %dma_wait3A_107] : memref<32x80x125xi32, #tpu.memory_space<hbm>> -> memref<1x40x125xi32, #tpu.memory_space<hbm>>
      %dma_wait3A_109 = tpu.memref_squeeze %dma_wait3A_108 : memref<1x40x125xi32, #tpu.memory_space<hbm>> -> memref<40x125xi32, #tpu.memory_space<hbm>>
      %dma_wait3A_110 = arith.constant 0 : i32
      %dma_wait3A_111 = arith.constant 0 : i32
      %dma_wait3A_112 = tpu.memref_slice %arg4[%add3A, %dma_wait3A_110, %dma_wait3A_111] : memref<32x80x125xi32, #tpu.memory_space<hbm>> -> memref<1x40x125xi32, #tpu.memory_space<hbm>>
      %dma_wait3A_113 = tpu.memref_squeeze %dma_wait3A_112 : memref<1x40x125xi32, #tpu.memory_space<hbm>> -> memref<40x125xi32, #tpu.memory_space<hbm>>
      tpu.wait_dma2 semaphore(%run_scoped3A : memref<!tpu.dma_semaphore, #tpu.memory_space<semaphore_mem>>) src(%dma_wait3A_113 : memref<40x125xi32, #tpu.memory_space<hbm>>) dst(%arg9 : memref<40x125xi32, #tpu.memory_space<vmem>>)
      tpu.yield
    }) : () -> ()
    %dma_start3A = arith.constant 0 : i32
    %dma_start3A_1 = arith.constant 0 : i32
    %dma_start3A_2 = tpu.memref_slice %arg8[%dma_start3A, %dma_start3A_1] : memref<40x125xi32, #tpu.memory_space<vmem>> -> memref<1x125xi32, #tpu.memory_space<vmem>>
    %dma_start3A_3 = tpu.memref_squeeze %dma_start3A_2 : memref<1x125xi32, #tpu.memory_space<vmem>> -> memref<125xi32, #tpu.memory_space<vmem>>
    %dma_start3A_4 = arith.constant 0 : i32
    %dma_start3A_5 = arith.constant 0 : i32
    %dma_start3A_6 = tpu.memref_slice %arg2[%dma_start3A_4, %dma_start3A_5] : memref<10240x128xf32, #tpu.memory_space<hbm>> -> memref<10240x128xf32, #tpu.memory_space<hbm>>
    tpu.enqueue_indirect_dma source(%dma_start3A_6 : memref<10240x128xf32, #tpu.memory_space<hbm>>) target(%arg10 : memref<125x128xf32, #tpu.memory_space<vmem>>) offsets(%dma_start3A_3 : memref<125xi32, #tpu.memory_space<vmem>>) semaphore(%arg13 : memref<!tpu.dma_semaphore, #tpu.memory_space<semaphore_mem>>)
    "tpu.region"() ({
      %run_scoped3A = tpu.sem_alloc : memref<!tpu.dma_semaphore, #tpu.memory_space<semaphore_mem>>
      %dma_start3A_99 = arith.constant 0 : i32
      %dma_start3A_100 = arith.constant 0 : i32
      %dma_start3A_101 = tpu.memref_slice %arg11[%dma_start3A_99, %dma_start3A_100] : memref<125x128xf32, #tpu.memory_space<vmem>> -> memref<64x128xf32, #tpu.memory_space<vmem>>
      %dma_start3A_102 = arith.constant 0 : i32
      %dma_start3A_103 = arith.constant 0 : i32
      %dma_start3A_104 = tpu.memref_slice %arg11[%dma_start3A_102, %dma_start3A_103] : memref<125x128xf32, #tpu.memory_space<vmem>> -> memref<64x128xf32, #tpu.memory_space<vmem>>
      tpu.enqueue_dma source(%arg5 : memref<64x128xf32, #tpu.memory_space<hbm>>) target(%dma_start3A_104 : memref<64x128xf32, #tpu.memory_space<vmem>>) target_semaphore(%run_scoped3A : memref<!tpu.dma_semaphore, #tpu.memory_space<semaphore_mem>>)
      %dma_wait3A = arith.constant 0 : i32
      %dma_wait3A_105 = arith.constant 0 : i32
      %dma_wait3A_106 = tpu.memref_slice %arg11[%dma_wait3A, %dma_wait3A_105] : memref<125x128xf32, #tpu.memory_space<vmem>> -> memref<64x128xf32, #tpu.memory_space<vmem>>
      %dma_wait3A_107 = arith.constant 0 : i32
      %dma_wait3A_108 = arith.constant 0 : i32
      %dma_wait3A_109 = tpu.memref_slice %arg11[%dma_wait3A_107, %dma_wait3A_108] : memref<125x128xf32, #tpu.memory_space<vmem>> -> memref<64x128xf32, #tpu.memory_space<vmem>>
      tpu.wait_dma2 semaphore(%run_scoped3A : memref<!tpu.dma_semaphore, #tpu.memory_space<semaphore_mem>>) src(%arg5 : memref<64x128xf32, #tpu.memory_space<hbm>>) dst(%dma_wait3A_109 : memref<64x128xf32, #tpu.memory_space<vmem>>)
      tpu.yield
    }) : () -> ()
    %mul3A_7 = arith.constant 640 : i32
    %mul3A_8 = arith.muli %arg1, %mul3A_7 : i32
    %add3A_9 = arith.constant 0 : i32
    %add3A_10 = arith.addi %mul3A_8, %add3A_9 : i32
    "tpu.region"() ({
      %run_scoped3A = tpu.sem_alloc : memref<!tpu.dma_semaphore, #tpu.memory_space<semaphore_mem>>
      %dma_start3A_99 = arith.constant 0 : i32
      %dma_start3A_100 = arith.constant 0 : i32
      %dma_start3A_101 = tpu.memref_slice %arg11[%dma_start3A_99, %dma_start3A_100] : memref<125x128xf32, #tpu.memory_space<vmem>> -> memref<64x128xf32, #tpu.memory_space<vmem>>
      %dma_start3A_102 = arith.constant 0 : i32
      %dma_start3A_103 = tpu.memref_slice %arg12[%add3A_10, %dma_start3A_102] : memref<10240x128xf32, #tpu.memory_space<vmem_shared>> -> memref<64x128xf32, #tpu.memory_space<vmem_shared>>
      %dma_start3A_104 = arith.constant 0 : i32
      %dma_start3A_105 = tpu.memref_slice %arg12[%add3A_10, %dma_start3A_104] : memref<10240x128xf32, #tpu.memory_space<vmem_shared>> -> memref<64x128xf32, #tpu.memory_space<vmem_shared>>
      %dma_start3A_106 = arith.constant 0 : i32
      %dma_start3A_107 = arith.constant 0 : i32
      %dma_start3A_108 = tpu.memref_slice %arg11[%dma_start3A_106, %dma_start3A_107] : memref<125x128xf32, #tpu.memory_space<vmem>> -> memref<64x128xf32, #tpu.memory_space<vmem>>
      tpu.enqueue_dma source(%dma_start3A_108 : memref<64x128xf32, #tpu.memory_space<vmem>>) target(%dma_start3A_105 : memref<64x128xf32, #tpu.memory_space<vmem_shared>>) target_semaphore(%run_scoped3A : memref<!tpu.dma_semaphore, #tpu.memory_space<semaphore_mem>>)
      %dma_wait3A = arith.constant 0 : i32
      %dma_wait3A_109 = arith.constant 0 : i32
      %dma_wait3A_110 = tpu.memref_slice %arg11[%dma_wait3A, %dma_wait3A_109] : memref<125x128xf32, #tpu.memory_space<vmem>> -> memref<64x128xf32, #tpu.memory_space<vmem>>
      %dma_wait3A_111 = arith.constant 0 : i32
      %dma_wait3A_112 = tpu.memref_slice %arg12[%add3A_10, %dma_wait3A_111] : memref<10240x128xf32, #tpu.memory_space<vmem_shared>> -> memref<64x128xf32, #tpu.memory_space<vmem_shared>>
      %dma_wait3A_113 = arith.constant 0 : i32
      %dma_wait3A_114 = tpu.memref_slice %arg12[%add3A_10, %dma_wait3A_113] : memref<10240x128xf32, #tpu.memory_space<vmem_shared>> -> memref<64x128xf32, #tpu.memory_space<vmem_shared>>
      %dma_wait3A_115 = arith.constant 0 : i32
      %dma_wait3A_116 = arith.constant 0 : i32
      %dma_wait3A_117 = tpu.memref_slice %arg11[%dma_wait3A_115, %dma_wait3A_116] : memref<125x128xf32, #tpu.memory_space<vmem>> -> memref<64x128xf32, #tpu.memory_space<vmem>>
      tpu.wait_dma2 semaphore(%run_scoped3A : memref<!tpu.dma_semaphore, #tpu.memory_space<semaphore_mem>>) src(%dma_wait3A_117 : memref<64x128xf32, #tpu.memory_space<vmem>>) dst(%dma_wait3A_114 : memref<64x128xf32, #tpu.memory_space<vmem_shared>>)
      tpu.yield
    }) : () -> ()
    %mul3A_11 = arith.constant 640 : i32
    %mul3A_12 = arith.muli %arg1, %mul3A_11 : i32
    %add3A_13 = arith.constant 64 : i32
    %add3A_14 = arith.addi %mul3A_12, %add3A_13 : i32
    "tpu.region"() ({
      %run_scoped3A = tpu.sem_alloc : memref<!tpu.dma_semaphore, #tpu.memory_space<semaphore_mem>>
      %dma_start3A_99 = arith.constant 0 : i32
      %dma_start3A_100 = arith.constant 0 : i32
      %dma_start3A_101 = tpu.memref_slice %arg11[%dma_start3A_99, %dma_start3A_100] : memref<125x128xf32, #tpu.memory_space<vmem>> -> memref<64x128xf32, #tpu.memory_space<vmem>>
      %dma_start3A_102 = arith.constant 0 : i32
      %dma_start3A_103 = tpu.memref_slice %arg12[%add3A_14, %dma_start3A_102] : memref<10240x128xf32, #tpu.memory_space<vmem_shared>> -> memref<64x128xf32, #tpu.memory_space<vmem_shared>>
      %dma_start3A_104 = arith.constant 0 : i32
      %dma_start3A_105 = tpu.memref_slice %arg12[%add3A_14, %dma_start3A_104] : memref<10240x128xf32, #tpu.memory_space<vmem_shared>> -> memref<64x128xf32, #tpu.memory_space<vmem_shared>>
      %dma_start3A_106 = arith.constant 0 : i32
      %dma_start3A_107 = arith.constant 0 : i32
      %dma_start3A_108 = tpu.memref_slice %arg11[%dma_start3A_106, %dma_start3A_107] : memref<125x128xf32, #tpu.memory_space<vmem>> -> memref<64x128xf32, #tpu.memory_space<vmem>>
      tpu.enqueue_dma source(%dma_start3A_108 : memref<64x128xf32, #tpu.memory_space<vmem>>) target(%dma_start3A_105 : memref<64x128xf32, #tpu.memory_space<vmem_shared>>) target_semaphore(%run_scoped3A : memref<!tpu.dma_semaphore, #tpu.memory_space<semaphore_mem>>)
      %dma_wait3A = arith.constant 0 : i32
      %dma_wait3A_109 = arith.constant 0 : i32
      %dma_wait3A_110 = tpu.memref_slice %arg11[%dma_wait3A, %dma_wait3A_109] : memref<125x128xf32, #tpu.memory_space<vmem>> -> memref<64x128xf32, #tpu.memory_space<vmem>>
      %dma_wait3A_111 = arith.constant 0 : i32
      %dma_wait3A_112 = tpu.memref_slice %arg12[%add3A_14, %dma_wait3A_111] : memref<10240x128xf32, #tpu.memory_space<vmem_shared>> -> memref<64x128xf32, #tpu.memory_space<vmem_shared>>
      %dma_wait3A_113 = arith.constant 0 : i32
      %dma_wait3A_114 = tpu.memref_slice %arg12[%add3A_14, %dma_wait3A_113] : memref<10240x128xf32, #tpu.memory_space<vmem_shared>> -> memref<64x128xf32, #tpu.memory_space<vmem_shared>>
      %dma_wait3A_115 = arith.constant 0 : i32
      %dma_wait3A_116 = arith.constant 0 : i32
      %dma_wait3A_117 = tpu.memref_slice %arg11[%dma_wait3A_115, %dma_wait3A_116] : memref<125x128xf32, #tpu.memory_space<vmem>> -> memref<64x128xf32, #tpu.memory_space<vmem>>
      tpu.wait_dma2 semaphore(%run_scoped3A : memref<!tpu.dma_semaphore, #tpu.memory_space<semaphore_mem>>) src(%dma_wait3A_117 : memref<64x128xf32, #tpu.memory_space<vmem>>) dst(%dma_wait3A_114 : memref<64x128xf32, #tpu.memory_space<vmem_shared>>)
      tpu.yield
    }) : () -> ()
    %mul3A_15 = arith.constant 640 : i32
    %mul3A_16 = arith.muli %arg1, %mul3A_15 : i32
    %add3A_17 = arith.constant 128 : i32
    %add3A_18 = arith.addi %mul3A_16, %add3A_17 : i32
    "tpu.region"() ({
      %run_scoped3A = tpu.sem_alloc : memref<!tpu.dma_semaphore, #tpu.memory_space<semaphore_mem>>
      %dma_start3A_99 = arith.constant 0 : i32
      %dma_start3A_100 = arith.constant 0 : i32
      %dma_start3A_101 = tpu.memref_slice %arg11[%dma_start3A_99, %dma_start3A_100] : memref<125x128xf32, #tpu.memory_space<vmem>> -> memref<64x128xf32, #tpu.memory_space<vmem>>
      %dma_start3A_102 = arith.constant 0 : i32
      %dma_start3A_103 = tpu.memref_slice %arg12[%add3A_18, %dma_start3A_102] : memref<10240x128xf32, #tpu.memory_space<vmem_shared>> -> memref<64x128xf32, #tpu.memory_space<vmem_shared>>
      %dma_start3A_104 = arith.constant 0 : i32
      %dma_start3A_105 = tpu.memref_slice %arg12[%add3A_18, %dma_start3A_104] : memref<10240x128xf32, #tpu.memory_space<vmem_shared>> -> memref<64x128xf32, #tpu.memory_space<vmem_shared>>
      %dma_start3A_106 = arith.constant 0 : i32
      %dma_start3A_107 = arith.constant 0 : i32
      %dma_start3A_108 = tpu.memref_slice %arg11[%dma_start3A_106, %dma_start3A_107] : memref<125x128xf32, #tpu.memory_space<vmem>> -> memref<64x128xf32, #tpu.memory_space<vmem>>
      tpu.enqueue_dma source(%dma_start3A_108 : memref<64x128xf32, #tpu.memory_space<vmem>>) target(%dma_start3A_105 : memref<64x128xf32, #tpu.memory_space<vmem_shared>>) target_semaphore(%run_scoped3A : memref<!tpu.dma_semaphore, #tpu.memory_space<semaphore_mem>>)
      %dma_wait3A = arith.constant 0 : i32
      %dma_wait3A_109 = arith.constant 0 : i32
      %dma_wait3A_110 = tpu.memref_slice %arg11[%dma_wait3A, %dma_wait3A_109] : memref<125x128xf32, #tpu.memory_space<vmem>> -> memref<64x128xf32, #tpu.memory_space<vmem>>
      %dma_wait3A_111 = arith.constant 0 : i32
      %dma_wait3A_112 = tpu.memref_slice %arg12[%add3A_18, %dma_wait3A_111] : memref<10240x128xf32, #tpu.memory_space<vmem_shared>> -> memref<64x128xf32, #tpu.memory_space<vmem_shared>>
      %dma_wait3A_113 = arith.constant 0 : i32
      %dma_wait3A_114 = tpu.memref_slice %arg12[%add3A_18, %dma_wait3A_113] : memref<10240x128xf32, #tpu.memory_space<vmem_shared>> -> memref<64x128xf32, #tpu.memory_space<vmem_shared>>
      %dma_wait3A_115 = arith.constant 0 : i32
      %dma_wait3A_116 = arith.constant 0 : i32
      %dma_wait3A_117 = tpu.memref_slice %arg11[%dma_wait3A_115, %dma_wait3A_116] : memref<125x128xf32, #tpu.memory_space<vmem>> -> memref<64x128xf32, #tpu.memory_space<vmem>>
      tpu.wait_dma2 semaphore(%run_scoped3A : memref<!tpu.dma_semaphore, #tpu.memory_space<semaphore_mem>>) src(%dma_wait3A_117 : memref<64x128xf32, #tpu.memory_space<vmem>>) dst(%dma_wait3A_114 : memref<64x128xf32, #tpu.memory_space<vmem_shared>>)
      tpu.yield
    }) : () -> ()
    %mul3A_19 = arith.constant 640 : i32
    %mul3A_20 = arith.muli %arg1, %mul3A_19 : i32
    %add3A_21 = arith.constant 192 : i32
    %add3A_22 = arith.addi %mul3A_20, %add3A_21 : i32
    "tpu.region"() ({
      %run_scoped3A = tpu.sem_alloc : memref<!tpu.dma_semaphore, #tpu.memory_space<semaphore_mem>>
      %dma_start3A_99 = arith.constant 0 : i32
      %dma_start3A_100 = arith.constant 0 : i32
      %dma_start3A_101 = tpu.memref_slice %arg11[%dma_start3A_99, %dma_start3A_100] : memref<125x128xf32, #tpu.memory_space<vmem>> -> memref<64x128xf32, #tpu.memory_space<vmem>>
      %dma_start3A_102 = arith.constant 0 : i32
      %dma_start3A_103 = tpu.memref_slice %arg12[%add3A_22, %dma_start3A_102] : memref<10240x128xf32, #tpu.memory_space<vmem_shared>> -> memref<64x128xf32, #tpu.memory_space<vmem_shared>>
      %dma_start3A_104 = arith.constant 0 : i32
      %dma_start3A_105 = tpu.memref_slice %arg12[%add3A_22, %dma_start3A_104] : memref<10240x128xf32, #tpu.memory_space<vmem_shared>> -> memref<64x128xf32, #tpu.memory_space<vmem_shared>>
      %dma_start3A_106 = arith.constant 0 : i32
      %dma_start3A_107 = arith.constant 0 : i32
      %dma_start3A_108 = tpu.memref_slice %arg11[%dma_start3A_106, %dma_start3A_107] : memref<125x128xf32, #tpu.memory_space<vmem>> -> memref<64x128xf32, #tpu.memory_space<vmem>>
      tpu.enqueue_dma source(%dma_start3A_108 : memref<64x128xf32, #tpu.memory_space<vmem>>) target(%dma_start3A_105 : memref<64x128xf32, #tpu.memory_space<vmem_shared>>) target_semaphore(%run_scoped3A : memref<!tpu.dma_semaphore, #tpu.memory_space<semaphore_mem>>)
      %dma_wait3A = arith.constant 0 : i32
      %dma_wait3A_109 = arith.constant 0 : i32
      %dma_wait3A_110 = tpu.memref_slice %arg11[%dma_wait3A, %dma_wait3A_109] : memref<125x128xf32, #tpu.memory_space<vmem>> -> memref<64x128xf32, #tpu.memory_space<vmem>>
      %dma_wait3A_111 = arith.constant 0 : i32
      %dma_wait3A_112 = tpu.memref_slice %arg12[%add3A_22, %dma_wait3A_111] : memref<10240x128xf32, #tpu.memory_space<vmem_shared>> -> memref<64x128xf32, #tpu.memory_space<vmem_shared>>
      %dma_wait3A_113 = arith.constant 0 : i32
      %dma_wait3A_114 = tpu.memref_slice %arg12[%add3A_22, %dma_wait3A_113] : memref<10240x128xf32, #tpu.memory_space<vmem_shared>> -> memref<64x128xf32, #tpu.memory_space<vmem_shared>>
      %dma_wait3A_115 = arith.constant 0 : i32
      %dma_wait3A_116 = arith.constant 0 : i32
      %dma_wait3A_117 = tpu.memref_slice %arg11[%dma_wait3A_115, %dma_wait3A_116] : memref<125x128xf32, #tpu.memory_space<vmem>> -> memref<64x128xf32, #tpu.memory_space<vmem>>
      tpu.wait_dma2 semaphore(%run_scoped3A : memref<!tpu.dma_semaphore, #tpu.memory_space<semaphore_mem>>) src(%dma_wait3A_117 : memref<64x128xf32, #tpu.memory_space<vmem>>) dst(%dma_wait3A_114 : memref<64x128xf32, #tpu.memory_space<vmem_shared>>)
      tpu.yield
    }) : () -> ()
    %mul3A_23 = arith.constant 640 : i32
    %mul3A_24 = arith.muli %arg1, %mul3A_23 : i32
    %add3A_25 = arith.constant 256 : i32
    %add3A_26 = arith.addi %mul3A_24, %add3A_25 : i32
    "tpu.region"() ({
      %run_scoped3A = tpu.sem_alloc : memref<!tpu.dma_semaphore, #tpu.memory_space<semaphore_mem>>
      %dma_start3A_99 = arith.constant 0 : i32
      %dma_start3A_100 = arith.constant 0 : i32
      %dma_start3A_101 = tpu.memref_slice %arg11[%dma_start3A_99, %dma_start3A_100] : memref<125x128xf32, #tpu.memory_space<vmem>> -> memref<64x128xf32, #tpu.memory_space<vmem>>
      %dma_start3A_102 = arith.constant 0 : i32
      %dma_start3A_103 = tpu.memref_slice %arg12[%add3A_26, %dma_start3A_102] : memref<10240x128xf32, #tpu.memory_space<vmem_shared>> -> memref<64x128xf32, #tpu.memory_space<vmem_shared>>
      %dma_start3A_104 = arith.constant 0 : i32
      %dma_start3A_105 = tpu.memref_slice %arg12[%add3A_26, %dma_start3A_104] : memref<10240x128xf32, #tpu.memory_space<vmem_shared>> -> memref<64x128xf32, #tpu.memory_space<vmem_shared>>
      %dma_start3A_106 = arith.constant 0 : i32
      %dma_start3A_107 = arith.constant 0 : i32
      %dma_start3A_108 = tpu.memref_slice %arg11[%dma_start3A_106, %dma_start3A_107] : memref<125x128xf32, #tpu.memory_space<vmem>> -> memref<64x128xf32, #tpu.memory_space<vmem>>
      tpu.enqueue_dma source(%dma_start3A_108 : memref<64x128xf32, #tpu.memory_space<vmem>>) target(%dma_start3A_105 : memref<64x128xf32, #tpu.memory_space<vmem_shared>>) target_semaphore(%run_scoped3A : memref<!tpu.dma_semaphore, #tpu.memory_space<semaphore_mem>>)
      %dma_wait3A = arith.constant 0 : i32
      %dma_wait3A_109 = arith.constant 0 : i32
      %dma_wait3A_110 = tpu.memref_slice %arg11[%dma_wait3A, %dma_wait3A_109] : memref<125x128xf32, #tpu.memory_space<vmem>> -> memref<64x128xf32, #tpu.memory_space<vmem>>
      %dma_wait3A_111 = arith.constant 0 : i32
      %dma_wait3A_112 = tpu.memref_slice %arg12[%add3A_26, %dma_wait3A_111] : memref<10240x128xf32, #tpu.memory_space<vmem_shared>> -> memref<64x128xf32, #tpu.memory_space<vmem_shared>>
      %dma_wait3A_113 = arith.constant 0 : i32
      %dma_wait3A_114 = tpu.memref_slice %arg12[%add3A_26, %dma_wait3A_113] : memref<10240x128xf32, #tpu.memory_space<vmem_shared>> -> memref<64x128xf32, #tpu.memory_space<vmem_shared>>
      %dma_wait3A_115 = arith.constant 0 : i32
      %dma_wait3A_116 = arith.constant 0 : i32
      %dma_wait3A_117 = tpu.memref_slice %arg11[%dma_wait3A_115, %dma_wait3A_116] : memref<125x128xf32, #tpu.memory_space<vmem>> -> memref<64x128xf32, #tpu.memory_space<vmem>>
      tpu.wait_dma2 semaphore(%run_scoped3A : memref<!tpu.dma_semaphore, #tpu.memory_space<semaphore_mem>>) src(%dma_wait3A_117 : memref<64x128xf32, #tpu.memory_space<vmem>>) dst(%dma_wait3A_114 : memref<64x128xf32, #tpu.memory_space<vmem_shared>>)
      tpu.yield
    }) : () -> ()
    %mul3A_27 = arith.constant 640 : i32
    %mul3A_28 = arith.muli %arg1, %mul3A_27 : i32
    %add3A_29 = arith.constant 320 : i32
    %add3A_30 = arith.addi %mul3A_28, %add3A_29 : i32
    "tpu.region"() ({
      %run_scoped3A = tpu.sem_alloc : memref<!tpu.dma_semaphore, #tpu.memory_space<semaphore_mem>>
      %dma_start3A_99 = arith.constant 0 : i32
      %dma_start3A_100 = arith.constant 0 : i32
      %dma_start3A_101 = tpu.memref_slice %arg11[%dma_start3A_99, %dma_start3A_100] : memref<125x128xf32, #tpu.memory_space<vmem>> -> memref<64x128xf32, #tpu.memory_space<vmem>>
      %dma_start3A_102 = arith.constant 0 : i32
      %dma_start3A_103 = tpu.memref_slice %arg12[%add3A_30, %dma_start3A_102] : memref<10240x128xf32, #tpu.memory_space<vmem_shared>> -> memref<64x128xf32, #tpu.memory_space<vmem_shared>>
      %dma_start3A_104 = arith.constant 0 : i32
      %dma_start3A_105 = tpu.memref_slice %arg12[%add3A_30, %dma_start3A_104] : memref<10240x128xf32, #tpu.memory_space<vmem_shared>> -> memref<64x128xf32, #tpu.memory_space<vmem_shared>>
      %dma_start3A_106 = arith.constant 0 : i32
      %dma_start3A_107 = arith.constant 0 : i32
      %dma_start3A_108 = tpu.memref_slice %arg11[%dma_start3A_106, %dma_start3A_107] : memref<125x128xf32, #tpu.memory_space<vmem>> -> memref<64x128xf32, #tpu.memory_space<vmem>>
      tpu.enqueue_dma source(%dma_start3A_108 : memref<64x128xf32, #tpu.memory_space<vmem>>) target(%dma_start3A_105 : memref<64x128xf32, #tpu.memory_space<vmem_shared>>) target_semaphore(%run_scoped3A : memref<!tpu.dma_semaphore, #tpu.memory_space<semaphore_mem>>)
      %dma_wait3A = arith.constant 0 : i32
      %dma_wait3A_109 = arith.constant 0 : i32
      %dma_wait3A_110 = tpu.memref_slice %arg11[%dma_wait3A, %dma_wait3A_109] : memref<125x128xf32, #tpu.memory_space<vmem>> -> memref<64x128xf32, #tpu.memory_space<vmem>>
      %dma_wait3A_111 = arith.constant 0 : i32
      %dma_wait3A_112 = tpu.memref_slice %arg12[%add3A_30, %dma_wait3A_111] : memref<10240x128xf32, #tpu.memory_space<vmem_shared>> -> memref<64x128xf32, #tpu.memory_space<vmem_shared>>
      %dma_wait3A_113 = arith.constant 0 : i32
      %dma_wait3A_114 = tpu.memref_slice %arg12[%add3A_30, %dma_wait3A_113] : memref<10240x128xf32, #tpu.memory_space<vmem_shared>> -> memref<64x128xf32, #tpu.memory_space<vmem_shared>>
      %dma_wait3A_115 = arith.constant 0 : i32
      %dma_wait3A_116 = arith.constant 0 : i32
      %dma_wait3A_117 = tpu.memref_slice %arg11[%dma_wait3A_115, %dma_wait3A_116] : memref<125x128xf32, #tpu.memory_space<vmem>> -> memref<64x128xf32, #tpu.memory_space<vmem>>
      tpu.wait_dma2 semaphore(%run_scoped3A : memref<!tpu.dma_semaphore, #tpu.memory_space<semaphore_mem>>) src(%dma_wait3A_117 : memref<64x128xf32, #tpu.memory_space<vmem>>) dst(%dma_wait3A_114 : memref<64x128xf32, #tpu.memory_space<vmem_shared>>)
      tpu.yield
    }) : () -> ()
    %mul3A_31 = arith.constant 640 : i32
    %mul3A_32 = arith.muli %arg1, %mul3A_31 : i32
    %add3A_33 = arith.constant 384 : i32
    %add3A_34 = arith.addi %mul3A_32, %add3A_33 : i32
    "tpu.region"() ({
      %run_scoped3A = tpu.sem_alloc : memref<!tpu.dma_semaphore, #tpu.memory_space<semaphore_mem>>
      %dma_start3A_99 = arith.constant 0 : i32
      %dma_start3A_100 = arith.constant 0 : i32
      %dma_start3A_101 = tpu.memref_slice %arg11[%dma_start3A_99, %dma_start3A_100] : memref<125x128xf32, #tpu.memory_space<vmem>> -> memref<64x128xf32, #tpu.memory_space<vmem>>
      %dma_start3A_102 = arith.constant 0 : i32
      %dma_start3A_103 = tpu.memref_slice %arg12[%add3A_34, %dma_start3A_102] : memref<10240x128xf32, #tpu.memory_space<vmem_shared>> -> memref<64x128xf32, #tpu.memory_space<vmem_shared>>
      %dma_start3A_104 = arith.constant 0 : i32
      %dma_start3A_105 = tpu.memref_slice %arg12[%add3A_34, %dma_start3A_104] : memref<10240x128xf32, #tpu.memory_space<vmem_shared>> -> memref<64x128xf32, #tpu.memory_space<vmem_shared>>
      %dma_start3A_106 = arith.constant 0 : i32
      %dma_start3A_107 = arith.constant 0 : i32
      %dma_start3A_108 = tpu.memref_slice %arg11[%dma_start3A_106, %dma_start3A_107] : memref<125x128xf32, #tpu.memory_space<vmem>> -> memref<64x128xf32, #tpu.memory_space<vmem>>
      tpu.enqueue_dma source(%dma_start3A_108 : memref<64x128xf32, #tpu.memory_space<vmem>>) target(%dma_start3A_105 : memref<64x128xf32, #tpu.memory_space<vmem_shared>>) target_semaphore(%run_scoped3A : memref<!tpu.dma_semaphore, #tpu.memory_space<semaphore_mem>>)
      %dma_wait3A = arith.constant 0 : i32
      %dma_wait3A_109 = arith.constant 0 : i32
      %dma_wait3A_110 = tpu.memref_slice %arg11[%dma_wait3A, %dma_wait3A_109] : memref<125x128xf32, #tpu.memory_space<vmem>> -> memref<64x128xf32, #tpu.memory_space<vmem>>
      %dma_wait3A_111 = arith.constant 0 : i32
      %dma_wait3A_112 = tpu.memref_slice %arg12[%add3A_34, %dma_wait3A_111] : memref<10240x128xf32, #tpu.memory_space<vmem_shared>> -> memref<64x128xf32, #tpu.memory_space<vmem_shared>>
      %dma_wait3A_113 = arith.constant 0 : i32
      %dma_wait3A_114 = tpu.memref_slice %arg12[%add3A_34, %dma_wait3A_113] : memref<10240x128xf32, #tpu.memory_space<vmem_shared>> -> memref<64x128xf32, #tpu.memory_space<vmem_shared>>
      %dma_wait3A_115 = arith.constant 0 : i32
      %dma_wait3A_116 = arith.constant 0 : i32
      %dma_wait3A_117 = tpu.memref_slice %arg11[%dma_wait3A_115, %dma_wait3A_116] : memref<125x128xf32, #tpu.memory_space<vmem>> -> memref<64x128xf32, #tpu.memory_space<vmem>>
      tpu.wait_dma2 semaphore(%run_scoped3A : memref<!tpu.dma_semaphore, #tpu.memory_space<semaphore_mem>>) src(%dma_wait3A_117 : memref<64x128xf32, #tpu.memory_space<vmem>>) dst(%dma_wait3A_114 : memref<64x128xf32, #tpu.memory_space<vmem_shared>>)
      tpu.yield
    }) : () -> ()
    %mul3A_35 = arith.constant 640 : i32
    %mul3A_36 = arith.muli %arg1, %mul3A_35 : i32
    %add3A_37 = arith.constant 448 : i32
    %add3A_38 = arith.addi %mul3A_36, %add3A_37 : i32
    "tpu.region"() ({
      %run_scoped3A = tpu.sem_alloc : memref<!tpu.dma_semaphore, #tpu.memory_space<semaphore_mem>>
      %dma_start3A_99 = arith.constant 0 : i32
      %dma_start3A_100 = arith.constant 0 : i32
      %dma_start3A_101 = tpu.memref_slice %arg11[%dma_start3A_99, %dma_start3A_100] : memref<125x128xf32, #tpu.memory_space<vmem>> -> memref<64x128xf32, #tpu.memory_space<vmem>>
      %dma_start3A_102 = arith.constant 0 : i32
      %dma_start3A_103 = tpu.memref_slice %arg12[%add3A_38, %dma_start3A_102] : memref<10240x128xf32, #tpu.memory_space<vmem_shared>> -> memref<64x128xf32, #tpu.memory_space<vmem_shared>>
      %dma_start3A_104 = arith.constant 0 : i32
      %dma_start3A_105 = tpu.memref_slice %arg12[%add3A_38, %dma_start3A_104] : memref<10240x128xf32, #tpu.memory_space<vmem_shared>> -> memref<64x128xf32, #tpu.memory_space<vmem_shared>>
      %dma_start3A_106 = arith.constant 0 : i32
      %dma_start3A_107 = arith.constant 0 : i32
      %dma_start3A_108 = tpu.memref_slice %arg11[%dma_start3A_106, %dma_start3A_107] : memref<125x128xf32, #tpu.memory_space<vmem>> -> memref<64x128xf32, #tpu.memory_space<vmem>>
      tpu.enqueue_dma source(%dma_start3A_108 : memref<64x128xf32, #tpu.memory_space<vmem>>) target(%dma_start3A_105 : memref<64x128xf32, #tpu.memory_space<vmem_shared>>) target_semaphore(%run_scoped3A : memref<!tpu.dma_semaphore, #tpu.memory_space<semaphore_mem>>)
      %dma_wait3A = arith.constant 0 : i32
      %dma_wait3A_109 = arith.constant 0 : i32
      %dma_wait3A_110 = tpu.memref_slice %arg11[%dma_wait3A, %dma_wait3A_109] : memref<125x128xf32, #tpu.memory_space<vmem>> -> memref<64x128xf32, #tpu.memory_space<vmem>>
      %dma_wait3A_111 = arith.constant 0 : i32
      %dma_wait3A_112 = tpu.memref_slice %arg12[%add3A_38, %dma_wait3A_111] : memref<10240x128xf32, #tpu.memory_space<vmem_shared>> -> memref<64x128xf32, #tpu.memory_space<vmem_shared>>
      %dma_wait3A_113 = arith.constant 0 : i32
      %dma_wait3A_114 = tpu.memref_slice %arg12[%add3A_38, %dma_wait3A_113] : memref<10240x128xf32, #tpu.memory_space<vmem_shared>> -> memref<64x128xf32, #tpu.memory_space<vmem_shared>>
      %dma_wait3A_115 = arith.constant 0 : i32
      %dma_wait3A_116 = arith.constant 0 : i32
      %dma_wait3A_117 = tpu.memref_slice %arg11[%dma_wait3A_115, %dma_wait3A_116] : memref<125x128xf32, #tpu.memory_space<vmem>> -> memref<64x128xf32, #tpu.memory_space<vmem>>
      tpu.wait_dma2 semaphore(%run_scoped3A : memref<!tpu.dma_semaphore, #tpu.memory_space<semaphore_mem>>) src(%dma_wait3A_117 : memref<64x128xf32, #tpu.memory_space<vmem>>) dst(%dma_wait3A_114 : memref<64x128xf32, #tpu.memory_space<vmem_shared>>)
      tpu.yield
    }) : () -> ()
    %mul3A_39 = arith.constant 640 : i32
    %mul3A_40 = arith.muli %arg1, %mul3A_39 : i32
    %add3A_41 = arith.constant 512 : i32
    %add3A_42 = arith.addi %mul3A_40, %add3A_41 : i32
    "tpu.region"() ({
      %run_scoped3A = tpu.sem_alloc : memref<!tpu.dma_semaphore, #tpu.memory_space<semaphore_mem>>
      %dma_start3A_99 = arith.constant 0 : i32
      %dma_start3A_100 = arith.constant 0 : i32
      %dma_start3A_101 = tpu.memref_slice %arg11[%dma_start3A_99, %dma_start3A_100] : memref<125x128xf32, #tpu.memory_space<vmem>> -> memref<64x128xf32, #tpu.memory_space<vmem>>
      %dma_start3A_102 = arith.constant 0 : i32
      %dma_start3A_103 = tpu.memref_slice %arg12[%add3A_42, %dma_start3A_102] : memref<10240x128xf32, #tpu.memory_space<vmem_shared>> -> memref<64x128xf32, #tpu.memory_space<vmem_shared>>
      %dma_start3A_104 = arith.constant 0 : i32
      %dma_start3A_105 = tpu.memref_slice %arg12[%add3A_42, %dma_start3A_104] : memref<10240x128xf32, #tpu.memory_space<vmem_shared>> -> memref<64x128xf32, #tpu.memory_space<vmem_shared>>
      %dma_start3A_106 = arith.constant 0 : i32
      %dma_start3A_107 = arith.constant 0 : i32
      %dma_start3A_108 = tpu.memref_slice %arg11[%dma_start3A_106, %dma_start3A_107] : memref<125x128xf32, #tpu.memory_space<vmem>> -> memref<64x128xf32, #tpu.memory_space<vmem>>
      tpu.enqueue_dma source(%dma_start3A_108 : memref<64x128xf32, #tpu.memory_space<vmem>>) target(%dma_start3A_105 : memref<64x128xf32, #tpu.memory_space<vmem_shared>>) target_semaphore(%run_scoped3A : memref<!tpu.dma_semaphore, #tpu.memory_space<semaphore_mem>>)
      %dma_wait3A = arith.constant 0 : i32
      %dma_wait3A_109 = arith.constant 0 : i32
      %dma_wait3A_110 = tpu.memref_slice %arg11[%dma_wait3A, %dma_wait3A_109] : memref<125x128xf32, #tpu.memory_space<vmem>> -> memref<64x128xf32, #tpu.memory_space<vmem>>
      %dma_wait3A_111 = arith.constant 0 : i32
      %dma_wait3A_112 = tpu.memref_slice %arg12[%add3A_42, %dma_wait3A_111] : memref<10240x128xf32, #tpu.memory_space<vmem_shared>> -> memref<64x128xf32, #tpu.memory_space<vmem_shared>>
      %dma_wait3A_113 = arith.constant 0 : i32
      %dma_wait3A_114 = tpu.memref_slice %arg12[%add3A_42, %dma_wait3A_113] : memref<10240x128xf32, #tpu.memory_space<vmem_shared>> -> memref<64x128xf32, #tpu.memory_space<vmem_shared>>
      %dma_wait3A_115 = arith.constant 0 : i32
      %dma_wait3A_116 = arith.constant 0 : i32
      %dma_wait3A_117 = tpu.memref_slice %arg11[%dma_wait3A_115, %dma_wait3A_116] : memref<125x128xf32, #tpu.memory_space<vmem>> -> memref<64x128xf32, #tpu.memory_space<vmem>>
      tpu.wait_dma2 semaphore(%run_scoped3A : memref<!tpu.dma_semaphore, #tpu.memory_space<semaphore_mem>>) src(%dma_wait3A_117 : memref<64x128xf32, #tpu.memory_space<vmem>>) dst(%dma_wait3A_114 : memref<64x128xf32, #tpu.memory_space<vmem_shared>>)
      tpu.yield
    }) : () -> ()
    %mul3A_43 = arith.constant 640 : i32
    %mul3A_44 = arith.muli %arg1, %mul3A_43 : i32
    %add3A_45 = arith.constant 576 : i32
    %add3A_46 = arith.addi %mul3A_44, %add3A_45 : i32
    "tpu.region"() ({
      %run_scoped3A = tpu.sem_alloc : memref<!tpu.dma_semaphore, #tpu.memory_space<semaphore_mem>>
      %dma_start3A_99 = arith.constant 0 : i32
      %dma_start3A_100 = arith.constant 0 : i32
      %dma_start3A_101 = tpu.memref_slice %arg11[%dma_start3A_99, %dma_start3A_100] : memref<125x128xf32, #tpu.memory_space<vmem>> -> memref<64x128xf32, #tpu.memory_space<vmem>>
      %dma_start3A_102 = arith.constant 0 : i32
      %dma_start3A_103 = tpu.memref_slice %arg12[%add3A_46, %dma_start3A_102] : memref<10240x128xf32, #tpu.memory_space<vmem_shared>> -> memref<64x128xf32, #tpu.memory_space<vmem_shared>>
      %dma_start3A_104 = arith.constant 0 : i32
      %dma_start3A_105 = tpu.memref_slice %arg12[%add3A_46, %dma_start3A_104] : memref<10240x128xf32, #tpu.memory_space<vmem_shared>> -> memref<64x128xf32, #tpu.memory_space<vmem_shared>>
      %dma_start3A_106 = arith.constant 0 : i32
      %dma_start3A_107 = arith.constant 0 : i32
      %dma_start3A_108 = tpu.memref_slice %arg11[%dma_start3A_106, %dma_start3A_107] : memref<125x128xf32, #tpu.memory_space<vmem>> -> memref<64x128xf32, #tpu.memory_space<vmem>>
      tpu.enqueue_dma source(%dma_start3A_108 : memref<64x128xf32, #tpu.memory_space<vmem>>) target(%dma_start3A_105 : memref<64x128xf32, #tpu.memory_space<vmem_shared>>) target_semaphore(%run_scoped3A : memref<!tpu.dma_semaphore, #tpu.memory_space<semaphore_mem>>)
      %dma_wait3A = arith.constant 0 : i32
      %dma_wait3A_109 = arith.constant 0 : i32
      %dma_wait3A_110 = tpu.memref_slice %arg11[%dma_wait3A, %dma_wait3A_109] : memref<125x128xf32, #tpu.memory_space<vmem>> -> memref<64x128xf32, #tpu.memory_space<vmem>>
      %dma_wait3A_111 = arith.constant 0 : i32
      %dma_wait3A_112 = tpu.memref_slice %arg12[%add3A_46, %dma_wait3A_111] : memref<10240x128xf32, #tpu.memory_space<vmem_shared>> -> memref<64x128xf32, #tpu.memory_space<vmem_shared>>
      %dma_wait3A_113 = arith.constant 0 : i32
      %dma_wait3A_114 = tpu.memref_slice %arg12[%add3A_46, %dma_wait3A_113] : memref<10240x128xf32, #tpu.memory_space<vmem_shared>> -> memref<64x128xf32, #tpu.memory_space<vmem_shared>>
      %dma_wait3A_115 = arith.constant 0 : i32
      %dma_wait3A_116 = arith.constant 0 : i32
      %dma_wait3A_117 = tpu.memref_slice %arg11[%dma_wait3A_115, %dma_wait3A_116] : memref<125x128xf32, #tpu.memory_space<vmem>> -> memref<64x128xf32, #tpu.memory_space<vmem>>
      tpu.wait_dma2 semaphore(%run_scoped3A : memref<!tpu.dma_semaphore, #tpu.memory_space<semaphore_mem>>) src(%dma_wait3A_117 : memref<64x128xf32, #tpu.memory_space<vmem>>) dst(%dma_wait3A_114 : memref<64x128xf32, #tpu.memory_space<vmem_shared>>)
      tpu.yield
    }) : () -> ()
    %barrier3A = arith.constant 0 : index
    tpu.barrier barrier_id(%barrier3A)
    %sub3A = arith.constant 40 : i32
    %sub3A_47 = arith.constant 0 : i32
    %sub3A_48 = arith.subi %sub3A, %sub3A_47 : i32
    %sub3A_49 = arith.constant 2 : i32
    %sub3A_50 = arith.constant 1 : i32
    %sub3A_51 = arith.subi %sub3A_49, %sub3A_50 : i32
    %add3A_52 = arith.addi %sub3A_48, %sub3A_51 : i32
    %div3A = arith.constant 2 : i32
    %div3A_53 = arith.divsi %add3A_52, %div3A : i32
    %while3A = arith.constant 2 : i32
    %while3A_54 = arith.constant 0 : i32
    %while3A_55 = arith.constant 0 : i32
    %while3A_56 = arith.subi %div3A_53, %while3A_55 : i32
    %while3A_57 = arith.addi %while3A_55, %while3A_56 : i32
    %while3A_58 = arith.constant 1 : i32
    %while3A_59 = arith.divsi %while3A_56, %while3A_58 : i32
    %while3A_60 = arith.muli %while3A_59, %while3A_58 : i32
    %while3A_61 = arith.addi %while3A_55, %while3A_60 : i32
    %while3A_62 = arith.constant 1 : i32
    scf.for %while3A_99 = %while3A_55 to %while3A_61 step %while3A_62  : i32 {
      %mul3A_100 = arith.muli %while3A_99, %while3A : i32
      %add3A_101 = arith.addi %while3A_54, %mul3A_100 : i32
      %add3A_102 = arith.constant 1 : i32
      %add3A_103 = arith.addi %add3A_101, %add3A_102 : i32
      %dma_start3A_104 = arith.constant 0 : i32
      %dma_start3A_105 = tpu.memref_slice %arg8[%add3A_103, %dma_start3A_104] : memref<40x125xi32, #tpu.memory_space<vmem>> -> memref<1x125xi32, #tpu.memory_space<vmem>>
      %dma_start3A_106 = tpu.memref_squeeze %dma_start3A_105 : memref<1x125xi32, #tpu.memory_space<vmem>> -> memref<125xi32, #tpu.memory_space<vmem>>
      %dma_start3A_107 = arith.constant 0 : i32
      %dma_start3A_108 = arith.constant 0 : i32
      %dma_start3A_109 = tpu.memref_slice %arg2[%dma_start3A_107, %dma_start3A_108] : memref<10240x128xf32, #tpu.memory_space<hbm>> -> memref<10240x128xf32, #tpu.memory_space<hbm>>
      tpu.enqueue_indirect_dma source(%dma_start3A_109 : memref<10240x128xf32, #tpu.memory_space<hbm>>) target(%arg11 : memref<125x128xf32, #tpu.memory_space<vmem>>) offsets(%dma_start3A_106 : memref<125xi32, #tpu.memory_space<vmem>>) semaphore(%arg14 : memref<!tpu.dma_semaphore, #tpu.memory_space<semaphore_mem>>)
      %dma_wait3A = arith.constant 0 : i32
      %dma_wait3A_110 = tpu.memref_slice %arg8[%add3A_101, %dma_wait3A] : memref<40x125xi32, #tpu.memory_space<vmem>> -> memref<1x125xi32, #tpu.memory_space<vmem>>
      %dma_wait3A_111 = tpu.memref_squeeze %dma_wait3A_110 : memref<1x125xi32, #tpu.memory_space<vmem>> -> memref<125xi32, #tpu.memory_space<vmem>>
      %dma_wait3A_112 = arith.constant 0 : i32
      %dma_wait3A_113 = arith.constant 0 : i32
      %dma_wait3A_114 = tpu.memref_slice %arg2[%dma_wait3A_112, %dma_wait3A_113] : memref<10240x128xf32, #tpu.memory_space<hbm>> -> memref<10240x128xf32, #tpu.memory_space<hbm>>
      tpu.wait_indirect_dma semaphore(%arg13 : memref<!tpu.dma_semaphore, #tpu.memory_space<semaphore_mem>>) src(%dma_wait3A_114 : memref<10240x128xf32, #tpu.memory_space<hbm>>) dst(%arg10 : memref<125x128xf32, #tpu.memory_space<vmem>>)
      "tpu.region"() ({
        %run_scoped3A = tpu.sem_alloc : memref<!tpu.dma_semaphore, #tpu.memory_space<semaphore_mem>>
        %dma_start3A_131 = arith.constant 0 : i32
        %dma_start3A_132 = tpu.memref_slice %arg9[%add3A_101, %dma_start3A_131] : memref<40x125xi32, #tpu.memory_space<vmem>> -> memref<1x125xi32, #tpu.memory_space<vmem>>
        %dma_start3A_133 = tpu.memref_squeeze %dma_start3A_132 : memref<1x125xi32, #tpu.memory_space<vmem>> -> memref<125xi32, #tpu.memory_space<vmem>>
        %dma_start3A_134 = arith.constant 0 : i32
        %dma_start3A_135 = arith.constant 0 : i32
        %dma_start3A_136 = tpu.memref_slice %arg12[%dma_start3A_134, %dma_start3A_135] : memref<10240x128xf32, #tpu.memory_space<vmem_shared>> -> memref<10240x128xf32, #tpu.memory_space<vmem_shared>>
        tpu.enqueue_indirect_dma source(%arg10 : memref<125x128xf32, #tpu.memory_space<vmem>>) target(%dma_start3A_136 : memref<10240x128xf32, #tpu.memory_space<vmem_shared>>) offsets(%dma_start3A_133 : memref<125xi32, #tpu.memory_space<vmem>>) semaphore(%run_scoped3A : memref<!tpu.dma_semaphore, #tpu.memory_space<semaphore_mem>>) {add = true}
        %dma_wait3A_137 = arith.constant 0 : i32
        %dma_wait3A_138 = tpu.memref_slice %arg9[%add3A_101, %dma_wait3A_137] : memref<40x125xi32, #tpu.memory_space<vmem>> -> memref<1x125xi32, #tpu.memory_space<vmem>>
        %dma_wait3A_139 = tpu.memref_squeeze %dma_wait3A_138 : memref<1x125xi32, #tpu.memory_space<vmem>> -> memref<125xi32, #tpu.memory_space<vmem>>
        %dma_wait3A_140 = arith.constant 0 : i32
        %dma_wait3A_141 = arith.constant 0 : i32
        %dma_wait3A_142 = tpu.memref_slice %arg12[%dma_wait3A_140, %dma_wait3A_141] : memref<10240x128xf32, #tpu.memory_space<vmem_shared>> -> memref<10240x128xf32, #tpu.memory_space<vmem_shared>>
        tpu.wait_indirect_dma semaphore(%run_scoped3A : memref<!tpu.dma_semaphore, #tpu.memory_space<semaphore_mem>>) src(%arg10 : memref<125x128xf32, #tpu.memory_space<vmem>>) dst(%dma_wait3A_142 : memref<10240x128xf32, #tpu.memory_space<vmem_shared>>)
        tpu.yield
      }) : () -> ()
      %add3A_115 = arith.constant 2 : i32
      %add3A_116 = arith.addi %add3A_101, %add3A_115 : i32
      %lt3A = arith.constant 40 : i32
      %lt3A_117 = arith.cmpi slt, %add3A_116, %lt3A : i32
      %convert_element_type3A_118 = arith.extui %lt3A_117 : i1 to i32
      %cond3A_119 = arith.constant 0 : i32
      %cond3A_120 = arith.cmpi ne, %convert_element_type3A_118, %cond3A_119 : i32
      scf.if %cond3A_120 {
        %add3A_131 = arith.constant 2 : i32
        %add3A_132 = arith.addi %add3A_101, %add3A_131 : i32
        %dma_start3A_133 = arith.constant 0 : i32
        %dma_start3A_134 = tpu.memref_slice %arg8[%add3A_132, %dma_start3A_133] : memref<40x125xi32, #tpu.memory_space<vmem>> -> memref<1x125xi32, #tpu.memory_space<vmem>>
        %dma_start3A_135 = tpu.memref_squeeze %dma_start3A_134 : memref<1x125xi32, #tpu.memory_space<vmem>> -> memref<125xi32, #tpu.memory_space<vmem>>
        %dma_start3A_136 = arith.constant 0 : i32
        %dma_start3A_137 = arith.constant 0 : i32
        %dma_start3A_138 = tpu.memref_slice %arg2[%dma_start3A_136, %dma_start3A_137] : memref<10240x128xf32, #tpu.memory_space<hbm>> -> memref<10240x128xf32, #tpu.memory_space<hbm>>
        tpu.enqueue_indirect_dma source(%dma_start3A_138 : memref<10240x128xf32, #tpu.memory_space<hbm>>) target(%arg10 : memref<125x128xf32, #tpu.memory_space<vmem>>) offsets(%dma_start3A_135 : memref<125xi32, #tpu.memory_space<vmem>>) semaphore(%arg13 : memref<!tpu.dma_semaphore, #tpu.memory_space<semaphore_mem>>)
      } else {
      }
      %add3A_121 = arith.constant 1 : i32
      %add3A_122 = arith.addi %add3A_101, %add3A_121 : i32
      %dma_wait3A_123 = arith.constant 0 : i32
      %dma_wait3A_124 = tpu.memref_slice %arg8[%add3A_122, %dma_wait3A_123] : memref<40x125xi32, #tpu.memory_space<vmem>> -> memref<1x125xi32, #tpu.memory_space<vmem>>
      %dma_wait3A_125 = tpu.memref_squeeze %dma_wait3A_124 : memref<1x125xi32, #tpu.memory_space<vmem>> -> memref<125xi32, #tpu.memory_space<vmem>>
      %dma_wait3A_126 = arith.constant 0 : i32
      %dma_wait3A_127 = arith.constant 0 : i32
      %dma_wait3A_128 = tpu.memref_slice %arg2[%dma_wait3A_126, %dma_wait3A_127] : memref<10240x128xf32, #tpu.memory_space<hbm>> -> memref<10240x128xf32, #tpu.memory_space<hbm>>
      tpu.wait_indirect_dma semaphore(%arg14 : memref<!tpu.dma_semaphore, #tpu.memory_space<semaphore_mem>>) src(%dma_wait3A_128 : memref<10240x128xf32, #tpu.memory_space<hbm>>) dst(%arg11 : memref<125x128xf32, #tpu.memory_space<vmem>>)
      %add3A_129 = arith.constant 1 : i32
      %add3A_130 = arith.addi %add3A_101, %add3A_129 : i32
      "tpu.region"() ({
        %run_scoped3A = tpu.sem_alloc : memref<!tpu.dma_semaphore, #tpu.memory_space<semaphore_mem>>
        %dma_start3A_131 = arith.constant 0 : i32
        %dma_start3A_132 = tpu.memref_slice %arg9[%add3A_130, %dma_start3A_131] : memref<40x125xi32, #tpu.memory_space<vmem>> -> memref<1x125xi32, #tpu.memory_space<vmem>>
        %dma_start3A_133 = tpu.memref_squeeze %dma_start3A_132 : memref<1x125xi32, #tpu.memory_space<vmem>> -> memref<125xi32, #tpu.memory_space<vmem>>
        %dma_start3A_134 = arith.constant 0 : i32
        %dma_start3A_135 = arith.constant 0 : i32
        %dma_start3A_136 = tpu.memref_slice %arg12[%dma_start3A_134, %dma_start3A_135] : memref<10240x128xf32, #tpu.memory_space<vmem_shared>> -> memref<10240x128xf32, #tpu.memory_space<vmem_shared>>
        tpu.enqueue_indirect_dma source(%arg11 : memref<125x128xf32, #tpu.memory_space<vmem>>) target(%dma_start3A_136 : memref<10240x128xf32, #tpu.memory_space<vmem_shared>>) offsets(%dma_start3A_133 : memref<125xi32, #tpu.memory_space<vmem>>) semaphore(%run_scoped3A : memref<!tpu.dma_semaphore, #tpu.memory_space<semaphore_mem>>) {add = true}
        %dma_wait3A_137 = arith.constant 0 : i32
        %dma_wait3A_138 = tpu.memref_slice %arg9[%add3A_130, %dma_wait3A_137] : memref<40x125xi32, #tpu.memory_space<vmem>> -> memref<1x125xi32, #tpu.memory_space<vmem>>
        %dma_wait3A_139 = tpu.memref_squeeze %dma_wait3A_138 : memref<1x125xi32, #tpu.memory_space<vmem>> -> memref<125xi32, #tpu.memory_space<vmem>>
        %dma_wait3A_140 = arith.constant 0 : i32
        %dma_wait3A_141 = arith.constant 0 : i32
        %dma_wait3A_142 = tpu.memref_slice %arg12[%dma_wait3A_140, %dma_wait3A_141] : memref<10240x128xf32, #tpu.memory_space<vmem_shared>> -> memref<10240x128xf32, #tpu.memory_space<vmem_shared>>
        tpu.wait_indirect_dma semaphore(%run_scoped3A : memref<!tpu.dma_semaphore, #tpu.memory_space<semaphore_mem>>) src(%arg11 : memref<125x128xf32, #tpu.memory_space<vmem>>) dst(%dma_wait3A_142 : memref<10240x128xf32, #tpu.memory_space<vmem_shared>>)
        tpu.yield
      }) : () -> ()
    }
    %while3A_63 = arith.constant 1 : i32
    scf.for %while3A_99 = %while3A_61 to %while3A_57 step %while3A_63  : i32 {
      %mul3A_100 = arith.muli %while3A_99, %while3A : i32
      %add3A_101 = arith.addi %while3A_54, %mul3A_100 : i32
      %add3A_102 = arith.constant 1 : i32
      %add3A_103 = arith.addi %add3A_101, %add3A_102 : i32
      %dma_start3A_104 = arith.constant 0 : i32
      %dma_start3A_105 = tpu.memref_slice %arg8[%add3A_103, %dma_start3A_104] : memref<40x125xi32, #tpu.memory_space<vmem>> -> memref<1x125xi32, #tpu.memory_space<vmem>>
      %dma_start3A_106 = tpu.memref_squeeze %dma_start3A_105 : memref<1x125xi32, #tpu.memory_space<vmem>> -> memref<125xi32, #tpu.memory_space<vmem>>
      %dma_start3A_107 = arith.constant 0 : i32
      %dma_start3A_108 = arith.constant 0 : i32
      %dma_start3A_109 = tpu.memref_slice %arg2[%dma_start3A_107, %dma_start3A_108] : memref<10240x128xf32, #tpu.memory_space<hbm>> -> memref<10240x128xf32, #tpu.memory_space<hbm>>
      tpu.enqueue_indirect_dma source(%dma_start3A_109 : memref<10240x128xf32, #tpu.memory_space<hbm>>) target(%arg11 : memref<125x128xf32, #tpu.memory_space<vmem>>) offsets(%dma_start3A_106 : memref<125xi32, #tpu.memory_space<vmem>>) semaphore(%arg14 : memref<!tpu.dma_semaphore, #tpu.memory_space<semaphore_mem>>)
      %dma_wait3A = arith.constant 0 : i32
      %dma_wait3A_110 = tpu.memref_slice %arg8[%add3A_101, %dma_wait3A] : memref<40x125xi32, #tpu.memory_space<vmem>> -> memref<1x125xi32, #tpu.memory_space<vmem>>
      %dma_wait3A_111 = tpu.memref_squeeze %dma_wait3A_110 : memref<1x125xi32, #tpu.memory_space<vmem>> -> memref<125xi32, #tpu.memory_space<vmem>>
      %dma_wait3A_112 = arith.constant 0 : i32
      %dma_wait3A_113 = arith.constant 0 : i32
      %dma_wait3A_114 = tpu.memref_slice %arg2[%dma_wait3A_112, %dma_wait3A_113] : memref<10240x128xf32, #tpu.memory_space<hbm>> -> memref<10240x128xf32, #tpu.memory_space<hbm>>
      tpu.wait_indirect_dma semaphore(%arg13 : memref<!tpu.dma_semaphore, #tpu.memory_space<semaphore_mem>>) src(%dma_wait3A_114 : memref<10240x128xf32, #tpu.memory_space<hbm>>) dst(%arg10 : memref<125x128xf32, #tpu.memory_space<vmem>>)
      "tpu.region"() ({
        %run_scoped3A = tpu.sem_alloc : memref<!tpu.dma_semaphore, #tpu.memory_space<semaphore_mem>>
        %dma_start3A_131 = arith.constant 0 : i32
        %dma_start3A_132 = tpu.memref_slice %arg9[%add3A_101, %dma_start3A_131] : memref<40x125xi32, #tpu.memory_space<vmem>> -> memref<1x125xi32, #tpu.memory_space<vmem>>
        %dma_start3A_133 = tpu.memref_squeeze %dma_start3A_132 : memref<1x125xi32, #tpu.memory_space<vmem>> -> memref<125xi32, #tpu.memory_space<vmem>>
        %dma_start3A_134 = arith.constant 0 : i32
        %dma_start3A_135 = arith.constant 0 : i32
        %dma_start3A_136 = tpu.memref_slice %arg12[%dma_start3A_134, %dma_start3A_135] : memref<10240x128xf32, #tpu.memory_space<vmem_shared>> -> memref<10240x128xf32, #tpu.memory_space<vmem_shared>>
        tpu.enqueue_indirect_dma source(%arg10 : memref<125x128xf32, #tpu.memory_space<vmem>>) target(%dma_start3A_136 : memref<10240x128xf32, #tpu.memory_space<vmem_shared>>) offsets(%dma_start3A_133 : memref<125xi32, #tpu.memory_space<vmem>>) semaphore(%run_scoped3A : memref<!tpu.dma_semaphore, #tpu.memory_space<semaphore_mem>>) {add = true}
        %dma_wait3A_137 = arith.constant 0 : i32
        %dma_wait3A_138 = tpu.memref_slice %arg9[%add3A_101, %dma_wait3A_137] : memref<40x125xi32, #tpu.memory_space<vmem>> -> memref<1x125xi32, #tpu.memory_space<vmem>>
        %dma_wait3A_139 = tpu.memref_squeeze %dma_wait3A_138 : memref<1x125xi32, #tpu.memory_space<vmem>> -> memref<125xi32, #tpu.memory_space<vmem>>
        %dma_wait3A_140 = arith.constant 0 : i32
        %dma_wait3A_141 = arith.constant 0 : i32
        %dma_wait3A_142 = tpu.memref_slice %arg12[%dma_wait3A_140, %dma_wait3A_141] : memref<10240x128xf32, #tpu.memory_space<vmem_shared>> -> memref<10240x128xf32, #tpu.memory_space<vmem_shared>>
        tpu.wait_indirect_dma semaphore(%run_scoped3A : memref<!tpu.dma_semaphore, #tpu.memory_space<semaphore_mem>>) src(%arg10 : memref<125x128xf32, #tpu.memory_space<vmem>>) dst(%dma_wait3A_142 : memref<10240x128xf32, #tpu.memory_space<vmem_shared>>)
        tpu.yield
      }) : () -> ()
      %add3A_115 = arith.constant 2 : i32
      %add3A_116 = arith.addi %add3A_101, %add3A_115 : i32
      %lt3A = arith.constant 40 : i32
      %lt3A_117 = arith.cmpi slt, %add3A_116, %lt3A : i32
      %convert_element_type3A_118 = arith.extui %lt3A_117 : i1 to i32
      %cond3A_119 = arith.constant 0 : i32
      %cond3A_120 = arith.cmpi ne, %convert_element_type3A_118, %cond3A_119 : i32
      scf.if %cond3A_120 {
        %add3A_131 = arith.constant 2 : i32
        %add3A_132 = arith.addi %add3A_101, %add3A_131 : i32
        %dma_start3A_133 = arith.constant 0 : i32
        %dma_start3A_134 = tpu.memref_slice %arg8[%add3A_132, %dma_start3A_133] : memref<40x125xi32, #tpu.memory_space<vmem>> -> memref<1x125xi32, #tpu.memory_space<vmem>>
        %dma_start3A_135 = tpu.memref_squeeze %dma_start3A_134 : memref<1x125xi32, #tpu.memory_space<vmem>> -> memref<125xi32, #tpu.memory_space<vmem>>
        %dma_start3A_136 = arith.constant 0 : i32
        %dma_start3A_137 = arith.constant 0 : i32
        %dma_start3A_138 = tpu.memref_slice %arg2[%dma_start3A_136, %dma_start3A_137] : memref<10240x128xf32, #tpu.memory_space<hbm>> -> memref<10240x128xf32, #tpu.memory_space<hbm>>
        tpu.enqueue_indirect_dma source(%dma_start3A_138 : memref<10240x128xf32, #tpu.memory_space<hbm>>) target(%arg10 : memref<125x128xf32, #tpu.memory_space<vmem>>) offsets(%dma_start3A_135 : memref<125xi32, #tpu.memory_space<vmem>>) semaphore(%arg13 : memref<!tpu.dma_semaphore, #tpu.memory_space<semaphore_mem>>)
      } else {
      }
      %add3A_121 = arith.constant 1 : i32
      %add3A_122 = arith.addi %add3A_101, %add3A_121 : i32
      %dma_wait3A_123 = arith.constant 0 : i32
      %dma_wait3A_124 = tpu.memref_slice %arg8[%add3A_122, %dma_wait3A_123] : memref<40x125xi32, #tpu.memory_space<vmem>> -> memref<1x125xi32, #tpu.memory_space<vmem>>
      %dma_wait3A_125 = tpu.memref_squeeze %dma_wait3A_124 : memref<1x125xi32, #tpu.memory_space<vmem>> -> memref<125xi32, #tpu.memory_space<vmem>>
      %dma_wait3A_126 = arith.constant 0 : i32
      %dma_wait3A_127 = arith.constant 0 : i32
      %dma_wait3A_128 = tpu.memref_slice %arg2[%dma_wait3A_126, %dma_wait3A_127] : memref<10240x128xf32, #tpu.memory_space<hbm>> -> memref<10240x128xf32, #tpu.memory_space<hbm>>
      tpu.wait_indirect_dma semaphore(%arg14 : memref<!tpu.dma_semaphore, #tpu.memory_space<semaphore_mem>>) src(%dma_wait3A_128 : memref<10240x128xf32, #tpu.memory_space<hbm>>) dst(%arg11 : memref<125x128xf32, #tpu.memory_space<vmem>>)
      %add3A_129 = arith.constant 1 : i32
      %add3A_130 = arith.addi %add3A_101, %add3A_129 : i32
      "tpu.region"() ({
        %run_scoped3A = tpu.sem_alloc : memref<!tpu.dma_semaphore, #tpu.memory_space<semaphore_mem>>
        %dma_start3A_131 = arith.constant 0 : i32
        %dma_start3A_132 = tpu.memref_slice %arg9[%add3A_130, %dma_start3A_131] : memref<40x125xi32, #tpu.memory_space<vmem>> -> memref<1x125xi32, #tpu.memory_space<vmem>>
        %dma_start3A_133 = tpu.memref_squeeze %dma_start3A_132 : memref<1x125xi32, #tpu.memory_space<vmem>> -> memref<125xi32, #tpu.memory_space<vmem>>
        %dma_start3A_134 = arith.constant 0 : i32
        %dma_start3A_135 = arith.constant 0 : i32
        %dma_start3A_136 = tpu.memref_slice %arg12[%dma_start3A_134, %dma_start3A_135] : memref<10240x128xf32, #tpu.memory_space<vmem_shared>> -> memref<10240x128xf32, #tpu.memory_space<vmem_shared>>
        tpu.enqueue_indirect_dma source(%arg11 : memref<125x128xf32, #tpu.memory_space<vmem>>) target(%dma_start3A_136 : memref<10240x128xf32, #tpu.memory_space<vmem_shared>>) offsets(%dma_start3A_133 : memref<125xi32, #tpu.memory_space<vmem>>) semaphore(%run_scoped3A : memref<!tpu.dma_semaphore, #tpu.memory_space<semaphore_mem>>) {add = true}
        %dma_wait3A_137 = arith.constant 0 : i32
        %dma_wait3A_138 = tpu.memref_slice %arg9[%add3A_130, %dma_wait3A_137] : memref<40x125xi32, #tpu.memory_space<vmem>> -> memref<1x125xi32, #tpu.memory_space<vmem>>
        %dma_wait3A_139 = tpu.memref_squeeze %dma_wait3A_138 : memref<1x125xi32, #tpu.memory_space<vmem>> -> memref<125xi32, #tpu.memory_space<vmem>>
        %dma_wait3A_140 = arith.constant 0 : i32
        %dma_wait3A_141 = arith.constant 0 : i32
        %dma_wait3A_142 = tpu.memref_slice %arg12[%dma_wait3A_140, %dma_wait3A_141] : memref<10240x128xf32, #tpu.memory_space<vmem_shared>> -> memref<10240x128xf32, #tpu.memory_space<vmem_shared>>
        tpu.wait_indirect_dma semaphore(%run_scoped3A : memref<!tpu.dma_semaphore, #tpu.memory_space<semaphore_mem>>) src(%arg11 : memref<125x128xf32, #tpu.memory_space<vmem>>) dst(%dma_wait3A_142 : memref<10240x128xf32, #tpu.memory_space<vmem_shared>>)
        tpu.yield
      }) : () -> ()
    }
    "tpu.region"() ({
      %run_scoped3A = tpu.sem_alloc : memref<!tpu.dma_semaphore, #tpu.memory_space<semaphore_mem>>
      %dma_start3A_99 = arith.constant 40 : i32
      %dma_start3A_100 = arith.constant 0 : i32
      %dma_start3A_101 = tpu.memref_slice %arg3[%add3A, %dma_start3A_99, %dma_start3A_100] : memref<32x80x125xi32, #tpu.memory_space<hbm>> -> memref<1x40x125xi32, #tpu.memory_space<hbm>>
      %dma_start3A_102 = tpu.memref_squeeze %dma_start3A_101 : memref<1x40x125xi32, #tpu.memory_space<hbm>> -> memref<40x125xi32, #tpu.memory_space<hbm>>
      %dma_start3A_103 = arith.constant 40 : i32
      %dma_start3A_104 = arith.constant 0 : i32
      %dma_start3A_105 = tpu.memref_slice %arg3[%add3A, %dma_start3A_103, %dma_start3A_104] : memref<32x80x125xi32, #tpu.memory_space<hbm>> -> memref<1x40x125xi32, #tpu.memory_space<hbm>>
      %dma_start3A_106 = tpu.memref_squeeze %dma_start3A_105 : memref<1x40x125xi32, #tpu.memory_space<hbm>> -> memref<40x125xi32, #tpu.memory_space<hbm>>
      tpu.enqueue_dma source(%dma_start3A_106 : memref<40x125xi32, #tpu.memory_space<hbm>>) target(%arg8 : memref<40x125xi32, #tpu.memory_space<vmem>>) target_semaphore(%run_scoped3A : memref<!tpu.dma_semaphore, #tpu.memory_space<semaphore_mem>>)
      %dma_wait3A = arith.constant 40 : i32
      %dma_wait3A_107 = arith.constant 0 : i32
      %dma_wait3A_108 = tpu.memref_slice %arg3[%add3A, %dma_wait3A, %dma_wait3A_107] : memref<32x80x125xi32, #tpu.memory_space<hbm>> -> memref<1x40x125xi32, #tpu.memory_space<hbm>>
      %dma_wait3A_109 = tpu.memref_squeeze %dma_wait3A_108 : memref<1x40x125xi32, #tpu.memory_space<hbm>> -> memref<40x125xi32, #tpu.memory_space<hbm>>
      %dma_wait3A_110 = arith.constant 40 : i32
      %dma_wait3A_111 = arith.constant 0 : i32
      %dma_wait3A_112 = tpu.memref_slice %arg3[%add3A, %dma_wait3A_110, %dma_wait3A_111] : memref<32x80x125xi32, #tpu.memory_space<hbm>> -> memref<1x40x125xi32, #tpu.memory_space<hbm>>
      %dma_wait3A_113 = tpu.memref_squeeze %dma_wait3A_112 : memref<1x40x125xi32, #tpu.memory_space<hbm>> -> memref<40x125xi32, #tpu.memory_space<hbm>>
      tpu.wait_dma2 semaphore(%run_scoped3A : memref<!tpu.dma_semaphore, #tpu.memory_space<semaphore_mem>>) src(%dma_wait3A_113 : memref<40x125xi32, #tpu.memory_space<hbm>>) dst(%arg8 : memref<40x125xi32, #tpu.memory_space<vmem>>)
      tpu.yield
    }) : () -> ()
    "tpu.region"() ({
      %run_scoped3A = tpu.sem_alloc : memref<!tpu.dma_semaphore, #tpu.memory_space<semaphore_mem>>
      %dma_start3A_99 = arith.constant 40 : i32
      %dma_start3A_100 = arith.constant 0 : i32
      %dma_start3A_101 = tpu.memref_slice %arg4[%add3A, %dma_start3A_99, %dma_start3A_100] : memref<32x80x125xi32, #tpu.memory_space<hbm>> -> memref<1x40x125xi32, #tpu.memory_space<hbm>>
      %dma_start3A_102 = tpu.memref_squeeze %dma_start3A_101 : memref<1x40x125xi32, #tpu.memory_space<hbm>> -> memref<40x125xi32, #tpu.memory_space<hbm>>
      %dma_start3A_103 = arith.constant 40 : i32
      %dma_start3A_104 = arith.constant 0 : i32
      %dma_start3A_105 = tpu.memref_slice %arg4[%add3A, %dma_start3A_103, %dma_start3A_104] : memref<32x80x125xi32, #tpu.memory_space<hbm>> -> memref<1x40x125xi32, #tpu.memory_space<hbm>>
      %dma_start3A_106 = tpu.memref_squeeze %dma_start3A_105 : memref<1x40x125xi32, #tpu.memory_space<hbm>> -> memref<40x125xi32, #tpu.memory_space<hbm>>
      tpu.enqueue_dma source(%dma_start3A_106 : memref<40x125xi32, #tpu.memory_space<hbm>>) target(%arg9 : memref<40x125xi32, #tpu.memory_space<vmem>>) target_semaphore(%run_scoped3A : memref<!tpu.dma_semaphore, #tpu.memory_space<semaphore_mem>>)
      %dma_wait3A = arith.constant 40 : i32
      %dma_wait3A_107 = arith.constant 0 : i32
      %dma_wait3A_108 = tpu.memref_slice %arg4[%add3A, %dma_wait3A, %dma_wait3A_107] : memref<32x80x125xi32, #tpu.memory_space<hbm>> -> memref<1x40x125xi32, #tpu.memory_space<hbm>>
      %dma_wait3A_109 = tpu.memref_squeeze %dma_wait3A_108 : memref<1x40x125xi32, #tpu.memory_space<hbm>> -> memref<40x125xi32, #tpu.memory_space<hbm>>
      %dma_wait3A_110 = arith.constant 40 : i32
      %dma_wait3A_111 = arith.constant 0 : i32
      %dma_wait3A_112 = tpu.memref_slice %arg4[%add3A, %dma_wait3A_110, %dma_wait3A_111] : memref<32x80x125xi32, #tpu.memory_space<hbm>> -> memref<1x40x125xi32, #tpu.memory_space<hbm>>
      %dma_wait3A_113 = tpu.memref_squeeze %dma_wait3A_112 : memref<1x40x125xi32, #tpu.memory_space<hbm>> -> memref<40x125xi32, #tpu.memory_space<hbm>>
      tpu.wait_dma2 semaphore(%run_scoped3A : memref<!tpu.dma_semaphore, #tpu.memory_space<semaphore_mem>>) src(%dma_wait3A_113 : memref<40x125xi32, #tpu.memory_space<hbm>>) dst(%arg9 : memref<40x125xi32, #tpu.memory_space<vmem>>)
      tpu.yield
    }) : () -> ()
    %dma_start3A_64 = arith.constant 0 : i32
    %dma_start3A_65 = arith.constant 0 : i32
    %dma_start3A_66 = tpu.memref_slice %arg8[%dma_start3A_64, %dma_start3A_65] : memref<40x125xi32, #tpu.memory_space<vmem>> -> memref<1x125xi32, #tpu.memory_space<vmem>>
    %dma_start3A_67 = tpu.memref_squeeze %dma_start3A_66 : memref<1x125xi32, #tpu.memory_space<vmem>> -> memref<125xi32, #tpu.memory_space<vmem>>
    %dma_start3A_68 = arith.constant 0 : i32
    %dma_start3A_69 = arith.constant 0 : i32
    %dma_start3A_70 = tpu.memref_slice %arg2[%dma_start3A_68, %dma_start3A_69] : memref<10240x128xf32, #tpu.memory_space<hbm>> -> memref<10240x128xf32, #tpu.memory_space<hbm>>
    tpu.enqueue_indirect_dma source(%dma_start3A_70 : memref<10240x128xf32, #tpu.memory_space<hbm>>) target(%arg10 : memref<125x128xf32, #tpu.memory_space<vmem>>) offsets(%dma_start3A_67 : memref<125xi32, #tpu.memory_space<vmem>>) semaphore(%arg13 : memref<!tpu.dma_semaphore, #tpu.memory_space<semaphore_mem>>)
    %sub3A_71 = arith.constant 40 : i32
    %sub3A_72 = arith.constant 0 : i32
    %sub3A_73 = arith.subi %sub3A_71, %sub3A_72 : i32
    %sub3A_74 = arith.constant 2 : i32
    %sub3A_75 = arith.constant 1 : i32
    %sub3A_76 = arith.subi %sub3A_74, %sub3A_75 : i32
    %add3A_77 = arith.addi %sub3A_73, %sub3A_76 : i32
    %div3A_78 = arith.constant 2 : i32
    %div3A_79 = arith.divsi %add3A_77, %div3A_78 : i32
    %while3A_80 = arith.constant 2 : i32
    %while3A_81 = arith.constant 0 : i32
    %while3A_82 = arith.constant 0 : i32
    %while3A_83 = arith.subi %div3A_79, %while3A_82 : i32
    %while3A_84 = arith.addi %while3A_82, %while3A_83 : i32
    %while3A_85 = arith.constant 1 : i32
    %while3A_86 = arith.divsi %while3A_83, %while3A_85 : i32
    %while3A_87 = arith.muli %while3A_86, %while3A_85 : i32
    %while3A_88 = arith.addi %while3A_82, %while3A_87 : i32
    %while3A_89 = arith.constant 1 : i32
    scf.for %while3A_99 = %while3A_82 to %while3A_88 step %while3A_89  : i32 {
      %mul3A_100 = arith.muli %while3A_99, %while3A_80 : i32
      %add3A_101 = arith.addi %while3A_81, %mul3A_100 : i32
      %add3A_102 = arith.constant 1 : i32
      %add3A_103 = arith.addi %add3A_101, %add3A_102 : i32
      %dma_start3A_104 = arith.constant 0 : i32
      %dma_start3A_105 = tpu.memref_slice %arg8[%add3A_103, %dma_start3A_104] : memref<40x125xi32, #tpu.memory_space<vmem>> -> memref<1x125xi32, #tpu.memory_space<vmem>>
      %dma_start3A_106 = tpu.memref_squeeze %dma_start3A_105 : memref<1x125xi32, #tpu.memory_space<vmem>> -> memref<125xi32, #tpu.memory_space<vmem>>
      %dma_start3A_107 = arith.constant 0 : i32
      %dma_start3A_108 = arith.constant 0 : i32
      %dma_start3A_109 = tpu.memref_slice %arg2[%dma_start3A_107, %dma_start3A_108] : memref<10240x128xf32, #tpu.memory_space<hbm>> -> memref<10240x128xf32, #tpu.memory_space<hbm>>
      tpu.enqueue_indirect_dma source(%dma_start3A_109 : memref<10240x128xf32, #tpu.memory_space<hbm>>) target(%arg11 : memref<125x128xf32, #tpu.memory_space<vmem>>) offsets(%dma_start3A_106 : memref<125xi32, #tpu.memory_space<vmem>>) semaphore(%arg14 : memref<!tpu.dma_semaphore, #tpu.memory_space<semaphore_mem>>)
      %dma_wait3A = arith.constant 0 : i32
      %dma_wait3A_110 = tpu.memref_slice %arg8[%add3A_101, %dma_wait3A] : memref<40x125xi32, #tpu.memory_space<vmem>> -> memref<1x125xi32, #tpu.memory_space<vmem>>
      %dma_wait3A_111 = tpu.memref_squeeze %dma_wait3A_110 : memref<1x125xi32, #tpu.memory_space<vmem>> -> memref<125xi32, #tpu.memory_space<vmem>>
      %dma_wait3A_112 = arith.constant 0 : i32
      %dma_wait3A_113 = arith.constant 0 : i32
      %dma_wait3A_114 = tpu.memref_slice %arg2[%dma_wait3A_112, %dma_wait3A_113] : memref<10240x128xf32, #tpu.memory_space<hbm>> -> memref<10240x128xf32, #tpu.memory_space<hbm>>
      tpu.wait_indirect_dma semaphore(%arg13 : memref<!tpu.dma_semaphore, #tpu.memory_space<semaphore_mem>>) src(%dma_wait3A_114 : memref<10240x128xf32, #tpu.memory_space<hbm>>) dst(%arg10 : memref<125x128xf32, #tpu.memory_space<vmem>>)
      "tpu.region"() ({
        %run_scoped3A = tpu.sem_alloc : memref<!tpu.dma_semaphore, #tpu.memory_space<semaphore_mem>>
        %dma_start3A_131 = arith.constant 0 : i32
        %dma_start3A_132 = tpu.memref_slice %arg9[%add3A_101, %dma_start3A_131] : memref<40x125xi32, #tpu.memory_space<vmem>> -> memref<1x125xi32, #tpu.memory_space<vmem>>
        %dma_start3A_133 = tpu.memref_squeeze %dma_start3A_132 : memref<1x125xi32, #tpu.memory_space<vmem>> -> memref<125xi32, #tpu.memory_space<vmem>>
        %dma_start3A_134 = arith.constant 0 : i32
        %dma_start3A_135 = arith.constant 0 : i32
        %dma_start3A_136 = tpu.memref_slice %arg12[%dma_start3A_134, %dma_start3A_135] : memref<10240x128xf32, #tpu.memory_space<vmem_shared>> -> memref<10240x128xf32, #tpu.memory_space<vmem_shared>>
        tpu.enqueue_indirect_dma source(%arg10 : memref<125x128xf32, #tpu.memory_space<vmem>>) target(%dma_start3A_136 : memref<10240x128xf32, #tpu.memory_space<vmem_shared>>) offsets(%dma_start3A_133 : memref<125xi32, #tpu.memory_space<vmem>>) semaphore(%run_scoped3A : memref<!tpu.dma_semaphore, #tpu.memory_space<semaphore_mem>>) {add = true}
        %dma_wait3A_137 = arith.constant 0 : i32
        %dma_wait3A_138 = tpu.memref_slice %arg9[%add3A_101, %dma_wait3A_137] : memref<40x125xi32, #tpu.memory_space<vmem>> -> memref<1x125xi32, #tpu.memory_space<vmem>>
        %dma_wait3A_139 = tpu.memref_squeeze %dma_wait3A_138 : memref<1x125xi32, #tpu.memory_space<vmem>> -> memref<125xi32, #tpu.memory_space<vmem>>
        %dma_wait3A_140 = arith.constant 0 : i32
        %dma_wait3A_141 = arith.constant 0 : i32
        %dma_wait3A_142 = tpu.memref_slice %arg12[%dma_wait3A_140, %dma_wait3A_141] : memref<10240x128xf32, #tpu.memory_space<vmem_shared>> -> memref<10240x128xf32, #tpu.memory_space<vmem_shared>>
        tpu.wait_indirect_dma semaphore(%run_scoped3A : memref<!tpu.dma_semaphore, #tpu.memory_space<semaphore_mem>>) src(%arg10 : memref<125x128xf32, #tpu.memory_space<vmem>>) dst(%dma_wait3A_142 : memref<10240x128xf32, #tpu.memory_space<vmem_shared>>)
        tpu.yield
      }) : () -> ()
      %add3A_115 = arith.constant 2 : i32
      %add3A_116 = arith.addi %add3A_101, %add3A_115 : i32
      %lt3A = arith.constant 40 : i32
      %lt3A_117 = arith.cmpi slt, %add3A_116, %lt3A : i32
      %convert_element_type3A_118 = arith.extui %lt3A_117 : i1 to i32
      %cond3A_119 = arith.constant 0 : i32
      %cond3A_120 = arith.cmpi ne, %convert_element_type3A_118, %cond3A_119 : i32
      scf.if %cond3A_120 {
        %add3A_131 = arith.constant 2 : i32
        %add3A_132 = arith.addi %add3A_101, %add3A_131 : i32
        %dma_start3A_133 = arith.constant 0 : i32
        %dma_start3A_134 = tpu.memref_slice %arg8[%add3A_132, %dma_start3A_133] : memref<40x125xi32, #tpu.memory_space<vmem>> -> memref<1x125xi32, #tpu.memory_space<vmem>>
        %dma_start3A_135 = tpu.memref_squeeze %dma_start3A_134 : memref<1x125xi32, #tpu.memory_space<vmem>> -> memref<125xi32, #tpu.memory_space<vmem>>
        %dma_start3A_136 = arith.constant 0 : i32
        %dma_start3A_137 = arith.constant 0 : i32
        %dma_start3A_138 = tpu.memref_slice %arg2[%dma_start3A_136, %dma_start3A_137] : memref<10240x128xf32, #tpu.memory_space<hbm>> -> memref<10240x128xf32, #tpu.memory_space<hbm>>
        tpu.enqueue_indirect_dma source(%dma_start3A_138 : memref<10240x128xf32, #tpu.memory_space<hbm>>) target(%arg10 : memref<125x128xf32, #tpu.memory_space<vmem>>) offsets(%dma_start3A_135 : memref<125xi32, #tpu.memory_space<vmem>>) semaphore(%arg13 : memref<!tpu.dma_semaphore, #tpu.memory_space<semaphore_mem>>)
      } else {
      }
      %add3A_121 = arith.constant 1 : i32
      %add3A_122 = arith.addi %add3A_101, %add3A_121 : i32
      %dma_wait3A_123 = arith.constant 0 : i32
      %dma_wait3A_124 = tpu.memref_slice %arg8[%add3A_122, %dma_wait3A_123] : memref<40x125xi32, #tpu.memory_space<vmem>> -> memref<1x125xi32, #tpu.memory_space<vmem>>
      %dma_wait3A_125 = tpu.memref_squeeze %dma_wait3A_124 : memref<1x125xi32, #tpu.memory_space<vmem>> -> memref<125xi32, #tpu.memory_space<vmem>>
      %dma_wait3A_126 = arith.constant 0 : i32
      %dma_wait3A_127 = arith.constant 0 : i32
      %dma_wait3A_128 = tpu.memref_slice %arg2[%dma_wait3A_126, %dma_wait3A_127] : memref<10240x128xf32, #tpu.memory_space<hbm>> -> memref<10240x128xf32, #tpu.memory_space<hbm>>
      tpu.wait_indirect_dma semaphore(%arg14 : memref<!tpu.dma_semaphore, #tpu.memory_space<semaphore_mem>>) src(%dma_wait3A_128 : memref<10240x128xf32, #tpu.memory_space<hbm>>) dst(%arg11 : memref<125x128xf32, #tpu.memory_space<vmem>>)
      %add3A_129 = arith.constant 1 : i32
      %add3A_130 = arith.addi %add3A_101, %add3A_129 : i32
      "tpu.region"() ({
        %run_scoped3A = tpu.sem_alloc : memref<!tpu.dma_semaphore, #tpu.memory_space<semaphore_mem>>
        %dma_start3A_131 = arith.constant 0 : i32
        %dma_start3A_132 = tpu.memref_slice %arg9[%add3A_130, %dma_start3A_131] : memref<40x125xi32, #tpu.memory_space<vmem>> -> memref<1x125xi32, #tpu.memory_space<vmem>>
        %dma_start3A_133 = tpu.memref_squeeze %dma_start3A_132 : memref<1x125xi32, #tpu.memory_space<vmem>> -> memref<125xi32, #tpu.memory_space<vmem>>
        %dma_start3A_134 = arith.constant 0 : i32
        %dma_start3A_135 = arith.constant 0 : i32
        %dma_start3A_136 = tpu.memref_slice %arg12[%dma_start3A_134, %dma_start3A_135] : memref<10240x128xf32, #tpu.memory_space<vmem_shared>> -> memref<10240x128xf32, #tpu.memory_space<vmem_shared>>
        tpu.enqueue_indirect_dma source(%arg11 : memref<125x128xf32, #tpu.memory_space<vmem>>) target(%dma_start3A_136 : memref<10240x128xf32, #tpu.memory_space<vmem_shared>>) offsets(%dma_start3A_133 : memref<125xi32, #tpu.memory_space<vmem>>) semaphore(%run_scoped3A : memref<!tpu.dma_semaphore, #tpu.memory_space<semaphore_mem>>) {add = true}
        %dma_wait3A_137 = arith.constant 0 : i32
        %dma_wait3A_138 = tpu.memref_slice %arg9[%add3A_130, %dma_wait3A_137] : memref<40x125xi32, #tpu.memory_space<vmem>> -> memref<1x125xi32, #tpu.memory_space<vmem>>
        %dma_wait3A_139 = tpu.memref_squeeze %dma_wait3A_138 : memref<1x125xi32, #tpu.memory_space<vmem>> -> memref<125xi32, #tpu.memory_space<vmem>>
        %dma_wait3A_140 = arith.constant 0 : i32
        %dma_wait3A_141 = arith.constant 0 : i32
        %dma_wait3A_142 = tpu.memref_slice %arg12[%dma_wait3A_140, %dma_wait3A_141] : memref<10240x128xf32, #tpu.memory_space<vmem_shared>> -> memref<10240x128xf32, #tpu.memory_space<vmem_shared>>
        tpu.wait_indirect_dma semaphore(%run_scoped3A : memref<!tpu.dma_semaphore, #tpu.memory_space<semaphore_mem>>) src(%arg11 : memref<125x128xf32, #tpu.memory_space<vmem>>) dst(%dma_wait3A_142 : memref<10240x128xf32, #tpu.memory_space<vmem_shared>>)
        tpu.yield
      }) : () -> ()
    }
    %while3A_90 = arith.constant 1 : i32
    scf.for %while3A_99 = %while3A_88 to %while3A_84 step %while3A_90  : i32 {
      %mul3A_100 = arith.muli %while3A_99, %while3A_80 : i32
      %add3A_101 = arith.addi %while3A_81, %mul3A_100 : i32
      %add3A_102 = arith.constant 1 : i32
      %add3A_103 = arith.addi %add3A_101, %add3A_102 : i32
      %dma_start3A_104 = arith.constant 0 : i32
      %dma_start3A_105 = tpu.memref_slice %arg8[%add3A_103, %dma_start3A_104] : memref<40x125xi32, #tpu.memory_space<vmem>> -> memref<1x125xi32, #tpu.memory_space<vmem>>
      %dma_start3A_106 = tpu.memref_squeeze %dma_start3A_105 : memref<1x125xi32, #tpu.memory_space<vmem>> -> memref<125xi32, #tpu.memory_space<vmem>>
      %dma_start3A_107 = arith.constant 0 : i32
      %dma_start3A_108 = arith.constant 0 : i32
      %dma_start3A_109 = tpu.memref_slice %arg2[%dma_start3A_107, %dma_start3A_108] : memref<10240x128xf32, #tpu.memory_space<hbm>> -> memref<10240x128xf32, #tpu.memory_space<hbm>>
      tpu.enqueue_indirect_dma source(%dma_start3A_109 : memref<10240x128xf32, #tpu.memory_space<hbm>>) target(%arg11 : memref<125x128xf32, #tpu.memory_space<vmem>>) offsets(%dma_start3A_106 : memref<125xi32, #tpu.memory_space<vmem>>) semaphore(%arg14 : memref<!tpu.dma_semaphore, #tpu.memory_space<semaphore_mem>>)
      %dma_wait3A = arith.constant 0 : i32
      %dma_wait3A_110 = tpu.memref_slice %arg8[%add3A_101, %dma_wait3A] : memref<40x125xi32, #tpu.memory_space<vmem>> -> memref<1x125xi32, #tpu.memory_space<vmem>>
      %dma_wait3A_111 = tpu.memref_squeeze %dma_wait3A_110 : memref<1x125xi32, #tpu.memory_space<vmem>> -> memref<125xi32, #tpu.memory_space<vmem>>
      %dma_wait3A_112 = arith.constant 0 : i32
      %dma_wait3A_113 = arith.constant 0 : i32
      %dma_wait3A_114 = tpu.memref_slice %arg2[%dma_wait3A_112, %dma_wait3A_113] : memref<10240x128xf32, #tpu.memory_space<hbm>> -> memref<10240x128xf32, #tpu.memory_space<hbm>>
      tpu.wait_indirect_dma semaphore(%arg13 : memref<!tpu.dma_semaphore, #tpu.memory_space<semaphore_mem>>) src(%dma_wait3A_114 : memref<10240x128xf32, #tpu.memory_space<hbm>>) dst(%arg10 : memref<125x128xf32, #tpu.memory_space<vmem>>)
      "tpu.region"() ({
        %run_scoped3A = tpu.sem_alloc : memref<!tpu.dma_semaphore, #tpu.memory_space<semaphore_mem>>
        %dma_start3A_131 = arith.constant 0 : i32
        %dma_start3A_132 = tpu.memref_slice %arg9[%add3A_101, %dma_start3A_131] : memref<40x125xi32, #tpu.memory_space<vmem>> -> memref<1x125xi32, #tpu.memory_space<vmem>>
        %dma_start3A_133 = tpu.memref_squeeze %dma_start3A_132 : memref<1x125xi32, #tpu.memory_space<vmem>> -> memref<125xi32, #tpu.memory_space<vmem>>
        %dma_start3A_134 = arith.constant 0 : i32
        %dma_start3A_135 = arith.constant 0 : i32
        %dma_start3A_136 = tpu.memref_slice %arg12[%dma_start3A_134, %dma_start3A_135] : memref<10240x128xf32, #tpu.memory_space<vmem_shared>> -> memref<10240x128xf32, #tpu.memory_space<vmem_shared>>
        tpu.enqueue_indirect_dma source(%arg10 : memref<125x128xf32, #tpu.memory_space<vmem>>) target(%dma_start3A_136 : memref<10240x128xf32, #tpu.memory_space<vmem_shared>>) offsets(%dma_start3A_133 : memref<125xi32, #tpu.memory_space<vmem>>) semaphore(%run_scoped3A : memref<!tpu.dma_semaphore, #tpu.memory_space<semaphore_mem>>) {add = true}
        %dma_wait3A_137 = arith.constant 0 : i32
        %dma_wait3A_138 = tpu.memref_slice %arg9[%add3A_101, %dma_wait3A_137] : memref<40x125xi32, #tpu.memory_space<vmem>> -> memref<1x125xi32, #tpu.memory_space<vmem>>
        %dma_wait3A_139 = tpu.memref_squeeze %dma_wait3A_138 : memref<1x125xi32, #tpu.memory_space<vmem>> -> memref<125xi32, #tpu.memory_space<vmem>>
        %dma_wait3A_140 = arith.constant 0 : i32
        %dma_wait3A_141 = arith.constant 0 : i32
        %dma_wait3A_142 = tpu.memref_slice %arg12[%dma_wait3A_140, %dma_wait3A_141] : memref<10240x128xf32, #tpu.memory_space<vmem_shared>> -> memref<10240x128xf32, #tpu.memory_space<vmem_shared>>
        tpu.wait_indirect_dma semaphore(%run_scoped3A : memref<!tpu.dma_semaphore, #tpu.memory_space<semaphore_mem>>) src(%arg10 : memref<125x128xf32, #tpu.memory_space<vmem>>) dst(%dma_wait3A_142 : memref<10240x128xf32, #tpu.memory_space<vmem_shared>>)
        tpu.yield
      }) : () -> ()
      %add3A_115 = arith.constant 2 : i32
      %add3A_116 = arith.addi %add3A_101, %add3A_115 : i32
      %lt3A = arith.constant 40 : i32
      %lt3A_117 = arith.cmpi slt, %add3A_116, %lt3A : i32
      %convert_element_type3A_118 = arith.extui %lt3A_117 : i1 to i32
      %cond3A_119 = arith.constant 0 : i32
      %cond3A_120 = arith.cmpi ne, %convert_element_type3A_118, %cond3A_119 : i32
      scf.if %cond3A_120 {
        %add3A_131 = arith.constant 2 : i32
        %add3A_132 = arith.addi %add3A_101, %add3A_131 : i32
        %dma_start3A_133 = arith.constant 0 : i32
        %dma_start3A_134 = tpu.memref_slice %arg8[%add3A_132, %dma_start3A_133] : memref<40x125xi32, #tpu.memory_space<vmem>> -> memref<1x125xi32, #tpu.memory_space<vmem>>
        %dma_start3A_135 = tpu.memref_squeeze %dma_start3A_134 : memref<1x125xi32, #tpu.memory_space<vmem>> -> memref<125xi32, #tpu.memory_space<vmem>>
        %dma_start3A_136 = arith.constant 0 : i32
        %dma_start3A_137 = arith.constant 0 : i32
        %dma_start3A_138 = tpu.memref_slice %arg2[%dma_start3A_136, %dma_start3A_137] : memref<10240x128xf32, #tpu.memory_space<hbm>> -> memref<10240x128xf32, #tpu.memory_space<hbm>>
        tpu.enqueue_indirect_dma source(%dma_start3A_138 : memref<10240x128xf32, #tpu.memory_space<hbm>>) target(%arg10 : memref<125x128xf32, #tpu.memory_space<vmem>>) offsets(%dma_start3A_135 : memref<125xi32, #tpu.memory_space<vmem>>) semaphore(%arg13 : memref<!tpu.dma_semaphore, #tpu.memory_space<semaphore_mem>>)
      } else {
      }
      %add3A_121 = arith.constant 1 : i32
      %add3A_122 = arith.addi %add3A_101, %add3A_121 : i32
      %dma_wait3A_123 = arith.constant 0 : i32
      %dma_wait3A_124 = tpu.memref_slice %arg8[%add3A_122, %dma_wait3A_123] : memref<40x125xi32, #tpu.memory_space<vmem>> -> memref<1x125xi32, #tpu.memory_space<vmem>>
      %dma_wait3A_125 = tpu.memref_squeeze %dma_wait3A_124 : memref<1x125xi32, #tpu.memory_space<vmem>> -> memref<125xi32, #tpu.memory_space<vmem>>
      %dma_wait3A_126 = arith.constant 0 : i32
      %dma_wait3A_127 = arith.constant 0 : i32
      %dma_wait3A_128 = tpu.memref_slice %arg2[%dma_wait3A_126, %dma_wait3A_127] : memref<10240x128xf32, #tpu.memory_space<hbm>> -> memref<10240x128xf32, #tpu.memory_space<hbm>>
      tpu.wait_indirect_dma semaphore(%arg14 : memref<!tpu.dma_semaphore, #tpu.memory_space<semaphore_mem>>) src(%dma_wait3A_128 : memref<10240x128xf32, #tpu.memory_space<hbm>>) dst(%arg11 : memref<125x128xf32, #tpu.memory_space<vmem>>)
      %add3A_129 = arith.constant 1 : i32
      %add3A_130 = arith.addi %add3A_101, %add3A_129 : i32
      "tpu.region"() ({
        %run_scoped3A = tpu.sem_alloc : memref<!tpu.dma_semaphore, #tpu.memory_space<semaphore_mem>>
        %dma_start3A_131 = arith.constant 0 : i32
        %dma_start3A_132 = tpu.memref_slice %arg9[%add3A_130, %dma_start3A_131] : memref<40x125xi32, #tpu.memory_space<vmem>> -> memref<1x125xi32, #tpu.memory_space<vmem>>
        %dma_start3A_133 = tpu.memref_squeeze %dma_start3A_132 : memref<1x125xi32, #tpu.memory_space<vmem>> -> memref<125xi32, #tpu.memory_space<vmem>>
        %dma_start3A_134 = arith.constant 0 : i32
        %dma_start3A_135 = arith.constant 0 : i32
        %dma_start3A_136 = tpu.memref_slice %arg12[%dma_start3A_134, %dma_start3A_135] : memref<10240x128xf32, #tpu.memory_space<vmem_shared>> -> memref<10240x128xf32, #tpu.memory_space<vmem_shared>>
        tpu.enqueue_indirect_dma source(%arg11 : memref<125x128xf32, #tpu.memory_space<vmem>>) target(%dma_start3A_136 : memref<10240x128xf32, #tpu.memory_space<vmem_shared>>) offsets(%dma_start3A_133 : memref<125xi32, #tpu.memory_space<vmem>>) semaphore(%run_scoped3A : memref<!tpu.dma_semaphore, #tpu.memory_space<semaphore_mem>>) {add = true}
        %dma_wait3A_137 = arith.constant 0 : i32
        %dma_wait3A_138 = tpu.memref_slice %arg9[%add3A_130, %dma_wait3A_137] : memref<40x125xi32, #tpu.memory_space<vmem>> -> memref<1x125xi32, #tpu.memory_space<vmem>>
        %dma_wait3A_139 = tpu.memref_squeeze %dma_wait3A_138 : memref<1x125xi32, #tpu.memory_space<vmem>> -> memref<125xi32, #tpu.memory_space<vmem>>
        %dma_wait3A_140 = arith.constant 0 : i32
        %dma_wait3A_141 = arith.constant 0 : i32
        %dma_wait3A_142 = tpu.memref_slice %arg12[%dma_wait3A_140, %dma_wait3A_141] : memref<10240x128xf32, #tpu.memory_space<vmem_shared>> -> memref<10240x128xf32, #tpu.memory_space<vmem_shared>>
        tpu.wait_indirect_dma semaphore(%run_scoped3A : memref<!tpu.dma_semaphore, #tpu.memory_space<semaphore_mem>>) src(%arg11 : memref<125x128xf32, #tpu.memory_space<vmem>>) dst(%dma_wait3A_142 : memref<10240x128xf32, #tpu.memory_space<vmem_shared>>)
        tpu.yield
      }) : () -> ()
    }
    %barrier3A_91 = arith.constant 0 : index
    tpu.barrier barrier_id(%barrier3A_91)
    %eq3A = arith.constant 0 : i32
    %eq3A_92 = arith.cmpi eq, %arg0, %eq3A : i32
    %convert_element_type3A = arith.extui %eq3A_92 : i1 to i32
    %cond3A = arith.constant 0 : i32
    %cond3A_93 = arith.cmpi ne, %convert_element_type3A, %cond3A : i32
    scf.if %cond3A_93 {
      %mul3A_99 = arith.constant 640 : i32
      %mul3A_100 = arith.muli %arg1, %mul3A_99 : i32
      %mul3A_101 = arith.constant 640 : i32
      %mul3A_102 = arith.muli %arg1, %mul3A_101 : i32
      "tpu.region"() ({
        %run_scoped3A = tpu.sem_alloc : memref<!tpu.dma_semaphore, #tpu.memory_space<semaphore_mem>>
        %dma_start3A_103 = arith.constant 0 : i32
        %dma_start3A_104 = tpu.memref_slice %arg6[%mul3A_102, %dma_start3A_103] : memref<10240x128xf32, #tpu.memory_space<hbm>> -> memref<640x128xf32, #tpu.memory_space<hbm>>
        %dma_start3A_105 = arith.constant 0 : i32
        %dma_start3A_106 = tpu.memref_slice %arg12[%mul3A_100, %dma_start3A_105] : memref<10240x128xf32, #tpu.memory_space<vmem_shared>> -> memref<640x128xf32, #tpu.memory_space<vmem_shared>>
        tpu.enqueue_dma source(%dma_start3A_106 : memref<640x128xf32, #tpu.memory_space<vmem_shared>>) target(%dma_start3A_104 : memref<640x128xf32, #tpu.memory_space<hbm>>) target_semaphore(%run_scoped3A : memref<!tpu.dma_semaphore, #tpu.memory_space<semaphore_mem>>)
        %dma_wait3A = arith.constant 0 : i32
        %dma_wait3A_107 = tpu.memref_slice %arg6[%mul3A_102, %dma_wait3A] : memref<10240x128xf32, #tpu.memory_space<hbm>> -> memref<640x128xf32, #tpu.memory_space<hbm>>
        %dma_wait3A_108 = arith.constant 0 : i32
        %dma_wait3A_109 = tpu.memref_slice %arg12[%mul3A_100, %dma_wait3A_108] : memref<10240x128xf32, #tpu.memory_space<vmem_shared>> -> memref<640x128xf32, #tpu.memory_space<vmem_shared>>
        tpu.wait_dma2 semaphore(%run_scoped3A : memref<!tpu.dma_semaphore, #tpu.memory_space<semaphore_mem>>) src(%dma_wait3A_109 : memref<640x128xf32, #tpu.memory_space<vmem_shared>>) dst(%dma_wait3A_107 : memref<640x128xf32, #tpu.memory_space<hbm>>)
        tpu.yield
      }) : () -> ()
    } else {
    }
    %eq3A_94 = arith.constant 1 : i32
    %eq3A_95 = arith.cmpi eq, %arg0, %eq3A_94 : i32
    %convert_element_type3A_96 = arith.extui %eq3A_95 : i1 to i32
    %cond3A_97 = arith.constant 0 : i32
    %cond3A_98 = arith.cmpi ne, %convert_element_type3A_96, %cond3A_97 : i32
    scf.if %cond3A_98 {
      %mul3A_99 = arith.constant 640 : i32
      %mul3A_100 = arith.muli %arg1, %mul3A_99 : i32
      %mul3A_101 = arith.constant 640 : i32
      %mul3A_102 = arith.muli %arg1, %mul3A_101 : i32
      "tpu.region"() ({
        %run_scoped3A = tpu.sem_alloc : memref<!tpu.dma_semaphore, #tpu.memory_space<semaphore_mem>>
        %dma_start3A_103 = arith.constant 0 : i32
        %dma_start3A_104 = tpu.memref_slice %arg7[%mul3A_102, %dma_start3A_103] : memref<10240x128xf32, #tpu.memory_space<hbm>> -> memref<640x128xf32, #tpu.memory_space<hbm>>
        %dma_start3A_105 = arith.constant 0 : i32
        %dma_start3A_106 = tpu.memref_slice %arg12[%mul3A_100, %dma_start3A_105] : memref<10240x128xf32, #tpu.memory_space<vmem_shared>> -> memref<640x128xf32, #tpu.memory_space<vmem_shared>>
        tpu.enqueue_dma source(%dma_start3A_106 : memref<640x128xf32, #tpu.memory_space<vmem_shared>>) target(%dma_start3A_104 : memref<640x128xf32, #tpu.memory_space<hbm>>) target_semaphore(%run_scoped3A : memref<!tpu.dma_semaphore, #tpu.memory_space<semaphore_mem>>)
        %dma_wait3A = arith.constant 0 : i32
        %dma_wait3A_107 = tpu.memref_slice %arg7[%mul3A_102, %dma_wait3A] : memref<10240x128xf32, #tpu.memory_space<hbm>> -> memref<640x128xf32, #tpu.memory_space<hbm>>
        %dma_wait3A_108 = arith.constant 0 : i32
        %dma_wait3A_109 = tpu.memref_slice %arg12[%mul3A_100, %dma_wait3A_108] : memref<10240x128xf32, #tpu.memory_space<vmem_shared>> -> memref<640x128xf32, #tpu.memory_space<vmem_shared>>
        tpu.wait_dma2 semaphore(%run_scoped3A : memref<!tpu.dma_semaphore, #tpu.memory_space<semaphore_mem>>) src(%dma_wait3A_109 : memref<640x128xf32, #tpu.memory_space<vmem_shared>>) dst(%dma_wait3A_107 : memref<640x128xf32, #tpu.memory_space<hbm>>)
        tpu.yield
      }) : () -> ()
    } else {
    }
    return
  }
}

#map = affine_map<(d0, d1) -> (0, 0, 0)>
#map1 = affine_map<(d0, d1) -> (0, 0)>
module attributes {stable_mosaic.version = 14 : i64} {
  func.func @_degree_body(%arg0: i32, %arg1: i32, %arg2: memref<32x625x16xi32, #tpu.memory_space<hbm>>, %arg3: memref<5x2048xf32, #tpu.memory_space<hbm>>, %arg4: memref<32x5x2048xf32, #tpu.memory_space<hbm>>, %arg5: memref<625x16xi32, #tpu.memory_space<vmem>>, %arg6: memref<5x2048xf32, #tpu.memory_space<vmem>>, %arg7: memref<!tpu.dma_semaphore, #tpu.memory_space<semaphore_mem>>) attributes {dimension_semantics = [#tpu.dimension_semantics<core_parallel>, #tpu.dimension_semantics<subcore_parallel>], iteration_bounds = array<i64: 2, 16>, scalar_prefetch = 0 : i64, scratch_operands = 3 : i64, tpu.core_type = #tpu.core_type<sc_vector_subcore>, window_params = [{transform_indices = #map}, {transform_indices = #map1}, {transform_indices = #map}]} {
    %mul3A = arith.constant 16 : i32
    %mul3A_0 = arith.muli %arg0, %mul3A : i32
    %add3A = arith.addi %mul3A_0, %arg1 : i32
    "tpu.region"() ({
      %run_scoped3A = tpu.sem_alloc : memref<!tpu.dma_semaphore, #tpu.memory_space<semaphore_mem>>
      %dma_start3A = arith.constant 0 : i32
      %dma_start3A_19 = arith.constant 0 : i32
      %dma_start3A_20 = tpu.memref_slice %arg2[%add3A, %dma_start3A, %dma_start3A_19] : memref<32x625x16xi32, #tpu.memory_space<hbm>> -> memref<1x625x16xi32, #tpu.memory_space<hbm>>
      %dma_start3A_21 = tpu.memref_squeeze %dma_start3A_20 : memref<1x625x16xi32, #tpu.memory_space<hbm>> -> memref<625x16xi32, #tpu.memory_space<hbm>>
      %dma_start3A_22 = arith.constant 0 : i32
      %dma_start3A_23 = arith.constant 0 : i32
      %dma_start3A_24 = tpu.memref_slice %arg2[%add3A, %dma_start3A_22, %dma_start3A_23] : memref<32x625x16xi32, #tpu.memory_space<hbm>> -> memref<1x625x16xi32, #tpu.memory_space<hbm>>
      %dma_start3A_25 = tpu.memref_squeeze %dma_start3A_24 : memref<1x625x16xi32, #tpu.memory_space<hbm>> -> memref<625x16xi32, #tpu.memory_space<hbm>>
      tpu.enqueue_dma source(%dma_start3A_25 : memref<625x16xi32, #tpu.memory_space<hbm>>) target(%arg5 : memref<625x16xi32, #tpu.memory_space<vmem>>) target_semaphore(%run_scoped3A : memref<!tpu.dma_semaphore, #tpu.memory_space<semaphore_mem>>)
      %dma_wait3A = arith.constant 0 : i32
      %dma_wait3A_26 = arith.constant 0 : i32
      %dma_wait3A_27 = tpu.memref_slice %arg2[%add3A, %dma_wait3A, %dma_wait3A_26] : memref<32x625x16xi32, #tpu.memory_space<hbm>> -> memref<1x625x16xi32, #tpu.memory_space<hbm>>
      %dma_wait3A_28 = tpu.memref_squeeze %dma_wait3A_27 : memref<1x625x16xi32, #tpu.memory_space<hbm>> -> memref<625x16xi32, #tpu.memory_space<hbm>>
      %dma_wait3A_29 = arith.constant 0 : i32
      %dma_wait3A_30 = arith.constant 0 : i32
      %dma_wait3A_31 = tpu.memref_slice %arg2[%add3A, %dma_wait3A_29, %dma_wait3A_30] : memref<32x625x16xi32, #tpu.memory_space<hbm>> -> memref<1x625x16xi32, #tpu.memory_space<hbm>>
      %dma_wait3A_32 = tpu.memref_squeeze %dma_wait3A_31 : memref<1x625x16xi32, #tpu.memory_space<hbm>> -> memref<625x16xi32, #tpu.memory_space<hbm>>
      tpu.wait_dma2 semaphore(%run_scoped3A : memref<!tpu.dma_semaphore, #tpu.memory_space<semaphore_mem>>) src(%dma_wait3A_32 : memref<625x16xi32, #tpu.memory_space<hbm>>) dst(%arg5 : memref<625x16xi32, #tpu.memory_space<vmem>>)
      tpu.yield
    }) : () -> ()
    "tpu.region"() ({
      %run_scoped3A = tpu.sem_alloc : memref<!tpu.dma_semaphore, #tpu.memory_space<semaphore_mem>>
      tpu.enqueue_dma source(%arg3 : memref<5x2048xf32, #tpu.memory_space<hbm>>) target(%arg6 : memref<5x2048xf32, #tpu.memory_space<vmem>>) target_semaphore(%run_scoped3A : memref<!tpu.dma_semaphore, #tpu.memory_space<semaphore_mem>>)
      tpu.wait_dma2 semaphore(%run_scoped3A : memref<!tpu.dma_semaphore, #tpu.memory_space<semaphore_mem>>) src(%arg3 : memref<5x2048xf32, #tpu.memory_space<hbm>>) dst(%arg6 : memref<5x2048xf32, #tpu.memory_space<vmem>>)
      tpu.yield
    }) : () -> ()
    %broadcast_in_dim3A = arith.constant 1.000000e+00 : f32
    %broadcast_in_dim3A_1 = vector.broadcast %broadcast_in_dim3A : f32 to vector<16xf32>
    %sub3A = arith.constant 625 : i32
    %sub3A_2 = arith.constant 0 : i32
    %sub3A_3 = arith.subi %sub3A, %sub3A_2 : i32
    %sub3A_4 = arith.constant 1 : i32
    %sub3A_5 = arith.constant 1 : i32
    %sub3A_6 = arith.subi %sub3A_4, %sub3A_5 : i32
    %add3A_7 = arith.addi %sub3A_3, %sub3A_6 : i32
    %div3A = arith.constant 1 : i32
    %div3A_8 = arith.divsi %add3A_7, %div3A : i32
    %while3A = arith.constant 1 : i32
    %while3A_9 = arith.constant 0 : i32
    %while3A_10 = arith.constant 0 : i32
    %while3A_11 = arith.subi %div3A_8, %while3A_10 : i32
    %while3A_12 = arith.addi %while3A_10, %while3A_11 : i32
    %while3A_13 = arith.constant 1 : i32
    %while3A_14 = arith.divsi %while3A_11, %while3A_13 : i32
    %while3A_15 = arith.muli %while3A_14, %while3A_13 : i32
    %while3A_16 = arith.addi %while3A_10, %while3A_15 : i32
    %while3A_17 = arith.constant 1 : i32
    scf.for %while3A_19 = %while3A_10 to %while3A_16 step %while3A_17  : i32 {
      %mul3A_20 = arith.muli %while3A_19, %while3A : i32
      %add3A_21 = arith.addi %while3A_9, %mul3A_20 : i32
      %get3A = arith.index_cast %add3A_21 : i32 to index
      %get3A_22 = arith.constant 0 : index
      %get3A_23 = tpu.vector_load %arg5[%get3A, %get3A_22] {strides = array<i32>} : memref<625x16xi32, #tpu.memory_space<vmem>>, vector<16xi32>,
      %shift_right_logical3A = arith.constant 11 : i32
      %shift_right_logical3A_24 = vector.broadcast %shift_right_logical3A : i32 to vector<16xi32>
      %shift_right_logical3A_25 = arith.shrui %get3A_23, %shift_right_logical3A_24 : vector<16xi32>
      %and3A = arith.constant 2047 : i32
      %and3A_26 = vector.broadcast %and3A : i32 to vector<16xi32>
      %and3A_27 = arith.andi %get3A_23, %and3A_26 : vector<16xi32>
      tpu.vector_store_idx %arg6[%shift_right_logical3A_25, %and3A_27], %broadcast_in_dim3A_1 {add = true} : memref<5x2048xf32, #tpu.memory_space<vmem>>[vector<16xi32>, vector<16xi32>], vector<16xf32>,
    }
    %while3A_18 = arith.constant 1 : i32
    scf.for %while3A_19 = %while3A_16 to %while3A_12 step %while3A_18  : i32 {
      %mul3A_20 = arith.muli %while3A_19, %while3A : i32
      %add3A_21 = arith.addi %while3A_9, %mul3A_20 : i32
      %get3A = arith.index_cast %add3A_21 : i32 to index
      %get3A_22 = arith.constant 0 : index
      %get3A_23 = tpu.vector_load %arg5[%get3A, %get3A_22] {strides = array<i32>} : memref<625x16xi32, #tpu.memory_space<vmem>>, vector<16xi32>,
      %shift_right_logical3A = arith.constant 11 : i32
      %shift_right_logical3A_24 = vector.broadcast %shift_right_logical3A : i32 to vector<16xi32>
      %shift_right_logical3A_25 = arith.shrui %get3A_23, %shift_right_logical3A_24 : vector<16xi32>
      %and3A = arith.constant 2047 : i32
      %and3A_26 = vector.broadcast %and3A : i32 to vector<16xi32>
      %and3A_27 = arith.andi %get3A_23, %and3A_26 : vector<16xi32>
      tpu.vector_store_idx %arg6[%shift_right_logical3A_25, %and3A_27], %broadcast_in_dim3A_1 {add = true} : memref<5x2048xf32, #tpu.memory_space<vmem>>[vector<16xi32>, vector<16xi32>], vector<16xf32>,
    }
    "tpu.region"() ({
      %run_scoped3A = tpu.sem_alloc : memref<!tpu.dma_semaphore, #tpu.memory_space<semaphore_mem>>
      %dma_start3A = arith.constant 0 : i32
      %dma_start3A_19 = arith.constant 0 : i32
      %dma_start3A_20 = tpu.memref_slice %arg4[%add3A, %dma_start3A, %dma_start3A_19] : memref<32x5x2048xf32, #tpu.memory_space<hbm>> -> memref<1x5x2048xf32, #tpu.memory_space<hbm>>
      %dma_start3A_21 = tpu.memref_squeeze %dma_start3A_20 : memref<1x5x2048xf32, #tpu.memory_space<hbm>> -> memref<5x2048xf32, #tpu.memory_space<hbm>>
      %dma_start3A_22 = arith.constant 0 : i32
      %dma_start3A_23 = arith.constant 0 : i32
      %dma_start3A_24 = tpu.memref_slice %arg4[%add3A, %dma_start3A_22, %dma_start3A_23] : memref<32x5x2048xf32, #tpu.memory_space<hbm>> -> memref<1x5x2048xf32, #tpu.memory_space<hbm>>
      %dma_start3A_25 = tpu.memref_squeeze %dma_start3A_24 : memref<1x5x2048xf32, #tpu.memory_space<hbm>> -> memref<5x2048xf32, #tpu.memory_space<hbm>>
      tpu.enqueue_dma source(%arg6 : memref<5x2048xf32, #tpu.memory_space<vmem>>) target(%dma_start3A_25 : memref<5x2048xf32, #tpu.memory_space<hbm>>) target_semaphore(%run_scoped3A : memref<!tpu.dma_semaphore, #tpu.memory_space<semaphore_mem>>)
      %dma_wait3A = arith.constant 0 : i32
      %dma_wait3A_26 = arith.constant 0 : i32
      %dma_wait3A_27 = tpu.memref_slice %arg4[%add3A, %dma_wait3A, %dma_wait3A_26] : memref<32x5x2048xf32, #tpu.memory_space<hbm>> -> memref<1x5x2048xf32, #tpu.memory_space<hbm>>
      %dma_wait3A_28 = tpu.memref_squeeze %dma_wait3A_27 : memref<1x5x2048xf32, #tpu.memory_space<hbm>> -> memref<5x2048xf32, #tpu.memory_space<hbm>>
      %dma_wait3A_29 = arith.constant 0 : i32
      %dma_wait3A_30 = arith.constant 0 : i32
      %dma_wait3A_31 = tpu.memref_slice %arg4[%add3A, %dma_wait3A_29, %dma_wait3A_30] : memref<32x5x2048xf32, #tpu.memory_space<hbm>> -> memref<1x5x2048xf32, #tpu.memory_space<hbm>>
      %dma_wait3A_32 = tpu.memref_squeeze %dma_wait3A_31 : memref<1x5x2048xf32, #tpu.memory_space<hbm>> -> memref<5x2048xf32, #tpu.memory_space<hbm>>
      tpu.wait_dma2 semaphore(%run_scoped3A : memref<!tpu.dma_semaphore, #tpu.memory_space<semaphore_mem>>) src(%arg6 : memref<5x2048xf32, #tpu.memory_space<vmem>>) dst(%dma_wait3A_32 : memref<5x2048xf32, #tpu.memory_space<hbm>>)
      tpu.yield
    }) : () -> ()
    return
  }
}

#map = affine_map<(d0, d1) -> (0, 0)>
#map1 = affine_map<(d0, d1) -> (0, 0, 0)>
module attributes {stable_mosaic.version = 14 : i64} {
  func.func @_scatter_body(%arg0: i32, %arg1: i32, %arg2: memref<10240x128xf32, #tpu.memory_space<hbm>>, %arg3: memref<32x80x125xi32, #tpu.memory_space<hbm>>, %arg4: memref<32x80x125xi32, #tpu.memory_space<hbm>>, %arg5: memref<64x128xf32, #tpu.memory_space<hbm>>, %arg6: memref<10240x128xf32, #tpu.memory_space<hbm>>, %arg7: memref<10240x128xf32, #tpu.memory_space<hbm>>, %arg8: memref<40x125xi32, #tpu.memory_space<vmem>>, %arg9: memref<40x125xi32, #tpu.memory_space<vmem>>, %arg10: memref<125x128xf32, #tpu.memory_space<vmem>>, %arg11: memref<125x128xf32, #tpu.memory_space<vmem>>, %arg12: memref<10240x128xf32, #tpu.memory_space<vmem_shared>>, %arg13: memref<!tpu.dma_semaphore, #tpu.memory_space<semaphore_mem>>, %arg14: memref<!tpu.dma_semaphore, #tpu.memory_space<semaphore_mem>>, %arg15: memref<!tpu.dma_semaphore, #tpu.memory_space<semaphore_mem>>, %arg16: memref<!tpu.dma_semaphore, #tpu.memory_space<semaphore_mem>>) attributes {dimension_semantics = [#tpu.dimension_semantics<core_parallel>, #tpu.dimension_semantics<subcore_parallel>], iteration_bounds = array<i64: 2, 16>, scalar_prefetch = 0 : i64, scratch_operands = 9 : i64, tpu.core_type = #tpu.core_type<sc_vector_subcore>, window_params = [{transform_indices = #map}, {transform_indices = #map1}, {transform_indices = #map1}, {transform_indices = #map}, {transform_indices = #map}, {transform_indices = #map}]} {
    %mul3A = arith.constant 16 : i32
    %mul3A_0 = arith.muli %arg0, %mul3A : i32
    %add3A = arith.addi %mul3A_0, %arg1 : i32
    "tpu.region"() ({
      %run_scoped3A = tpu.sem_alloc : memref<!tpu.dma_semaphore, #tpu.memory_space<semaphore_mem>>
      %dma_start3A_99 = arith.constant 0 : i32
      %dma_start3A_100 = arith.constant 0 : i32
      %dma_start3A_101 = tpu.memref_slice %arg3[%add3A, %dma_start3A_99, %dma_start3A_100] : memref<32x80x125xi32, #tpu.memory_space<hbm>> -> memref<1x40x125xi32, #tpu.memory_space<hbm>>
      %dma_start3A_102 = tpu.memref_squeeze %dma_start3A_101 : memref<1x40x125xi32, #tpu.memory_space<hbm>> -> memref<40x125xi32, #tpu.memory_space<hbm>>
      %dma_start3A_103 = arith.constant 0 : i32
      %dma_start3A_104 = arith.constant 0 : i32
      %dma_start3A_105 = tpu.memref_slice %arg3[%add3A, %dma_start3A_103, %dma_start3A_104] : memref<32x80x125xi32, #tpu.memory_space<hbm>> -> memref<1x40x125xi32, #tpu.memory_space<hbm>>
      %dma_start3A_106 = tpu.memref_squeeze %dma_start3A_105 : memref<1x40x125xi32, #tpu.memory_space<hbm>> -> memref<40x125xi32, #tpu.memory_space<hbm>>
      tpu.enqueue_dma source(%dma_start3A_106 : memref<40x125xi32, #tpu.memory_space<hbm>>) target(%arg8 : memref<40x125xi32, #tpu.memory_space<vmem>>) target_semaphore(%run_scoped3A : memref<!tpu.dma_semaphore, #tpu.memory_space<semaphore_mem>>)
      %dma_wait3A = arith.constant 0 : i32
      %dma_wait3A_107 = arith.constant 0 : i32
      %dma_wait3A_108 = tpu.memref_slice %arg3[%add3A, %dma_wait3A, %dma_wait3A_107] : memref<32x80x125xi32, #tpu.memory_space<hbm>> -> memref<1x40x125xi32, #tpu.memory_space<hbm>>
      %dma_wait3A_109 = tpu.memref_squeeze %dma_wait3A_108 : memref<1x40x125xi32, #tpu.memory_space<hbm>> -> memref<40x125xi32, #tpu.memory_space<hbm>>
      %dma_wait3A_110 = arith.constant 0 : i32
      %dma_wait3A_111 = arith.constant 0 : i32
      %dma_wait3A_112 = tpu.memref_slice %arg3[%add3A, %dma_wait3A_110, %dma_wait3A_111] : memref<32x80x125xi32, #tpu.memory_space<hbm>> -> memref<1x40x125xi32, #tpu.memory_space<hbm>>
      %dma_wait3A_113 = tpu.memref_squeeze %dma_wait3A_112 : memref<1x40x125xi32, #tpu.memory_space<hbm>> -> memref<40x125xi32, #tpu.memory_space<hbm>>
      tpu.wait_dma2 semaphore(%run_scoped3A : memref<!tpu.dma_semaphore, #tpu.memory_space<semaphore_mem>>) src(%dma_wait3A_113 : memref<40x125xi32, #tpu.memory_space<hbm>>) dst(%arg8 : memref<40x125xi32, #tpu.memory_space<vmem>>)
      tpu.yield
    }) : () -> ()
    "tpu.region"() ({
      %run_scoped3A = tpu.sem_alloc : memref<!tpu.dma_semaphore, #tpu.memory_space<semaphore_mem>>
      %dma_start3A_99 = arith.constant 0 : i32
      %dma_start3A_100 = arith.constant 0 : i32
      %dma_start3A_101 = tpu.memref_slice %arg4[%add3A, %dma_start3A_99, %dma_start3A_100] : memref<32x80x125xi32, #tpu.memory_space<hbm>> -> memref<1x40x125xi32, #tpu.memory_space<hbm>>
      %dma_start3A_102 = tpu.memref_squeeze %dma_start3A_101 : memref<1x40x125xi32, #tpu.memory_space<hbm>> -> memref<40x125xi32, #tpu.memory_space<hbm>>
      %dma_start3A_103 = arith.constant 0 : i32
      %dma_start3A_104 = arith.constant 0 : i32
      %dma_start3A_105 = tpu.memref_slice %arg4[%add3A, %dma_start3A_103, %dma_start3A_104] : memref<32x80x125xi32, #tpu.memory_space<hbm>> -> memref<1x40x125xi32, #tpu.memory_space<hbm>>
      %dma_start3A_106 = tpu.memref_squeeze %dma_start3A_105 : memref<1x40x125xi32, #tpu.memory_space<hbm>> -> memref<40x125xi32, #tpu.memory_space<hbm>>
      tpu.enqueue_dma source(%dma_start3A_106 : memref<40x125xi32, #tpu.memory_space<hbm>>) target(%arg9 : memref<40x125xi32, #tpu.memory_space<vmem>>) target_semaphore(%run_scoped3A : memref<!tpu.dma_semaphore, #tpu.memory_space<semaphore_mem>>)
      %dma_wait3A = arith.constant 0 : i32
      %dma_wait3A_107 = arith.constant 0 : i32
      %dma_wait3A_108 = tpu.memref_slice %arg4[%add3A, %dma_wait3A, %dma_wait3A_107] : memref<32x80x125xi32, #tpu.memory_space<hbm>> -> memref<1x40x125xi32, #tpu.memory_space<hbm>>
      %dma_wait3A_109 = tpu.memref_squeeze %dma_wait3A_108 : memref<1x40x125xi32, #tpu.memory_space<hbm>> -> memref<40x125xi32, #tpu.memory_space<hbm>>
      %dma_wait3A_110 = arith.constant 0 : i32
      %dma_wait3A_111 = arith.constant 0 : i32
      %dma_wait3A_112 = tpu.memref_slice %arg4[%add3A, %dma_wait3A_110, %dma_wait3A_111] : memref<32x80x125xi32, #tpu.memory_space<hbm>> -> memref<1x40x125xi32, #tpu.memory_space<hbm>>
      %dma_wait3A_113 = tpu.memref_squeeze %dma_wait3A_112 : memref<1x40x125xi32, #tpu.memory_space<hbm>> -> memref<40x125xi32, #tpu.memory_space<hbm>>
      tpu.wait_dma2 semaphore(%run_scoped3A : memref<!tpu.dma_semaphore, #tpu.memory_space<semaphore_mem>>) src(%dma_wait3A_113 : memref<40x125xi32, #tpu.memory_space<hbm>>) dst(%arg9 : memref<40x125xi32, #tpu.memory_space<vmem>>)
      tpu.yield
    }) : () -> ()
    %dma_start3A = arith.constant 0 : i32
    %dma_start3A_1 = arith.constant 0 : i32
    %dma_start3A_2 = tpu.memref_slice %arg8[%dma_start3A, %dma_start3A_1] : memref<40x125xi32, #tpu.memory_space<vmem>> -> memref<1x125xi32, #tpu.memory_space<vmem>>
    %dma_start3A_3 = tpu.memref_squeeze %dma_start3A_2 : memref<1x125xi32, #tpu.memory_space<vmem>> -> memref<125xi32, #tpu.memory_space<vmem>>
    %dma_start3A_4 = arith.constant 0 : i32
    %dma_start3A_5 = arith.constant 0 : i32
    %dma_start3A_6 = tpu.memref_slice %arg2[%dma_start3A_4, %dma_start3A_5] : memref<10240x128xf32, #tpu.memory_space<hbm>> -> memref<10240x128xf32, #tpu.memory_space<hbm>>
    tpu.enqueue_indirect_dma source(%dma_start3A_6 : memref<10240x128xf32, #tpu.memory_space<hbm>>) target(%arg10 : memref<125x128xf32, #tpu.memory_space<vmem>>) offsets(%dma_start3A_3 : memref<125xi32, #tpu.memory_space<vmem>>) semaphore(%arg13 : memref<!tpu.dma_semaphore, #tpu.memory_space<semaphore_mem>>)
    "tpu.region"() ({
      %run_scoped3A = tpu.sem_alloc : memref<!tpu.dma_semaphore, #tpu.memory_space<semaphore_mem>>
      %dma_start3A_99 = arith.constant 0 : i32
      %dma_start3A_100 = arith.constant 0 : i32
      %dma_start3A_101 = tpu.memref_slice %arg11[%dma_start3A_99, %dma_start3A_100] : memref<125x128xf32, #tpu.memory_space<vmem>> -> memref<64x128xf32, #tpu.memory_space<vmem>>
      %dma_start3A_102 = arith.constant 0 : i32
      %dma_start3A_103 = arith.constant 0 : i32
      %dma_start3A_104 = tpu.memref_slice %arg11[%dma_start3A_102, %dma_start3A_103] : memref<125x128xf32, #tpu.memory_space<vmem>> -> memref<64x128xf32, #tpu.memory_space<vmem>>
      tpu.enqueue_dma source(%arg5 : memref<64x128xf32, #tpu.memory_space<hbm>>) target(%dma_start3A_104 : memref<64x128xf32, #tpu.memory_space<vmem>>) target_semaphore(%run_scoped3A : memref<!tpu.dma_semaphore, #tpu.memory_space<semaphore_mem>>)
      %dma_wait3A = arith.constant 0 : i32
      %dma_wait3A_105 = arith.constant 0 : i32
      %dma_wait3A_106 = tpu.memref_slice %arg11[%dma_wait3A, %dma_wait3A_105] : memref<125x128xf32, #tpu.memory_space<vmem>> -> memref<64x128xf32, #tpu.memory_space<vmem>>
      %dma_wait3A_107 = arith.constant 0 : i32
      %dma_wait3A_108 = arith.constant 0 : i32
      %dma_wait3A_109 = tpu.memref_slice %arg11[%dma_wait3A_107, %dma_wait3A_108] : memref<125x128xf32, #tpu.memory_space<vmem>> -> memref<64x128xf32, #tpu.memory_space<vmem>>
      tpu.wait_dma2 semaphore(%run_scoped3A : memref<!tpu.dma_semaphore, #tpu.memory_space<semaphore_mem>>) src(%arg5 : memref<64x128xf32, #tpu.memory_space<hbm>>) dst(%dma_wait3A_109 : memref<64x128xf32, #tpu.memory_space<vmem>>)
      tpu.yield
    }) : () -> ()
    %mul3A_7 = arith.constant 640 : i32
    %mul3A_8 = arith.muli %arg1, %mul3A_7 : i32
    %add3A_9 = arith.constant 0 : i32
    %add3A_10 = arith.addi %mul3A_8, %add3A_9 : i32
    "tpu.region"() ({
      %run_scoped3A = tpu.sem_alloc : memref<!tpu.dma_semaphore, #tpu.memory_space<semaphore_mem>>
      %dma_start3A_99 = arith.constant 0 : i32
      %dma_start3A_100 = arith.constant 0 : i32
      %dma_start3A_101 = tpu.memref_slice %arg11[%dma_start3A_99, %dma_start3A_100] : memref<125x128xf32, #tpu.memory_space<vmem>> -> memref<64x128xf32, #tpu.memory_space<vmem>>
      %dma_start3A_102 = arith.constant 0 : i32
      %dma_start3A_103 = tpu.memref_slice %arg12[%add3A_10, %dma_start3A_102] : memref<10240x128xf32, #tpu.memory_space<vmem_shared>> -> memref<64x128xf32, #tpu.memory_space<vmem_shared>>
      %dma_start3A_104 = arith.constant 0 : i32
      %dma_start3A_105 = tpu.memref_slice %arg12[%add3A_10, %dma_start3A_104] : memref<10240x128xf32, #tpu.memory_space<vmem_shared>> -> memref<64x128xf32, #tpu.memory_space<vmem_shared>>
      %dma_start3A_106 = arith.constant 0 : i32
      %dma_start3A_107 = arith.constant 0 : i32
      %dma_start3A_108 = tpu.memref_slice %arg11[%dma_start3A_106, %dma_start3A_107] : memref<125x128xf32, #tpu.memory_space<vmem>> -> memref<64x128xf32, #tpu.memory_space<vmem>>
      tpu.enqueue_dma source(%dma_start3A_108 : memref<64x128xf32, #tpu.memory_space<vmem>>) target(%dma_start3A_105 : memref<64x128xf32, #tpu.memory_space<vmem_shared>>) target_semaphore(%run_scoped3A : memref<!tpu.dma_semaphore, #tpu.memory_space<semaphore_mem>>)
      %dma_wait3A = arith.constant 0 : i32
      %dma_wait3A_109 = arith.constant 0 : i32
      %dma_wait3A_110 = tpu.memref_slice %arg11[%dma_wait3A, %dma_wait3A_109] : memref<125x128xf32, #tpu.memory_space<vmem>> -> memref<64x128xf32, #tpu.memory_space<vmem>>
      %dma_wait3A_111 = arith.constant 0 : i32
      %dma_wait3A_112 = tpu.memref_slice %arg12[%add3A_10, %dma_wait3A_111] : memref<10240x128xf32, #tpu.memory_space<vmem_shared>> -> memref<64x128xf32, #tpu.memory_space<vmem_shared>>
      %dma_wait3A_113 = arith.constant 0 : i32
      %dma_wait3A_114 = tpu.memref_slice %arg12[%add3A_10, %dma_wait3A_113] : memref<10240x128xf32, #tpu.memory_space<vmem_shared>> -> memref<64x128xf32, #tpu.memory_space<vmem_shared>>
      %dma_wait3A_115 = arith.constant 0 : i32
      %dma_wait3A_116 = arith.constant 0 : i32
      %dma_wait3A_117 = tpu.memref_slice %arg11[%dma_wait3A_115, %dma_wait3A_116] : memref<125x128xf32, #tpu.memory_space<vmem>> -> memref<64x128xf32, #tpu.memory_space<vmem>>
      tpu.wait_dma2 semaphore(%run_scoped3A : memref<!tpu.dma_semaphore, #tpu.memory_space<semaphore_mem>>) src(%dma_wait3A_117 : memref<64x128xf32, #tpu.memory_space<vmem>>) dst(%dma_wait3A_114 : memref<64x128xf32, #tpu.memory_space<vmem_shared>>)
      tpu.yield
    }) : () -> ()
    %mul3A_11 = arith.constant 640 : i32
    %mul3A_12 = arith.muli %arg1, %mul3A_11 : i32
    %add3A_13 = arith.constant 64 : i32
    %add3A_14 = arith.addi %mul3A_12, %add3A_13 : i32
    "tpu.region"() ({
      %run_scoped3A = tpu.sem_alloc : memref<!tpu.dma_semaphore, #tpu.memory_space<semaphore_mem>>
      %dma_start3A_99 = arith.constant 0 : i32
      %dma_start3A_100 = arith.constant 0 : i32
      %dma_start3A_101 = tpu.memref_slice %arg11[%dma_start3A_99, %dma_start3A_100] : memref<125x128xf32, #tpu.memory_space<vmem>> -> memref<64x128xf32, #tpu.memory_space<vmem>>
      %dma_start3A_102 = arith.constant 0 : i32
      %dma_start3A_103 = tpu.memref_slice %arg12[%add3A_14, %dma_start3A_102] : memref<10240x128xf32, #tpu.memory_space<vmem_shared>> -> memref<64x128xf32, #tpu.memory_space<vmem_shared>>
      %dma_start3A_104 = arith.constant 0 : i32
      %dma_start3A_105 = tpu.memref_slice %arg12[%add3A_14, %dma_start3A_104] : memref<10240x128xf32, #tpu.memory_space<vmem_shared>> -> memref<64x128xf32, #tpu.memory_space<vmem_shared>>
      %dma_start3A_106 = arith.constant 0 : i32
      %dma_start3A_107 = arith.constant 0 : i32
      %dma_start3A_108 = tpu.memref_slice %arg11[%dma_start3A_106, %dma_start3A_107] : memref<125x128xf32, #tpu.memory_space<vmem>> -> memref<64x128xf32, #tpu.memory_space<vmem>>
      tpu.enqueue_dma source(%dma_start3A_108 : memref<64x128xf32, #tpu.memory_space<vmem>>) target(%dma_start3A_105 : memref<64x128xf32, #tpu.memory_space<vmem_shared>>) target_semaphore(%run_scoped3A : memref<!tpu.dma_semaphore, #tpu.memory_space<semaphore_mem>>)
      %dma_wait3A = arith.constant 0 : i32
      %dma_wait3A_109 = arith.constant 0 : i32
      %dma_wait3A_110 = tpu.memref_slice %arg11[%dma_wait3A, %dma_wait3A_109] : memref<125x128xf32, #tpu.memory_space<vmem>> -> memref<64x128xf32, #tpu.memory_space<vmem>>
      %dma_wait3A_111 = arith.constant 0 : i32
      %dma_wait3A_112 = tpu.memref_slice %arg12[%add3A_14, %dma_wait3A_111] : memref<10240x128xf32, #tpu.memory_space<vmem_shared>> -> memref<64x128xf32, #tpu.memory_space<vmem_shared>>
      %dma_wait3A_113 = arith.constant 0 : i32
      %dma_wait3A_114 = tpu.memref_slice %arg12[%add3A_14, %dma_wait3A_113] : memref<10240x128xf32, #tpu.memory_space<vmem_shared>> -> memref<64x128xf32, #tpu.memory_space<vmem_shared>>
      %dma_wait3A_115 = arith.constant 0 : i32
      %dma_wait3A_116 = arith.constant 0 : i32
      %dma_wait3A_117 = tpu.memref_slice %arg11[%dma_wait3A_115, %dma_wait3A_116] : memref<125x128xf32, #tpu.memory_space<vmem>> -> memref<64x128xf32, #tpu.memory_space<vmem>>
      tpu.wait_dma2 semaphore(%run_scoped3A : memref<!tpu.dma_semaphore, #tpu.memory_space<semaphore_mem>>) src(%dma_wait3A_117 : memref<64x128xf32, #tpu.memory_space<vmem>>) dst(%dma_wait3A_114 : memref<64x128xf32, #tpu.memory_space<vmem_shared>>)
      tpu.yield
    }) : () -> ()
    %mul3A_15 = arith.constant 640 : i32
    %mul3A_16 = arith.muli %arg1, %mul3A_15 : i32
    %add3A_17 = arith.constant 128 : i32
    %add3A_18 = arith.addi %mul3A_16, %add3A_17 : i32
    "tpu.region"() ({
      %run_scoped3A = tpu.sem_alloc : memref<!tpu.dma_semaphore, #tpu.memory_space<semaphore_mem>>
      %dma_start3A_99 = arith.constant 0 : i32
      %dma_start3A_100 = arith.constant 0 : i32
      %dma_start3A_101 = tpu.memref_slice %arg11[%dma_start3A_99, %dma_start3A_100] : memref<125x128xf32, #tpu.memory_space<vmem>> -> memref<64x128xf32, #tpu.memory_space<vmem>>
      %dma_start3A_102 = arith.constant 0 : i32
      %dma_start3A_103 = tpu.memref_slice %arg12[%add3A_18, %dma_start3A_102] : memref<10240x128xf32, #tpu.memory_space<vmem_shared>> -> memref<64x128xf32, #tpu.memory_space<vmem_shared>>
      %dma_start3A_104 = arith.constant 0 : i32
      %dma_start3A_105 = tpu.memref_slice %arg12[%add3A_18, %dma_start3A_104] : memref<10240x128xf32, #tpu.memory_space<vmem_shared>> -> memref<64x128xf32, #tpu.memory_space<vmem_shared>>
      %dma_start3A_106 = arith.constant 0 : i32
      %dma_start3A_107 = arith.constant 0 : i32
      %dma_start3A_108 = tpu.memref_slice %arg11[%dma_start3A_106, %dma_start3A_107] : memref<125x128xf32, #tpu.memory_space<vmem>> -> memref<64x128xf32, #tpu.memory_space<vmem>>
      tpu.enqueue_dma source(%dma_start3A_108 : memref<64x128xf32, #tpu.memory_space<vmem>>) target(%dma_start3A_105 : memref<64x128xf32, #tpu.memory_space<vmem_shared>>) target_semaphore(%run_scoped3A : memref<!tpu.dma_semaphore, #tpu.memory_space<semaphore_mem>>)
      %dma_wait3A = arith.constant 0 : i32
      %dma_wait3A_109 = arith.constant 0 : i32
      %dma_wait3A_110 = tpu.memref_slice %arg11[%dma_wait3A, %dma_wait3A_109] : memref<125x128xf32, #tpu.memory_space<vmem>> -> memref<64x128xf32, #tpu.memory_space<vmem>>
      %dma_wait3A_111 = arith.constant 0 : i32
      %dma_wait3A_112 = tpu.memref_slice %arg12[%add3A_18, %dma_wait3A_111] : memref<10240x128xf32, #tpu.memory_space<vmem_shared>> -> memref<64x128xf32, #tpu.memory_space<vmem_shared>>
      %dma_wait3A_113 = arith.constant 0 : i32
      %dma_wait3A_114 = tpu.memref_slice %arg12[%add3A_18, %dma_wait3A_113] : memref<10240x128xf32, #tpu.memory_space<vmem_shared>> -> memref<64x128xf32, #tpu.memory_space<vmem_shared>>
      %dma_wait3A_115 = arith.constant 0 : i32
      %dma_wait3A_116 = arith.constant 0 : i32
      %dma_wait3A_117 = tpu.memref_slice %arg11[%dma_wait3A_115, %dma_wait3A_116] : memref<125x128xf32, #tpu.memory_space<vmem>> -> memref<64x128xf32, #tpu.memory_space<vmem>>
      tpu.wait_dma2 semaphore(%run_scoped3A : memref<!tpu.dma_semaphore, #tpu.memory_space<semaphore_mem>>) src(%dma_wait3A_117 : memref<64x128xf32, #tpu.memory_space<vmem>>) dst(%dma_wait3A_114 : memref<64x128xf32, #tpu.memory_space<vmem_shared>>)
      tpu.yield
    }) : () -> ()
    %mul3A_19 = arith.constant 640 : i32
    %mul3A_20 = arith.muli %arg1, %mul3A_19 : i32
    %add3A_21 = arith.constant 192 : i32
    %add3A_22 = arith.addi %mul3A_20, %add3A_21 : i32
    "tpu.region"() ({
      %run_scoped3A = tpu.sem_alloc : memref<!tpu.dma_semaphore, #tpu.memory_space<semaphore_mem>>
      %dma_start3A_99 = arith.constant 0 : i32
      %dma_start3A_100 = arith.constant 0 : i32
      %dma_start3A_101 = tpu.memref_slice %arg11[%dma_start3A_99, %dma_start3A_100] : memref<125x128xf32, #tpu.memory_space<vmem>> -> memref<64x128xf32, #tpu.memory_space<vmem>>
      %dma_start3A_102 = arith.constant 0 : i32
      %dma_start3A_103 = tpu.memref_slice %arg12[%add3A_22, %dma_start3A_102] : memref<10240x128xf32, #tpu.memory_space<vmem_shared>> -> memref<64x128xf32, #tpu.memory_space<vmem_shared>>
      %dma_start3A_104 = arith.constant 0 : i32
      %dma_start3A_105 = tpu.memref_slice %arg12[%add3A_22, %dma_start3A_104] : memref<10240x128xf32, #tpu.memory_space<vmem_shared>> -> memref<64x128xf32, #tpu.memory_space<vmem_shared>>
      %dma_start3A_106 = arith.constant 0 : i32
      %dma_start3A_107 = arith.constant 0 : i32
      %dma_start3A_108 = tpu.memref_slice %arg11[%dma_start3A_106, %dma_start3A_107] : memref<125x128xf32, #tpu.memory_space<vmem>> -> memref<64x128xf32, #tpu.memory_space<vmem>>
      tpu.enqueue_dma source(%dma_start3A_108 : memref<64x128xf32, #tpu.memory_space<vmem>>) target(%dma_start3A_105 : memref<64x128xf32, #tpu.memory_space<vmem_shared>>) target_semaphore(%run_scoped3A : memref<!tpu.dma_semaphore, #tpu.memory_space<semaphore_mem>>)
      %dma_wait3A = arith.constant 0 : i32
      %dma_wait3A_109 = arith.constant 0 : i32
      %dma_wait3A_110 = tpu.memref_slice %arg11[%dma_wait3A, %dma_wait3A_109] : memref<125x128xf32, #tpu.memory_space<vmem>> -> memref<64x128xf32, #tpu.memory_space<vmem>>
      %dma_wait3A_111 = arith.constant 0 : i32
      %dma_wait3A_112 = tpu.memref_slice %arg12[%add3A_22, %dma_wait3A_111] : memref<10240x128xf32, #tpu.memory_space<vmem_shared>> -> memref<64x128xf32, #tpu.memory_space<vmem_shared>>
      %dma_wait3A_113 = arith.constant 0 : i32
      %dma_wait3A_114 = tpu.memref_slice %arg12[%add3A_22, %dma_wait3A_113] : memref<10240x128xf32, #tpu.memory_space<vmem_shared>> -> memref<64x128xf32, #tpu.memory_space<vmem_shared>>
      %dma_wait3A_115 = arith.constant 0 : i32
      %dma_wait3A_116 = arith.constant 0 : i32
      %dma_wait3A_117 = tpu.memref_slice %arg11[%dma_wait3A_115, %dma_wait3A_116] : memref<125x128xf32, #tpu.memory_space<vmem>> -> memref<64x128xf32, #tpu.memory_space<vmem>>
      tpu.wait_dma2 semaphore(%run_scoped3A : memref<!tpu.dma_semaphore, #tpu.memory_space<semaphore_mem>>) src(%dma_wait3A_117 : memref<64x128xf32, #tpu.memory_space<vmem>>) dst(%dma_wait3A_114 : memref<64x128xf32, #tpu.memory_space<vmem_shared>>)
      tpu.yield
    }) : () -> ()
    %mul3A_23 = arith.constant 640 : i32
    %mul3A_24 = arith.muli %arg1, %mul3A_23 : i32
    %add3A_25 = arith.constant 256 : i32
    %add3A_26 = arith.addi %mul3A_24, %add3A_25 : i32
    "tpu.region"() ({
      %run_scoped3A = tpu.sem_alloc : memref<!tpu.dma_semaphore, #tpu.memory_space<semaphore_mem>>
      %dma_start3A_99 = arith.constant 0 : i32
      %dma_start3A_100 = arith.constant 0 : i32
      %dma_start3A_101 = tpu.memref_slice %arg11[%dma_start3A_99, %dma_start3A_100] : memref<125x128xf32, #tpu.memory_space<vmem>> -> memref<64x128xf32, #tpu.memory_space<vmem>>
      %dma_start3A_102 = arith.constant 0 : i32
      %dma_start3A_103 = tpu.memref_slice %arg12[%add3A_26, %dma_start3A_102] : memref<10240x128xf32, #tpu.memory_space<vmem_shared>> -> memref<64x128xf32, #tpu.memory_space<vmem_shared>>
      %dma_start3A_104 = arith.constant 0 : i32
      %dma_start3A_105 = tpu.memref_slice %arg12[%add3A_26, %dma_start3A_104] : memref<10240x128xf32, #tpu.memory_space<vmem_shared>> -> memref<64x128xf32, #tpu.memory_space<vmem_shared>>
      %dma_start3A_106 = arith.constant 0 : i32
      %dma_start3A_107 = arith.constant 0 : i32
      %dma_start3A_108 = tpu.memref_slice %arg11[%dma_start3A_106, %dma_start3A_107] : memref<125x128xf32, #tpu.memory_space<vmem>> -> memref<64x128xf32, #tpu.memory_space<vmem>>
      tpu.enqueue_dma source(%dma_start3A_108 : memref<64x128xf32, #tpu.memory_space<vmem>>) target(%dma_start3A_105 : memref<64x128xf32, #tpu.memory_space<vmem_shared>>) target_semaphore(%run_scoped3A : memref<!tpu.dma_semaphore, #tpu.memory_space<semaphore_mem>>)
      %dma_wait3A = arith.constant 0 : i32
      %dma_wait3A_109 = arith.constant 0 : i32
      %dma_wait3A_110 = tpu.memref_slice %arg11[%dma_wait3A, %dma_wait3A_109] : memref<125x128xf32, #tpu.memory_space<vmem>> -> memref<64x128xf32, #tpu.memory_space<vmem>>
      %dma_wait3A_111 = arith.constant 0 : i32
      %dma_wait3A_112 = tpu.memref_slice %arg12[%add3A_26, %dma_wait3A_111] : memref<10240x128xf32, #tpu.memory_space<vmem_shared>> -> memref<64x128xf32, #tpu.memory_space<vmem_shared>>
      %dma_wait3A_113 = arith.constant 0 : i32
      %dma_wait3A_114 = tpu.memref_slice %arg12[%add3A_26, %dma_wait3A_113] : memref<10240x128xf32, #tpu.memory_space<vmem_shared>> -> memref<64x128xf32, #tpu.memory_space<vmem_shared>>
      %dma_wait3A_115 = arith.constant 0 : i32
      %dma_wait3A_116 = arith.constant 0 : i32
      %dma_wait3A_117 = tpu.memref_slice %arg11[%dma_wait3A_115, %dma_wait3A_116] : memref<125x128xf32, #tpu.memory_space<vmem>> -> memref<64x128xf32, #tpu.memory_space<vmem>>
      tpu.wait_dma2 semaphore(%run_scoped3A : memref<!tpu.dma_semaphore, #tpu.memory_space<semaphore_mem>>) src(%dma_wait3A_117 : memref<64x128xf32, #tpu.memory_space<vmem>>) dst(%dma_wait3A_114 : memref<64x128xf32, #tpu.memory_space<vmem_shared>>)
      tpu.yield
    }) : () -> ()
    %mul3A_27 = arith.constant 640 : i32
    %mul3A_28 = arith.muli %arg1, %mul3A_27 : i32
    %add3A_29 = arith.constant 320 : i32
    %add3A_30 = arith.addi %mul3A_28, %add3A_29 : i32
    "tpu.region"() ({
      %run_scoped3A = tpu.sem_alloc : memref<!tpu.dma_semaphore, #tpu.memory_space<semaphore_mem>>
      %dma_start3A_99 = arith.constant 0 : i32
      %dma_start3A_100 = arith.constant 0 : i32
      %dma_start3A_101 = tpu.memref_slice %arg11[%dma_start3A_99, %dma_start3A_100] : memref<125x128xf32, #tpu.memory_space<vmem>> -> memref<64x128xf32, #tpu.memory_space<vmem>>
      %dma_start3A_102 = arith.constant 0 : i32
      %dma_start3A_103 = tpu.memref_slice %arg12[%add3A_30, %dma_start3A_102] : memref<10240x128xf32, #tpu.memory_space<vmem_shared>> -> memref<64x128xf32, #tpu.memory_space<vmem_shared>>
      %dma_start3A_104 = arith.constant 0 : i32
      %dma_start3A_105 = tpu.memref_slice %arg12[%add3A_30, %dma_start3A_104] : memref<10240x128xf32, #tpu.memory_space<vmem_shared>> -> memref<64x128xf32, #tpu.memory_space<vmem_shared>>
      %dma_start3A_106 = arith.constant 0 : i32
      %dma_start3A_107 = arith.constant 0 : i32
      %dma_start3A_108 = tpu.memref_slice %arg11[%dma_start3A_106, %dma_start3A_107] : memref<125x128xf32, #tpu.memory_space<vmem>> -> memref<64x128xf32, #tpu.memory_space<vmem>>
      tpu.enqueue_dma source(%dma_start3A_108 : memref<64x128xf32, #tpu.memory_space<vmem>>) target(%dma_start3A_105 : memref<64x128xf32, #tpu.memory_space<vmem_shared>>) target_semaphore(%run_scoped3A : memref<!tpu.dma_semaphore, #tpu.memory_space<semaphore_mem>>)
      %dma_wait3A = arith.constant 0 : i32
      %dma_wait3A_109 = arith.constant 0 : i32
      %dma_wait3A_110 = tpu.memref_slice %arg11[%dma_wait3A, %dma_wait3A_109] : memref<125x128xf32, #tpu.memory_space<vmem>> -> memref<64x128xf32, #tpu.memory_space<vmem>>
      %dma_wait3A_111 = arith.constant 0 : i32
      %dma_wait3A_112 = tpu.memref_slice %arg12[%add3A_30, %dma_wait3A_111] : memref<10240x128xf32, #tpu.memory_space<vmem_shared>> -> memref<64x128xf32, #tpu.memory_space<vmem_shared>>
      %dma_wait3A_113 = arith.constant 0 : i32
      %dma_wait3A_114 = tpu.memref_slice %arg12[%add3A_30, %dma_wait3A_113] : memref<10240x128xf32, #tpu.memory_space<vmem_shared>> -> memref<64x128xf32, #tpu.memory_space<vmem_shared>>
      %dma_wait3A_115 = arith.constant 0 : i32
      %dma_wait3A_116 = arith.constant 0 : i32
      %dma_wait3A_117 = tpu.memref_slice %arg11[%dma_wait3A_115, %dma_wait3A_116] : memref<125x128xf32, #tpu.memory_space<vmem>> -> memref<64x128xf32, #tpu.memory_space<vmem>>
      tpu.wait_dma2 semaphore(%run_scoped3A : memref<!tpu.dma_semaphore, #tpu.memory_space<semaphore_mem>>) src(%dma_wait3A_117 : memref<64x128xf32, #tpu.memory_space<vmem>>) dst(%dma_wait3A_114 : memref<64x128xf32, #tpu.memory_space<vmem_shared>>)
      tpu.yield
    }) : () -> ()
    %mul3A_31 = arith.constant 640 : i32
    %mul3A_32 = arith.muli %arg1, %mul3A_31 : i32
    %add3A_33 = arith.constant 384 : i32
    %add3A_34 = arith.addi %mul3A_32, %add3A_33 : i32
    "tpu.region"() ({
      %run_scoped3A = tpu.sem_alloc : memref<!tpu.dma_semaphore, #tpu.memory_space<semaphore_mem>>
      %dma_start3A_99 = arith.constant 0 : i32
      %dma_start3A_100 = arith.constant 0 : i32
      %dma_start3A_101 = tpu.memref_slice %arg11[%dma_start3A_99, %dma_start3A_100] : memref<125x128xf32, #tpu.memory_space<vmem>> -> memref<64x128xf32, #tpu.memory_space<vmem>>
      %dma_start3A_102 = arith.constant 0 : i32
      %dma_start3A_103 = tpu.memref_slice %arg12[%add3A_34, %dma_start3A_102] : memref<10240x128xf32, #tpu.memory_space<vmem_shared>> -> memref<64x128xf32, #tpu.memory_space<vmem_shared>>
      %dma_start3A_104 = arith.constant 0 : i32
      %dma_start3A_105 = tpu.memref_slice %arg12[%add3A_34, %dma_start3A_104] : memref<10240x128xf32, #tpu.memory_space<vmem_shared>> -> memref<64x128xf32, #tpu.memory_space<vmem_shared>>
      %dma_start3A_106 = arith.constant 0 : i32
      %dma_start3A_107 = arith.constant 0 : i32
      %dma_start3A_108 = tpu.memref_slice %arg11[%dma_start3A_106, %dma_start3A_107] : memref<125x128xf32, #tpu.memory_space<vmem>> -> memref<64x128xf32, #tpu.memory_space<vmem>>
      tpu.enqueue_dma source(%dma_start3A_108 : memref<64x128xf32, #tpu.memory_space<vmem>>) target(%dma_start3A_105 : memref<64x128xf32, #tpu.memory_space<vmem_shared>>) target_semaphore(%run_scoped3A : memref<!tpu.dma_semaphore, #tpu.memory_space<semaphore_mem>>)
      %dma_wait3A = arith.constant 0 : i32
      %dma_wait3A_109 = arith.constant 0 : i32
      %dma_wait3A_110 = tpu.memref_slice %arg11[%dma_wait3A, %dma_wait3A_109] : memref<125x128xf32, #tpu.memory_space<vmem>> -> memref<64x128xf32, #tpu.memory_space<vmem>>
      %dma_wait3A_111 = arith.constant 0 : i32
      %dma_wait3A_112 = tpu.memref_slice %arg12[%add3A_34, %dma_wait3A_111] : memref<10240x128xf32, #tpu.memory_space<vmem_shared>> -> memref<64x128xf32, #tpu.memory_space<vmem_shared>>
      %dma_wait3A_113 = arith.constant 0 : i32
      %dma_wait3A_114 = tpu.memref_slice %arg12[%add3A_34, %dma_wait3A_113] : memref<10240x128xf32, #tpu.memory_space<vmem_shared>> -> memref<64x128xf32, #tpu.memory_space<vmem_shared>>
      %dma_wait3A_115 = arith.constant 0 : i32
      %dma_wait3A_116 = arith.constant 0 : i32
      %dma_wait3A_117 = tpu.memref_slice %arg11[%dma_wait3A_115, %dma_wait3A_116] : memref<125x128xf32, #tpu.memory_space<vmem>> -> memref<64x128xf32, #tpu.memory_space<vmem>>
      tpu.wait_dma2 semaphore(%run_scoped3A : memref<!tpu.dma_semaphore, #tpu.memory_space<semaphore_mem>>) src(%dma_wait3A_117 : memref<64x128xf32, #tpu.memory_space<vmem>>) dst(%dma_wait3A_114 : memref<64x128xf32, #tpu.memory_space<vmem_shared>>)
      tpu.yield
    }) : () -> ()
    %mul3A_35 = arith.constant 640 : i32
    %mul3A_36 = arith.muli %arg1, %mul3A_35 : i32
    %add3A_37 = arith.constant 448 : i32
    %add3A_38 = arith.addi %mul3A_36, %add3A_37 : i32
    "tpu.region"() ({
      %run_scoped3A = tpu.sem_alloc : memref<!tpu.dma_semaphore, #tpu.memory_space<semaphore_mem>>
      %dma_start3A_99 = arith.constant 0 : i32
      %dma_start3A_100 = arith.constant 0 : i32
      %dma_start3A_101 = tpu.memref_slice %arg11[%dma_start3A_99, %dma_start3A_100] : memref<125x128xf32, #tpu.memory_space<vmem>> -> memref<64x128xf32, #tpu.memory_space<vmem>>
      %dma_start3A_102 = arith.constant 0 : i32
      %dma_start3A_103 = tpu.memref_slice %arg12[%add3A_38, %dma_start3A_102] : memref<10240x128xf32, #tpu.memory_space<vmem_shared>> -> memref<64x128xf32, #tpu.memory_space<vmem_shared>>
      %dma_start3A_104 = arith.constant 0 : i32
      %dma_start3A_105 = tpu.memref_slice %arg12[%add3A_38, %dma_start3A_104] : memref<10240x128xf32, #tpu.memory_space<vmem_shared>> -> memref<64x128xf32, #tpu.memory_space<vmem_shared>>
      %dma_start3A_106 = arith.constant 0 : i32
      %dma_start3A_107 = arith.constant 0 : i32
      %dma_start3A_108 = tpu.memref_slice %arg11[%dma_start3A_106, %dma_start3A_107] : memref<125x128xf32, #tpu.memory_space<vmem>> -> memref<64x128xf32, #tpu.memory_space<vmem>>
      tpu.enqueue_dma source(%dma_start3A_108 : memref<64x128xf32, #tpu.memory_space<vmem>>) target(%dma_start3A_105 : memref<64x128xf32, #tpu.memory_space<vmem_shared>>) target_semaphore(%run_scoped3A : memref<!tpu.dma_semaphore, #tpu.memory_space<semaphore_mem>>)
      %dma_wait3A = arith.constant 0 : i32
      %dma_wait3A_109 = arith.constant 0 : i32
      %dma_wait3A_110 = tpu.memref_slice %arg11[%dma_wait3A, %dma_wait3A_109] : memref<125x128xf32, #tpu.memory_space<vmem>> -> memref<64x128xf32, #tpu.memory_space<vmem>>
      %dma_wait3A_111 = arith.constant 0 : i32
      %dma_wait3A_112 = tpu.memref_slice %arg12[%add3A_38, %dma_wait3A_111] : memref<10240x128xf32, #tpu.memory_space<vmem_shared>> -> memref<64x128xf32, #tpu.memory_space<vmem_shared>>
      %dma_wait3A_113 = arith.constant 0 : i32
      %dma_wait3A_114 = tpu.memref_slice %arg12[%add3A_38, %dma_wait3A_113] : memref<10240x128xf32, #tpu.memory_space<vmem_shared>> -> memref<64x128xf32, #tpu.memory_space<vmem_shared>>
      %dma_wait3A_115 = arith.constant 0 : i32
      %dma_wait3A_116 = arith.constant 0 : i32
      %dma_wait3A_117 = tpu.memref_slice %arg11[%dma_wait3A_115, %dma_wait3A_116] : memref<125x128xf32, #tpu.memory_space<vmem>> -> memref<64x128xf32, #tpu.memory_space<vmem>>
      tpu.wait_dma2 semaphore(%run_scoped3A : memref<!tpu.dma_semaphore, #tpu.memory_space<semaphore_mem>>) src(%dma_wait3A_117 : memref<64x128xf32, #tpu.memory_space<vmem>>) dst(%dma_wait3A_114 : memref<64x128xf32, #tpu.memory_space<vmem_shared>>)
      tpu.yield
    }) : () -> ()
    %mul3A_39 = arith.constant 640 : i32
    %mul3A_40 = arith.muli %arg1, %mul3A_39 : i32
    %add3A_41 = arith.constant 512 : i32
    %add3A_42 = arith.addi %mul3A_40, %add3A_41 : i32
    "tpu.region"() ({
      %run_scoped3A = tpu.sem_alloc : memref<!tpu.dma_semaphore, #tpu.memory_space<semaphore_mem>>
      %dma_start3A_99 = arith.constant 0 : i32
      %dma_start3A_100 = arith.constant 0 : i32
      %dma_start3A_101 = tpu.memref_slice %arg11[%dma_start3A_99, %dma_start3A_100] : memref<125x128xf32, #tpu.memory_space<vmem>> -> memref<64x128xf32, #tpu.memory_space<vmem>>
      %dma_start3A_102 = arith.constant 0 : i32
      %dma_start3A_103 = tpu.memref_slice %arg12[%add3A_42, %dma_start3A_102] : memref<10240x128xf32, #tpu.memory_space<vmem_shared>> -> memref<64x128xf32, #tpu.memory_space<vmem_shared>>
      %dma_start3A_104 = arith.constant 0 : i32
      %dma_start3A_105 = tpu.memref_slice %arg12[%add3A_42, %dma_start3A_104] : memref<10240x128xf32, #tpu.memory_space<vmem_shared>> -> memref<64x128xf32, #tpu.memory_space<vmem_shared>>
      %dma_start3A_106 = arith.constant 0 : i32
      %dma_start3A_107 = arith.constant 0 : i32
      %dma_start3A_108 = tpu.memref_slice %arg11[%dma_start3A_106, %dma_start3A_107] : memref<125x128xf32, #tpu.memory_space<vmem>> -> memref<64x128xf32, #tpu.memory_space<vmem>>
      tpu.enqueue_dma source(%dma_start3A_108 : memref<64x128xf32, #tpu.memory_space<vmem>>) target(%dma_start3A_105 : memref<64x128xf32, #tpu.memory_space<vmem_shared>>) target_semaphore(%run_scoped3A : memref<!tpu.dma_semaphore, #tpu.memory_space<semaphore_mem>>)
      %dma_wait3A = arith.constant 0 : i32
      %dma_wait3A_109 = arith.constant 0 : i32
      %dma_wait3A_110 = tpu.memref_slice %arg11[%dma_wait3A, %dma_wait3A_109] : memref<125x128xf32, #tpu.memory_space<vmem>> -> memref<64x128xf32, #tpu.memory_space<vmem>>
      %dma_wait3A_111 = arith.constant 0 : i32
      %dma_wait3A_112 = tpu.memref_slice %arg12[%add3A_42, %dma_wait3A_111] : memref<10240x128xf32, #tpu.memory_space<vmem_shared>> -> memref<64x128xf32, #tpu.memory_space<vmem_shared>>
      %dma_wait3A_113 = arith.constant 0 : i32
      %dma_wait3A_114 = tpu.memref_slice %arg12[%add3A_42, %dma_wait3A_113] : memref<10240x128xf32, #tpu.memory_space<vmem_shared>> -> memref<64x128xf32, #tpu.memory_space<vmem_shared>>
      %dma_wait3A_115 = arith.constant 0 : i32
      %dma_wait3A_116 = arith.constant 0 : i32
      %dma_wait3A_117 = tpu.memref_slice %arg11[%dma_wait3A_115, %dma_wait3A_116] : memref<125x128xf32, #tpu.memory_space<vmem>> -> memref<64x128xf32, #tpu.memory_space<vmem>>
      tpu.wait_dma2 semaphore(%run_scoped3A : memref<!tpu.dma_semaphore, #tpu.memory_space<semaphore_mem>>) src(%dma_wait3A_117 : memref<64x128xf32, #tpu.memory_space<vmem>>) dst(%dma_wait3A_114 : memref<64x128xf32, #tpu.memory_space<vmem_shared>>)
      tpu.yield
    }) : () -> ()
    %mul3A_43 = arith.constant 640 : i32
    %mul3A_44 = arith.muli %arg1, %mul3A_43 : i32
    %add3A_45 = arith.constant 576 : i32
    %add3A_46 = arith.addi %mul3A_44, %add3A_45 : i32
    "tpu.region"() ({
      %run_scoped3A = tpu.sem_alloc : memref<!tpu.dma_semaphore, #tpu.memory_space<semaphore_mem>>
      %dma_start3A_99 = arith.constant 0 : i32
      %dma_start3A_100 = arith.constant 0 : i32
      %dma_start3A_101 = tpu.memref_slice %arg11[%dma_start3A_99, %dma_start3A_100] : memref<125x128xf32, #tpu.memory_space<vmem>> -> memref<64x128xf32, #tpu.memory_space<vmem>>
      %dma_start3A_102 = arith.constant 0 : i32
      %dma_start3A_103 = tpu.memref_slice %arg12[%add3A_46, %dma_start3A_102] : memref<10240x128xf32, #tpu.memory_space<vmem_shared>> -> memref<64x128xf32, #tpu.memory_space<vmem_shared>>
      %dma_start3A_104 = arith.constant 0 : i32
      %dma_start3A_105 = tpu.memref_slice %arg12[%add3A_46, %dma_start3A_104] : memref<10240x128xf32, #tpu.memory_space<vmem_shared>> -> memref<64x128xf32, #tpu.memory_space<vmem_shared>>
      %dma_start3A_106 = arith.constant 0 : i32
      %dma_start3A_107 = arith.constant 0 : i32
      %dma_start3A_108 = tpu.memref_slice %arg11[%dma_start3A_106, %dma_start3A_107] : memref<125x128xf32, #tpu.memory_space<vmem>> -> memref<64x128xf32, #tpu.memory_space<vmem>>
      tpu.enqueue_dma source(%dma_start3A_108 : memref<64x128xf32, #tpu.memory_space<vmem>>) target(%dma_start3A_105 : memref<64x128xf32, #tpu.memory_space<vmem_shared>>) target_semaphore(%run_scoped3A : memref<!tpu.dma_semaphore, #tpu.memory_space<semaphore_mem>>)
      %dma_wait3A = arith.constant 0 : i32
      %dma_wait3A_109 = arith.constant 0 : i32
      %dma_wait3A_110 = tpu.memref_slice %arg11[%dma_wait3A, %dma_wait3A_109] : memref<125x128xf32, #tpu.memory_space<vmem>> -> memref<64x128xf32, #tpu.memory_space<vmem>>
      %dma_wait3A_111 = arith.constant 0 : i32
      %dma_wait3A_112 = tpu.memref_slice %arg12[%add3A_46, %dma_wait3A_111] : memref<10240x128xf32, #tpu.memory_space<vmem_shared>> -> memref<64x128xf32, #tpu.memory_space<vmem_shared>>
      %dma_wait3A_113 = arith.constant 0 : i32
      %dma_wait3A_114 = tpu.memref_slice %arg12[%add3A_46, %dma_wait3A_113] : memref<10240x128xf32, #tpu.memory_space<vmem_shared>> -> memref<64x128xf32, #tpu.memory_space<vmem_shared>>
      %dma_wait3A_115 = arith.constant 0 : i32
      %dma_wait3A_116 = arith.constant 0 : i32
      %dma_wait3A_117 = tpu.memref_slice %arg11[%dma_wait3A_115, %dma_wait3A_116] : memref<125x128xf32, #tpu.memory_space<vmem>> -> memref<64x128xf32, #tpu.memory_space<vmem>>
      tpu.wait_dma2 semaphore(%run_scoped3A : memref<!tpu.dma_semaphore, #tpu.memory_space<semaphore_mem>>) src(%dma_wait3A_117 : memref<64x128xf32, #tpu.memory_space<vmem>>) dst(%dma_wait3A_114 : memref<64x128xf32, #tpu.memory_space<vmem_shared>>)
      tpu.yield
    }) : () -> ()
    %barrier3A = arith.constant 0 : index
    tpu.barrier barrier_id(%barrier3A)
    %sub3A = arith.constant 40 : i32
    %sub3A_47 = arith.constant 0 : i32
    %sub3A_48 = arith.subi %sub3A, %sub3A_47 : i32
    %sub3A_49 = arith.constant 2 : i32
    %sub3A_50 = arith.constant 1 : i32
    %sub3A_51 = arith.subi %sub3A_49, %sub3A_50 : i32
    %add3A_52 = arith.addi %sub3A_48, %sub3A_51 : i32
    %div3A = arith.constant 2 : i32
    %div3A_53 = arith.divsi %add3A_52, %div3A : i32
    %while3A = arith.constant 2 : i32
    %while3A_54 = arith.constant 0 : i32
    %while3A_55 = arith.constant 0 : i32
    %while3A_56 = arith.subi %div3A_53, %while3A_55 : i32
    %while3A_57 = arith.addi %while3A_55, %while3A_56 : i32
    %while3A_58 = arith.constant 1 : i32
    %while3A_59 = arith.divsi %while3A_56, %while3A_58 : i32
    %while3A_60 = arith.muli %while3A_59, %while3A_58 : i32
    %while3A_61 = arith.addi %while3A_55, %while3A_60 : i32
    %while3A_62 = arith.constant 1 : i32
    scf.for %while3A_99 = %while3A_55 to %while3A_61 step %while3A_62  : i32 {
      %mul3A_100 = arith.muli %while3A_99, %while3A : i32
      %add3A_101 = arith.addi %while3A_54, %mul3A_100 : i32
      %add3A_102 = arith.constant 1 : i32
      %add3A_103 = arith.addi %add3A_101, %add3A_102 : i32
      %dma_start3A_104 = arith.constant 0 : i32
      %dma_start3A_105 = tpu.memref_slice %arg8[%add3A_103, %dma_start3A_104] : memref<40x125xi32, #tpu.memory_space<vmem>> -> memref<1x125xi32, #tpu.memory_space<vmem>>
      %dma_start3A_106 = tpu.memref_squeeze %dma_start3A_105 : memref<1x125xi32, #tpu.memory_space<vmem>> -> memref<125xi32, #tpu.memory_space<vmem>>
      %dma_start3A_107 = arith.constant 0 : i32
      %dma_start3A_108 = arith.constant 0 : i32
      %dma_start3A_109 = tpu.memref_slice %arg2[%dma_start3A_107, %dma_start3A_108] : memref<10240x128xf32, #tpu.memory_space<hbm>> -> memref<10240x128xf32, #tpu.memory_space<hbm>>
      tpu.enqueue_indirect_dma source(%dma_start3A_109 : memref<10240x128xf32, #tpu.memory_space<hbm>>) target(%arg11 : memref<125x128xf32, #tpu.memory_space<vmem>>) offsets(%dma_start3A_106 : memref<125xi32, #tpu.memory_space<vmem>>) semaphore(%arg14 : memref<!tpu.dma_semaphore, #tpu.memory_space<semaphore_mem>>)
      %dma_wait3A = arith.constant 0 : i32
      %dma_wait3A_110 = tpu.memref_slice %arg8[%add3A_101, %dma_wait3A] : memref<40x125xi32, #tpu.memory_space<vmem>> -> memref<1x125xi32, #tpu.memory_space<vmem>>
      %dma_wait3A_111 = tpu.memref_squeeze %dma_wait3A_110 : memref<1x125xi32, #tpu.memory_space<vmem>> -> memref<125xi32, #tpu.memory_space<vmem>>
      %dma_wait3A_112 = arith.constant 0 : i32
      %dma_wait3A_113 = arith.constant 0 : i32
      %dma_wait3A_114 = tpu.memref_slice %arg2[%dma_wait3A_112, %dma_wait3A_113] : memref<10240x128xf32, #tpu.memory_space<hbm>> -> memref<10240x128xf32, #tpu.memory_space<hbm>>
      tpu.wait_indirect_dma semaphore(%arg13 : memref<!tpu.dma_semaphore, #tpu.memory_space<semaphore_mem>>) src(%dma_wait3A_114 : memref<10240x128xf32, #tpu.memory_space<hbm>>) dst(%arg10 : memref<125x128xf32, #tpu.memory_space<vmem>>)
      "tpu.region"() ({
        %run_scoped3A = tpu.sem_alloc : memref<!tpu.dma_semaphore, #tpu.memory_space<semaphore_mem>>
        %dma_start3A_131 = arith.constant 0 : i32
        %dma_start3A_132 = tpu.memref_slice %arg9[%add3A_101, %dma_start3A_131] : memref<40x125xi32, #tpu.memory_space<vmem>> -> memref<1x125xi32, #tpu.memory_space<vmem>>
        %dma_start3A_133 = tpu.memref_squeeze %dma_start3A_132 : memref<1x125xi32, #tpu.memory_space<vmem>> -> memref<125xi32, #tpu.memory_space<vmem>>
        %dma_start3A_134 = arith.constant 0 : i32
        %dma_start3A_135 = arith.constant 0 : i32
        %dma_start3A_136 = tpu.memref_slice %arg12[%dma_start3A_134, %dma_start3A_135] : memref<10240x128xf32, #tpu.memory_space<vmem_shared>> -> memref<10240x128xf32, #tpu.memory_space<vmem_shared>>
        tpu.enqueue_indirect_dma source(%arg10 : memref<125x128xf32, #tpu.memory_space<vmem>>) target(%dma_start3A_136 : memref<10240x128xf32, #tpu.memory_space<vmem_shared>>) offsets(%dma_start3A_133 : memref<125xi32, #tpu.memory_space<vmem>>) semaphore(%run_scoped3A : memref<!tpu.dma_semaphore, #tpu.memory_space<semaphore_mem>>) {add = true}
        %dma_wait3A_137 = arith.constant 0 : i32
        %dma_wait3A_138 = tpu.memref_slice %arg9[%add3A_101, %dma_wait3A_137] : memref<40x125xi32, #tpu.memory_space<vmem>> -> memref<1x125xi32, #tpu.memory_space<vmem>>
        %dma_wait3A_139 = tpu.memref_squeeze %dma_wait3A_138 : memref<1x125xi32, #tpu.memory_space<vmem>> -> memref<125xi32, #tpu.memory_space<vmem>>
        %dma_wait3A_140 = arith.constant 0 : i32
        %dma_wait3A_141 = arith.constant 0 : i32
        %dma_wait3A_142 = tpu.memref_slice %arg12[%dma_wait3A_140, %dma_wait3A_141] : memref<10240x128xf32, #tpu.memory_space<vmem_shared>> -> memref<10240x128xf32, #tpu.memory_space<vmem_shared>>
        tpu.wait_indirect_dma semaphore(%run_scoped3A : memref<!tpu.dma_semaphore, #tpu.memory_space<semaphore_mem>>) src(%arg10 : memref<125x128xf32, #tpu.memory_space<vmem>>) dst(%dma_wait3A_142 : memref<10240x128xf32, #tpu.memory_space<vmem_shared>>)
        tpu.yield
      }) : () -> ()
      %add3A_115 = arith.constant 2 : i32
      %add3A_116 = arith.addi %add3A_101, %add3A_115 : i32
      %lt3A = arith.constant 40 : i32
      %lt3A_117 = arith.cmpi slt, %add3A_116, %lt3A : i32
      %convert_element_type3A_118 = arith.extui %lt3A_117 : i1 to i32
      %cond3A_119 = arith.constant 0 : i32
      %cond3A_120 = arith.cmpi ne, %convert_element_type3A_118, %cond3A_119 : i32
      scf.if %cond3A_120 {
        %add3A_131 = arith.constant 2 : i32
        %add3A_132 = arith.addi %add3A_101, %add3A_131 : i32
        %dma_start3A_133 = arith.constant 0 : i32
        %dma_start3A_134 = tpu.memref_slice %arg8[%add3A_132, %dma_start3A_133] : memref<40x125xi32, #tpu.memory_space<vmem>> -> memref<1x125xi32, #tpu.memory_space<vmem>>
        %dma_start3A_135 = tpu.memref_squeeze %dma_start3A_134 : memref<1x125xi32, #tpu.memory_space<vmem>> -> memref<125xi32, #tpu.memory_space<vmem>>
        %dma_start3A_136 = arith.constant 0 : i32
        %dma_start3A_137 = arith.constant 0 : i32
        %dma_start3A_138 = tpu.memref_slice %arg2[%dma_start3A_136, %dma_start3A_137] : memref<10240x128xf32, #tpu.memory_space<hbm>> -> memref<10240x128xf32, #tpu.memory_space<hbm>>
        tpu.enqueue_indirect_dma source(%dma_start3A_138 : memref<10240x128xf32, #tpu.memory_space<hbm>>) target(%arg10 : memref<125x128xf32, #tpu.memory_space<vmem>>) offsets(%dma_start3A_135 : memref<125xi32, #tpu.memory_space<vmem>>) semaphore(%arg13 : memref<!tpu.dma_semaphore, #tpu.memory_space<semaphore_mem>>)
      } else {
      }
      %add3A_121 = arith.constant 1 : i32
      %add3A_122 = arith.addi %add3A_101, %add3A_121 : i32
      %dma_wait3A_123 = arith.constant 0 : i32
      %dma_wait3A_124 = tpu.memref_slice %arg8[%add3A_122, %dma_wait3A_123] : memref<40x125xi32, #tpu.memory_space<vmem>> -> memref<1x125xi32, #tpu.memory_space<vmem>>
      %dma_wait3A_125 = tpu.memref_squeeze %dma_wait3A_124 : memref<1x125xi32, #tpu.memory_space<vmem>> -> memref<125xi32, #tpu.memory_space<vmem>>
      %dma_wait3A_126 = arith.constant 0 : i32
      %dma_wait3A_127 = arith.constant 0 : i32
      %dma_wait3A_128 = tpu.memref_slice %arg2[%dma_wait3A_126, %dma_wait3A_127] : memref<10240x128xf32, #tpu.memory_space<hbm>> -> memref<10240x128xf32, #tpu.memory_space<hbm>>
      tpu.wait_indirect_dma semaphore(%arg14 : memref<!tpu.dma_semaphore, #tpu.memory_space<semaphore_mem>>) src(%dma_wait3A_128 : memref<10240x128xf32, #tpu.memory_space<hbm>>) dst(%arg11 : memref<125x128xf32, #tpu.memory_space<vmem>>)
      %add3A_129 = arith.constant 1 : i32
      %add3A_130 = arith.addi %add3A_101, %add3A_129 : i32
      "tpu.region"() ({
        %run_scoped3A = tpu.sem_alloc : memref<!tpu.dma_semaphore, #tpu.memory_space<semaphore_mem>>
        %dma_start3A_131 = arith.constant 0 : i32
        %dma_start3A_132 = tpu.memref_slice %arg9[%add3A_130, %dma_start3A_131] : memref<40x125xi32, #tpu.memory_space<vmem>> -> memref<1x125xi32, #tpu.memory_space<vmem>>
        %dma_start3A_133 = tpu.memref_squeeze %dma_start3A_132 : memref<1x125xi32, #tpu.memory_space<vmem>> -> memref<125xi32, #tpu.memory_space<vmem>>
        %dma_start3A_134 = arith.constant 0 : i32
        %dma_start3A_135 = arith.constant 0 : i32
        %dma_start3A_136 = tpu.memref_slice %arg12[%dma_start3A_134, %dma_start3A_135] : memref<10240x128xf32, #tpu.memory_space<vmem_shared>> -> memref<10240x128xf32, #tpu.memory_space<vmem_shared>>
        tpu.enqueue_indirect_dma source(%arg11 : memref<125x128xf32, #tpu.memory_space<vmem>>) target(%dma_start3A_136 : memref<10240x128xf32, #tpu.memory_space<vmem_shared>>) offsets(%dma_start3A_133 : memref<125xi32, #tpu.memory_space<vmem>>) semaphore(%run_scoped3A : memref<!tpu.dma_semaphore, #tpu.memory_space<semaphore_mem>>) {add = true}
        %dma_wait3A_137 = arith.constant 0 : i32
        %dma_wait3A_138 = tpu.memref_slice %arg9[%add3A_130, %dma_wait3A_137] : memref<40x125xi32, #tpu.memory_space<vmem>> -> memref<1x125xi32, #tpu.memory_space<vmem>>
        %dma_wait3A_139 = tpu.memref_squeeze %dma_wait3A_138 : memref<1x125xi32, #tpu.memory_space<vmem>> -> memref<125xi32, #tpu.memory_space<vmem>>
        %dma_wait3A_140 = arith.constant 0 : i32
        %dma_wait3A_141 = arith.constant 0 : i32
        %dma_wait3A_142 = tpu.memref_slice %arg12[%dma_wait3A_140, %dma_wait3A_141] : memref<10240x128xf32, #tpu.memory_space<vmem_shared>> -> memref<10240x128xf32, #tpu.memory_space<vmem_shared>>
        tpu.wait_indirect_dma semaphore(%run_scoped3A : memref<!tpu.dma_semaphore, #tpu.memory_space<semaphore_mem>>) src(%arg11 : memref<125x128xf32, #tpu.memory_space<vmem>>) dst(%dma_wait3A_142 : memref<10240x128xf32, #tpu.memory_space<vmem_shared>>)
        tpu.yield
      }) : () -> ()
    }
    %while3A_63 = arith.constant 1 : i32
    scf.for %while3A_99 = %while3A_61 to %while3A_57 step %while3A_63  : i32 {
      %mul3A_100 = arith.muli %while3A_99, %while3A : i32
      %add3A_101 = arith.addi %while3A_54, %mul3A_100 : i32
      %add3A_102 = arith.constant 1 : i32
      %add3A_103 = arith.addi %add3A_101, %add3A_102 : i32
      %dma_start3A_104 = arith.constant 0 : i32
      %dma_start3A_105 = tpu.memref_slice %arg8[%add3A_103, %dma_start3A_104] : memref<40x125xi32, #tpu.memory_space<vmem>> -> memref<1x125xi32, #tpu.memory_space<vmem>>
      %dma_start3A_106 = tpu.memref_squeeze %dma_start3A_105 : memref<1x125xi32, #tpu.memory_space<vmem>> -> memref<125xi32, #tpu.memory_space<vmem>>
      %dma_start3A_107 = arith.constant 0 : i32
      %dma_start3A_108 = arith.constant 0 : i32
      %dma_start3A_109 = tpu.memref_slice %arg2[%dma_start3A_107, %dma_start3A_108] : memref<10240x128xf32, #tpu.memory_space<hbm>> -> memref<10240x128xf32, #tpu.memory_space<hbm>>
      tpu.enqueue_indirect_dma source(%dma_start3A_109 : memref<10240x128xf32, #tpu.memory_space<hbm>>) target(%arg11 : memref<125x128xf32, #tpu.memory_space<vmem>>) offsets(%dma_start3A_106 : memref<125xi32, #tpu.memory_space<vmem>>) semaphore(%arg14 : memref<!tpu.dma_semaphore, #tpu.memory_space<semaphore_mem>>)
      %dma_wait3A = arith.constant 0 : i32
      %dma_wait3A_110 = tpu.memref_slice %arg8[%add3A_101, %dma_wait3A] : memref<40x125xi32, #tpu.memory_space<vmem>> -> memref<1x125xi32, #tpu.memory_space<vmem>>
      %dma_wait3A_111 = tpu.memref_squeeze %dma_wait3A_110 : memref<1x125xi32, #tpu.memory_space<vmem>> -> memref<125xi32, #tpu.memory_space<vmem>>
      %dma_wait3A_112 = arith.constant 0 : i32
      %dma_wait3A_113 = arith.constant 0 : i32
      %dma_wait3A_114 = tpu.memref_slice %arg2[%dma_wait3A_112, %dma_wait3A_113] : memref<10240x128xf32, #tpu.memory_space<hbm>> -> memref<10240x128xf32, #tpu.memory_space<hbm>>
      tpu.wait_indirect_dma semaphore(%arg13 : memref<!tpu.dma_semaphore, #tpu.memory_space<semaphore_mem>>) src(%dma_wait3A_114 : memref<10240x128xf32, #tpu.memory_space<hbm>>) dst(%arg10 : memref<125x128xf32, #tpu.memory_space<vmem>>)
      "tpu.region"() ({
        %run_scoped3A = tpu.sem_alloc : memref<!tpu.dma_semaphore, #tpu.memory_space<semaphore_mem>>
        %dma_start3A_131 = arith.constant 0 : i32
        %dma_start3A_132 = tpu.memref_slice %arg9[%add3A_101, %dma_start3A_131] : memref<40x125xi32, #tpu.memory_space<vmem>> -> memref<1x125xi32, #tpu.memory_space<vmem>>
        %dma_start3A_133 = tpu.memref_squeeze %dma_start3A_132 : memref<1x125xi32, #tpu.memory_space<vmem>> -> memref<125xi32, #tpu.memory_space<vmem>>
        %dma_start3A_134 = arith.constant 0 : i32
        %dma_start3A_135 = arith.constant 0 : i32
        %dma_start3A_136 = tpu.memref_slice %arg12[%dma_start3A_134, %dma_start3A_135] : memref<10240x128xf32, #tpu.memory_space<vmem_shared>> -> memref<10240x128xf32, #tpu.memory_space<vmem_shared>>
        tpu.enqueue_indirect_dma source(%arg10 : memref<125x128xf32, #tpu.memory_space<vmem>>) target(%dma_start3A_136 : memref<10240x128xf32, #tpu.memory_space<vmem_shared>>) offsets(%dma_start3A_133 : memref<125xi32, #tpu.memory_space<vmem>>) semaphore(%run_scoped3A : memref<!tpu.dma_semaphore, #tpu.memory_space<semaphore_mem>>) {add = true}
        %dma_wait3A_137 = arith.constant 0 : i32
        %dma_wait3A_138 = tpu.memref_slice %arg9[%add3A_101, %dma_wait3A_137] : memref<40x125xi32, #tpu.memory_space<vmem>> -> memref<1x125xi32, #tpu.memory_space<vmem>>
        %dma_wait3A_139 = tpu.memref_squeeze %dma_wait3A_138 : memref<1x125xi32, #tpu.memory_space<vmem>> -> memref<125xi32, #tpu.memory_space<vmem>>
        %dma_wait3A_140 = arith.constant 0 : i32
        %dma_wait3A_141 = arith.constant 0 : i32
        %dma_wait3A_142 = tpu.memref_slice %arg12[%dma_wait3A_140, %dma_wait3A_141] : memref<10240x128xf32, #tpu.memory_space<vmem_shared>> -> memref<10240x128xf32, #tpu.memory_space<vmem_shared>>
        tpu.wait_indirect_dma semaphore(%run_scoped3A : memref<!tpu.dma_semaphore, #tpu.memory_space<semaphore_mem>>) src(%arg10 : memref<125x128xf32, #tpu.memory_space<vmem>>) dst(%dma_wait3A_142 : memref<10240x128xf32, #tpu.memory_space<vmem_shared>>)
        tpu.yield
      }) : () -> ()
      %add3A_115 = arith.constant 2 : i32
      %add3A_116 = arith.addi %add3A_101, %add3A_115 : i32
      %lt3A = arith.constant 40 : i32
      %lt3A_117 = arith.cmpi slt, %add3A_116, %lt3A : i32
      %convert_element_type3A_118 = arith.extui %lt3A_117 : i1 to i32
      %cond3A_119 = arith.constant 0 : i32
      %cond3A_120 = arith.cmpi ne, %convert_element_type3A_118, %cond3A_119 : i32
      scf.if %cond3A_120 {
        %add3A_131 = arith.constant 2 : i32
        %add3A_132 = arith.addi %add3A_101, %add3A_131 : i32
        %dma_start3A_133 = arith.constant 0 : i32
        %dma_start3A_134 = tpu.memref_slice %arg8[%add3A_132, %dma_start3A_133] : memref<40x125xi32, #tpu.memory_space<vmem>> -> memref<1x125xi32, #tpu.memory_space<vmem>>
        %dma_start3A_135 = tpu.memref_squeeze %dma_start3A_134 : memref<1x125xi32, #tpu.memory_space<vmem>> -> memref<125xi32, #tpu.memory_space<vmem>>
        %dma_start3A_136 = arith.constant 0 : i32
        %dma_start3A_137 = arith.constant 0 : i32
        %dma_start3A_138 = tpu.memref_slice %arg2[%dma_start3A_136, %dma_start3A_137] : memref<10240x128xf32, #tpu.memory_space<hbm>> -> memref<10240x128xf32, #tpu.memory_space<hbm>>
        tpu.enqueue_indirect_dma source(%dma_start3A_138 : memref<10240x128xf32, #tpu.memory_space<hbm>>) target(%arg10 : memref<125x128xf32, #tpu.memory_space<vmem>>) offsets(%dma_start3A_135 : memref<125xi32, #tpu.memory_space<vmem>>) semaphore(%arg13 : memref<!tpu.dma_semaphore, #tpu.memory_space<semaphore_mem>>)
      } else {
      }
      %add3A_121 = arith.constant 1 : i32
      %add3A_122 = arith.addi %add3A_101, %add3A_121 : i32
      %dma_wait3A_123 = arith.constant 0 : i32
      %dma_wait3A_124 = tpu.memref_slice %arg8[%add3A_122, %dma_wait3A_123] : memref<40x125xi32, #tpu.memory_space<vmem>> -> memref<1x125xi32, #tpu.memory_space<vmem>>
      %dma_wait3A_125 = tpu.memref_squeeze %dma_wait3A_124 : memref<1x125xi32, #tpu.memory_space<vmem>> -> memref<125xi32, #tpu.memory_space<vmem>>
      %dma_wait3A_126 = arith.constant 0 : i32
      %dma_wait3A_127 = arith.constant 0 : i32
      %dma_wait3A_128 = tpu.memref_slice %arg2[%dma_wait3A_126, %dma_wait3A_127] : memref<10240x128xf32, #tpu.memory_space<hbm>> -> memref<10240x128xf32, #tpu.memory_space<hbm>>
      tpu.wait_indirect_dma semaphore(%arg14 : memref<!tpu.dma_semaphore, #tpu.memory_space<semaphore_mem>>) src(%dma_wait3A_128 : memref<10240x128xf32, #tpu.memory_space<hbm>>) dst(%arg11 : memref<125x128xf32, #tpu.memory_space<vmem>>)
      %add3A_129 = arith.constant 1 : i32
      %add3A_130 = arith.addi %add3A_101, %add3A_129 : i32
      "tpu.region"() ({
        %run_scoped3A = tpu.sem_alloc : memref<!tpu.dma_semaphore, #tpu.memory_space<semaphore_mem>>
        %dma_start3A_131 = arith.constant 0 : i32
        %dma_start3A_132 = tpu.memref_slice %arg9[%add3A_130, %dma_start3A_131] : memref<40x125xi32, #tpu.memory_space<vmem>> -> memref<1x125xi32, #tpu.memory_space<vmem>>
        %dma_start3A_133 = tpu.memref_squeeze %dma_start3A_132 : memref<1x125xi32, #tpu.memory_space<vmem>> -> memref<125xi32, #tpu.memory_space<vmem>>
        %dma_start3A_134 = arith.constant 0 : i32
        %dma_start3A_135 = arith.constant 0 : i32
        %dma_start3A_136 = tpu.memref_slice %arg12[%dma_start3A_134, %dma_start3A_135] : memref<10240x128xf32, #tpu.memory_space<vmem_shared>> -> memref<10240x128xf32, #tpu.memory_space<vmem_shared>>
        tpu.enqueue_indirect_dma source(%arg11 : memref<125x128xf32, #tpu.memory_space<vmem>>) target(%dma_start3A_136 : memref<10240x128xf32, #tpu.memory_space<vmem_shared>>) offsets(%dma_start3A_133 : memref<125xi32, #tpu.memory_space<vmem>>) semaphore(%run_scoped3A : memref<!tpu.dma_semaphore, #tpu.memory_space<semaphore_mem>>) {add = true}
        %dma_wait3A_137 = arith.constant 0 : i32
        %dma_wait3A_138 = tpu.memref_slice %arg9[%add3A_130, %dma_wait3A_137] : memref<40x125xi32, #tpu.memory_space<vmem>> -> memref<1x125xi32, #tpu.memory_space<vmem>>
        %dma_wait3A_139 = tpu.memref_squeeze %dma_wait3A_138 : memref<1x125xi32, #tpu.memory_space<vmem>> -> memref<125xi32, #tpu.memory_space<vmem>>
        %dma_wait3A_140 = arith.constant 0 : i32
        %dma_wait3A_141 = arith.constant 0 : i32
        %dma_wait3A_142 = tpu.memref_slice %arg12[%dma_wait3A_140, %dma_wait3A_141] : memref<10240x128xf32, #tpu.memory_space<vmem_shared>> -> memref<10240x128xf32, #tpu.memory_space<vmem_shared>>
        tpu.wait_indirect_dma semaphore(%run_scoped3A : memref<!tpu.dma_semaphore, #tpu.memory_space<semaphore_mem>>) src(%arg11 : memref<125x128xf32, #tpu.memory_space<vmem>>) dst(%dma_wait3A_142 : memref<10240x128xf32, #tpu.memory_space<vmem_shared>>)
        tpu.yield
      }) : () -> ()
    }
    "tpu.region"() ({
      %run_scoped3A = tpu.sem_alloc : memref<!tpu.dma_semaphore, #tpu.memory_space<semaphore_mem>>
      %dma_start3A_99 = arith.constant 40 : i32
      %dma_start3A_100 = arith.constant 0 : i32
      %dma_start3A_101 = tpu.memref_slice %arg3[%add3A, %dma_start3A_99, %dma_start3A_100] : memref<32x80x125xi32, #tpu.memory_space<hbm>> -> memref<1x40x125xi32, #tpu.memory_space<hbm>>
      %dma_start3A_102 = tpu.memref_squeeze %dma_start3A_101 : memref<1x40x125xi32, #tpu.memory_space<hbm>> -> memref<40x125xi32, #tpu.memory_space<hbm>>
      %dma_start3A_103 = arith.constant 40 : i32
      %dma_start3A_104 = arith.constant 0 : i32
      %dma_start3A_105 = tpu.memref_slice %arg3[%add3A, %dma_start3A_103, %dma_start3A_104] : memref<32x80x125xi32, #tpu.memory_space<hbm>> -> memref<1x40x125xi32, #tpu.memory_space<hbm>>
      %dma_start3A_106 = tpu.memref_squeeze %dma_start3A_105 : memref<1x40x125xi32, #tpu.memory_space<hbm>> -> memref<40x125xi32, #tpu.memory_space<hbm>>
      tpu.enqueue_dma source(%dma_start3A_106 : memref<40x125xi32, #tpu.memory_space<hbm>>) target(%arg8 : memref<40x125xi32, #tpu.memory_space<vmem>>) target_semaphore(%run_scoped3A : memref<!tpu.dma_semaphore, #tpu.memory_space<semaphore_mem>>)
      %dma_wait3A = arith.constant 40 : i32
      %dma_wait3A_107 = arith.constant 0 : i32
      %dma_wait3A_108 = tpu.memref_slice %arg3[%add3A, %dma_wait3A, %dma_wait3A_107] : memref<32x80x125xi32, #tpu.memory_space<hbm>> -> memref<1x40x125xi32, #tpu.memory_space<hbm>>
      %dma_wait3A_109 = tpu.memref_squeeze %dma_wait3A_108 : memref<1x40x125xi32, #tpu.memory_space<hbm>> -> memref<40x125xi32, #tpu.memory_space<hbm>>
      %dma_wait3A_110 = arith.constant 40 : i32
      %dma_wait3A_111 = arith.constant 0 : i32
      %dma_wait3A_112 = tpu.memref_slice %arg3[%add3A, %dma_wait3A_110, %dma_wait3A_111] : memref<32x80x125xi32, #tpu.memory_space<hbm>> -> memref<1x40x125xi32, #tpu.memory_space<hbm>>
      %dma_wait3A_113 = tpu.memref_squeeze %dma_wait3A_112 : memref<1x40x125xi32, #tpu.memory_space<hbm>> -> memref<40x125xi32, #tpu.memory_space<hbm>>
      tpu.wait_dma2 semaphore(%run_scoped3A : memref<!tpu.dma_semaphore, #tpu.memory_space<semaphore_mem>>) src(%dma_wait3A_113 : memref<40x125xi32, #tpu.memory_space<hbm>>) dst(%arg8 : memref<40x125xi32, #tpu.memory_space<vmem>>)
      tpu.yield
    }) : () -> ()
    "tpu.region"() ({
      %run_scoped3A = tpu.sem_alloc : memref<!tpu.dma_semaphore, #tpu.memory_space<semaphore_mem>>
      %dma_start3A_99 = arith.constant 40 : i32
      %dma_start3A_100 = arith.constant 0 : i32
      %dma_start3A_101 = tpu.memref_slice %arg4[%add3A, %dma_start3A_99, %dma_start3A_100] : memref<32x80x125xi32, #tpu.memory_space<hbm>> -> memref<1x40x125xi32, #tpu.memory_space<hbm>>
      %dma_start3A_102 = tpu.memref_squeeze %dma_start3A_101 : memref<1x40x125xi32, #tpu.memory_space<hbm>> -> memref<40x125xi32, #tpu.memory_space<hbm>>
      %dma_start3A_103 = arith.constant 40 : i32
      %dma_start3A_104 = arith.constant 0 : i32
      %dma_start3A_105 = tpu.memref_slice %arg4[%add3A, %dma_start3A_103, %dma_start3A_104] : memref<32x80x125xi32, #tpu.memory_space<hbm>> -> memref<1x40x125xi32, #tpu.memory_space<hbm>>
      %dma_start3A_106 = tpu.memref_squeeze %dma_start3A_105 : memref<1x40x125xi32, #tpu.memory_space<hbm>> -> memref<40x125xi32, #tpu.memory_space<hbm>>
      tpu.enqueue_dma source(%dma_start3A_106 : memref<40x125xi32, #tpu.memory_space<hbm>>) target(%arg9 : memref<40x125xi32, #tpu.memory_space<vmem>>) target_semaphore(%run_scoped3A : memref<!tpu.dma_semaphore, #tpu.memory_space<semaphore_mem>>)
      %dma_wait3A = arith.constant 40 : i32
      %dma_wait3A_107 = arith.constant 0 : i32
      %dma_wait3A_108 = tpu.memref_slice %arg4[%add3A, %dma_wait3A, %dma_wait3A_107] : memref<32x80x125xi32, #tpu.memory_space<hbm>> -> memref<1x40x125xi32, #tpu.memory_space<hbm>>
      %dma_wait3A_109 = tpu.memref_squeeze %dma_wait3A_108 : memref<1x40x125xi32, #tpu.memory_space<hbm>> -> memref<40x125xi32, #tpu.memory_space<hbm>>
      %dma_wait3A_110 = arith.constant 40 : i32
      %dma_wait3A_111 = arith.constant 0 : i32
      %dma_wait3A_112 = tpu.memref_slice %arg4[%add3A, %dma_wait3A_110, %dma_wait3A_111] : memref<32x80x125xi32, #tpu.memory_space<hbm>> -> memref<1x40x125xi32, #tpu.memory_space<hbm>>
      %dma_wait3A_113 = tpu.memref_squeeze %dma_wait3A_112 : memref<1x40x125xi32, #tpu.memory_space<hbm>> -> memref<40x125xi32, #tpu.memory_space<hbm>>
      tpu.wait_dma2 semaphore(%run_scoped3A : memref<!tpu.dma_semaphore, #tpu.memory_space<semaphore_mem>>) src(%dma_wait3A_113 : memref<40x125xi32, #tpu.memory_space<hbm>>) dst(%arg9 : memref<40x125xi32, #tpu.memory_space<vmem>>)
      tpu.yield
    }) : () -> ()
    %dma_start3A_64 = arith.constant 0 : i32
    %dma_start3A_65 = arith.constant 0 : i32
    %dma_start3A_66 = tpu.memref_slice %arg8[%dma_start3A_64, %dma_start3A_65] : memref<40x125xi32, #tpu.memory_space<vmem>> -> memref<1x125xi32, #tpu.memory_space<vmem>>
    %dma_start3A_67 = tpu.memref_squeeze %dma_start3A_66 : memref<1x125xi32, #tpu.memory_space<vmem>> -> memref<125xi32, #tpu.memory_space<vmem>>
    %dma_start3A_68 = arith.constant 0 : i32
    %dma_start3A_69 = arith.constant 0 : i32
    %dma_start3A_70 = tpu.memref_slice %arg2[%dma_start3A_68, %dma_start3A_69] : memref<10240x128xf32, #tpu.memory_space<hbm>> -> memref<10240x128xf32, #tpu.memory_space<hbm>>
    tpu.enqueue_indirect_dma source(%dma_start3A_70 : memref<10240x128xf32, #tpu.memory_space<hbm>>) target(%arg10 : memref<125x128xf32, #tpu.memory_space<vmem>>) offsets(%dma_start3A_67 : memref<125xi32, #tpu.memory_space<vmem>>) semaphore(%arg13 : memref<!tpu.dma_semaphore, #tpu.memory_space<semaphore_mem>>)
    %sub3A_71 = arith.constant 40 : i32
    %sub3A_72 = arith.constant 0 : i32
    %sub3A_73 = arith.subi %sub3A_71, %sub3A_72 : i32
    %sub3A_74 = arith.constant 2 : i32
    %sub3A_75 = arith.constant 1 : i32
    %sub3A_76 = arith.subi %sub3A_74, %sub3A_75 : i32
    %add3A_77 = arith.addi %sub3A_73, %sub3A_76 : i32
    %div3A_78 = arith.constant 2 : i32
    %div3A_79 = arith.divsi %add3A_77, %div3A_78 : i32
    %while3A_80 = arith.constant 2 : i32
    %while3A_81 = arith.constant 0 : i32
    %while3A_82 = arith.constant 0 : i32
    %while3A_83 = arith.subi %div3A_79, %while3A_82 : i32
    %while3A_84 = arith.addi %while3A_82, %while3A_83 : i32
    %while3A_85 = arith.constant 1 : i32
    %while3A_86 = arith.divsi %while3A_83, %while3A_85 : i32
    %while3A_87 = arith.muli %while3A_86, %while3A_85 : i32
    %while3A_88 = arith.addi %while3A_82, %while3A_87 : i32
    %while3A_89 = arith.constant 1 : i32
    scf.for %while3A_99 = %while3A_82 to %while3A_88 step %while3A_89  : i32 {
      %mul3A_100 = arith.muli %while3A_99, %while3A_80 : i32
      %add3A_101 = arith.addi %while3A_81, %mul3A_100 : i32
      %add3A_102 = arith.constant 1 : i32
      %add3A_103 = arith.addi %add3A_101, %add3A_102 : i32
      %dma_start3A_104 = arith.constant 0 : i32
      %dma_start3A_105 = tpu.memref_slice %arg8[%add3A_103, %dma_start3A_104] : memref<40x125xi32, #tpu.memory_space<vmem>> -> memref<1x125xi32, #tpu.memory_space<vmem>>
      %dma_start3A_106 = tpu.memref_squeeze %dma_start3A_105 : memref<1x125xi32, #tpu.memory_space<vmem>> -> memref<125xi32, #tpu.memory_space<vmem>>
      %dma_start3A_107 = arith.constant 0 : i32
      %dma_start3A_108 = arith.constant 0 : i32
      %dma_start3A_109 = tpu.memref_slice %arg2[%dma_start3A_107, %dma_start3A_108] : memref<10240x128xf32, #tpu.memory_space<hbm>> -> memref<10240x128xf32, #tpu.memory_space<hbm>>
      tpu.enqueue_indirect_dma source(%dma_start3A_109 : memref<10240x128xf32, #tpu.memory_space<hbm>>) target(%arg11 : memref<125x128xf32, #tpu.memory_space<vmem>>) offsets(%dma_start3A_106 : memref<125xi32, #tpu.memory_space<vmem>>) semaphore(%arg14 : memref<!tpu.dma_semaphore, #tpu.memory_space<semaphore_mem>>)
      %dma_wait3A = arith.constant 0 : i32
      %dma_wait3A_110 = tpu.memref_slice %arg8[%add3A_101, %dma_wait3A] : memref<40x125xi32, #tpu.memory_space<vmem>> -> memref<1x125xi32, #tpu.memory_space<vmem>>
      %dma_wait3A_111 = tpu.memref_squeeze %dma_wait3A_110 : memref<1x125xi32, #tpu.memory_space<vmem>> -> memref<125xi32, #tpu.memory_space<vmem>>
      %dma_wait3A_112 = arith.constant 0 : i32
      %dma_wait3A_113 = arith.constant 0 : i32
      %dma_wait3A_114 = tpu.memref_slice %arg2[%dma_wait3A_112, %dma_wait3A_113] : memref<10240x128xf32, #tpu.memory_space<hbm>> -> memref<10240x128xf32, #tpu.memory_space<hbm>>
      tpu.wait_indirect_dma semaphore(%arg13 : memref<!tpu.dma_semaphore, #tpu.memory_space<semaphore_mem>>) src(%dma_wait3A_114 : memref<10240x128xf32, #tpu.memory_space<hbm>>) dst(%arg10 : memref<125x128xf32, #tpu.memory_space<vmem>>)
      "tpu.region"() ({
        %run_scoped3A = tpu.sem_alloc : memref<!tpu.dma_semaphore, #tpu.memory_space<semaphore_mem>>
        %dma_start3A_131 = arith.constant 0 : i32
        %dma_start3A_132 = tpu.memref_slice %arg9[%add3A_101, %dma_start3A_131] : memref<40x125xi32, #tpu.memory_space<vmem>> -> memref<1x125xi32, #tpu.memory_space<vmem>>
        %dma_start3A_133 = tpu.memref_squeeze %dma_start3A_132 : memref<1x125xi32, #tpu.memory_space<vmem>> -> memref<125xi32, #tpu.memory_space<vmem>>
        %dma_start3A_134 = arith.constant 0 : i32
        %dma_start3A_135 = arith.constant 0 : i32
        %dma_start3A_136 = tpu.memref_slice %arg12[%dma_start3A_134, %dma_start3A_135] : memref<10240x128xf32, #tpu.memory_space<vmem_shared>> -> memref<10240x128xf32, #tpu.memory_space<vmem_shared>>
        tpu.enqueue_indirect_dma source(%arg10 : memref<125x128xf32, #tpu.memory_space<vmem>>) target(%dma_start3A_136 : memref<10240x128xf32, #tpu.memory_space<vmem_shared>>) offsets(%dma_start3A_133 : memref<125xi32, #tpu.memory_space<vmem>>) semaphore(%run_scoped3A : memref<!tpu.dma_semaphore, #tpu.memory_space<semaphore_mem>>) {add = true}
        %dma_wait3A_137 = arith.constant 0 : i32
        %dma_wait3A_138 = tpu.memref_slice %arg9[%add3A_101, %dma_wait3A_137] : memref<40x125xi32, #tpu.memory_space<vmem>> -> memref<1x125xi32, #tpu.memory_space<vmem>>
        %dma_wait3A_139 = tpu.memref_squeeze %dma_wait3A_138 : memref<1x125xi32, #tpu.memory_space<vmem>> -> memref<125xi32, #tpu.memory_space<vmem>>
        %dma_wait3A_140 = arith.constant 0 : i32
        %dma_wait3A_141 = arith.constant 0 : i32
        %dma_wait3A_142 = tpu.memref_slice %arg12[%dma_wait3A_140, %dma_wait3A_141] : memref<10240x128xf32, #tpu.memory_space<vmem_shared>> -> memref<10240x128xf32, #tpu.memory_space<vmem_shared>>
        tpu.wait_indirect_dma semaphore(%run_scoped3A : memref<!tpu.dma_semaphore, #tpu.memory_space<semaphore_mem>>) src(%arg10 : memref<125x128xf32, #tpu.memory_space<vmem>>) dst(%dma_wait3A_142 : memref<10240x128xf32, #tpu.memory_space<vmem_shared>>)
        tpu.yield
      }) : () -> ()
      %add3A_115 = arith.constant 2 : i32
      %add3A_116 = arith.addi %add3A_101, %add3A_115 : i32
      %lt3A = arith.constant 40 : i32
      %lt3A_117 = arith.cmpi slt, %add3A_116, %lt3A : i32
      %convert_element_type3A_118 = arith.extui %lt3A_117 : i1 to i32
      %cond3A_119 = arith.constant 0 : i32
      %cond3A_120 = arith.cmpi ne, %convert_element_type3A_118, %cond3A_119 : i32
      scf.if %cond3A_120 {
        %add3A_131 = arith.constant 2 : i32
        %add3A_132 = arith.addi %add3A_101, %add3A_131 : i32
        %dma_start3A_133 = arith.constant 0 : i32
        %dma_start3A_134 = tpu.memref_slice %arg8[%add3A_132, %dma_start3A_133] : memref<40x125xi32, #tpu.memory_space<vmem>> -> memref<1x125xi32, #tpu.memory_space<vmem>>
        %dma_start3A_135 = tpu.memref_squeeze %dma_start3A_134 : memref<1x125xi32, #tpu.memory_space<vmem>> -> memref<125xi32, #tpu.memory_space<vmem>>
        %dma_start3A_136 = arith.constant 0 : i32
        %dma_start3A_137 = arith.constant 0 : i32
        %dma_start3A_138 = tpu.memref_slice %arg2[%dma_start3A_136, %dma_start3A_137] : memref<10240x128xf32, #tpu.memory_space<hbm>> -> memref<10240x128xf32, #tpu.memory_space<hbm>>
        tpu.enqueue_indirect_dma source(%dma_start3A_138 : memref<10240x128xf32, #tpu.memory_space<hbm>>) target(%arg10 : memref<125x128xf32, #tpu.memory_space<vmem>>) offsets(%dma_start3A_135 : memref<125xi32, #tpu.memory_space<vmem>>) semaphore(%arg13 : memref<!tpu.dma_semaphore, #tpu.memory_space<semaphore_mem>>)
      } else {
      }
      %add3A_121 = arith.constant 1 : i32
      %add3A_122 = arith.addi %add3A_101, %add3A_121 : i32
      %dma_wait3A_123 = arith.constant 0 : i32
      %dma_wait3A_124 = tpu.memref_slice %arg8[%add3A_122, %dma_wait3A_123] : memref<40x125xi32, #tpu.memory_space<vmem>> -> memref<1x125xi32, #tpu.memory_space<vmem>>
      %dma_wait3A_125 = tpu.memref_squeeze %dma_wait3A_124 : memref<1x125xi32, #tpu.memory_space<vmem>> -> memref<125xi32, #tpu.memory_space<vmem>>
      %dma_wait3A_126 = arith.constant 0 : i32
      %dma_wait3A_127 = arith.constant 0 : i32
      %dma_wait3A_128 = tpu.memref_slice %arg2[%dma_wait3A_126, %dma_wait3A_127] : memref<10240x128xf32, #tpu.memory_space<hbm>> -> memref<10240x128xf32, #tpu.memory_space<hbm>>
      tpu.wait_indirect_dma semaphore(%arg14 : memref<!tpu.dma_semaphore, #tpu.memory_space<semaphore_mem>>) src(%dma_wait3A_128 : memref<10240x128xf32, #tpu.memory_space<hbm>>) dst(%arg11 : memref<125x128xf32, #tpu.memory_space<vmem>>)
      %add3A_129 = arith.constant 1 : i32
      %add3A_130 = arith.addi %add3A_101, %add3A_129 : i32
      "tpu.region"() ({
        %run_scoped3A = tpu.sem_alloc : memref<!tpu.dma_semaphore, #tpu.memory_space<semaphore_mem>>
        %dma_start3A_131 = arith.constant 0 : i32
        %dma_start3A_132 = tpu.memref_slice %arg9[%add3A_130, %dma_start3A_131] : memref<40x125xi32, #tpu.memory_space<vmem>> -> memref<1x125xi32, #tpu.memory_space<vmem>>
        %dma_start3A_133 = tpu.memref_squeeze %dma_start3A_132 : memref<1x125xi32, #tpu.memory_space<vmem>> -> memref<125xi32, #tpu.memory_space<vmem>>
        %dma_start3A_134 = arith.constant 0 : i32
        %dma_start3A_135 = arith.constant 0 : i32
        %dma_start3A_136 = tpu.memref_slice %arg12[%dma_start3A_134, %dma_start3A_135] : memref<10240x128xf32, #tpu.memory_space<vmem_shared>> -> memref<10240x128xf32, #tpu.memory_space<vmem_shared>>
        tpu.enqueue_indirect_dma source(%arg11 : memref<125x128xf32, #tpu.memory_space<vmem>>) target(%dma_start3A_136 : memref<10240x128xf32, #tpu.memory_space<vmem_shared>>) offsets(%dma_start3A_133 : memref<125xi32, #tpu.memory_space<vmem>>) semaphore(%run_scoped3A : memref<!tpu.dma_semaphore, #tpu.memory_space<semaphore_mem>>) {add = true}
        %dma_wait3A_137 = arith.constant 0 : i32
        %dma_wait3A_138 = tpu.memref_slice %arg9[%add3A_130, %dma_wait3A_137] : memref<40x125xi32, #tpu.memory_space<vmem>> -> memref<1x125xi32, #tpu.memory_space<vmem>>
        %dma_wait3A_139 = tpu.memref_squeeze %dma_wait3A_138 : memref<1x125xi32, #tpu.memory_space<vmem>> -> memref<125xi32, #tpu.memory_space<vmem>>
        %dma_wait3A_140 = arith.constant 0 : i32
        %dma_wait3A_141 = arith.constant 0 : i32
        %dma_wait3A_142 = tpu.memref_slice %arg12[%dma_wait3A_140, %dma_wait3A_141] : memref<10240x128xf32, #tpu.memory_space<vmem_shared>> -> memref<10240x128xf32, #tpu.memory_space<vmem_shared>>
        tpu.wait_indirect_dma semaphore(%run_scoped3A : memref<!tpu.dma_semaphore, #tpu.memory_space<semaphore_mem>>) src(%arg11 : memref<125x128xf32, #tpu.memory_space<vmem>>) dst(%dma_wait3A_142 : memref<10240x128xf32, #tpu.memory_space<vmem_shared>>)
        tpu.yield
      }) : () -> ()
    }
    %while3A_90 = arith.constant 1 : i32
    scf.for %while3A_99 = %while3A_88 to %while3A_84 step %while3A_90  : i32 {
      %mul3A_100 = arith.muli %while3A_99, %while3A_80 : i32
      %add3A_101 = arith.addi %while3A_81, %mul3A_100 : i32
      %add3A_102 = arith.constant 1 : i32
      %add3A_103 = arith.addi %add3A_101, %add3A_102 : i32
      %dma_start3A_104 = arith.constant 0 : i32
      %dma_start3A_105 = tpu.memref_slice %arg8[%add3A_103, %dma_start3A_104] : memref<40x125xi32, #tpu.memory_space<vmem>> -> memref<1x125xi32, #tpu.memory_space<vmem>>
      %dma_start3A_106 = tpu.memref_squeeze %dma_start3A_105 : memref<1x125xi32, #tpu.memory_space<vmem>> -> memref<125xi32, #tpu.memory_space<vmem>>
      %dma_start3A_107 = arith.constant 0 : i32
      %dma_start3A_108 = arith.constant 0 : i32
      %dma_start3A_109 = tpu.memref_slice %arg2[%dma_start3A_107, %dma_start3A_108] : memref<10240x128xf32, #tpu.memory_space<hbm>> -> memref<10240x128xf32, #tpu.memory_space<hbm>>
      tpu.enqueue_indirect_dma source(%dma_start3A_109 : memref<10240x128xf32, #tpu.memory_space<hbm>>) target(%arg11 : memref<125x128xf32, #tpu.memory_space<vmem>>) offsets(%dma_start3A_106 : memref<125xi32, #tpu.memory_space<vmem>>) semaphore(%arg14 : memref<!tpu.dma_semaphore, #tpu.memory_space<semaphore_mem>>)
      %dma_wait3A = arith.constant 0 : i32
      %dma_wait3A_110 = tpu.memref_slice %arg8[%add3A_101, %dma_wait3A] : memref<40x125xi32, #tpu.memory_space<vmem>> -> memref<1x125xi32, #tpu.memory_space<vmem>>
      %dma_wait3A_111 = tpu.memref_squeeze %dma_wait3A_110 : memref<1x125xi32, #tpu.memory_space<vmem>> -> memref<125xi32, #tpu.memory_space<vmem>>
      %dma_wait3A_112 = arith.constant 0 : i32
      %dma_wait3A_113 = arith.constant 0 : i32
      %dma_wait3A_114 = tpu.memref_slice %arg2[%dma_wait3A_112, %dma_wait3A_113] : memref<10240x128xf32, #tpu.memory_space<hbm>> -> memref<10240x128xf32, #tpu.memory_space<hbm>>
      tpu.wait_indirect_dma semaphore(%arg13 : memref<!tpu.dma_semaphore, #tpu.memory_space<semaphore_mem>>) src(%dma_wait3A_114 : memref<10240x128xf32, #tpu.memory_space<hbm>>) dst(%arg10 : memref<125x128xf32, #tpu.memory_space<vmem>>)
      "tpu.region"() ({
        %run_scoped3A = tpu.sem_alloc : memref<!tpu.dma_semaphore, #tpu.memory_space<semaphore_mem>>
        %dma_start3A_131 = arith.constant 0 : i32
        %dma_start3A_132 = tpu.memref_slice %arg9[%add3A_101, %dma_start3A_131] : memref<40x125xi32, #tpu.memory_space<vmem>> -> memref<1x125xi32, #tpu.memory_space<vmem>>
        %dma_start3A_133 = tpu.memref_squeeze %dma_start3A_132 : memref<1x125xi32, #tpu.memory_space<vmem>> -> memref<125xi32, #tpu.memory_space<vmem>>
        %dma_start3A_134 = arith.constant 0 : i32
        %dma_start3A_135 = arith.constant 0 : i32
        %dma_start3A_136 = tpu.memref_slice %arg12[%dma_start3A_134, %dma_start3A_135] : memref<10240x128xf32, #tpu.memory_space<vmem_shared>> -> memref<10240x128xf32, #tpu.memory_space<vmem_shared>>
        tpu.enqueue_indirect_dma source(%arg10 : memref<125x128xf32, #tpu.memory_space<vmem>>) target(%dma_start3A_136 : memref<10240x128xf32, #tpu.memory_space<vmem_shared>>) offsets(%dma_start3A_133 : memref<125xi32, #tpu.memory_space<vmem>>) semaphore(%run_scoped3A : memref<!tpu.dma_semaphore, #tpu.memory_space<semaphore_mem>>) {add = true}
        %dma_wait3A_137 = arith.constant 0 : i32
        %dma_wait3A_138 = tpu.memref_slice %arg9[%add3A_101, %dma_wait3A_137] : memref<40x125xi32, #tpu.memory_space<vmem>> -> memref<1x125xi32, #tpu.memory_space<vmem>>
        %dma_wait3A_139 = tpu.memref_squeeze %dma_wait3A_138 : memref<1x125xi32, #tpu.memory_space<vmem>> -> memref<125xi32, #tpu.memory_space<vmem>>
        %dma_wait3A_140 = arith.constant 0 : i32
        %dma_wait3A_141 = arith.constant 0 : i32
        %dma_wait3A_142 = tpu.memref_slice %arg12[%dma_wait3A_140, %dma_wait3A_141] : memref<10240x128xf32, #tpu.memory_space<vmem_shared>> -> memref<10240x128xf32, #tpu.memory_space<vmem_shared>>
        tpu.wait_indirect_dma semaphore(%run_scoped3A : memref<!tpu.dma_semaphore, #tpu.memory_space<semaphore_mem>>) src(%arg10 : memref<125x128xf32, #tpu.memory_space<vmem>>) dst(%dma_wait3A_142 : memref<10240x128xf32, #tpu.memory_space<vmem_shared>>)
        tpu.yield
      }) : () -> ()
      %add3A_115 = arith.constant 2 : i32
      %add3A_116 = arith.addi %add3A_101, %add3A_115 : i32
      %lt3A = arith.constant 40 : i32
      %lt3A_117 = arith.cmpi slt, %add3A_116, %lt3A : i32
      %convert_element_type3A_118 = arith.extui %lt3A_117 : i1 to i32
      %cond3A_119 = arith.constant 0 : i32
      %cond3A_120 = arith.cmpi ne, %convert_element_type3A_118, %cond3A_119 : i32
      scf.if %cond3A_120 {
        %add3A_131 = arith.constant 2 : i32
        %add3A_132 = arith.addi %add3A_101, %add3A_131 : i32
        %dma_start3A_133 = arith.constant 0 : i32
        %dma_start3A_134 = tpu.memref_slice %arg8[%add3A_132, %dma_start3A_133] : memref<40x125xi32, #tpu.memory_space<vmem>> -> memref<1x125xi32, #tpu.memory_space<vmem>>
        %dma_start3A_135 = tpu.memref_squeeze %dma_start3A_134 : memref<1x125xi32, #tpu.memory_space<vmem>> -> memref<125xi32, #tpu.memory_space<vmem>>
        %dma_start3A_136 = arith.constant 0 : i32
        %dma_start3A_137 = arith.constant 0 : i32
        %dma_start3A_138 = tpu.memref_slice %arg2[%dma_start3A_136, %dma_start3A_137] : memref<10240x128xf32, #tpu.memory_space<hbm>> -> memref<10240x128xf32, #tpu.memory_space<hbm>>
        tpu.enqueue_indirect_dma source(%dma_start3A_138 : memref<10240x128xf32, #tpu.memory_space<hbm>>) target(%arg10 : memref<125x128xf32, #tpu.memory_space<vmem>>) offsets(%dma_start3A_135 : memref<125xi32, #tpu.memory_space<vmem>>) semaphore(%arg13 : memref<!tpu.dma_semaphore, #tpu.memory_space<semaphore_mem>>)
      } else {
      }
      %add3A_121 = arith.constant 1 : i32
      %add3A_122 = arith.addi %add3A_101, %add3A_121 : i32
      %dma_wait3A_123 = arith.constant 0 : i32
      %dma_wait3A_124 = tpu.memref_slice %arg8[%add3A_122, %dma_wait3A_123] : memref<40x125xi32, #tpu.memory_space<vmem>> -> memref<1x125xi32, #tpu.memory_space<vmem>>
      %dma_wait3A_125 = tpu.memref_squeeze %dma_wait3A_124 : memref<1x125xi32, #tpu.memory_space<vmem>> -> memref<125xi32, #tpu.memory_space<vmem>>
      %dma_wait3A_126 = arith.constant 0 : i32
      %dma_wait3A_127 = arith.constant 0 : i32
      %dma_wait3A_128 = tpu.memref_slice %arg2[%dma_wait3A_126, %dma_wait3A_127] : memref<10240x128xf32, #tpu.memory_space<hbm>> -> memref<10240x128xf32, #tpu.memory_space<hbm>>
      tpu.wait_indirect_dma semaphore(%arg14 : memref<!tpu.dma_semaphore, #tpu.memory_space<semaphore_mem>>) src(%dma_wait3A_128 : memref<10240x128xf32, #tpu.memory_space<hbm>>) dst(%arg11 : memref<125x128xf32, #tpu.memory_space<vmem>>)
      %add3A_129 = arith.constant 1 : i32
      %add3A_130 = arith.addi %add3A_101, %add3A_129 : i32
      "tpu.region"() ({
        %run_scoped3A = tpu.sem_alloc : memref<!tpu.dma_semaphore, #tpu.memory_space<semaphore_mem>>
        %dma_start3A_131 = arith.constant 0 : i32
        %dma_start3A_132 = tpu.memref_slice %arg9[%add3A_130, %dma_start3A_131] : memref<40x125xi32, #tpu.memory_space<vmem>> -> memref<1x125xi32, #tpu.memory_space<vmem>>
        %dma_start3A_133 = tpu.memref_squeeze %dma_start3A_132 : memref<1x125xi32, #tpu.memory_space<vmem>> -> memref<125xi32, #tpu.memory_space<vmem>>
        %dma_start3A_134 = arith.constant 0 : i32
        %dma_start3A_135 = arith.constant 0 : i32
        %dma_start3A_136 = tpu.memref_slice %arg12[%dma_start3A_134, %dma_start3A_135] : memref<10240x128xf32, #tpu.memory_space<vmem_shared>> -> memref<10240x128xf32, #tpu.memory_space<vmem_shared>>
        tpu.enqueue_indirect_dma source(%arg11 : memref<125x128xf32, #tpu.memory_space<vmem>>) target(%dma_start3A_136 : memref<10240x128xf32, #tpu.memory_space<vmem_shared>>) offsets(%dma_start3A_133 : memref<125xi32, #tpu.memory_space<vmem>>) semaphore(%run_scoped3A : memref<!tpu.dma_semaphore, #tpu.memory_space<semaphore_mem>>) {add = true}
        %dma_wait3A_137 = arith.constant 0 : i32
        %dma_wait3A_138 = tpu.memref_slice %arg9[%add3A_130, %dma_wait3A_137] : memref<40x125xi32, #tpu.memory_space<vmem>> -> memref<1x125xi32, #tpu.memory_space<vmem>>
        %dma_wait3A_139 = tpu.memref_squeeze %dma_wait3A_138 : memref<1x125xi32, #tpu.memory_space<vmem>> -> memref<125xi32, #tpu.memory_space<vmem>>
        %dma_wait3A_140 = arith.constant 0 : i32
        %dma_wait3A_141 = arith.constant 0 : i32
        %dma_wait3A_142 = tpu.memref_slice %arg12[%dma_wait3A_140, %dma_wait3A_141] : memref<10240x128xf32, #tpu.memory_space<vmem_shared>> -> memref<10240x128xf32, #tpu.memory_space<vmem_shared>>
        tpu.wait_indirect_dma semaphore(%run_scoped3A : memref<!tpu.dma_semaphore, #tpu.memory_space<semaphore_mem>>) src(%arg11 : memref<125x128xf32, #tpu.memory_space<vmem>>) dst(%dma_wait3A_142 : memref<10240x128xf32, #tpu.memory_space<vmem_shared>>)
        tpu.yield
      }) : () -> ()
    }
    %barrier3A_91 = arith.constant 0 : index
    tpu.barrier barrier_id(%barrier3A_91)
    %eq3A = arith.constant 0 : i32
    %eq3A_92 = arith.cmpi eq, %arg0, %eq3A : i32
    %convert_element_type3A = arith.extui %eq3A_92 : i1 to i32
    %cond3A = arith.constant 0 : i32
    %cond3A_93 = arith.cmpi ne, %convert_element_type3A, %cond3A : i32
    scf.if %cond3A_93 {
      %mul3A_99 = arith.constant 640 : i32
      %mul3A_100 = arith.muli %arg1, %mul3A_99 : i32
      %mul3A_101 = arith.constant 640 : i32
      %mul3A_102 = arith.muli %arg1, %mul3A_101 : i32
      "tpu.region"() ({
        %run_scoped3A = tpu.sem_alloc : memref<!tpu.dma_semaphore, #tpu.memory_space<semaphore_mem>>
        %dma_start3A_103 = arith.constant 0 : i32
        %dma_start3A_104 = tpu.memref_slice %arg6[%mul3A_102, %dma_start3A_103] : memref<10240x128xf32, #tpu.memory_space<hbm>> -> memref<640x128xf32, #tpu.memory_space<hbm>>
        %dma_start3A_105 = arith.constant 0 : i32
        %dma_start3A_106 = tpu.memref_slice %arg12[%mul3A_100, %dma_start3A_105] : memref<10240x128xf32, #tpu.memory_space<vmem_shared>> -> memref<640x128xf32, #tpu.memory_space<vmem_shared>>
        tpu.enqueue_dma source(%dma_start3A_106 : memref<640x128xf32, #tpu.memory_space<vmem_shared>>) target(%dma_start3A_104 : memref<640x128xf32, #tpu.memory_space<hbm>>) target_semaphore(%run_scoped3A : memref<!tpu.dma_semaphore, #tpu.memory_space<semaphore_mem>>)
        %dma_wait3A = arith.constant 0 : i32
        %dma_wait3A_107 = tpu.memref_slice %arg6[%mul3A_102, %dma_wait3A] : memref<10240x128xf32, #tpu.memory_space<hbm>> -> memref<640x128xf32, #tpu.memory_space<hbm>>
        %dma_wait3A_108 = arith.constant 0 : i32
        %dma_wait3A_109 = tpu.memref_slice %arg12[%mul3A_100, %dma_wait3A_108] : memref<10240x128xf32, #tpu.memory_space<vmem_shared>> -> memref<640x128xf32, #tpu.memory_space<vmem_shared>>
        tpu.wait_dma2 semaphore(%run_scoped3A : memref<!tpu.dma_semaphore, #tpu.memory_space<semaphore_mem>>) src(%dma_wait3A_109 : memref<640x128xf32, #tpu.memory_space<vmem_shared>>) dst(%dma_wait3A_107 : memref<640x128xf32, #tpu.memory_space<hbm>>)
        tpu.yield
      }) : () -> ()
    } else {
    }
    %eq3A_94 = arith.constant 1 : i32
    %eq3A_95 = arith.cmpi eq, %arg0, %eq3A_94 : i32
    %convert_element_type3A_96 = arith.extui %eq3A_95 : i1 to i32
    %cond3A_97 = arith.constant 0 : i32
    %cond3A_98 = arith.cmpi ne, %convert_element_type3A_96, %cond3A_97 : i32
    scf.if %cond3A_98 {
      %mul3A_99 = arith.constant 640 : i32
      %mul3A_100 = arith.muli %arg1, %mul3A_99 : i32
      %mul3A_101 = arith.constant 640 : i32
      %mul3A_102 = arith.muli %arg1, %mul3A_101 : i32
      "tpu.region"() ({
        %run_scoped3A = tpu.sem_alloc : memref<!tpu.dma_semaphore, #tpu.memory_space<semaphore_mem>>
        %dma_start3A_103 = arith.constant 0 : i32
        %dma_start3A_104 = tpu.memref_slice %arg7[%mul3A_102, %dma_start3A_103] : memref<10240x128xf32, #tpu.memory_space<hbm>> -> memref<640x128xf32, #tpu.memory_space<hbm>>
        %dma_start3A_105 = arith.constant 0 : i32
        %dma_start3A_106 = tpu.memref_slice %arg12[%mul3A_100, %dma_start3A_105] : memref<10240x128xf32, #tpu.memory_space<vmem_shared>> -> memref<640x128xf32, #tpu.memory_space<vmem_shared>>
        tpu.enqueue_dma source(%dma_start3A_106 : memref<640x128xf32, #tpu.memory_space<vmem_shared>>) target(%dma_start3A_104 : memref<640x128xf32, #tpu.memory_space<hbm>>) target_semaphore(%run_scoped3A : memref<!tpu.dma_semaphore, #tpu.memory_space<semaphore_mem>>)
        %dma_wait3A = arith.constant 0 : i32
        %dma_wait3A_107 = tpu.memref_slice %arg7[%mul3A_102, %dma_wait3A] : memref<10240x128xf32, #tpu.memory_space<hbm>> -> memref<640x128xf32, #tpu.memory_space<hbm>>
        %dma_wait3A_108 = arith.constant 0 : i32
        %dma_wait3A_109 = tpu.memref_slice %arg12[%mul3A_100, %dma_wait3A_108] : memref<10240x128xf32, #tpu.memory_space<vmem_shared>> -> memref<640x128xf32, #tpu.memory_space<vmem_shared>>
        tpu.wait_dma2 semaphore(%run_scoped3A : memref<!tpu.dma_semaphore, #tpu.memory_space<semaphore_mem>>) src(%dma_wait3A_109 : memref<640x128xf32, #tpu.memory_space<vmem_shared>>) dst(%dma_wait3A_107 : memref<640x128xf32, #tpu.memory_space<hbm>>)
        tpu.yield
      }) : () -> ()
    } else {
    }
    return
  }
}

#map = affine_map<(d0, d1) -> (0, 0)>
#map1 = affine_map<(d0, d1) -> (0, 0, 0)>
module attributes {stable_mosaic.version = 14 : i64} {
  func.func @_scatter_body(%arg0: i32, %arg1: i32, %arg2: memref<10240x128xf32, #tpu.memory_space<hbm>>, %arg3: memref<32x80x125xi32, #tpu.memory_space<hbm>>, %arg4: memref<32x80x125xi32, #tpu.memory_space<hbm>>, %arg5: memref<64x128xf32, #tpu.memory_space<hbm>>, %arg6: memref<10240x128xf32, #tpu.memory_space<hbm>>, %arg7: memref<10240x128xf32, #tpu.memory_space<hbm>>, %arg8: memref<40x125xi32, #tpu.memory_space<vmem>>, %arg9: memref<40x125xi32, #tpu.memory_space<vmem>>, %arg10: memref<125x128xf32, #tpu.memory_space<vmem>>, %arg11: memref<125x128xf32, #tpu.memory_space<vmem>>, %arg12: memref<10240x128xf32, #tpu.memory_space<vmem_shared>>, %arg13: memref<!tpu.dma_semaphore, #tpu.memory_space<semaphore_mem>>, %arg14: memref<!tpu.dma_semaphore, #tpu.memory_space<semaphore_mem>>, %arg15: memref<!tpu.dma_semaphore, #tpu.memory_space<semaphore_mem>>, %arg16: memref<!tpu.dma_semaphore, #tpu.memory_space<semaphore_mem>>) attributes {dimension_semantics = [#tpu.dimension_semantics<core_parallel>, #tpu.dimension_semantics<subcore_parallel>], iteration_bounds = array<i64: 2, 16>, scalar_prefetch = 0 : i64, scratch_operands = 9 : i64, tpu.core_type = #tpu.core_type<sc_vector_subcore>, window_params = [{transform_indices = #map}, {transform_indices = #map1}, {transform_indices = #map1}, {transform_indices = #map}, {transform_indices = #map}, {transform_indices = #map}]} {
    %mul3A = arith.constant 16 : i32
    %mul3A_0 = arith.muli %arg0, %mul3A : i32
    %add3A = arith.addi %mul3A_0, %arg1 : i32
    "tpu.region"() ({
      %run_scoped3A = tpu.sem_alloc : memref<!tpu.dma_semaphore, #tpu.memory_space<semaphore_mem>>
      %dma_start3A_99 = arith.constant 0 : i32
      %dma_start3A_100 = arith.constant 0 : i32
      %dma_start3A_101 = tpu.memref_slice %arg3[%add3A, %dma_start3A_99, %dma_start3A_100] : memref<32x80x125xi32, #tpu.memory_space<hbm>> -> memref<1x40x125xi32, #tpu.memory_space<hbm>>
      %dma_start3A_102 = tpu.memref_squeeze %dma_start3A_101 : memref<1x40x125xi32, #tpu.memory_space<hbm>> -> memref<40x125xi32, #tpu.memory_space<hbm>>
      %dma_start3A_103 = arith.constant 0 : i32
      %dma_start3A_104 = arith.constant 0 : i32
      %dma_start3A_105 = tpu.memref_slice %arg3[%add3A, %dma_start3A_103, %dma_start3A_104] : memref<32x80x125xi32, #tpu.memory_space<hbm>> -> memref<1x40x125xi32, #tpu.memory_space<hbm>>
      %dma_start3A_106 = tpu.memref_squeeze %dma_start3A_105 : memref<1x40x125xi32, #tpu.memory_space<hbm>> -> memref<40x125xi32, #tpu.memory_space<hbm>>
      tpu.enqueue_dma source(%dma_start3A_106 : memref<40x125xi32, #tpu.memory_space<hbm>>) target(%arg8 : memref<40x125xi32, #tpu.memory_space<vmem>>) target_semaphore(%run_scoped3A : memref<!tpu.dma_semaphore, #tpu.memory_space<semaphore_mem>>)
      %dma_wait3A = arith.constant 0 : i32
      %dma_wait3A_107 = arith.constant 0 : i32
      %dma_wait3A_108 = tpu.memref_slice %arg3[%add3A, %dma_wait3A, %dma_wait3A_107] : memref<32x80x125xi32, #tpu.memory_space<hbm>> -> memref<1x40x125xi32, #tpu.memory_space<hbm>>
      %dma_wait3A_109 = tpu.memref_squeeze %dma_wait3A_108 : memref<1x40x125xi32, #tpu.memory_space<hbm>> -> memref<40x125xi32, #tpu.memory_space<hbm>>
      %dma_wait3A_110 = arith.constant 0 : i32
      %dma_wait3A_111 = arith.constant 0 : i32
      %dma_wait3A_112 = tpu.memref_slice %arg3[%add3A, %dma_wait3A_110, %dma_wait3A_111] : memref<32x80x125xi32, #tpu.memory_space<hbm>> -> memref<1x40x125xi32, #tpu.memory_space<hbm>>
      %dma_wait3A_113 = tpu.memref_squeeze %dma_wait3A_112 : memref<1x40x125xi32, #tpu.memory_space<hbm>> -> memref<40x125xi32, #tpu.memory_space<hbm>>
      tpu.wait_dma2 semaphore(%run_scoped3A : memref<!tpu.dma_semaphore, #tpu.memory_space<semaphore_mem>>) src(%dma_wait3A_113 : memref<40x125xi32, #tpu.memory_space<hbm>>) dst(%arg8 : memref<40x125xi32, #tpu.memory_space<vmem>>)
      tpu.yield
    }) : () -> ()
    "tpu.region"() ({
      %run_scoped3A = tpu.sem_alloc : memref<!tpu.dma_semaphore, #tpu.memory_space<semaphore_mem>>
      %dma_start3A_99 = arith.constant 0 : i32
      %dma_start3A_100 = arith.constant 0 : i32
      %dma_start3A_101 = tpu.memref_slice %arg4[%add3A, %dma_start3A_99, %dma_start3A_100] : memref<32x80x125xi32, #tpu.memory_space<hbm>> -> memref<1x40x125xi32, #tpu.memory_space<hbm>>
      %dma_start3A_102 = tpu.memref_squeeze %dma_start3A_101 : memref<1x40x125xi32, #tpu.memory_space<hbm>> -> memref<40x125xi32, #tpu.memory_space<hbm>>
      %dma_start3A_103 = arith.constant 0 : i32
      %dma_start3A_104 = arith.constant 0 : i32
      %dma_start3A_105 = tpu.memref_slice %arg4[%add3A, %dma_start3A_103, %dma_start3A_104] : memref<32x80x125xi32, #tpu.memory_space<hbm>> -> memref<1x40x125xi32, #tpu.memory_space<hbm>>
      %dma_start3A_106 = tpu.memref_squeeze %dma_start3A_105 : memref<1x40x125xi32, #tpu.memory_space<hbm>> -> memref<40x125xi32, #tpu.memory_space<hbm>>
      tpu.enqueue_dma source(%dma_start3A_106 : memref<40x125xi32, #tpu.memory_space<hbm>>) target(%arg9 : memref<40x125xi32, #tpu.memory_space<vmem>>) target_semaphore(%run_scoped3A : memref<!tpu.dma_semaphore, #tpu.memory_space<semaphore_mem>>)
      %dma_wait3A = arith.constant 0 : i32
      %dma_wait3A_107 = arith.constant 0 : i32
      %dma_wait3A_108 = tpu.memref_slice %arg4[%add3A, %dma_wait3A, %dma_wait3A_107] : memref<32x80x125xi32, #tpu.memory_space<hbm>> -> memref<1x40x125xi32, #tpu.memory_space<hbm>>
      %dma_wait3A_109 = tpu.memref_squeeze %dma_wait3A_108 : memref<1x40x125xi32, #tpu.memory_space<hbm>> -> memref<40x125xi32, #tpu.memory_space<hbm>>
      %dma_wait3A_110 = arith.constant 0 : i32
      %dma_wait3A_111 = arith.constant 0 : i32
      %dma_wait3A_112 = tpu.memref_slice %arg4[%add3A, %dma_wait3A_110, %dma_wait3A_111] : memref<32x80x125xi32, #tpu.memory_space<hbm>> -> memref<1x40x125xi32, #tpu.memory_space<hbm>>
      %dma_wait3A_113 = tpu.memref_squeeze %dma_wait3A_112 : memref<1x40x125xi32, #tpu.memory_space<hbm>> -> memref<40x125xi32, #tpu.memory_space<hbm>>
      tpu.wait_dma2 semaphore(%run_scoped3A : memref<!tpu.dma_semaphore, #tpu.memory_space<semaphore_mem>>) src(%dma_wait3A_113 : memref<40x125xi32, #tpu.memory_space<hbm>>) dst(%arg9 : memref<40x125xi32, #tpu.memory_space<vmem>>)
      tpu.yield
    }) : () -> ()
    %dma_start3A = arith.constant 0 : i32
    %dma_start3A_1 = arith.constant 0 : i32
    %dma_start3A_2 = tpu.memref_slice %arg8[%dma_start3A, %dma_start3A_1] : memref<40x125xi32, #tpu.memory_space<vmem>> -> memref<1x125xi32, #tpu.memory_space<vmem>>
    %dma_start3A_3 = tpu.memref_squeeze %dma_start3A_2 : memref<1x125xi32, #tpu.memory_space<vmem>> -> memref<125xi32, #tpu.memory_space<vmem>>
    %dma_start3A_4 = arith.constant 0 : i32
    %dma_start3A_5 = arith.constant 0 : i32
    %dma_start3A_6 = tpu.memref_slice %arg2[%dma_start3A_4, %dma_start3A_5] : memref<10240x128xf32, #tpu.memory_space<hbm>> -> memref<10240x128xf32, #tpu.memory_space<hbm>>
    tpu.enqueue_indirect_dma source(%dma_start3A_6 : memref<10240x128xf32, #tpu.memory_space<hbm>>) target(%arg10 : memref<125x128xf32, #tpu.memory_space<vmem>>) offsets(%dma_start3A_3 : memref<125xi32, #tpu.memory_space<vmem>>) semaphore(%arg13 : memref<!tpu.dma_semaphore, #tpu.memory_space<semaphore_mem>>)
    "tpu.region"() ({
      %run_scoped3A = tpu.sem_alloc : memref<!tpu.dma_semaphore, #tpu.memory_space<semaphore_mem>>
      %dma_start3A_99 = arith.constant 0 : i32
      %dma_start3A_100 = arith.constant 0 : i32
      %dma_start3A_101 = tpu.memref_slice %arg11[%dma_start3A_99, %dma_start3A_100] : memref<125x128xf32, #tpu.memory_space<vmem>> -> memref<64x128xf32, #tpu.memory_space<vmem>>
      %dma_start3A_102 = arith.constant 0 : i32
      %dma_start3A_103 = arith.constant 0 : i32
      %dma_start3A_104 = tpu.memref_slice %arg11[%dma_start3A_102, %dma_start3A_103] : memref<125x128xf32, #tpu.memory_space<vmem>> -> memref<64x128xf32, #tpu.memory_space<vmem>>
      tpu.enqueue_dma source(%arg5 : memref<64x128xf32, #tpu.memory_space<hbm>>) target(%dma_start3A_104 : memref<64x128xf32, #tpu.memory_space<vmem>>) target_semaphore(%run_scoped3A : memref<!tpu.dma_semaphore, #tpu.memory_space<semaphore_mem>>)
      %dma_wait3A = arith.constant 0 : i32
      %dma_wait3A_105 = arith.constant 0 : i32
      %dma_wait3A_106 = tpu.memref_slice %arg11[%dma_wait3A, %dma_wait3A_105] : memref<125x128xf32, #tpu.memory_space<vmem>> -> memref<64x128xf32, #tpu.memory_space<vmem>>
      %dma_wait3A_107 = arith.constant 0 : i32
      %dma_wait3A_108 = arith.constant 0 : i32
      %dma_wait3A_109 = tpu.memref_slice %arg11[%dma_wait3A_107, %dma_wait3A_108] : memref<125x128xf32, #tpu.memory_space<vmem>> -> memref<64x128xf32, #tpu.memory_space<vmem>>
      tpu.wait_dma2 semaphore(%run_scoped3A : memref<!tpu.dma_semaphore, #tpu.memory_space<semaphore_mem>>) src(%arg5 : memref<64x128xf32, #tpu.memory_space<hbm>>) dst(%dma_wait3A_109 : memref<64x128xf32, #tpu.memory_space<vmem>>)
      tpu.yield
    }) : () -> ()
    %mul3A_7 = arith.constant 640 : i32
    %mul3A_8 = arith.muli %arg1, %mul3A_7 : i32
    %add3A_9 = arith.constant 0 : i32
    %add3A_10 = arith.addi %mul3A_8, %add3A_9 : i32
    "tpu.region"() ({
      %run_scoped3A = tpu.sem_alloc : memref<!tpu.dma_semaphore, #tpu.memory_space<semaphore_mem>>
      %dma_start3A_99 = arith.constant 0 : i32
      %dma_start3A_100 = arith.constant 0 : i32
      %dma_start3A_101 = tpu.memref_slice %arg11[%dma_start3A_99, %dma_start3A_100] : memref<125x128xf32, #tpu.memory_space<vmem>> -> memref<64x128xf32, #tpu.memory_space<vmem>>
      %dma_start3A_102 = arith.constant 0 : i32
      %dma_start3A_103 = tpu.memref_slice %arg12[%add3A_10, %dma_start3A_102] : memref<10240x128xf32, #tpu.memory_space<vmem_shared>> -> memref<64x128xf32, #tpu.memory_space<vmem_shared>>
      %dma_start3A_104 = arith.constant 0 : i32
      %dma_start3A_105 = tpu.memref_slice %arg12[%add3A_10, %dma_start3A_104] : memref<10240x128xf32, #tpu.memory_space<vmem_shared>> -> memref<64x128xf32, #tpu.memory_space<vmem_shared>>
      %dma_start3A_106 = arith.constant 0 : i32
      %dma_start3A_107 = arith.constant 0 : i32
      %dma_start3A_108 = tpu.memref_slice %arg11[%dma_start3A_106, %dma_start3A_107] : memref<125x128xf32, #tpu.memory_space<vmem>> -> memref<64x128xf32, #tpu.memory_space<vmem>>
      tpu.enqueue_dma source(%dma_start3A_108 : memref<64x128xf32, #tpu.memory_space<vmem>>) target(%dma_start3A_105 : memref<64x128xf32, #tpu.memory_space<vmem_shared>>) target_semaphore(%run_scoped3A : memref<!tpu.dma_semaphore, #tpu.memory_space<semaphore_mem>>)
      %dma_wait3A = arith.constant 0 : i32
      %dma_wait3A_109 = arith.constant 0 : i32
      %dma_wait3A_110 = tpu.memref_slice %arg11[%dma_wait3A, %dma_wait3A_109] : memref<125x128xf32, #tpu.memory_space<vmem>> -> memref<64x128xf32, #tpu.memory_space<vmem>>
      %dma_wait3A_111 = arith.constant 0 : i32
      %dma_wait3A_112 = tpu.memref_slice %arg12[%add3A_10, %dma_wait3A_111] : memref<10240x128xf32, #tpu.memory_space<vmem_shared>> -> memref<64x128xf32, #tpu.memory_space<vmem_shared>>
      %dma_wait3A_113 = arith.constant 0 : i32
      %dma_wait3A_114 = tpu.memref_slice %arg12[%add3A_10, %dma_wait3A_113] : memref<10240x128xf32, #tpu.memory_space<vmem_shared>> -> memref<64x128xf32, #tpu.memory_space<vmem_shared>>
      %dma_wait3A_115 = arith.constant 0 : i32
      %dma_wait3A_116 = arith.constant 0 : i32
      %dma_wait3A_117 = tpu.memref_slice %arg11[%dma_wait3A_115, %dma_wait3A_116] : memref<125x128xf32, #tpu.memory_space<vmem>> -> memref<64x128xf32, #tpu.memory_space<vmem>>
      tpu.wait_dma2 semaphore(%run_scoped3A : memref<!tpu.dma_semaphore, #tpu.memory_space<semaphore_mem>>) src(%dma_wait3A_117 : memref<64x128xf32, #tpu.memory_space<vmem>>) dst(%dma_wait3A_114 : memref<64x128xf32, #tpu.memory_space<vmem_shared>>)
      tpu.yield
    }) : () -> ()
    %mul3A_11 = arith.constant 640 : i32
    %mul3A_12 = arith.muli %arg1, %mul3A_11 : i32
    %add3A_13 = arith.constant 64 : i32
    %add3A_14 = arith.addi %mul3A_12, %add3A_13 : i32
    "tpu.region"() ({
      %run_scoped3A = tpu.sem_alloc : memref<!tpu.dma_semaphore, #tpu.memory_space<semaphore_mem>>
      %dma_start3A_99 = arith.constant 0 : i32
      %dma_start3A_100 = arith.constant 0 : i32
      %dma_start3A_101 = tpu.memref_slice %arg11[%dma_start3A_99, %dma_start3A_100] : memref<125x128xf32, #tpu.memory_space<vmem>> -> memref<64x128xf32, #tpu.memory_space<vmem>>
      %dma_start3A_102 = arith.constant 0 : i32
      %dma_start3A_103 = tpu.memref_slice %arg12[%add3A_14, %dma_start3A_102] : memref<10240x128xf32, #tpu.memory_space<vmem_shared>> -> memref<64x128xf32, #tpu.memory_space<vmem_shared>>
      %dma_start3A_104 = arith.constant 0 : i32
      %dma_start3A_105 = tpu.memref_slice %arg12[%add3A_14, %dma_start3A_104] : memref<10240x128xf32, #tpu.memory_space<vmem_shared>> -> memref<64x128xf32, #tpu.memory_space<vmem_shared>>
      %dma_start3A_106 = arith.constant 0 : i32
      %dma_start3A_107 = arith.constant 0 : i32
      %dma_start3A_108 = tpu.memref_slice %arg11[%dma_start3A_106, %dma_start3A_107] : memref<125x128xf32, #tpu.memory_space<vmem>> -> memref<64x128xf32, #tpu.memory_space<vmem>>
      tpu.enqueue_dma source(%dma_start3A_108 : memref<64x128xf32, #tpu.memory_space<vmem>>) target(%dma_start3A_105 : memref<64x128xf32, #tpu.memory_space<vmem_shared>>) target_semaphore(%run_scoped3A : memref<!tpu.dma_semaphore, #tpu.memory_space<semaphore_mem>>)
      %dma_wait3A = arith.constant 0 : i32
      %dma_wait3A_109 = arith.constant 0 : i32
      %dma_wait3A_110 = tpu.memref_slice %arg11[%dma_wait3A, %dma_wait3A_109] : memref<125x128xf32, #tpu.memory_space<vmem>> -> memref<64x128xf32, #tpu.memory_space<vmem>>
      %dma_wait3A_111 = arith.constant 0 : i32
      %dma_wait3A_112 = tpu.memref_slice %arg12[%add3A_14, %dma_wait3A_111] : memref<10240x128xf32, #tpu.memory_space<vmem_shared>> -> memref<64x128xf32, #tpu.memory_space<vmem_shared>>
      %dma_wait3A_113 = arith.constant 0 : i32
      %dma_wait3A_114 = tpu.memref_slice %arg12[%add3A_14, %dma_wait3A_113] : memref<10240x128xf32, #tpu.memory_space<vmem_shared>> -> memref<64x128xf32, #tpu.memory_space<vmem_shared>>
      %dma_wait3A_115 = arith.constant 0 : i32
      %dma_wait3A_116 = arith.constant 0 : i32
      %dma_wait3A_117 = tpu.memref_slice %arg11[%dma_wait3A_115, %dma_wait3A_116] : memref<125x128xf32, #tpu.memory_space<vmem>> -> memref<64x128xf32, #tpu.memory_space<vmem>>
      tpu.wait_dma2 semaphore(%run_scoped3A : memref<!tpu.dma_semaphore, #tpu.memory_space<semaphore_mem>>) src(%dma_wait3A_117 : memref<64x128xf32, #tpu.memory_space<vmem>>) dst(%dma_wait3A_114 : memref<64x128xf32, #tpu.memory_space<vmem_shared>>)
      tpu.yield
    }) : () -> ()
    %mul3A_15 = arith.constant 640 : i32
    %mul3A_16 = arith.muli %arg1, %mul3A_15 : i32
    %add3A_17 = arith.constant 128 : i32
    %add3A_18 = arith.addi %mul3A_16, %add3A_17 : i32
    "tpu.region"() ({
      %run_scoped3A = tpu.sem_alloc : memref<!tpu.dma_semaphore, #tpu.memory_space<semaphore_mem>>
      %dma_start3A_99 = arith.constant 0 : i32
      %dma_start3A_100 = arith.constant 0 : i32
      %dma_start3A_101 = tpu.memref_slice %arg11[%dma_start3A_99, %dma_start3A_100] : memref<125x128xf32, #tpu.memory_space<vmem>> -> memref<64x128xf32, #tpu.memory_space<vmem>>
      %dma_start3A_102 = arith.constant 0 : i32
      %dma_start3A_103 = tpu.memref_slice %arg12[%add3A_18, %dma_start3A_102] : memref<10240x128xf32, #tpu.memory_space<vmem_shared>> -> memref<64x128xf32, #tpu.memory_space<vmem_shared>>
      %dma_start3A_104 = arith.constant 0 : i32
      %dma_start3A_105 = tpu.memref_slice %arg12[%add3A_18, %dma_start3A_104] : memref<10240x128xf32, #tpu.memory_space<vmem_shared>> -> memref<64x128xf32, #tpu.memory_space<vmem_shared>>
      %dma_start3A_106 = arith.constant 0 : i32
      %dma_start3A_107 = arith.constant 0 : i32
      %dma_start3A_108 = tpu.memref_slice %arg11[%dma_start3A_106, %dma_start3A_107] : memref<125x128xf32, #tpu.memory_space<vmem>> -> memref<64x128xf32, #tpu.memory_space<vmem>>
      tpu.enqueue_dma source(%dma_start3A_108 : memref<64x128xf32, #tpu.memory_space<vmem>>) target(%dma_start3A_105 : memref<64x128xf32, #tpu.memory_space<vmem_shared>>) target_semaphore(%run_scoped3A : memref<!tpu.dma_semaphore, #tpu.memory_space<semaphore_mem>>)
      %dma_wait3A = arith.constant 0 : i32
      %dma_wait3A_109 = arith.constant 0 : i32
      %dma_wait3A_110 = tpu.memref_slice %arg11[%dma_wait3A, %dma_wait3A_109] : memref<125x128xf32, #tpu.memory_space<vmem>> -> memref<64x128xf32, #tpu.memory_space<vmem>>
      %dma_wait3A_111 = arith.constant 0 : i32
      %dma_wait3A_112 = tpu.memref_slice %arg12[%add3A_18, %dma_wait3A_111] : memref<10240x128xf32, #tpu.memory_space<vmem_shared>> -> memref<64x128xf32, #tpu.memory_space<vmem_shared>>
      %dma_wait3A_113 = arith.constant 0 : i32
      %dma_wait3A_114 = tpu.memref_slice %arg12[%add3A_18, %dma_wait3A_113] : memref<10240x128xf32, #tpu.memory_space<vmem_shared>> -> memref<64x128xf32, #tpu.memory_space<vmem_shared>>
      %dma_wait3A_115 = arith.constant 0 : i32
      %dma_wait3A_116 = arith.constant 0 : i32
      %dma_wait3A_117 = tpu.memref_slice %arg11[%dma_wait3A_115, %dma_wait3A_116] : memref<125x128xf32, #tpu.memory_space<vmem>> -> memref<64x128xf32, #tpu.memory_space<vmem>>
      tpu.wait_dma2 semaphore(%run_scoped3A : memref<!tpu.dma_semaphore, #tpu.memory_space<semaphore_mem>>) src(%dma_wait3A_117 : memref<64x128xf32, #tpu.memory_space<vmem>>) dst(%dma_wait3A_114 : memref<64x128xf32, #tpu.memory_space<vmem_shared>>)
      tpu.yield
    }) : () -> ()
    %mul3A_19 = arith.constant 640 : i32
    %mul3A_20 = arith.muli %arg1, %mul3A_19 : i32
    %add3A_21 = arith.constant 192 : i32
    %add3A_22 = arith.addi %mul3A_20, %add3A_21 : i32
    "tpu.region"() ({
      %run_scoped3A = tpu.sem_alloc : memref<!tpu.dma_semaphore, #tpu.memory_space<semaphore_mem>>
      %dma_start3A_99 = arith.constant 0 : i32
      %dma_start3A_100 = arith.constant 0 : i32
      %dma_start3A_101 = tpu.memref_slice %arg11[%dma_start3A_99, %dma_start3A_100] : memref<125x128xf32, #tpu.memory_space<vmem>> -> memref<64x128xf32, #tpu.memory_space<vmem>>
      %dma_start3A_102 = arith.constant 0 : i32
      %dma_start3A_103 = tpu.memref_slice %arg12[%add3A_22, %dma_start3A_102] : memref<10240x128xf32, #tpu.memory_space<vmem_shared>> -> memref<64x128xf32, #tpu.memory_space<vmem_shared>>
      %dma_start3A_104 = arith.constant 0 : i32
      %dma_start3A_105 = tpu.memref_slice %arg12[%add3A_22, %dma_start3A_104] : memref<10240x128xf32, #tpu.memory_space<vmem_shared>> -> memref<64x128xf32, #tpu.memory_space<vmem_shared>>
      %dma_start3A_106 = arith.constant 0 : i32
      %dma_start3A_107 = arith.constant 0 : i32
      %dma_start3A_108 = tpu.memref_slice %arg11[%dma_start3A_106, %dma_start3A_107] : memref<125x128xf32, #tpu.memory_space<vmem>> -> memref<64x128xf32, #tpu.memory_space<vmem>>
      tpu.enqueue_dma source(%dma_start3A_108 : memref<64x128xf32, #tpu.memory_space<vmem>>) target(%dma_start3A_105 : memref<64x128xf32, #tpu.memory_space<vmem_shared>>) target_semaphore(%run_scoped3A : memref<!tpu.dma_semaphore, #tpu.memory_space<semaphore_mem>>)
      %dma_wait3A = arith.constant 0 : i32
      %dma_wait3A_109 = arith.constant 0 : i32
      %dma_wait3A_110 = tpu.memref_slice %arg11[%dma_wait3A, %dma_wait3A_109] : memref<125x128xf32, #tpu.memory_space<vmem>> -> memref<64x128xf32, #tpu.memory_space<vmem>>
      %dma_wait3A_111 = arith.constant 0 : i32
      %dma_wait3A_112 = tpu.memref_slice %arg12[%add3A_22, %dma_wait3A_111] : memref<10240x128xf32, #tpu.memory_space<vmem_shared>> -> memref<64x128xf32, #tpu.memory_space<vmem_shared>>
      %dma_wait3A_113 = arith.constant 0 : i32
      %dma_wait3A_114 = tpu.memref_slice %arg12[%add3A_22, %dma_wait3A_113] : memref<10240x128xf32, #tpu.memory_space<vmem_shared>> -> memref<64x128xf32, #tpu.memory_space<vmem_shared>>
      %dma_wait3A_115 = arith.constant 0 : i32
      %dma_wait3A_116 = arith.constant 0 : i32
      %dma_wait3A_117 = tpu.memref_slice %arg11[%dma_wait3A_115, %dma_wait3A_116] : memref<125x128xf32, #tpu.memory_space<vmem>> -> memref<64x128xf32, #tpu.memory_space<vmem>>
      tpu.wait_dma2 semaphore(%run_scoped3A : memref<!tpu.dma_semaphore, #tpu.memory_space<semaphore_mem>>) src(%dma_wait3A_117 : memref<64x128xf32, #tpu.memory_space<vmem>>) dst(%dma_wait3A_114 : memref<64x128xf32, #tpu.memory_space<vmem_shared>>)
      tpu.yield
    }) : () -> ()
    %mul3A_23 = arith.constant 640 : i32
    %mul3A_24 = arith.muli %arg1, %mul3A_23 : i32
    %add3A_25 = arith.constant 256 : i32
    %add3A_26 = arith.addi %mul3A_24, %add3A_25 : i32
    "tpu.region"() ({
      %run_scoped3A = tpu.sem_alloc : memref<!tpu.dma_semaphore, #tpu.memory_space<semaphore_mem>>
      %dma_start3A_99 = arith.constant 0 : i32
      %dma_start3A_100 = arith.constant 0 : i32
      %dma_start3A_101 = tpu.memref_slice %arg11[%dma_start3A_99, %dma_start3A_100] : memref<125x128xf32, #tpu.memory_space<vmem>> -> memref<64x128xf32, #tpu.memory_space<vmem>>
      %dma_start3A_102 = arith.constant 0 : i32
      %dma_start3A_103 = tpu.memref_slice %arg12[%add3A_26, %dma_start3A_102] : memref<10240x128xf32, #tpu.memory_space<vmem_shared>> -> memref<64x128xf32, #tpu.memory_space<vmem_shared>>
      %dma_start3A_104 = arith.constant 0 : i32
      %dma_start3A_105 = tpu.memref_slice %arg12[%add3A_26, %dma_start3A_104] : memref<10240x128xf32, #tpu.memory_space<vmem_shared>> -> memref<64x128xf32, #tpu.memory_space<vmem_shared>>
      %dma_start3A_106 = arith.constant 0 : i32
      %dma_start3A_107 = arith.constant 0 : i32
      %dma_start3A_108 = tpu.memref_slice %arg11[%dma_start3A_106, %dma_start3A_107] : memref<125x128xf32, #tpu.memory_space<vmem>> -> memref<64x128xf32, #tpu.memory_space<vmem>>
      tpu.enqueue_dma source(%dma_start3A_108 : memref<64x128xf32, #tpu.memory_space<vmem>>) target(%dma_start3A_105 : memref<64x128xf32, #tpu.memory_space<vmem_shared>>) target_semaphore(%run_scoped3A : memref<!tpu.dma_semaphore, #tpu.memory_space<semaphore_mem>>)
      %dma_wait3A = arith.constant 0 : i32
      %dma_wait3A_109 = arith.constant 0 : i32
      %dma_wait3A_110 = tpu.memref_slice %arg11[%dma_wait3A, %dma_wait3A_109] : memref<125x128xf32, #tpu.memory_space<vmem>> -> memref<64x128xf32, #tpu.memory_space<vmem>>
      %dma_wait3A_111 = arith.constant 0 : i32
      %dma_wait3A_112 = tpu.memref_slice %arg12[%add3A_26, %dma_wait3A_111] : memref<10240x128xf32, #tpu.memory_space<vmem_shared>> -> memref<64x128xf32, #tpu.memory_space<vmem_shared>>
      %dma_wait3A_113 = arith.constant 0 : i32
      %dma_wait3A_114 = tpu.memref_slice %arg12[%add3A_26, %dma_wait3A_113] : memref<10240x128xf32, #tpu.memory_space<vmem_shared>> -> memref<64x128xf32, #tpu.memory_space<vmem_shared>>
      %dma_wait3A_115 = arith.constant 0 : i32
      %dma_wait3A_116 = arith.constant 0 : i32
      %dma_wait3A_117 = tpu.memref_slice %arg11[%dma_wait3A_115, %dma_wait3A_116] : memref<125x128xf32, #tpu.memory_space<vmem>> -> memref<64x128xf32, #tpu.memory_space<vmem>>
      tpu.wait_dma2 semaphore(%run_scoped3A : memref<!tpu.dma_semaphore, #tpu.memory_space<semaphore_mem>>) src(%dma_wait3A_117 : memref<64x128xf32, #tpu.memory_space<vmem>>) dst(%dma_wait3A_114 : memref<64x128xf32, #tpu.memory_space<vmem_shared>>)
      tpu.yield
    }) : () -> ()
    %mul3A_27 = arith.constant 640 : i32
    %mul3A_28 = arith.muli %arg1, %mul3A_27 : i32
    %add3A_29 = arith.constant 320 : i32
    %add3A_30 = arith.addi %mul3A_28, %add3A_29 : i32
    "tpu.region"() ({
      %run_scoped3A = tpu.sem_alloc : memref<!tpu.dma_semaphore, #tpu.memory_space<semaphore_mem>>
      %dma_start3A_99 = arith.constant 0 : i32
      %dma_start3A_100 = arith.constant 0 : i32
      %dma_start3A_101 = tpu.memref_slice %arg11[%dma_start3A_99, %dma_start3A_100] : memref<125x128xf32, #tpu.memory_space<vmem>> -> memref<64x128xf32, #tpu.memory_space<vmem>>
      %dma_start3A_102 = arith.constant 0 : i32
      %dma_start3A_103 = tpu.memref_slice %arg12[%add3A_30, %dma_start3A_102] : memref<10240x128xf32, #tpu.memory_space<vmem_shared>> -> memref<64x128xf32, #tpu.memory_space<vmem_shared>>
      %dma_start3A_104 = arith.constant 0 : i32
      %dma_start3A_105 = tpu.memref_slice %arg12[%add3A_30, %dma_start3A_104] : memref<10240x128xf32, #tpu.memory_space<vmem_shared>> -> memref<64x128xf32, #tpu.memory_space<vmem_shared>>
      %dma_start3A_106 = arith.constant 0 : i32
      %dma_start3A_107 = arith.constant 0 : i32
      %dma_start3A_108 = tpu.memref_slice %arg11[%dma_start3A_106, %dma_start3A_107] : memref<125x128xf32, #tpu.memory_space<vmem>> -> memref<64x128xf32, #tpu.memory_space<vmem>>
      tpu.enqueue_dma source(%dma_start3A_108 : memref<64x128xf32, #tpu.memory_space<vmem>>) target(%dma_start3A_105 : memref<64x128xf32, #tpu.memory_space<vmem_shared>>) target_semaphore(%run_scoped3A : memref<!tpu.dma_semaphore, #tpu.memory_space<semaphore_mem>>)
      %dma_wait3A = arith.constant 0 : i32
      %dma_wait3A_109 = arith.constant 0 : i32
      %dma_wait3A_110 = tpu.memref_slice %arg11[%dma_wait3A, %dma_wait3A_109] : memref<125x128xf32, #tpu.memory_space<vmem>> -> memref<64x128xf32, #tpu.memory_space<vmem>>
      %dma_wait3A_111 = arith.constant 0 : i32
      %dma_wait3A_112 = tpu.memref_slice %arg12[%add3A_30, %dma_wait3A_111] : memref<10240x128xf32, #tpu.memory_space<vmem_shared>> -> memref<64x128xf32, #tpu.memory_space<vmem_shared>>
      %dma_wait3A_113 = arith.constant 0 : i32
      %dma_wait3A_114 = tpu.memref_slice %arg12[%add3A_30, %dma_wait3A_113] : memref<10240x128xf32, #tpu.memory_space<vmem_shared>> -> memref<64x128xf32, #tpu.memory_space<vmem_shared>>
      %dma_wait3A_115 = arith.constant 0 : i32
      %dma_wait3A_116 = arith.constant 0 : i32
      %dma_wait3A_117 = tpu.memref_slice %arg11[%dma_wait3A_115, %dma_wait3A_116] : memref<125x128xf32, #tpu.memory_space<vmem>> -> memref<64x128xf32, #tpu.memory_space<vmem>>
      tpu.wait_dma2 semaphore(%run_scoped3A : memref<!tpu.dma_semaphore, #tpu.memory_space<semaphore_mem>>) src(%dma_wait3A_117 : memref<64x128xf32, #tpu.memory_space<vmem>>) dst(%dma_wait3A_114 : memref<64x128xf32, #tpu.memory_space<vmem_shared>>)
      tpu.yield
    }) : () -> ()
    %mul3A_31 = arith.constant 640 : i32
    %mul3A_32 = arith.muli %arg1, %mul3A_31 : i32
    %add3A_33 = arith.constant 384 : i32
    %add3A_34 = arith.addi %mul3A_32, %add3A_33 : i32
    "tpu.region"() ({
      %run_scoped3A = tpu.sem_alloc : memref<!tpu.dma_semaphore, #tpu.memory_space<semaphore_mem>>
      %dma_start3A_99 = arith.constant 0 : i32
      %dma_start3A_100 = arith.constant 0 : i32
      %dma_start3A_101 = tpu.memref_slice %arg11[%dma_start3A_99, %dma_start3A_100] : memref<125x128xf32, #tpu.memory_space<vmem>> -> memref<64x128xf32, #tpu.memory_space<vmem>>
      %dma_start3A_102 = arith.constant 0 : i32
      %dma_start3A_103 = tpu.memref_slice %arg12[%add3A_34, %dma_start3A_102] : memref<10240x128xf32, #tpu.memory_space<vmem_shared>> -> memref<64x128xf32, #tpu.memory_space<vmem_shared>>
      %dma_start3A_104 = arith.constant 0 : i32
      %dma_start3A_105 = tpu.memref_slice %arg12[%add3A_34, %dma_start3A_104] : memref<10240x128xf32, #tpu.memory_space<vmem_shared>> -> memref<64x128xf32, #tpu.memory_space<vmem_shared>>
      %dma_start3A_106 = arith.constant 0 : i32
      %dma_start3A_107 = arith.constant 0 : i32
      %dma_start3A_108 = tpu.memref_slice %arg11[%dma_start3A_106, %dma_start3A_107] : memref<125x128xf32, #tpu.memory_space<vmem>> -> memref<64x128xf32, #tpu.memory_space<vmem>>
      tpu.enqueue_dma source(%dma_start3A_108 : memref<64x128xf32, #tpu.memory_space<vmem>>) target(%dma_start3A_105 : memref<64x128xf32, #tpu.memory_space<vmem_shared>>) target_semaphore(%run_scoped3A : memref<!tpu.dma_semaphore, #tpu.memory_space<semaphore_mem>>)
      %dma_wait3A = arith.constant 0 : i32
      %dma_wait3A_109 = arith.constant 0 : i32
      %dma_wait3A_110 = tpu.memref_slice %arg11[%dma_wait3A, %dma_wait3A_109] : memref<125x128xf32, #tpu.memory_space<vmem>> -> memref<64x128xf32, #tpu.memory_space<vmem>>
      %dma_wait3A_111 = arith.constant 0 : i32
      %dma_wait3A_112 = tpu.memref_slice %arg12[%add3A_34, %dma_wait3A_111] : memref<10240x128xf32, #tpu.memory_space<vmem_shared>> -> memref<64x128xf32, #tpu.memory_space<vmem_shared>>
      %dma_wait3A_113 = arith.constant 0 : i32
      %dma_wait3A_114 = tpu.memref_slice %arg12[%add3A_34, %dma_wait3A_113] : memref<10240x128xf32, #tpu.memory_space<vmem_shared>> -> memref<64x128xf32, #tpu.memory_space<vmem_shared>>
      %dma_wait3A_115 = arith.constant 0 : i32
      %dma_wait3A_116 = arith.constant 0 : i32
      %dma_wait3A_117 = tpu.memref_slice %arg11[%dma_wait3A_115, %dma_wait3A_116] : memref<125x128xf32, #tpu.memory_space<vmem>> -> memref<64x128xf32, #tpu.memory_space<vmem>>
      tpu.wait_dma2 semaphore(%run_scoped3A : memref<!tpu.dma_semaphore, #tpu.memory_space<semaphore_mem>>) src(%dma_wait3A_117 : memref<64x128xf32, #tpu.memory_space<vmem>>) dst(%dma_wait3A_114 : memref<64x128xf32, #tpu.memory_space<vmem_shared>>)
      tpu.yield
    }) : () -> ()
    %mul3A_35 = arith.constant 640 : i32
    %mul3A_36 = arith.muli %arg1, %mul3A_35 : i32
    %add3A_37 = arith.constant 448 : i32
    %add3A_38 = arith.addi %mul3A_36, %add3A_37 : i32
    "tpu.region"() ({
      %run_scoped3A = tpu.sem_alloc : memref<!tpu.dma_semaphore, #tpu.memory_space<semaphore_mem>>
      %dma_start3A_99 = arith.constant 0 : i32
      %dma_start3A_100 = arith.constant 0 : i32
      %dma_start3A_101 = tpu.memref_slice %arg11[%dma_start3A_99, %dma_start3A_100] : memref<125x128xf32, #tpu.memory_space<vmem>> -> memref<64x128xf32, #tpu.memory_space<vmem>>
      %dma_start3A_102 = arith.constant 0 : i32
      %dma_start3A_103 = tpu.memref_slice %arg12[%add3A_38, %dma_start3A_102] : memref<10240x128xf32, #tpu.memory_space<vmem_shared>> -> memref<64x128xf32, #tpu.memory_space<vmem_shared>>
      %dma_start3A_104 = arith.constant 0 : i32
      %dma_start3A_105 = tpu.memref_slice %arg12[%add3A_38, %dma_start3A_104] : memref<10240x128xf32, #tpu.memory_space<vmem_shared>> -> memref<64x128xf32, #tpu.memory_space<vmem_shared>>
      %dma_start3A_106 = arith.constant 0 : i32
      %dma_start3A_107 = arith.constant 0 : i32
      %dma_start3A_108 = tpu.memref_slice %arg11[%dma_start3A_106, %dma_start3A_107] : memref<125x128xf32, #tpu.memory_space<vmem>> -> memref<64x128xf32, #tpu.memory_space<vmem>>
      tpu.enqueue_dma source(%dma_start3A_108 : memref<64x128xf32, #tpu.memory_space<vmem>>) target(%dma_start3A_105 : memref<64x128xf32, #tpu.memory_space<vmem_shared>>) target_semaphore(%run_scoped3A : memref<!tpu.dma_semaphore, #tpu.memory_space<semaphore_mem>>)
      %dma_wait3A = arith.constant 0 : i32
      %dma_wait3A_109 = arith.constant 0 : i32
      %dma_wait3A_110 = tpu.memref_slice %arg11[%dma_wait3A, %dma_wait3A_109] : memref<125x128xf32, #tpu.memory_space<vmem>> -> memref<64x128xf32, #tpu.memory_space<vmem>>
      %dma_wait3A_111 = arith.constant 0 : i32
      %dma_wait3A_112 = tpu.memref_slice %arg12[%add3A_38, %dma_wait3A_111] : memref<10240x128xf32, #tpu.memory_space<vmem_shared>> -> memref<64x128xf32, #tpu.memory_space<vmem_shared>>
      %dma_wait3A_113 = arith.constant 0 : i32
      %dma_wait3A_114 = tpu.memref_slice %arg12[%add3A_38, %dma_wait3A_113] : memref<10240x128xf32, #tpu.memory_space<vmem_shared>> -> memref<64x128xf32, #tpu.memory_space<vmem_shared>>
      %dma_wait3A_115 = arith.constant 0 : i32
      %dma_wait3A_116 = arith.constant 0 : i32
      %dma_wait3A_117 = tpu.memref_slice %arg11[%dma_wait3A_115, %dma_wait3A_116] : memref<125x128xf32, #tpu.memory_space<vmem>> -> memref<64x128xf32, #tpu.memory_space<vmem>>
      tpu.wait_dma2 semaphore(%run_scoped3A : memref<!tpu.dma_semaphore, #tpu.memory_space<semaphore_mem>>) src(%dma_wait3A_117 : memref<64x128xf32, #tpu.memory_space<vmem>>) dst(%dma_wait3A_114 : memref<64x128xf32, #tpu.memory_space<vmem_shared>>)
      tpu.yield
    }) : () -> ()
    %mul3A_39 = arith.constant 640 : i32
    %mul3A_40 = arith.muli %arg1, %mul3A_39 : i32
    %add3A_41 = arith.constant 512 : i32
    %add3A_42 = arith.addi %mul3A_40, %add3A_41 : i32
    "tpu.region"() ({
      %run_scoped3A = tpu.sem_alloc : memref<!tpu.dma_semaphore, #tpu.memory_space<semaphore_mem>>
      %dma_start3A_99 = arith.constant 0 : i32
      %dma_start3A_100 = arith.constant 0 : i32
      %dma_start3A_101 = tpu.memref_slice %arg11[%dma_start3A_99, %dma_start3A_100] : memref<125x128xf32, #tpu.memory_space<vmem>> -> memref<64x128xf32, #tpu.memory_space<vmem>>
      %dma_start3A_102 = arith.constant 0 : i32
      %dma_start3A_103 = tpu.memref_slice %arg12[%add3A_42, %dma_start3A_102] : memref<10240x128xf32, #tpu.memory_space<vmem_shared>> -> memref<64x128xf32, #tpu.memory_space<vmem_shared>>
      %dma_start3A_104 = arith.constant 0 : i32
      %dma_start3A_105 = tpu.memref_slice %arg12[%add3A_42, %dma_start3A_104] : memref<10240x128xf32, #tpu.memory_space<vmem_shared>> -> memref<64x128xf32, #tpu.memory_space<vmem_shared>>
      %dma_start3A_106 = arith.constant 0 : i32
      %dma_start3A_107 = arith.constant 0 : i32
      %dma_start3A_108 = tpu.memref_slice %arg11[%dma_start3A_106, %dma_start3A_107] : memref<125x128xf32, #tpu.memory_space<vmem>> -> memref<64x128xf32, #tpu.memory_space<vmem>>
      tpu.enqueue_dma source(%dma_start3A_108 : memref<64x128xf32, #tpu.memory_space<vmem>>) target(%dma_start3A_105 : memref<64x128xf32, #tpu.memory_space<vmem_shared>>) target_semaphore(%run_scoped3A : memref<!tpu.dma_semaphore, #tpu.memory_space<semaphore_mem>>)
      %dma_wait3A = arith.constant 0 : i32
      %dma_wait3A_109 = arith.constant 0 : i32
      %dma_wait3A_110 = tpu.memref_slice %arg11[%dma_wait3A, %dma_wait3A_109] : memref<125x128xf32, #tpu.memory_space<vmem>> -> memref<64x128xf32, #tpu.memory_space<vmem>>
      %dma_wait3A_111 = arith.constant 0 : i32
      %dma_wait3A_112 = tpu.memref_slice %arg12[%add3A_42, %dma_wait3A_111] : memref<10240x128xf32, #tpu.memory_space<vmem_shared>> -> memref<64x128xf32, #tpu.memory_space<vmem_shared>>
      %dma_wait3A_113 = arith.constant 0 : i32
      %dma_wait3A_114 = tpu.memref_slice %arg12[%add3A_42, %dma_wait3A_113] : memref<10240x128xf32, #tpu.memory_space<vmem_shared>> -> memref<64x128xf32, #tpu.memory_space<vmem_shared>>
      %dma_wait3A_115 = arith.constant 0 : i32
      %dma_wait3A_116 = arith.constant 0 : i32
      %dma_wait3A_117 = tpu.memref_slice %arg11[%dma_wait3A_115, %dma_wait3A_116] : memref<125x128xf32, #tpu.memory_space<vmem>> -> memref<64x128xf32, #tpu.memory_space<vmem>>
      tpu.wait_dma2 semaphore(%run_scoped3A : memref<!tpu.dma_semaphore, #tpu.memory_space<semaphore_mem>>) src(%dma_wait3A_117 : memref<64x128xf32, #tpu.memory_space<vmem>>) dst(%dma_wait3A_114 : memref<64x128xf32, #tpu.memory_space<vmem_shared>>)
      tpu.yield
    }) : () -> ()
    %mul3A_43 = arith.constant 640 : i32
    %mul3A_44 = arith.muli %arg1, %mul3A_43 : i32
    %add3A_45 = arith.constant 576 : i32
    %add3A_46 = arith.addi %mul3A_44, %add3A_45 : i32
    "tpu.region"() ({
      %run_scoped3A = tpu.sem_alloc : memref<!tpu.dma_semaphore, #tpu.memory_space<semaphore_mem>>
      %dma_start3A_99 = arith.constant 0 : i32
      %dma_start3A_100 = arith.constant 0 : i32
      %dma_start3A_101 = tpu.memref_slice %arg11[%dma_start3A_99, %dma_start3A_100] : memref<125x128xf32, #tpu.memory_space<vmem>> -> memref<64x128xf32, #tpu.memory_space<vmem>>
      %dma_start3A_102 = arith.constant 0 : i32
      %dma_start3A_103 = tpu.memref_slice %arg12[%add3A_46, %dma_start3A_102] : memref<10240x128xf32, #tpu.memory_space<vmem_shared>> -> memref<64x128xf32, #tpu.memory_space<vmem_shared>>
      %dma_start3A_104 = arith.constant 0 : i32
      %dma_start3A_105 = tpu.memref_slice %arg12[%add3A_46, %dma_start3A_104] : memref<10240x128xf32, #tpu.memory_space<vmem_shared>> -> memref<64x128xf32, #tpu.memory_space<vmem_shared>>
      %dma_start3A_106 = arith.constant 0 : i32
      %dma_start3A_107 = arith.constant 0 : i32
      %dma_start3A_108 = tpu.memref_slice %arg11[%dma_start3A_106, %dma_start3A_107] : memref<125x128xf32, #tpu.memory_space<vmem>> -> memref<64x128xf32, #tpu.memory_space<vmem>>
      tpu.enqueue_dma source(%dma_start3A_108 : memref<64x128xf32, #tpu.memory_space<vmem>>) target(%dma_start3A_105 : memref<64x128xf32, #tpu.memory_space<vmem_shared>>) target_semaphore(%run_scoped3A : memref<!tpu.dma_semaphore, #tpu.memory_space<semaphore_mem>>)
      %dma_wait3A = arith.constant 0 : i32
      %dma_wait3A_109 = arith.constant 0 : i32
      %dma_wait3A_110 = tpu.memref_slice %arg11[%dma_wait3A, %dma_wait3A_109] : memref<125x128xf32, #tpu.memory_space<vmem>> -> memref<64x128xf32, #tpu.memory_space<vmem>>
      %dma_wait3A_111 = arith.constant 0 : i32
      %dma_wait3A_112 = tpu.memref_slice %arg12[%add3A_46, %dma_wait3A_111] : memref<10240x128xf32, #tpu.memory_space<vmem_shared>> -> memref<64x128xf32, #tpu.memory_space<vmem_shared>>
      %dma_wait3A_113 = arith.constant 0 : i32
      %dma_wait3A_114 = tpu.memref_slice %arg12[%add3A_46, %dma_wait3A_113] : memref<10240x128xf32, #tpu.memory_space<vmem_shared>> -> memref<64x128xf32, #tpu.memory_space<vmem_shared>>
      %dma_wait3A_115 = arith.constant 0 : i32
      %dma_wait3A_116 = arith.constant 0 : i32
      %dma_wait3A_117 = tpu.memref_slice %arg11[%dma_wait3A_115, %dma_wait3A_116] : memref<125x128xf32, #tpu.memory_space<vmem>> -> memref<64x128xf32, #tpu.memory_space<vmem>>
      tpu.wait_dma2 semaphore(%run_scoped3A : memref<!tpu.dma_semaphore, #tpu.memory_space<semaphore_mem>>) src(%dma_wait3A_117 : memref<64x128xf32, #tpu.memory_space<vmem>>) dst(%dma_wait3A_114 : memref<64x128xf32, #tpu.memory_space<vmem_shared>>)
      tpu.yield
    }) : () -> ()
    %barrier3A = arith.constant 0 : index
    tpu.barrier barrier_id(%barrier3A)
    %sub3A = arith.constant 40 : i32
    %sub3A_47 = arith.constant 0 : i32
    %sub3A_48 = arith.subi %sub3A, %sub3A_47 : i32
    %sub3A_49 = arith.constant 2 : i32
    %sub3A_50 = arith.constant 1 : i32
    %sub3A_51 = arith.subi %sub3A_49, %sub3A_50 : i32
    %add3A_52 = arith.addi %sub3A_48, %sub3A_51 : i32
    %div3A = arith.constant 2 : i32
    %div3A_53 = arith.divsi %add3A_52, %div3A : i32
    %while3A = arith.constant 2 : i32
    %while3A_54 = arith.constant 0 : i32
    %while3A_55 = arith.constant 0 : i32
    %while3A_56 = arith.subi %div3A_53, %while3A_55 : i32
    %while3A_57 = arith.addi %while3A_55, %while3A_56 : i32
    %while3A_58 = arith.constant 1 : i32
    %while3A_59 = arith.divsi %while3A_56, %while3A_58 : i32
    %while3A_60 = arith.muli %while3A_59, %while3A_58 : i32
    %while3A_61 = arith.addi %while3A_55, %while3A_60 : i32
    %while3A_62 = arith.constant 1 : i32
    scf.for %while3A_99 = %while3A_55 to %while3A_61 step %while3A_62  : i32 {
      %mul3A_100 = arith.muli %while3A_99, %while3A : i32
      %add3A_101 = arith.addi %while3A_54, %mul3A_100 : i32
      %add3A_102 = arith.constant 1 : i32
      %add3A_103 = arith.addi %add3A_101, %add3A_102 : i32
      %dma_start3A_104 = arith.constant 0 : i32
      %dma_start3A_105 = tpu.memref_slice %arg8[%add3A_103, %dma_start3A_104] : memref<40x125xi32, #tpu.memory_space<vmem>> -> memref<1x125xi32, #tpu.memory_space<vmem>>
      %dma_start3A_106 = tpu.memref_squeeze %dma_start3A_105 : memref<1x125xi32, #tpu.memory_space<vmem>> -> memref<125xi32, #tpu.memory_space<vmem>>
      %dma_start3A_107 = arith.constant 0 : i32
      %dma_start3A_108 = arith.constant 0 : i32
      %dma_start3A_109 = tpu.memref_slice %arg2[%dma_start3A_107, %dma_start3A_108] : memref<10240x128xf32, #tpu.memory_space<hbm>> -> memref<10240x128xf32, #tpu.memory_space<hbm>>
      tpu.enqueue_indirect_dma source(%dma_start3A_109 : memref<10240x128xf32, #tpu.memory_space<hbm>>) target(%arg11 : memref<125x128xf32, #tpu.memory_space<vmem>>) offsets(%dma_start3A_106 : memref<125xi32, #tpu.memory_space<vmem>>) semaphore(%arg14 : memref<!tpu.dma_semaphore, #tpu.memory_space<semaphore_mem>>)
      %dma_wait3A = arith.constant 0 : i32
      %dma_wait3A_110 = tpu.memref_slice %arg8[%add3A_101, %dma_wait3A] : memref<40x125xi32, #tpu.memory_space<vmem>> -> memref<1x125xi32, #tpu.memory_space<vmem>>
      %dma_wait3A_111 = tpu.memref_squeeze %dma_wait3A_110 : memref<1x125xi32, #tpu.memory_space<vmem>> -> memref<125xi32, #tpu.memory_space<vmem>>
      %dma_wait3A_112 = arith.constant 0 : i32
      %dma_wait3A_113 = arith.constant 0 : i32
      %dma_wait3A_114 = tpu.memref_slice %arg2[%dma_wait3A_112, %dma_wait3A_113] : memref<10240x128xf32, #tpu.memory_space<hbm>> -> memref<10240x128xf32, #tpu.memory_space<hbm>>
      tpu.wait_indirect_dma semaphore(%arg13 : memref<!tpu.dma_semaphore, #tpu.memory_space<semaphore_mem>>) src(%dma_wait3A_114 : memref<10240x128xf32, #tpu.memory_space<hbm>>) dst(%arg10 : memref<125x128xf32, #tpu.memory_space<vmem>>)
      "tpu.region"() ({
        %run_scoped3A = tpu.sem_alloc : memref<!tpu.dma_semaphore, #tpu.memory_space<semaphore_mem>>
        %dma_start3A_131 = arith.constant 0 : i32
        %dma_start3A_132 = tpu.memref_slice %arg9[%add3A_101, %dma_start3A_131] : memref<40x125xi32, #tpu.memory_space<vmem>> -> memref<1x125xi32, #tpu.memory_space<vmem>>
        %dma_start3A_133 = tpu.memref_squeeze %dma_start3A_132 : memref<1x125xi32, #tpu.memory_space<vmem>> -> memref<125xi32, #tpu.memory_space<vmem>>
        %dma_start3A_134 = arith.constant 0 : i32
        %dma_start3A_135 = arith.constant 0 : i32
        %dma_start3A_136 = tpu.memref_slice %arg12[%dma_start3A_134, %dma_start3A_135] : memref<10240x128xf32, #tpu.memory_space<vmem_shared>> -> memref<10240x128xf32, #tpu.memory_space<vmem_shared>>
        tpu.enqueue_indirect_dma source(%arg10 : memref<125x128xf32, #tpu.memory_space<vmem>>) target(%dma_start3A_136 : memref<10240x128xf32, #tpu.memory_space<vmem_shared>>) offsets(%dma_start3A_133 : memref<125xi32, #tpu.memory_space<vmem>>) semaphore(%run_scoped3A : memref<!tpu.dma_semaphore, #tpu.memory_space<semaphore_mem>>) {add = true}
        %dma_wait3A_137 = arith.constant 0 : i32
        %dma_wait3A_138 = tpu.memref_slice %arg9[%add3A_101, %dma_wait3A_137] : memref<40x125xi32, #tpu.memory_space<vmem>> -> memref<1x125xi32, #tpu.memory_space<vmem>>
        %dma_wait3A_139 = tpu.memref_squeeze %dma_wait3A_138 : memref<1x125xi32, #tpu.memory_space<vmem>> -> memref<125xi32, #tpu.memory_space<vmem>>
        %dma_wait3A_140 = arith.constant 0 : i32
        %dma_wait3A_141 = arith.constant 0 : i32
        %dma_wait3A_142 = tpu.memref_slice %arg12[%dma_wait3A_140, %dma_wait3A_141] : memref<10240x128xf32, #tpu.memory_space<vmem_shared>> -> memref<10240x128xf32, #tpu.memory_space<vmem_shared>>
        tpu.wait_indirect_dma semaphore(%run_scoped3A : memref<!tpu.dma_semaphore, #tpu.memory_space<semaphore_mem>>) src(%arg10 : memref<125x128xf32, #tpu.memory_space<vmem>>) dst(%dma_wait3A_142 : memref<10240x128xf32, #tpu.memory_space<vmem_shared>>)
        tpu.yield
      }) : () -> ()
      %add3A_115 = arith.constant 2 : i32
      %add3A_116 = arith.addi %add3A_101, %add3A_115 : i32
      %lt3A = arith.constant 40 : i32
      %lt3A_117 = arith.cmpi slt, %add3A_116, %lt3A : i32
      %convert_element_type3A_118 = arith.extui %lt3A_117 : i1 to i32
      %cond3A_119 = arith.constant 0 : i32
      %cond3A_120 = arith.cmpi ne, %convert_element_type3A_118, %cond3A_119 : i32
      scf.if %cond3A_120 {
        %add3A_131 = arith.constant 2 : i32
        %add3A_132 = arith.addi %add3A_101, %add3A_131 : i32
        %dma_start3A_133 = arith.constant 0 : i32
        %dma_start3A_134 = tpu.memref_slice %arg8[%add3A_132, %dma_start3A_133] : memref<40x125xi32, #tpu.memory_space<vmem>> -> memref<1x125xi32, #tpu.memory_space<vmem>>
        %dma_start3A_135 = tpu.memref_squeeze %dma_start3A_134 : memref<1x125xi32, #tpu.memory_space<vmem>> -> memref<125xi32, #tpu.memory_space<vmem>>
        %dma_start3A_136 = arith.constant 0 : i32
        %dma_start3A_137 = arith.constant 0 : i32
        %dma_start3A_138 = tpu.memref_slice %arg2[%dma_start3A_136, %dma_start3A_137] : memref<10240x128xf32, #tpu.memory_space<hbm>> -> memref<10240x128xf32, #tpu.memory_space<hbm>>
        tpu.enqueue_indirect_dma source(%dma_start3A_138 : memref<10240x128xf32, #tpu.memory_space<hbm>>) target(%arg10 : memref<125x128xf32, #tpu.memory_space<vmem>>) offsets(%dma_start3A_135 : memref<125xi32, #tpu.memory_space<vmem>>) semaphore(%arg13 : memref<!tpu.dma_semaphore, #tpu.memory_space<semaphore_mem>>)
      } else {
      }
      %add3A_121 = arith.constant 1 : i32
      %add3A_122 = arith.addi %add3A_101, %add3A_121 : i32
      %dma_wait3A_123 = arith.constant 0 : i32
      %dma_wait3A_124 = tpu.memref_slice %arg8[%add3A_122, %dma_wait3A_123] : memref<40x125xi32, #tpu.memory_space<vmem>> -> memref<1x125xi32, #tpu.memory_space<vmem>>
      %dma_wait3A_125 = tpu.memref_squeeze %dma_wait3A_124 : memref<1x125xi32, #tpu.memory_space<vmem>> -> memref<125xi32, #tpu.memory_space<vmem>>
      %dma_wait3A_126 = arith.constant 0 : i32
      %dma_wait3A_127 = arith.constant 0 : i32
      %dma_wait3A_128 = tpu.memref_slice %arg2[%dma_wait3A_126, %dma_wait3A_127] : memref<10240x128xf32, #tpu.memory_space<hbm>> -> memref<10240x128xf32, #tpu.memory_space<hbm>>
      tpu.wait_indirect_dma semaphore(%arg14 : memref<!tpu.dma_semaphore, #tpu.memory_space<semaphore_mem>>) src(%dma_wait3A_128 : memref<10240x128xf32, #tpu.memory_space<hbm>>) dst(%arg11 : memref<125x128xf32, #tpu.memory_space<vmem>>)
      %add3A_129 = arith.constant 1 : i32
      %add3A_130 = arith.addi %add3A_101, %add3A_129 : i32
      "tpu.region"() ({
        %run_scoped3A = tpu.sem_alloc : memref<!tpu.dma_semaphore, #tpu.memory_space<semaphore_mem>>
        %dma_start3A_131 = arith.constant 0 : i32
        %dma_start3A_132 = tpu.memref_slice %arg9[%add3A_130, %dma_start3A_131] : memref<40x125xi32, #tpu.memory_space<vmem>> -> memref<1x125xi32, #tpu.memory_space<vmem>>
        %dma_start3A_133 = tpu.memref_squeeze %dma_start3A_132 : memref<1x125xi32, #tpu.memory_space<vmem>> -> memref<125xi32, #tpu.memory_space<vmem>>
        %dma_start3A_134 = arith.constant 0 : i32
        %dma_start3A_135 = arith.constant 0 : i32
        %dma_start3A_136 = tpu.memref_slice %arg12[%dma_start3A_134, %dma_start3A_135] : memref<10240x128xf32, #tpu.memory_space<vmem_shared>> -> memref<10240x128xf32, #tpu.memory_space<vmem_shared>>
        tpu.enqueue_indirect_dma source(%arg11 : memref<125x128xf32, #tpu.memory_space<vmem>>) target(%dma_start3A_136 : memref<10240x128xf32, #tpu.memory_space<vmem_shared>>) offsets(%dma_start3A_133 : memref<125xi32, #tpu.memory_space<vmem>>) semaphore(%run_scoped3A : memref<!tpu.dma_semaphore, #tpu.memory_space<semaphore_mem>>) {add = true}
        %dma_wait3A_137 = arith.constant 0 : i32
        %dma_wait3A_138 = tpu.memref_slice %arg9[%add3A_130, %dma_wait3A_137] : memref<40x125xi32, #tpu.memory_space<vmem>> -> memref<1x125xi32, #tpu.memory_space<vmem>>
        %dma_wait3A_139 = tpu.memref_squeeze %dma_wait3A_138 : memref<1x125xi32, #tpu.memory_space<vmem>> -> memref<125xi32, #tpu.memory_space<vmem>>
        %dma_wait3A_140 = arith.constant 0 : i32
        %dma_wait3A_141 = arith.constant 0 : i32
        %dma_wait3A_142 = tpu.memref_slice %arg12[%dma_wait3A_140, %dma_wait3A_141] : memref<10240x128xf32, #tpu.memory_space<vmem_shared>> -> memref<10240x128xf32, #tpu.memory_space<vmem_shared>>
        tpu.wait_indirect_dma semaphore(%run_scoped3A : memref<!tpu.dma_semaphore, #tpu.memory_space<semaphore_mem>>) src(%arg11 : memref<125x128xf32, #tpu.memory_space<vmem>>) dst(%dma_wait3A_142 : memref<10240x128xf32, #tpu.memory_space<vmem_shared>>)
        tpu.yield
      }) : () -> ()
    }
    %while3A_63 = arith.constant 1 : i32
    scf.for %while3A_99 = %while3A_61 to %while3A_57 step %while3A_63  : i32 {
      %mul3A_100 = arith.muli %while3A_99, %while3A : i32
      %add3A_101 = arith.addi %while3A_54, %mul3A_100 : i32
      %add3A_102 = arith.constant 1 : i32
      %add3A_103 = arith.addi %add3A_101, %add3A_102 : i32
      %dma_start3A_104 = arith.constant 0 : i32
      %dma_start3A_105 = tpu.memref_slice %arg8[%add3A_103, %dma_start3A_104] : memref<40x125xi32, #tpu.memory_space<vmem>> -> memref<1x125xi32, #tpu.memory_space<vmem>>
      %dma_start3A_106 = tpu.memref_squeeze %dma_start3A_105 : memref<1x125xi32, #tpu.memory_space<vmem>> -> memref<125xi32, #tpu.memory_space<vmem>>
      %dma_start3A_107 = arith.constant 0 : i32
      %dma_start3A_108 = arith.constant 0 : i32
      %dma_start3A_109 = tpu.memref_slice %arg2[%dma_start3A_107, %dma_start3A_108] : memref<10240x128xf32, #tpu.memory_space<hbm>> -> memref<10240x128xf32, #tpu.memory_space<hbm>>
      tpu.enqueue_indirect_dma source(%dma_start3A_109 : memref<10240x128xf32, #tpu.memory_space<hbm>>) target(%arg11 : memref<125x128xf32, #tpu.memory_space<vmem>>) offsets(%dma_start3A_106 : memref<125xi32, #tpu.memory_space<vmem>>) semaphore(%arg14 : memref<!tpu.dma_semaphore, #tpu.memory_space<semaphore_mem>>)
      %dma_wait3A = arith.constant 0 : i32
      %dma_wait3A_110 = tpu.memref_slice %arg8[%add3A_101, %dma_wait3A] : memref<40x125xi32, #tpu.memory_space<vmem>> -> memref<1x125xi32, #tpu.memory_space<vmem>>
      %dma_wait3A_111 = tpu.memref_squeeze %dma_wait3A_110 : memref<1x125xi32, #tpu.memory_space<vmem>> -> memref<125xi32, #tpu.memory_space<vmem>>
      %dma_wait3A_112 = arith.constant 0 : i32
      %dma_wait3A_113 = arith.constant 0 : i32
      %dma_wait3A_114 = tpu.memref_slice %arg2[%dma_wait3A_112, %dma_wait3A_113] : memref<10240x128xf32, #tpu.memory_space<hbm>> -> memref<10240x128xf32, #tpu.memory_space<hbm>>
      tpu.wait_indirect_dma semaphore(%arg13 : memref<!tpu.dma_semaphore, #tpu.memory_space<semaphore_mem>>) src(%dma_wait3A_114 : memref<10240x128xf32, #tpu.memory_space<hbm>>) dst(%arg10 : memref<125x128xf32, #tpu.memory_space<vmem>>)
      "tpu.region"() ({
        %run_scoped3A = tpu.sem_alloc : memref<!tpu.dma_semaphore, #tpu.memory_space<semaphore_mem>>
        %dma_start3A_131 = arith.constant 0 : i32
        %dma_start3A_132 = tpu.memref_slice %arg9[%add3A_101, %dma_start3A_131] : memref<40x125xi32, #tpu.memory_space<vmem>> -> memref<1x125xi32, #tpu.memory_space<vmem>>
        %dma_start3A_133 = tpu.memref_squeeze %dma_start3A_132 : memref<1x125xi32, #tpu.memory_space<vmem>> -> memref<125xi32, #tpu.memory_space<vmem>>
        %dma_start3A_134 = arith.constant 0 : i32
        %dma_start3A_135 = arith.constant 0 : i32
        %dma_start3A_136 = tpu.memref_slice %arg12[%dma_start3A_134, %dma_start3A_135] : memref<10240x128xf32, #tpu.memory_space<vmem_shared>> -> memref<10240x128xf32, #tpu.memory_space<vmem_shared>>
        tpu.enqueue_indirect_dma source(%arg10 : memref<125x128xf32, #tpu.memory_space<vmem>>) target(%dma_start3A_136 : memref<10240x128xf32, #tpu.memory_space<vmem_shared>>) offsets(%dma_start3A_133 : memref<125xi32, #tpu.memory_space<vmem>>) semaphore(%run_scoped3A : memref<!tpu.dma_semaphore, #tpu.memory_space<semaphore_mem>>) {add = true}
        %dma_wait3A_137 = arith.constant 0 : i32
        %dma_wait3A_138 = tpu.memref_slice %arg9[%add3A_101, %dma_wait3A_137] : memref<40x125xi32, #tpu.memory_space<vmem>> -> memref<1x125xi32, #tpu.memory_space<vmem>>
        %dma_wait3A_139 = tpu.memref_squeeze %dma_wait3A_138 : memref<1x125xi32, #tpu.memory_space<vmem>> -> memref<125xi32, #tpu.memory_space<vmem>>
        %dma_wait3A_140 = arith.constant 0 : i32
        %dma_wait3A_141 = arith.constant 0 : i32
        %dma_wait3A_142 = tpu.memref_slice %arg12[%dma_wait3A_140, %dma_wait3A_141] : memref<10240x128xf32, #tpu.memory_space<vmem_shared>> -> memref<10240x128xf32, #tpu.memory_space<vmem_shared>>
        tpu.wait_indirect_dma semaphore(%run_scoped3A : memref<!tpu.dma_semaphore, #tpu.memory_space<semaphore_mem>>) src(%arg10 : memref<125x128xf32, #tpu.memory_space<vmem>>) dst(%dma_wait3A_142 : memref<10240x128xf32, #tpu.memory_space<vmem_shared>>)
        tpu.yield
      }) : () -> ()
      %add3A_115 = arith.constant 2 : i32
      %add3A_116 = arith.addi %add3A_101, %add3A_115 : i32
      %lt3A = arith.constant 40 : i32
      %lt3A_117 = arith.cmpi slt, %add3A_116, %lt3A : i32
      %convert_element_type3A_118 = arith.extui %lt3A_117 : i1 to i32
      %cond3A_119 = arith.constant 0 : i32
      %cond3A_120 = arith.cmpi ne, %convert_element_type3A_118, %cond3A_119 : i32
      scf.if %cond3A_120 {
        %add3A_131 = arith.constant 2 : i32
        %add3A_132 = arith.addi %add3A_101, %add3A_131 : i32
        %dma_start3A_133 = arith.constant 0 : i32
        %dma_start3A_134 = tpu.memref_slice %arg8[%add3A_132, %dma_start3A_133] : memref<40x125xi32, #tpu.memory_space<vmem>> -> memref<1x125xi32, #tpu.memory_space<vmem>>
        %dma_start3A_135 = tpu.memref_squeeze %dma_start3A_134 : memref<1x125xi32, #tpu.memory_space<vmem>> -> memref<125xi32, #tpu.memory_space<vmem>>
        %dma_start3A_136 = arith.constant 0 : i32
        %dma_start3A_137 = arith.constant 0 : i32
        %dma_start3A_138 = tpu.memref_slice %arg2[%dma_start3A_136, %dma_start3A_137] : memref<10240x128xf32, #tpu.memory_space<hbm>> -> memref<10240x128xf32, #tpu.memory_space<hbm>>
        tpu.enqueue_indirect_dma source(%dma_start3A_138 : memref<10240x128xf32, #tpu.memory_space<hbm>>) target(%arg10 : memref<125x128xf32, #tpu.memory_space<vmem>>) offsets(%dma_start3A_135 : memref<125xi32, #tpu.memory_space<vmem>>) semaphore(%arg13 : memref<!tpu.dma_semaphore, #tpu.memory_space<semaphore_mem>>)
      } else {
      }
      %add3A_121 = arith.constant 1 : i32
      %add3A_122 = arith.addi %add3A_101, %add3A_121 : i32
      %dma_wait3A_123 = arith.constant 0 : i32
      %dma_wait3A_124 = tpu.memref_slice %arg8[%add3A_122, %dma_wait3A_123] : memref<40x125xi32, #tpu.memory_space<vmem>> -> memref<1x125xi32, #tpu.memory_space<vmem>>
      %dma_wait3A_125 = tpu.memref_squeeze %dma_wait3A_124 : memref<1x125xi32, #tpu.memory_space<vmem>> -> memref<125xi32, #tpu.memory_space<vmem>>
      %dma_wait3A_126 = arith.constant 0 : i32
      %dma_wait3A_127 = arith.constant 0 : i32
      %dma_wait3A_128 = tpu.memref_slice %arg2[%dma_wait3A_126, %dma_wait3A_127] : memref<10240x128xf32, #tpu.memory_space<hbm>> -> memref<10240x128xf32, #tpu.memory_space<hbm>>
      tpu.wait_indirect_dma semaphore(%arg14 : memref<!tpu.dma_semaphore, #tpu.memory_space<semaphore_mem>>) src(%dma_wait3A_128 : memref<10240x128xf32, #tpu.memory_space<hbm>>) dst(%arg11 : memref<125x128xf32, #tpu.memory_space<vmem>>)
      %add3A_129 = arith.constant 1 : i32
      %add3A_130 = arith.addi %add3A_101, %add3A_129 : i32
      "tpu.region"() ({
        %run_scoped3A = tpu.sem_alloc : memref<!tpu.dma_semaphore, #tpu.memory_space<semaphore_mem>>
        %dma_start3A_131 = arith.constant 0 : i32
        %dma_start3A_132 = tpu.memref_slice %arg9[%add3A_130, %dma_start3A_131] : memref<40x125xi32, #tpu.memory_space<vmem>> -> memref<1x125xi32, #tpu.memory_space<vmem>>
        %dma_start3A_133 = tpu.memref_squeeze %dma_start3A_132 : memref<1x125xi32, #tpu.memory_space<vmem>> -> memref<125xi32, #tpu.memory_space<vmem>>
        %dma_start3A_134 = arith.constant 0 : i32
        %dma_start3A_135 = arith.constant 0 : i32
        %dma_start3A_136 = tpu.memref_slice %arg12[%dma_start3A_134, %dma_start3A_135] : memref<10240x128xf32, #tpu.memory_space<vmem_shared>> -> memref<10240x128xf32, #tpu.memory_space<vmem_shared>>
        tpu.enqueue_indirect_dma source(%arg11 : memref<125x128xf32, #tpu.memory_space<vmem>>) target(%dma_start3A_136 : memref<10240x128xf32, #tpu.memory_space<vmem_shared>>) offsets(%dma_start3A_133 : memref<125xi32, #tpu.memory_space<vmem>>) semaphore(%run_scoped3A : memref<!tpu.dma_semaphore, #tpu.memory_space<semaphore_mem>>) {add = true}
        %dma_wait3A_137 = arith.constant 0 : i32
        %dma_wait3A_138 = tpu.memref_slice %arg9[%add3A_130, %dma_wait3A_137] : memref<40x125xi32, #tpu.memory_space<vmem>> -> memref<1x125xi32, #tpu.memory_space<vmem>>
        %dma_wait3A_139 = tpu.memref_squeeze %dma_wait3A_138 : memref<1x125xi32, #tpu.memory_space<vmem>> -> memref<125xi32, #tpu.memory_space<vmem>>
        %dma_wait3A_140 = arith.constant 0 : i32
        %dma_wait3A_141 = arith.constant 0 : i32
        %dma_wait3A_142 = tpu.memref_slice %arg12[%dma_wait3A_140, %dma_wait3A_141] : memref<10240x128xf32, #tpu.memory_space<vmem_shared>> -> memref<10240x128xf32, #tpu.memory_space<vmem_shared>>
        tpu.wait_indirect_dma semaphore(%run_scoped3A : memref<!tpu.dma_semaphore, #tpu.memory_space<semaphore_mem>>) src(%arg11 : memref<125x128xf32, #tpu.memory_space<vmem>>) dst(%dma_wait3A_142 : memref<10240x128xf32, #tpu.memory_space<vmem_shared>>)
        tpu.yield
      }) : () -> ()
    }
    "tpu.region"() ({
      %run_scoped3A = tpu.sem_alloc : memref<!tpu.dma_semaphore, #tpu.memory_space<semaphore_mem>>
      %dma_start3A_99 = arith.constant 40 : i32
      %dma_start3A_100 = arith.constant 0 : i32
      %dma_start3A_101 = tpu.memref_slice %arg3[%add3A, %dma_start3A_99, %dma_start3A_100] : memref<32x80x125xi32, #tpu.memory_space<hbm>> -> memref<1x40x125xi32, #tpu.memory_space<hbm>>
      %dma_start3A_102 = tpu.memref_squeeze %dma_start3A_101 : memref<1x40x125xi32, #tpu.memory_space<hbm>> -> memref<40x125xi32, #tpu.memory_space<hbm>>
      %dma_start3A_103 = arith.constant 40 : i32
      %dma_start3A_104 = arith.constant 0 : i32
      %dma_start3A_105 = tpu.memref_slice %arg3[%add3A, %dma_start3A_103, %dma_start3A_104] : memref<32x80x125xi32, #tpu.memory_space<hbm>> -> memref<1x40x125xi32, #tpu.memory_space<hbm>>
      %dma_start3A_106 = tpu.memref_squeeze %dma_start3A_105 : memref<1x40x125xi32, #tpu.memory_space<hbm>> -> memref<40x125xi32, #tpu.memory_space<hbm>>
      tpu.enqueue_dma source(%dma_start3A_106 : memref<40x125xi32, #tpu.memory_space<hbm>>) target(%arg8 : memref<40x125xi32, #tpu.memory_space<vmem>>) target_semaphore(%run_scoped3A : memref<!tpu.dma_semaphore, #tpu.memory_space<semaphore_mem>>)
      %dma_wait3A = arith.constant 40 : i32
      %dma_wait3A_107 = arith.constant 0 : i32
      %dma_wait3A_108 = tpu.memref_slice %arg3[%add3A, %dma_wait3A, %dma_wait3A_107] : memref<32x80x125xi32, #tpu.memory_space<hbm>> -> memref<1x40x125xi32, #tpu.memory_space<hbm>>
      %dma_wait3A_109 = tpu.memref_squeeze %dma_wait3A_108 : memref<1x40x125xi32, #tpu.memory_space<hbm>> -> memref<40x125xi32, #tpu.memory_space<hbm>>
      %dma_wait3A_110 = arith.constant 40 : i32
      %dma_wait3A_111 = arith.constant 0 : i32
      %dma_wait3A_112 = tpu.memref_slice %arg3[%add3A, %dma_wait3A_110, %dma_wait3A_111] : memref<32x80x125xi32, #tpu.memory_space<hbm>> -> memref<1x40x125xi32, #tpu.memory_space<hbm>>
      %dma_wait3A_113 = tpu.memref_squeeze %dma_wait3A_112 : memref<1x40x125xi32, #tpu.memory_space<hbm>> -> memref<40x125xi32, #tpu.memory_space<hbm>>
      tpu.wait_dma2 semaphore(%run_scoped3A : memref<!tpu.dma_semaphore, #tpu.memory_space<semaphore_mem>>) src(%dma_wait3A_113 : memref<40x125xi32, #tpu.memory_space<hbm>>) dst(%arg8 : memref<40x125xi32, #tpu.memory_space<vmem>>)
      tpu.yield
    }) : () -> ()
    "tpu.region"() ({
      %run_scoped3A = tpu.sem_alloc : memref<!tpu.dma_semaphore, #tpu.memory_space<semaphore_mem>>
      %dma_start3A_99 = arith.constant 40 : i32
      %dma_start3A_100 = arith.constant 0 : i32
      %dma_start3A_101 = tpu.memref_slice %arg4[%add3A, %dma_start3A_99, %dma_start3A_100] : memref<32x80x125xi32, #tpu.memory_space<hbm>> -> memref<1x40x125xi32, #tpu.memory_space<hbm>>
      %dma_start3A_102 = tpu.memref_squeeze %dma_start3A_101 : memref<1x40x125xi32, #tpu.memory_space<hbm>> -> memref<40x125xi32, #tpu.memory_space<hbm>>
      %dma_start3A_103 = arith.constant 40 : i32
      %dma_start3A_104 = arith.constant 0 : i32
      %dma_start3A_105 = tpu.memref_slice %arg4[%add3A, %dma_start3A_103, %dma_start3A_104] : memref<32x80x125xi32, #tpu.memory_space<hbm>> -> memref<1x40x125xi32, #tpu.memory_space<hbm>>
      %dma_start3A_106 = tpu.memref_squeeze %dma_start3A_105 : memref<1x40x125xi32, #tpu.memory_space<hbm>> -> memref<40x125xi32, #tpu.memory_space<hbm>>
      tpu.enqueue_dma source(%dma_start3A_106 : memref<40x125xi32, #tpu.memory_space<hbm>>) target(%arg9 : memref<40x125xi32, #tpu.memory_space<vmem>>) target_semaphore(%run_scoped3A : memref<!tpu.dma_semaphore, #tpu.memory_space<semaphore_mem>>)
      %dma_wait3A = arith.constant 40 : i32
      %dma_wait3A_107 = arith.constant 0 : i32
      %dma_wait3A_108 = tpu.memref_slice %arg4[%add3A, %dma_wait3A, %dma_wait3A_107] : memref<32x80x125xi32, #tpu.memory_space<hbm>> -> memref<1x40x125xi32, #tpu.memory_space<hbm>>
      %dma_wait3A_109 = tpu.memref_squeeze %dma_wait3A_108 : memref<1x40x125xi32, #tpu.memory_space<hbm>> -> memref<40x125xi32, #tpu.memory_space<hbm>>
      %dma_wait3A_110 = arith.constant 40 : i32
      %dma_wait3A_111 = arith.constant 0 : i32
      %dma_wait3A_112 = tpu.memref_slice %arg4[%add3A, %dma_wait3A_110, %dma_wait3A_111] : memref<32x80x125xi32, #tpu.memory_space<hbm>> -> memref<1x40x125xi32, #tpu.memory_space<hbm>>
      %dma_wait3A_113 = tpu.memref_squeeze %dma_wait3A_112 : memref<1x40x125xi32, #tpu.memory_space<hbm>> -> memref<40x125xi32, #tpu.memory_space<hbm>>
      tpu.wait_dma2 semaphore(%run_scoped3A : memref<!tpu.dma_semaphore, #tpu.memory_space<semaphore_mem>>) src(%dma_wait3A_113 : memref<40x125xi32, #tpu.memory_space<hbm>>) dst(%arg9 : memref<40x125xi32, #tpu.memory_space<vmem>>)
      tpu.yield
    }) : () -> ()
    %dma_start3A_64 = arith.constant 0 : i32
    %dma_start3A_65 = arith.constant 0 : i32
    %dma_start3A_66 = tpu.memref_slice %arg8[%dma_start3A_64, %dma_start3A_65] : memref<40x125xi32, #tpu.memory_space<vmem>> -> memref<1x125xi32, #tpu.memory_space<vmem>>
    %dma_start3A_67 = tpu.memref_squeeze %dma_start3A_66 : memref<1x125xi32, #tpu.memory_space<vmem>> -> memref<125xi32, #tpu.memory_space<vmem>>
    %dma_start3A_68 = arith.constant 0 : i32
    %dma_start3A_69 = arith.constant 0 : i32
    %dma_start3A_70 = tpu.memref_slice %arg2[%dma_start3A_68, %dma_start3A_69] : memref<10240x128xf32, #tpu.memory_space<hbm>> -> memref<10240x128xf32, #tpu.memory_space<hbm>>
    tpu.enqueue_indirect_dma source(%dma_start3A_70 : memref<10240x128xf32, #tpu.memory_space<hbm>>) target(%arg10 : memref<125x128xf32, #tpu.memory_space<vmem>>) offsets(%dma_start3A_67 : memref<125xi32, #tpu.memory_space<vmem>>) semaphore(%arg13 : memref<!tpu.dma_semaphore, #tpu.memory_space<semaphore_mem>>)
    %sub3A_71 = arith.constant 40 : i32
    %sub3A_72 = arith.constant 0 : i32
    %sub3A_73 = arith.subi %sub3A_71, %sub3A_72 : i32
    %sub3A_74 = arith.constant 2 : i32
    %sub3A_75 = arith.constant 1 : i32
    %sub3A_76 = arith.subi %sub3A_74, %sub3A_75 : i32
    %add3A_77 = arith.addi %sub3A_73, %sub3A_76 : i32
    %div3A_78 = arith.constant 2 : i32
    %div3A_79 = arith.divsi %add3A_77, %div3A_78 : i32
    %while3A_80 = arith.constant 2 : i32
    %while3A_81 = arith.constant 0 : i32
    %while3A_82 = arith.constant 0 : i32
    %while3A_83 = arith.subi %div3A_79, %while3A_82 : i32
    %while3A_84 = arith.addi %while3A_82, %while3A_83 : i32
    %while3A_85 = arith.constant 1 : i32
    %while3A_86 = arith.divsi %while3A_83, %while3A_85 : i32
    %while3A_87 = arith.muli %while3A_86, %while3A_85 : i32
    %while3A_88 = arith.addi %while3A_82, %while3A_87 : i32
    %while3A_89 = arith.constant 1 : i32
    scf.for %while3A_99 = %while3A_82 to %while3A_88 step %while3A_89  : i32 {
      %mul3A_100 = arith.muli %while3A_99, %while3A_80 : i32
      %add3A_101 = arith.addi %while3A_81, %mul3A_100 : i32
      %add3A_102 = arith.constant 1 : i32
      %add3A_103 = arith.addi %add3A_101, %add3A_102 : i32
      %dma_start3A_104 = arith.constant 0 : i32
      %dma_start3A_105 = tpu.memref_slice %arg8[%add3A_103, %dma_start3A_104] : memref<40x125xi32, #tpu.memory_space<vmem>> -> memref<1x125xi32, #tpu.memory_space<vmem>>
      %dma_start3A_106 = tpu.memref_squeeze %dma_start3A_105 : memref<1x125xi32, #tpu.memory_space<vmem>> -> memref<125xi32, #tpu.memory_space<vmem>>
      %dma_start3A_107 = arith.constant 0 : i32
      %dma_start3A_108 = arith.constant 0 : i32
      %dma_start3A_109 = tpu.memref_slice %arg2[%dma_start3A_107, %dma_start3A_108] : memref<10240x128xf32, #tpu.memory_space<hbm>> -> memref<10240x128xf32, #tpu.memory_space<hbm>>
      tpu.enqueue_indirect_dma source(%dma_start3A_109 : memref<10240x128xf32, #tpu.memory_space<hbm>>) target(%arg11 : memref<125x128xf32, #tpu.memory_space<vmem>>) offsets(%dma_start3A_106 : memref<125xi32, #tpu.memory_space<vmem>>) semaphore(%arg14 : memref<!tpu.dma_semaphore, #tpu.memory_space<semaphore_mem>>)
      %dma_wait3A = arith.constant 0 : i32
      %dma_wait3A_110 = tpu.memref_slice %arg8[%add3A_101, %dma_wait3A] : memref<40x125xi32, #tpu.memory_space<vmem>> -> memref<1x125xi32, #tpu.memory_space<vmem>>
      %dma_wait3A_111 = tpu.memref_squeeze %dma_wait3A_110 : memref<1x125xi32, #tpu.memory_space<vmem>> -> memref<125xi32, #tpu.memory_space<vmem>>
      %dma_wait3A_112 = arith.constant 0 : i32
      %dma_wait3A_113 = arith.constant 0 : i32
      %dma_wait3A_114 = tpu.memref_slice %arg2[%dma_wait3A_112, %dma_wait3A_113] : memref<10240x128xf32, #tpu.memory_space<hbm>> -> memref<10240x128xf32, #tpu.memory_space<hbm>>
      tpu.wait_indirect_dma semaphore(%arg13 : memref<!tpu.dma_semaphore, #tpu.memory_space<semaphore_mem>>) src(%dma_wait3A_114 : memref<10240x128xf32, #tpu.memory_space<hbm>>) dst(%arg10 : memref<125x128xf32, #tpu.memory_space<vmem>>)
      "tpu.region"() ({
        %run_scoped3A = tpu.sem_alloc : memref<!tpu.dma_semaphore, #tpu.memory_space<semaphore_mem>>
        %dma_start3A_131 = arith.constant 0 : i32
        %dma_start3A_132 = tpu.memref_slice %arg9[%add3A_101, %dma_start3A_131] : memref<40x125xi32, #tpu.memory_space<vmem>> -> memref<1x125xi32, #tpu.memory_space<vmem>>
        %dma_start3A_133 = tpu.memref_squeeze %dma_start3A_132 : memref<1x125xi32, #tpu.memory_space<vmem>> -> memref<125xi32, #tpu.memory_space<vmem>>
        %dma_start3A_134 = arith.constant 0 : i32
        %dma_start3A_135 = arith.constant 0 : i32
        %dma_start3A_136 = tpu.memref_slice %arg12[%dma_start3A_134, %dma_start3A_135] : memref<10240x128xf32, #tpu.memory_space<vmem_shared>> -> memref<10240x128xf32, #tpu.memory_space<vmem_shared>>
        tpu.enqueue_indirect_dma source(%arg10 : memref<125x128xf32, #tpu.memory_space<vmem>>) target(%dma_start3A_136 : memref<10240x128xf32, #tpu.memory_space<vmem_shared>>) offsets(%dma_start3A_133 : memref<125xi32, #tpu.memory_space<vmem>>) semaphore(%run_scoped3A : memref<!tpu.dma_semaphore, #tpu.memory_space<semaphore_mem>>) {add = true}
        %dma_wait3A_137 = arith.constant 0 : i32
        %dma_wait3A_138 = tpu.memref_slice %arg9[%add3A_101, %dma_wait3A_137] : memref<40x125xi32, #tpu.memory_space<vmem>> -> memref<1x125xi32, #tpu.memory_space<vmem>>
        %dma_wait3A_139 = tpu.memref_squeeze %dma_wait3A_138 : memref<1x125xi32, #tpu.memory_space<vmem>> -> memref<125xi32, #tpu.memory_space<vmem>>
        %dma_wait3A_140 = arith.constant 0 : i32
        %dma_wait3A_141 = arith.constant 0 : i32
        %dma_wait3A_142 = tpu.memref_slice %arg12[%dma_wait3A_140, %dma_wait3A_141] : memref<10240x128xf32, #tpu.memory_space<vmem_shared>> -> memref<10240x128xf32, #tpu.memory_space<vmem_shared>>
        tpu.wait_indirect_dma semaphore(%run_scoped3A : memref<!tpu.dma_semaphore, #tpu.memory_space<semaphore_mem>>) src(%arg10 : memref<125x128xf32, #tpu.memory_space<vmem>>) dst(%dma_wait3A_142 : memref<10240x128xf32, #tpu.memory_space<vmem_shared>>)
        tpu.yield
      }) : () -> ()
      %add3A_115 = arith.constant 2 : i32
      %add3A_116 = arith.addi %add3A_101, %add3A_115 : i32
      %lt3A = arith.constant 40 : i32
      %lt3A_117 = arith.cmpi slt, %add3A_116, %lt3A : i32
      %convert_element_type3A_118 = arith.extui %lt3A_117 : i1 to i32
      %cond3A_119 = arith.constant 0 : i32
      %cond3A_120 = arith.cmpi ne, %convert_element_type3A_118, %cond3A_119 : i32
      scf.if %cond3A_120 {
        %add3A_131 = arith.constant 2 : i32
        %add3A_132 = arith.addi %add3A_101, %add3A_131 : i32
        %dma_start3A_133 = arith.constant 0 : i32
        %dma_start3A_134 = tpu.memref_slice %arg8[%add3A_132, %dma_start3A_133] : memref<40x125xi32, #tpu.memory_space<vmem>> -> memref<1x125xi32, #tpu.memory_space<vmem>>
        %dma_start3A_135 = tpu.memref_squeeze %dma_start3A_134 : memref<1x125xi32, #tpu.memory_space<vmem>> -> memref<125xi32, #tpu.memory_space<vmem>>
        %dma_start3A_136 = arith.constant 0 : i32
        %dma_start3A_137 = arith.constant 0 : i32
        %dma_start3A_138 = tpu.memref_slice %arg2[%dma_start3A_136, %dma_start3A_137] : memref<10240x128xf32, #tpu.memory_space<hbm>> -> memref<10240x128xf32, #tpu.memory_space<hbm>>
        tpu.enqueue_indirect_dma source(%dma_start3A_138 : memref<10240x128xf32, #tpu.memory_space<hbm>>) target(%arg10 : memref<125x128xf32, #tpu.memory_space<vmem>>) offsets(%dma_start3A_135 : memref<125xi32, #tpu.memory_space<vmem>>) semaphore(%arg13 : memref<!tpu.dma_semaphore, #tpu.memory_space<semaphore_mem>>)
      } else {
      }
      %add3A_121 = arith.constant 1 : i32
      %add3A_122 = arith.addi %add3A_101, %add3A_121 : i32
      %dma_wait3A_123 = arith.constant 0 : i32
      %dma_wait3A_124 = tpu.memref_slice %arg8[%add3A_122, %dma_wait3A_123] : memref<40x125xi32, #tpu.memory_space<vmem>> -> memref<1x125xi32, #tpu.memory_space<vmem>>
      %dma_wait3A_125 = tpu.memref_squeeze %dma_wait3A_124 : memref<1x125xi32, #tpu.memory_space<vmem>> -> memref<125xi32, #tpu.memory_space<vmem>>
      %dma_wait3A_126 = arith.constant 0 : i32
      %dma_wait3A_127 = arith.constant 0 : i32
      %dma_wait3A_128 = tpu.memref_slice %arg2[%dma_wait3A_126, %dma_wait3A_127] : memref<10240x128xf32, #tpu.memory_space<hbm>> -> memref<10240x128xf32, #tpu.memory_space<hbm>>
      tpu.wait_indirect_dma semaphore(%arg14 : memref<!tpu.dma_semaphore, #tpu.memory_space<semaphore_mem>>) src(%dma_wait3A_128 : memref<10240x128xf32, #tpu.memory_space<hbm>>) dst(%arg11 : memref<125x128xf32, #tpu.memory_space<vmem>>)
      %add3A_129 = arith.constant 1 : i32
      %add3A_130 = arith.addi %add3A_101, %add3A_129 : i32
      "tpu.region"() ({
        %run_scoped3A = tpu.sem_alloc : memref<!tpu.dma_semaphore, #tpu.memory_space<semaphore_mem>>
        %dma_start3A_131 = arith.constant 0 : i32
        %dma_start3A_132 = tpu.memref_slice %arg9[%add3A_130, %dma_start3A_131] : memref<40x125xi32, #tpu.memory_space<vmem>> -> memref<1x125xi32, #tpu.memory_space<vmem>>
        %dma_start3A_133 = tpu.memref_squeeze %dma_start3A_132 : memref<1x125xi32, #tpu.memory_space<vmem>> -> memref<125xi32, #tpu.memory_space<vmem>>
        %dma_start3A_134 = arith.constant 0 : i32
        %dma_start3A_135 = arith.constant 0 : i32
        %dma_start3A_136 = tpu.memref_slice %arg12[%dma_start3A_134, %dma_start3A_135] : memref<10240x128xf32, #tpu.memory_space<vmem_shared>> -> memref<10240x128xf32, #tpu.memory_space<vmem_shared>>
        tpu.enqueue_indirect_dma source(%arg11 : memref<125x128xf32, #tpu.memory_space<vmem>>) target(%dma_start3A_136 : memref<10240x128xf32, #tpu.memory_space<vmem_shared>>) offsets(%dma_start3A_133 : memref<125xi32, #tpu.memory_space<vmem>>) semaphore(%run_scoped3A : memref<!tpu.dma_semaphore, #tpu.memory_space<semaphore_mem>>) {add = true}
        %dma_wait3A_137 = arith.constant 0 : i32
        %dma_wait3A_138 = tpu.memref_slice %arg9[%add3A_130, %dma_wait3A_137] : memref<40x125xi32, #tpu.memory_space<vmem>> -> memref<1x125xi32, #tpu.memory_space<vmem>>
        %dma_wait3A_139 = tpu.memref_squeeze %dma_wait3A_138 : memref<1x125xi32, #tpu.memory_space<vmem>> -> memref<125xi32, #tpu.memory_space<vmem>>
        %dma_wait3A_140 = arith.constant 0 : i32
        %dma_wait3A_141 = arith.constant 0 : i32
        %dma_wait3A_142 = tpu.memref_slice %arg12[%dma_wait3A_140, %dma_wait3A_141] : memref<10240x128xf32, #tpu.memory_space<vmem_shared>> -> memref<10240x128xf32, #tpu.memory_space<vmem_shared>>
        tpu.wait_indirect_dma semaphore(%run_scoped3A : memref<!tpu.dma_semaphore, #tpu.memory_space<semaphore_mem>>) src(%arg11 : memref<125x128xf32, #tpu.memory_space<vmem>>) dst(%dma_wait3A_142 : memref<10240x128xf32, #tpu.memory_space<vmem_shared>>)
        tpu.yield
      }) : () -> ()
    }
    %while3A_90 = arith.constant 1 : i32
    scf.for %while3A_99 = %while3A_88 to %while3A_84 step %while3A_90  : i32 {
      %mul3A_100 = arith.muli %while3A_99, %while3A_80 : i32
      %add3A_101 = arith.addi %while3A_81, %mul3A_100 : i32
      %add3A_102 = arith.constant 1 : i32
      %add3A_103 = arith.addi %add3A_101, %add3A_102 : i32
      %dma_start3A_104 = arith.constant 0 : i32
      %dma_start3A_105 = tpu.memref_slice %arg8[%add3A_103, %dma_start3A_104] : memref<40x125xi32, #tpu.memory_space<vmem>> -> memref<1x125xi32, #tpu.memory_space<vmem>>
      %dma_start3A_106 = tpu.memref_squeeze %dma_start3A_105 : memref<1x125xi32, #tpu.memory_space<vmem>> -> memref<125xi32, #tpu.memory_space<vmem>>
      %dma_start3A_107 = arith.constant 0 : i32
      %dma_start3A_108 = arith.constant 0 : i32
      %dma_start3A_109 = tpu.memref_slice %arg2[%dma_start3A_107, %dma_start3A_108] : memref<10240x128xf32, #tpu.memory_space<hbm>> -> memref<10240x128xf32, #tpu.memory_space<hbm>>
      tpu.enqueue_indirect_dma source(%dma_start3A_109 : memref<10240x128xf32, #tpu.memory_space<hbm>>) target(%arg11 : memref<125x128xf32, #tpu.memory_space<vmem>>) offsets(%dma_start3A_106 : memref<125xi32, #tpu.memory_space<vmem>>) semaphore(%arg14 : memref<!tpu.dma_semaphore, #tpu.memory_space<semaphore_mem>>)
      %dma_wait3A = arith.constant 0 : i32
      %dma_wait3A_110 = tpu.memref_slice %arg8[%add3A_101, %dma_wait3A] : memref<40x125xi32, #tpu.memory_space<vmem>> -> memref<1x125xi32, #tpu.memory_space<vmem>>
      %dma_wait3A_111 = tpu.memref_squeeze %dma_wait3A_110 : memref<1x125xi32, #tpu.memory_space<vmem>> -> memref<125xi32, #tpu.memory_space<vmem>>
      %dma_wait3A_112 = arith.constant 0 : i32
      %dma_wait3A_113 = arith.constant 0 : i32
      %dma_wait3A_114 = tpu.memref_slice %arg2[%dma_wait3A_112, %dma_wait3A_113] : memref<10240x128xf32, #tpu.memory_space<hbm>> -> memref<10240x128xf32, #tpu.memory_space<hbm>>
      tpu.wait_indirect_dma semaphore(%arg13 : memref<!tpu.dma_semaphore, #tpu.memory_space<semaphore_mem>>) src(%dma_wait3A_114 : memref<10240x128xf32, #tpu.memory_space<hbm>>) dst(%arg10 : memref<125x128xf32, #tpu.memory_space<vmem>>)
      "tpu.region"() ({
        %run_scoped3A = tpu.sem_alloc : memref<!tpu.dma_semaphore, #tpu.memory_space<semaphore_mem>>
        %dma_start3A_131 = arith.constant 0 : i32
        %dma_start3A_132 = tpu.memref_slice %arg9[%add3A_101, %dma_start3A_131] : memref<40x125xi32, #tpu.memory_space<vmem>> -> memref<1x125xi32, #tpu.memory_space<vmem>>
        %dma_start3A_133 = tpu.memref_squeeze %dma_start3A_132 : memref<1x125xi32, #tpu.memory_space<vmem>> -> memref<125xi32, #tpu.memory_space<vmem>>
        %dma_start3A_134 = arith.constant 0 : i32
        %dma_start3A_135 = arith.constant 0 : i32
        %dma_start3A_136 = tpu.memref_slice %arg12[%dma_start3A_134, %dma_start3A_135] : memref<10240x128xf32, #tpu.memory_space<vmem_shared>> -> memref<10240x128xf32, #tpu.memory_space<vmem_shared>>
        tpu.enqueue_indirect_dma source(%arg10 : memref<125x128xf32, #tpu.memory_space<vmem>>) target(%dma_start3A_136 : memref<10240x128xf32, #tpu.memory_space<vmem_shared>>) offsets(%dma_start3A_133 : memref<125xi32, #tpu.memory_space<vmem>>) semaphore(%run_scoped3A : memref<!tpu.dma_semaphore, #tpu.memory_space<semaphore_mem>>) {add = true}
        %dma_wait3A_137 = arith.constant 0 : i32
        %dma_wait3A_138 = tpu.memref_slice %arg9[%add3A_101, %dma_wait3A_137] : memref<40x125xi32, #tpu.memory_space<vmem>> -> memref<1x125xi32, #tpu.memory_space<vmem>>
        %dma_wait3A_139 = tpu.memref_squeeze %dma_wait3A_138 : memref<1x125xi32, #tpu.memory_space<vmem>> -> memref<125xi32, #tpu.memory_space<vmem>>
        %dma_wait3A_140 = arith.constant 0 : i32
        %dma_wait3A_141 = arith.constant 0 : i32
        %dma_wait3A_142 = tpu.memref_slice %arg12[%dma_wait3A_140, %dma_wait3A_141] : memref<10240x128xf32, #tpu.memory_space<vmem_shared>> -> memref<10240x128xf32, #tpu.memory_space<vmem_shared>>
        tpu.wait_indirect_dma semaphore(%run_scoped3A : memref<!tpu.dma_semaphore, #tpu.memory_space<semaphore_mem>>) src(%arg10 : memref<125x128xf32, #tpu.memory_space<vmem>>) dst(%dma_wait3A_142 : memref<10240x128xf32, #tpu.memory_space<vmem_shared>>)
        tpu.yield
      }) : () -> ()
      %add3A_115 = arith.constant 2 : i32
      %add3A_116 = arith.addi %add3A_101, %add3A_115 : i32
      %lt3A = arith.constant 40 : i32
      %lt3A_117 = arith.cmpi slt, %add3A_116, %lt3A : i32
      %convert_element_type3A_118 = arith.extui %lt3A_117 : i1 to i32
      %cond3A_119 = arith.constant 0 : i32
      %cond3A_120 = arith.cmpi ne, %convert_element_type3A_118, %cond3A_119 : i32
      scf.if %cond3A_120 {
        %add3A_131 = arith.constant 2 : i32
        %add3A_132 = arith.addi %add3A_101, %add3A_131 : i32
        %dma_start3A_133 = arith.constant 0 : i32
        %dma_start3A_134 = tpu.memref_slice %arg8[%add3A_132, %dma_start3A_133] : memref<40x125xi32, #tpu.memory_space<vmem>> -> memref<1x125xi32, #tpu.memory_space<vmem>>
        %dma_start3A_135 = tpu.memref_squeeze %dma_start3A_134 : memref<1x125xi32, #tpu.memory_space<vmem>> -> memref<125xi32, #tpu.memory_space<vmem>>
        %dma_start3A_136 = arith.constant 0 : i32
        %dma_start3A_137 = arith.constant 0 : i32
        %dma_start3A_138 = tpu.memref_slice %arg2[%dma_start3A_136, %dma_start3A_137] : memref<10240x128xf32, #tpu.memory_space<hbm>> -> memref<10240x128xf32, #tpu.memory_space<hbm>>
        tpu.enqueue_indirect_dma source(%dma_start3A_138 : memref<10240x128xf32, #tpu.memory_space<hbm>>) target(%arg10 : memref<125x128xf32, #tpu.memory_space<vmem>>) offsets(%dma_start3A_135 : memref<125xi32, #tpu.memory_space<vmem>>) semaphore(%arg13 : memref<!tpu.dma_semaphore, #tpu.memory_space<semaphore_mem>>)
      } else {
      }
      %add3A_121 = arith.constant 1 : i32
      %add3A_122 = arith.addi %add3A_101, %add3A_121 : i32
      %dma_wait3A_123 = arith.constant 0 : i32
      %dma_wait3A_124 = tpu.memref_slice %arg8[%add3A_122, %dma_wait3A_123] : memref<40x125xi32, #tpu.memory_space<vmem>> -> memref<1x125xi32, #tpu.memory_space<vmem>>
      %dma_wait3A_125 = tpu.memref_squeeze %dma_wait3A_124 : memref<1x125xi32, #tpu.memory_space<vmem>> -> memref<125xi32, #tpu.memory_space<vmem>>
      %dma_wait3A_126 = arith.constant 0 : i32
      %dma_wait3A_127 = arith.constant 0 : i32
      %dma_wait3A_128 = tpu.memref_slice %arg2[%dma_wait3A_126, %dma_wait3A_127] : memref<10240x128xf32, #tpu.memory_space<hbm>> -> memref<10240x128xf32, #tpu.memory_space<hbm>>
      tpu.wait_indirect_dma semaphore(%arg14 : memref<!tpu.dma_semaphore, #tpu.memory_space<semaphore_mem>>) src(%dma_wait3A_128 : memref<10240x128xf32, #tpu.memory_space<hbm>>) dst(%arg11 : memref<125x128xf32, #tpu.memory_space<vmem>>)
      %add3A_129 = arith.constant 1 : i32
      %add3A_130 = arith.addi %add3A_101, %add3A_129 : i32
      "tpu.region"() ({
        %run_scoped3A = tpu.sem_alloc : memref<!tpu.dma_semaphore, #tpu.memory_space<semaphore_mem>>
        %dma_start3A_131 = arith.constant 0 : i32
        %dma_start3A_132 = tpu.memref_slice %arg9[%add3A_130, %dma_start3A_131] : memref<40x125xi32, #tpu.memory_space<vmem>> -> memref<1x125xi32, #tpu.memory_space<vmem>>
        %dma_start3A_133 = tpu.memref_squeeze %dma_start3A_132 : memref<1x125xi32, #tpu.memory_space<vmem>> -> memref<125xi32, #tpu.memory_space<vmem>>
        %dma_start3A_134 = arith.constant 0 : i32
        %dma_start3A_135 = arith.constant 0 : i32
        %dma_start3A_136 = tpu.memref_slice %arg12[%dma_start3A_134, %dma_start3A_135] : memref<10240x128xf32, #tpu.memory_space<vmem_shared>> -> memref<10240x128xf32, #tpu.memory_space<vmem_shared>>
        tpu.enqueue_indirect_dma source(%arg11 : memref<125x128xf32, #tpu.memory_space<vmem>>) target(%dma_start3A_136 : memref<10240x128xf32, #tpu.memory_space<vmem_shared>>) offsets(%dma_start3A_133 : memref<125xi32, #tpu.memory_space<vmem>>) semaphore(%run_scoped3A : memref<!tpu.dma_semaphore, #tpu.memory_space<semaphore_mem>>) {add = true}
        %dma_wait3A_137 = arith.constant 0 : i32
        %dma_wait3A_138 = tpu.memref_slice %arg9[%add3A_130, %dma_wait3A_137] : memref<40x125xi32, #tpu.memory_space<vmem>> -> memref<1x125xi32, #tpu.memory_space<vmem>>
        %dma_wait3A_139 = tpu.memref_squeeze %dma_wait3A_138 : memref<1x125xi32, #tpu.memory_space<vmem>> -> memref<125xi32, #tpu.memory_space<vmem>>
        %dma_wait3A_140 = arith.constant 0 : i32
        %dma_wait3A_141 = arith.constant 0 : i32
        %dma_wait3A_142 = tpu.memref_slice %arg12[%dma_wait3A_140, %dma_wait3A_141] : memref<10240x128xf32, #tpu.memory_space<vmem_shared>> -> memref<10240x128xf32, #tpu.memory_space<vmem_shared>>
        tpu.wait_indirect_dma semaphore(%run_scoped3A : memref<!tpu.dma_semaphore, #tpu.memory_space<semaphore_mem>>) src(%arg11 : memref<125x128xf32, #tpu.memory_space<vmem>>) dst(%dma_wait3A_142 : memref<10240x128xf32, #tpu.memory_space<vmem_shared>>)
        tpu.yield
      }) : () -> ()
    }
    %barrier3A_91 = arith.constant 0 : index
    tpu.barrier barrier_id(%barrier3A_91)
    %eq3A = arith.constant 0 : i32
    %eq3A_92 = arith.cmpi eq, %arg0, %eq3A : i32
    %convert_element_type3A = arith.extui %eq3A_92 : i1 to i32
    %cond3A = arith.constant 0 : i32
    %cond3A_93 = arith.cmpi ne, %convert_element_type3A, %cond3A : i32
    scf.if %cond3A_93 {
      %mul3A_99 = arith.constant 640 : i32
      %mul3A_100 = arith.muli %arg1, %mul3A_99 : i32
      %mul3A_101 = arith.constant 640 : i32
      %mul3A_102 = arith.muli %arg1, %mul3A_101 : i32
      "tpu.region"() ({
        %run_scoped3A = tpu.sem_alloc : memref<!tpu.dma_semaphore, #tpu.memory_space<semaphore_mem>>
        %dma_start3A_103 = arith.constant 0 : i32
        %dma_start3A_104 = tpu.memref_slice %arg6[%mul3A_102, %dma_start3A_103] : memref<10240x128xf32, #tpu.memory_space<hbm>> -> memref<640x128xf32, #tpu.memory_space<hbm>>
        %dma_start3A_105 = arith.constant 0 : i32
        %dma_start3A_106 = tpu.memref_slice %arg12[%mul3A_100, %dma_start3A_105] : memref<10240x128xf32, #tpu.memory_space<vmem_shared>> -> memref<640x128xf32, #tpu.memory_space<vmem_shared>>
        tpu.enqueue_dma source(%dma_start3A_106 : memref<640x128xf32, #tpu.memory_space<vmem_shared>>) target(%dma_start3A_104 : memref<640x128xf32, #tpu.memory_space<hbm>>) target_semaphore(%run_scoped3A : memref<!tpu.dma_semaphore, #tpu.memory_space<semaphore_mem>>)
        %dma_wait3A = arith.constant 0 : i32
        %dma_wait3A_107 = tpu.memref_slice %arg6[%mul3A_102, %dma_wait3A] : memref<10240x128xf32, #tpu.memory_space<hbm>> -> memref<640x128xf32, #tpu.memory_space<hbm>>
        %dma_wait3A_108 = arith.constant 0 : i32
        %dma_wait3A_109 = tpu.memref_slice %arg12[%mul3A_100, %dma_wait3A_108] : memref<10240x128xf32, #tpu.memory_space<vmem_shared>> -> memref<640x128xf32, #tpu.memory_space<vmem_shared>>
        tpu.wait_dma2 semaphore(%run_scoped3A : memref<!tpu.dma_semaphore, #tpu.memory_space<semaphore_mem>>) src(%dma_wait3A_109 : memref<640x128xf32, #tpu.memory_space<vmem_shared>>) dst(%dma_wait3A_107 : memref<640x128xf32, #tpu.memory_space<hbm>>)
        tpu.yield
      }) : () -> ()
    } else {
    }
    %eq3A_94 = arith.constant 1 : i32
    %eq3A_95 = arith.cmpi eq, %arg0, %eq3A_94 : i32
    %convert_element_type3A_96 = arith.extui %eq3A_95 : i1 to i32
    %cond3A_97 = arith.constant 0 : i32
    %cond3A_98 = arith.cmpi ne, %convert_element_type3A_96, %cond3A_97 : i32
    scf.if %cond3A_98 {
      %mul3A_99 = arith.constant 640 : i32
      %mul3A_100 = arith.muli %arg1, %mul3A_99 : i32
      %mul3A_101 = arith.constant 640 : i32
      %mul3A_102 = arith.muli %arg1, %mul3A_101 : i32
      "tpu.region"() ({
        %run_scoped3A = tpu.sem_alloc : memref<!tpu.dma_semaphore, #tpu.memory_space<semaphore_mem>>
        %dma_start3A_103 = arith.constant 0 : i32
        %dma_start3A_104 = tpu.memref_slice %arg7[%mul3A_102, %dma_start3A_103] : memref<10240x128xf32, #tpu.memory_space<hbm>> -> memref<640x128xf32, #tpu.memory_space<hbm>>
        %dma_start3A_105 = arith.constant 0 : i32
        %dma_start3A_106 = tpu.memref_slice %arg12[%mul3A_100, %dma_start3A_105] : memref<10240x128xf32, #tpu.memory_space<vmem_shared>> -> memref<640x128xf32, #tpu.memory_space<vmem_shared>>
        tpu.enqueue_dma source(%dma_start3A_106 : memref<640x128xf32, #tpu.memory_space<vmem_shared>>) target(%dma_start3A_104 : memref<640x128xf32, #tpu.memory_space<hbm>>) target_semaphore(%run_scoped3A : memref<!tpu.dma_semaphore, #tpu.memory_space<semaphore_mem>>)
        %dma_wait3A = arith.constant 0 : i32
        %dma_wait3A_107 = tpu.memref_slice %arg7[%mul3A_102, %dma_wait3A] : memref<10240x128xf32, #tpu.memory_space<hbm>> -> memref<640x128xf32, #tpu.memory_space<hbm>>
        %dma_wait3A_108 = arith.constant 0 : i32
        %dma_wait3A_109 = tpu.memref_slice %arg12[%mul3A_100, %dma_wait3A_108] : memref<10240x128xf32, #tpu.memory_space<vmem_shared>> -> memref<640x128xf32, #tpu.memory_space<vmem_shared>>
        tpu.wait_dma2 semaphore(%run_scoped3A : memref<!tpu.dma_semaphore, #tpu.memory_space<semaphore_mem>>) src(%dma_wait3A_109 : memref<640x128xf32, #tpu.memory_space<vmem_shared>>) dst(%dma_wait3A_107 : memref<640x128xf32, #tpu.memory_space<hbm>>)
        tpu.yield
      }) : () -> ()
    } else {
    }
    return
  }
}

#map = affine_map<(d0, d1) -> (0, 0)>
#map1 = affine_map<(d0, d1) -> (0, 0, 0)>
module attributes {stable_mosaic.version = 14 : i64} {
  func.func @_scatter_body(%arg0: i32, %arg1: i32, %arg2: memref<10240x128xf32, #tpu.memory_space<hbm>>, %arg3: memref<32x80x125xi32, #tpu.memory_space<hbm>>, %arg4: memref<32x80x125xi32, #tpu.memory_space<hbm>>, %arg5: memref<64x128xf32, #tpu.memory_space<hbm>>, %arg6: memref<10240x128xf32, #tpu.memory_space<hbm>>, %arg7: memref<10240x128xf32, #tpu.memory_space<hbm>>, %arg8: memref<40x125xi32, #tpu.memory_space<vmem>>, %arg9: memref<40x125xi32, #tpu.memory_space<vmem>>, %arg10: memref<125x128xf32, #tpu.memory_space<vmem>>, %arg11: memref<125x128xf32, #tpu.memory_space<vmem>>, %arg12: memref<10240x128xf32, #tpu.memory_space<vmem_shared>>, %arg13: memref<!tpu.dma_semaphore, #tpu.memory_space<semaphore_mem>>, %arg14: memref<!tpu.dma_semaphore, #tpu.memory_space<semaphore_mem>>, %arg15: memref<!tpu.dma_semaphore, #tpu.memory_space<semaphore_mem>>, %arg16: memref<!tpu.dma_semaphore, #tpu.memory_space<semaphore_mem>>) attributes {dimension_semantics = [#tpu.dimension_semantics<core_parallel>, #tpu.dimension_semantics<subcore_parallel>], iteration_bounds = array<i64: 2, 16>, scalar_prefetch = 0 : i64, scratch_operands = 9 : i64, tpu.core_type = #tpu.core_type<sc_vector_subcore>, window_params = [{transform_indices = #map}, {transform_indices = #map1}, {transform_indices = #map1}, {transform_indices = #map}, {transform_indices = #map}, {transform_indices = #map}]} {
    %mul3A = arith.constant 16 : i32
    %mul3A_0 = arith.muli %arg0, %mul3A : i32
    %add3A = arith.addi %mul3A_0, %arg1 : i32
    "tpu.region"() ({
      %run_scoped3A = tpu.sem_alloc : memref<!tpu.dma_semaphore, #tpu.memory_space<semaphore_mem>>
      %dma_start3A_99 = arith.constant 0 : i32
      %dma_start3A_100 = arith.constant 0 : i32
      %dma_start3A_101 = tpu.memref_slice %arg3[%add3A, %dma_start3A_99, %dma_start3A_100] : memref<32x80x125xi32, #tpu.memory_space<hbm>> -> memref<1x40x125xi32, #tpu.memory_space<hbm>>
      %dma_start3A_102 = tpu.memref_squeeze %dma_start3A_101 : memref<1x40x125xi32, #tpu.memory_space<hbm>> -> memref<40x125xi32, #tpu.memory_space<hbm>>
      %dma_start3A_103 = arith.constant 0 : i32
      %dma_start3A_104 = arith.constant 0 : i32
      %dma_start3A_105 = tpu.memref_slice %arg3[%add3A, %dma_start3A_103, %dma_start3A_104] : memref<32x80x125xi32, #tpu.memory_space<hbm>> -> memref<1x40x125xi32, #tpu.memory_space<hbm>>
      %dma_start3A_106 = tpu.memref_squeeze %dma_start3A_105 : memref<1x40x125xi32, #tpu.memory_space<hbm>> -> memref<40x125xi32, #tpu.memory_space<hbm>>
      tpu.enqueue_dma source(%dma_start3A_106 : memref<40x125xi32, #tpu.memory_space<hbm>>) target(%arg8 : memref<40x125xi32, #tpu.memory_space<vmem>>) target_semaphore(%run_scoped3A : memref<!tpu.dma_semaphore, #tpu.memory_space<semaphore_mem>>)
      %dma_wait3A = arith.constant 0 : i32
      %dma_wait3A_107 = arith.constant 0 : i32
      %dma_wait3A_108 = tpu.memref_slice %arg3[%add3A, %dma_wait3A, %dma_wait3A_107] : memref<32x80x125xi32, #tpu.memory_space<hbm>> -> memref<1x40x125xi32, #tpu.memory_space<hbm>>
      %dma_wait3A_109 = tpu.memref_squeeze %dma_wait3A_108 : memref<1x40x125xi32, #tpu.memory_space<hbm>> -> memref<40x125xi32, #tpu.memory_space<hbm>>
      %dma_wait3A_110 = arith.constant 0 : i32
      %dma_wait3A_111 = arith.constant 0 : i32
      %dma_wait3A_112 = tpu.memref_slice %arg3[%add3A, %dma_wait3A_110, %dma_wait3A_111] : memref<32x80x125xi32, #tpu.memory_space<hbm>> -> memref<1x40x125xi32, #tpu.memory_space<hbm>>
      %dma_wait3A_113 = tpu.memref_squeeze %dma_wait3A_112 : memref<1x40x125xi32, #tpu.memory_space<hbm>> -> memref<40x125xi32, #tpu.memory_space<hbm>>
      tpu.wait_dma2 semaphore(%run_scoped3A : memref<!tpu.dma_semaphore, #tpu.memory_space<semaphore_mem>>) src(%dma_wait3A_113 : memref<40x125xi32, #tpu.memory_space<hbm>>) dst(%arg8 : memref<40x125xi32, #tpu.memory_space<vmem>>)
      tpu.yield
    }) : () -> ()
    "tpu.region"() ({
      %run_scoped3A = tpu.sem_alloc : memref<!tpu.dma_semaphore, #tpu.memory_space<semaphore_mem>>
      %dma_start3A_99 = arith.constant 0 : i32
      %dma_start3A_100 = arith.constant 0 : i32
      %dma_start3A_101 = tpu.memref_slice %arg4[%add3A, %dma_start3A_99, %dma_start3A_100] : memref<32x80x125xi32, #tpu.memory_space<hbm>> -> memref<1x40x125xi32, #tpu.memory_space<hbm>>
      %dma_start3A_102 = tpu.memref_squeeze %dma_start3A_101 : memref<1x40x125xi32, #tpu.memory_space<hbm>> -> memref<40x125xi32, #tpu.memory_space<hbm>>
      %dma_start3A_103 = arith.constant 0 : i32
      %dma_start3A_104 = arith.constant 0 : i32
      %dma_start3A_105 = tpu.memref_slice %arg4[%add3A, %dma_start3A_103, %dma_start3A_104] : memref<32x80x125xi32, #tpu.memory_space<hbm>> -> memref<1x40x125xi32, #tpu.memory_space<hbm>>
      %dma_start3A_106 = tpu.memref_squeeze %dma_start3A_105 : memref<1x40x125xi32, #tpu.memory_space<hbm>> -> memref<40x125xi32, #tpu.memory_space<hbm>>
      tpu.enqueue_dma source(%dma_start3A_106 : memref<40x125xi32, #tpu.memory_space<hbm>>) target(%arg9 : memref<40x125xi32, #tpu.memory_space<vmem>>) target_semaphore(%run_scoped3A : memref<!tpu.dma_semaphore, #tpu.memory_space<semaphore_mem>>)
      %dma_wait3A = arith.constant 0 : i32
      %dma_wait3A_107 = arith.constant 0 : i32
      %dma_wait3A_108 = tpu.memref_slice %arg4[%add3A, %dma_wait3A, %dma_wait3A_107] : memref<32x80x125xi32, #tpu.memory_space<hbm>> -> memref<1x40x125xi32, #tpu.memory_space<hbm>>
      %dma_wait3A_109 = tpu.memref_squeeze %dma_wait3A_108 : memref<1x40x125xi32, #tpu.memory_space<hbm>> -> memref<40x125xi32, #tpu.memory_space<hbm>>
      %dma_wait3A_110 = arith.constant 0 : i32
      %dma_wait3A_111 = arith.constant 0 : i32
      %dma_wait3A_112 = tpu.memref_slice %arg4[%add3A, %dma_wait3A_110, %dma_wait3A_111] : memref<32x80x125xi32, #tpu.memory_space<hbm>> -> memref<1x40x125xi32, #tpu.memory_space<hbm>>
      %dma_wait3A_113 = tpu.memref_squeeze %dma_wait3A_112 : memref<1x40x125xi32, #tpu.memory_space<hbm>> -> memref<40x125xi32, #tpu.memory_space<hbm>>
      tpu.wait_dma2 semaphore(%run_scoped3A : memref<!tpu.dma_semaphore, #tpu.memory_space<semaphore_mem>>) src(%dma_wait3A_113 : memref<40x125xi32, #tpu.memory_space<hbm>>) dst(%arg9 : memref<40x125xi32, #tpu.memory_space<vmem>>)
      tpu.yield
    }) : () -> ()
    %dma_start3A = arith.constant 0 : i32
    %dma_start3A_1 = arith.constant 0 : i32
    %dma_start3A_2 = tpu.memref_slice %arg8[%dma_start3A, %dma_start3A_1] : memref<40x125xi32, #tpu.memory_space<vmem>> -> memref<1x125xi32, #tpu.memory_space<vmem>>
    %dma_start3A_3 = tpu.memref_squeeze %dma_start3A_2 : memref<1x125xi32, #tpu.memory_space<vmem>> -> memref<125xi32, #tpu.memory_space<vmem>>
    %dma_start3A_4 = arith.constant 0 : i32
    %dma_start3A_5 = arith.constant 0 : i32
    %dma_start3A_6 = tpu.memref_slice %arg2[%dma_start3A_4, %dma_start3A_5] : memref<10240x128xf32, #tpu.memory_space<hbm>> -> memref<10240x128xf32, #tpu.memory_space<hbm>>
    tpu.enqueue_indirect_dma source(%dma_start3A_6 : memref<10240x128xf32, #tpu.memory_space<hbm>>) target(%arg10 : memref<125x128xf32, #tpu.memory_space<vmem>>) offsets(%dma_start3A_3 : memref<125xi32, #tpu.memory_space<vmem>>) semaphore(%arg13 : memref<!tpu.dma_semaphore, #tpu.memory_space<semaphore_mem>>)
    "tpu.region"() ({
      %run_scoped3A = tpu.sem_alloc : memref<!tpu.dma_semaphore, #tpu.memory_space<semaphore_mem>>
      %dma_start3A_99 = arith.constant 0 : i32
      %dma_start3A_100 = arith.constant 0 : i32
      %dma_start3A_101 = tpu.memref_slice %arg11[%dma_start3A_99, %dma_start3A_100] : memref<125x128xf32, #tpu.memory_space<vmem>> -> memref<64x128xf32, #tpu.memory_space<vmem>>
      %dma_start3A_102 = arith.constant 0 : i32
      %dma_start3A_103 = arith.constant 0 : i32
      %dma_start3A_104 = tpu.memref_slice %arg11[%dma_start3A_102, %dma_start3A_103] : memref<125x128xf32, #tpu.memory_space<vmem>> -> memref<64x128xf32, #tpu.memory_space<vmem>>
      tpu.enqueue_dma source(%arg5 : memref<64x128xf32, #tpu.memory_space<hbm>>) target(%dma_start3A_104 : memref<64x128xf32, #tpu.memory_space<vmem>>) target_semaphore(%run_scoped3A : memref<!tpu.dma_semaphore, #tpu.memory_space<semaphore_mem>>)
      %dma_wait3A = arith.constant 0 : i32
      %dma_wait3A_105 = arith.constant 0 : i32
      %dma_wait3A_106 = tpu.memref_slice %arg11[%dma_wait3A, %dma_wait3A_105] : memref<125x128xf32, #tpu.memory_space<vmem>> -> memref<64x128xf32, #tpu.memory_space<vmem>>
      %dma_wait3A_107 = arith.constant 0 : i32
      %dma_wait3A_108 = arith.constant 0 : i32
      %dma_wait3A_109 = tpu.memref_slice %arg11[%dma_wait3A_107, %dma_wait3A_108] : memref<125x128xf32, #tpu.memory_space<vmem>> -> memref<64x128xf32, #tpu.memory_space<vmem>>
      tpu.wait_dma2 semaphore(%run_scoped3A : memref<!tpu.dma_semaphore, #tpu.memory_space<semaphore_mem>>) src(%arg5 : memref<64x128xf32, #tpu.memory_space<hbm>>) dst(%dma_wait3A_109 : memref<64x128xf32, #tpu.memory_space<vmem>>)
      tpu.yield
    }) : () -> ()
    %mul3A_7 = arith.constant 640 : i32
    %mul3A_8 = arith.muli %arg1, %mul3A_7 : i32
    %add3A_9 = arith.constant 0 : i32
    %add3A_10 = arith.addi %mul3A_8, %add3A_9 : i32
    "tpu.region"() ({
      %run_scoped3A = tpu.sem_alloc : memref<!tpu.dma_semaphore, #tpu.memory_space<semaphore_mem>>
      %dma_start3A_99 = arith.constant 0 : i32
      %dma_start3A_100 = arith.constant 0 : i32
      %dma_start3A_101 = tpu.memref_slice %arg11[%dma_start3A_99, %dma_start3A_100] : memref<125x128xf32, #tpu.memory_space<vmem>> -> memref<64x128xf32, #tpu.memory_space<vmem>>
      %dma_start3A_102 = arith.constant 0 : i32
      %dma_start3A_103 = tpu.memref_slice %arg12[%add3A_10, %dma_start3A_102] : memref<10240x128xf32, #tpu.memory_space<vmem_shared>> -> memref<64x128xf32, #tpu.memory_space<vmem_shared>>
      %dma_start3A_104 = arith.constant 0 : i32
      %dma_start3A_105 = tpu.memref_slice %arg12[%add3A_10, %dma_start3A_104] : memref<10240x128xf32, #tpu.memory_space<vmem_shared>> -> memref<64x128xf32, #tpu.memory_space<vmem_shared>>
      %dma_start3A_106 = arith.constant 0 : i32
      %dma_start3A_107 = arith.constant 0 : i32
      %dma_start3A_108 = tpu.memref_slice %arg11[%dma_start3A_106, %dma_start3A_107] : memref<125x128xf32, #tpu.memory_space<vmem>> -> memref<64x128xf32, #tpu.memory_space<vmem>>
      tpu.enqueue_dma source(%dma_start3A_108 : memref<64x128xf32, #tpu.memory_space<vmem>>) target(%dma_start3A_105 : memref<64x128xf32, #tpu.memory_space<vmem_shared>>) target_semaphore(%run_scoped3A : memref<!tpu.dma_semaphore, #tpu.memory_space<semaphore_mem>>)
      %dma_wait3A = arith.constant 0 : i32
      %dma_wait3A_109 = arith.constant 0 : i32
      %dma_wait3A_110 = tpu.memref_slice %arg11[%dma_wait3A, %dma_wait3A_109] : memref<125x128xf32, #tpu.memory_space<vmem>> -> memref<64x128xf32, #tpu.memory_space<vmem>>
      %dma_wait3A_111 = arith.constant 0 : i32
      %dma_wait3A_112 = tpu.memref_slice %arg12[%add3A_10, %dma_wait3A_111] : memref<10240x128xf32, #tpu.memory_space<vmem_shared>> -> memref<64x128xf32, #tpu.memory_space<vmem_shared>>
      %dma_wait3A_113 = arith.constant 0 : i32
      %dma_wait3A_114 = tpu.memref_slice %arg12[%add3A_10, %dma_wait3A_113] : memref<10240x128xf32, #tpu.memory_space<vmem_shared>> -> memref<64x128xf32, #tpu.memory_space<vmem_shared>>
      %dma_wait3A_115 = arith.constant 0 : i32
      %dma_wait3A_116 = arith.constant 0 : i32
      %dma_wait3A_117 = tpu.memref_slice %arg11[%dma_wait3A_115, %dma_wait3A_116] : memref<125x128xf32, #tpu.memory_space<vmem>> -> memref<64x128xf32, #tpu.memory_space<vmem>>
      tpu.wait_dma2 semaphore(%run_scoped3A : memref<!tpu.dma_semaphore, #tpu.memory_space<semaphore_mem>>) src(%dma_wait3A_117 : memref<64x128xf32, #tpu.memory_space<vmem>>) dst(%dma_wait3A_114 : memref<64x128xf32, #tpu.memory_space<vmem_shared>>)
      tpu.yield
    }) : () -> ()
    %mul3A_11 = arith.constant 640 : i32
    %mul3A_12 = arith.muli %arg1, %mul3A_11 : i32
    %add3A_13 = arith.constant 64 : i32
    %add3A_14 = arith.addi %mul3A_12, %add3A_13 : i32
    "tpu.region"() ({
      %run_scoped3A = tpu.sem_alloc : memref<!tpu.dma_semaphore, #tpu.memory_space<semaphore_mem>>
      %dma_start3A_99 = arith.constant 0 : i32
      %dma_start3A_100 = arith.constant 0 : i32
      %dma_start3A_101 = tpu.memref_slice %arg11[%dma_start3A_99, %dma_start3A_100] : memref<125x128xf32, #tpu.memory_space<vmem>> -> memref<64x128xf32, #tpu.memory_space<vmem>>
      %dma_start3A_102 = arith.constant 0 : i32
      %dma_start3A_103 = tpu.memref_slice %arg12[%add3A_14, %dma_start3A_102] : memref<10240x128xf32, #tpu.memory_space<vmem_shared>> -> memref<64x128xf32, #tpu.memory_space<vmem_shared>>
      %dma_start3A_104 = arith.constant 0 : i32
      %dma_start3A_105 = tpu.memref_slice %arg12[%add3A_14, %dma_start3A_104] : memref<10240x128xf32, #tpu.memory_space<vmem_shared>> -> memref<64x128xf32, #tpu.memory_space<vmem_shared>>
      %dma_start3A_106 = arith.constant 0 : i32
      %dma_start3A_107 = arith.constant 0 : i32
      %dma_start3A_108 = tpu.memref_slice %arg11[%dma_start3A_106, %dma_start3A_107] : memref<125x128xf32, #tpu.memory_space<vmem>> -> memref<64x128xf32, #tpu.memory_space<vmem>>
      tpu.enqueue_dma source(%dma_start3A_108 : memref<64x128xf32, #tpu.memory_space<vmem>>) target(%dma_start3A_105 : memref<64x128xf32, #tpu.memory_space<vmem_shared>>) target_semaphore(%run_scoped3A : memref<!tpu.dma_semaphore, #tpu.memory_space<semaphore_mem>>)
      %dma_wait3A = arith.constant 0 : i32
      %dma_wait3A_109 = arith.constant 0 : i32
      %dma_wait3A_110 = tpu.memref_slice %arg11[%dma_wait3A, %dma_wait3A_109] : memref<125x128xf32, #tpu.memory_space<vmem>> -> memref<64x128xf32, #tpu.memory_space<vmem>>
      %dma_wait3A_111 = arith.constant 0 : i32
      %dma_wait3A_112 = tpu.memref_slice %arg12[%add3A_14, %dma_wait3A_111] : memref<10240x128xf32, #tpu.memory_space<vmem_shared>> -> memref<64x128xf32, #tpu.memory_space<vmem_shared>>
      %dma_wait3A_113 = arith.constant 0 : i32
      %dma_wait3A_114 = tpu.memref_slice %arg12[%add3A_14, %dma_wait3A_113] : memref<10240x128xf32, #tpu.memory_space<vmem_shared>> -> memref<64x128xf32, #tpu.memory_space<vmem_shared>>
      %dma_wait3A_115 = arith.constant 0 : i32
      %dma_wait3A_116 = arith.constant 0 : i32
      %dma_wait3A_117 = tpu.memref_slice %arg11[%dma_wait3A_115, %dma_wait3A_116] : memref<125x128xf32, #tpu.memory_space<vmem>> -> memref<64x128xf32, #tpu.memory_space<vmem>>
      tpu.wait_dma2 semaphore(%run_scoped3A : memref<!tpu.dma_semaphore, #tpu.memory_space<semaphore_mem>>) src(%dma_wait3A_117 : memref<64x128xf32, #tpu.memory_space<vmem>>) dst(%dma_wait3A_114 : memref<64x128xf32, #tpu.memory_space<vmem_shared>>)
      tpu.yield
    }) : () -> ()
    %mul3A_15 = arith.constant 640 : i32
    %mul3A_16 = arith.muli %arg1, %mul3A_15 : i32
    %add3A_17 = arith.constant 128 : i32
    %add3A_18 = arith.addi %mul3A_16, %add3A_17 : i32
    "tpu.region"() ({
      %run_scoped3A = tpu.sem_alloc : memref<!tpu.dma_semaphore, #tpu.memory_space<semaphore_mem>>
      %dma_start3A_99 = arith.constant 0 : i32
      %dma_start3A_100 = arith.constant 0 : i32
      %dma_start3A_101 = tpu.memref_slice %arg11[%dma_start3A_99, %dma_start3A_100] : memref<125x128xf32, #tpu.memory_space<vmem>> -> memref<64x128xf32, #tpu.memory_space<vmem>>
      %dma_start3A_102 = arith.constant 0 : i32
      %dma_start3A_103 = tpu.memref_slice %arg12[%add3A_18, %dma_start3A_102] : memref<10240x128xf32, #tpu.memory_space<vmem_shared>> -> memref<64x128xf32, #tpu.memory_space<vmem_shared>>
      %dma_start3A_104 = arith.constant 0 : i32
      %dma_start3A_105 = tpu.memref_slice %arg12[%add3A_18, %dma_start3A_104] : memref<10240x128xf32, #tpu.memory_space<vmem_shared>> -> memref<64x128xf32, #tpu.memory_space<vmem_shared>>
      %dma_start3A_106 = arith.constant 0 : i32
      %dma_start3A_107 = arith.constant 0 : i32
      %dma_start3A_108 = tpu.memref_slice %arg11[%dma_start3A_106, %dma_start3A_107] : memref<125x128xf32, #tpu.memory_space<vmem>> -> memref<64x128xf32, #tpu.memory_space<vmem>>
      tpu.enqueue_dma source(%dma_start3A_108 : memref<64x128xf32, #tpu.memory_space<vmem>>) target(%dma_start3A_105 : memref<64x128xf32, #tpu.memory_space<vmem_shared>>) target_semaphore(%run_scoped3A : memref<!tpu.dma_semaphore, #tpu.memory_space<semaphore_mem>>)
      %dma_wait3A = arith.constant 0 : i32
      %dma_wait3A_109 = arith.constant 0 : i32
      %dma_wait3A_110 = tpu.memref_slice %arg11[%dma_wait3A, %dma_wait3A_109] : memref<125x128xf32, #tpu.memory_space<vmem>> -> memref<64x128xf32, #tpu.memory_space<vmem>>
      %dma_wait3A_111 = arith.constant 0 : i32
      %dma_wait3A_112 = tpu.memref_slice %arg12[%add3A_18, %dma_wait3A_111] : memref<10240x128xf32, #tpu.memory_space<vmem_shared>> -> memref<64x128xf32, #tpu.memory_space<vmem_shared>>
      %dma_wait3A_113 = arith.constant 0 : i32
      %dma_wait3A_114 = tpu.memref_slice %arg12[%add3A_18, %dma_wait3A_113] : memref<10240x128xf32, #tpu.memory_space<vmem_shared>> -> memref<64x128xf32, #tpu.memory_space<vmem_shared>>
      %dma_wait3A_115 = arith.constant 0 : i32
      %dma_wait3A_116 = arith.constant 0 : i32
      %dma_wait3A_117 = tpu.memref_slice %arg11[%dma_wait3A_115, %dma_wait3A_116] : memref<125x128xf32, #tpu.memory_space<vmem>> -> memref<64x128xf32, #tpu.memory_space<vmem>>
      tpu.wait_dma2 semaphore(%run_scoped3A : memref<!tpu.dma_semaphore, #tpu.memory_space<semaphore_mem>>) src(%dma_wait3A_117 : memref<64x128xf32, #tpu.memory_space<vmem>>) dst(%dma_wait3A_114 : memref<64x128xf32, #tpu.memory_space<vmem_shared>>)
      tpu.yield
    }) : () -> ()
    %mul3A_19 = arith.constant 640 : i32
    %mul3A_20 = arith.muli %arg1, %mul3A_19 : i32
    %add3A_21 = arith.constant 192 : i32
    %add3A_22 = arith.addi %mul3A_20, %add3A_21 : i32
    "tpu.region"() ({
      %run_scoped3A = tpu.sem_alloc : memref<!tpu.dma_semaphore, #tpu.memory_space<semaphore_mem>>
      %dma_start3A_99 = arith.constant 0 : i32
      %dma_start3A_100 = arith.constant 0 : i32
      %dma_start3A_101 = tpu.memref_slice %arg11[%dma_start3A_99, %dma_start3A_100] : memref<125x128xf32, #tpu.memory_space<vmem>> -> memref<64x128xf32, #tpu.memory_space<vmem>>
      %dma_start3A_102 = arith.constant 0 : i32
      %dma_start3A_103 = tpu.memref_slice %arg12[%add3A_22, %dma_start3A_102] : memref<10240x128xf32, #tpu.memory_space<vmem_shared>> -> memref<64x128xf32, #tpu.memory_space<vmem_shared>>
      %dma_start3A_104 = arith.constant 0 : i32
      %dma_start3A_105 = tpu.memref_slice %arg12[%add3A_22, %dma_start3A_104] : memref<10240x128xf32, #tpu.memory_space<vmem_shared>> -> memref<64x128xf32, #tpu.memory_space<vmem_shared>>
      %dma_start3A_106 = arith.constant 0 : i32
      %dma_start3A_107 = arith.constant 0 : i32
      %dma_start3A_108 = tpu.memref_slice %arg11[%dma_start3A_106, %dma_start3A_107] : memref<125x128xf32, #tpu.memory_space<vmem>> -> memref<64x128xf32, #tpu.memory_space<vmem>>
      tpu.enqueue_dma source(%dma_start3A_108 : memref<64x128xf32, #tpu.memory_space<vmem>>) target(%dma_start3A_105 : memref<64x128xf32, #tpu.memory_space<vmem_shared>>) target_semaphore(%run_scoped3A : memref<!tpu.dma_semaphore, #tpu.memory_space<semaphore_mem>>)
      %dma_wait3A = arith.constant 0 : i32
      %dma_wait3A_109 = arith.constant 0 : i32
      %dma_wait3A_110 = tpu.memref_slice %arg11[%dma_wait3A, %dma_wait3A_109] : memref<125x128xf32, #tpu.memory_space<vmem>> -> memref<64x128xf32, #tpu.memory_space<vmem>>
      %dma_wait3A_111 = arith.constant 0 : i32
      %dma_wait3A_112 = tpu.memref_slice %arg12[%add3A_22, %dma_wait3A_111] : memref<10240x128xf32, #tpu.memory_space<vmem_shared>> -> memref<64x128xf32, #tpu.memory_space<vmem_shared>>
      %dma_wait3A_113 = arith.constant 0 : i32
      %dma_wait3A_114 = tpu.memref_slice %arg12[%add3A_22, %dma_wait3A_113] : memref<10240x128xf32, #tpu.memory_space<vmem_shared>> -> memref<64x128xf32, #tpu.memory_space<vmem_shared>>
      %dma_wait3A_115 = arith.constant 0 : i32
      %dma_wait3A_116 = arith.constant 0 : i32
      %dma_wait3A_117 = tpu.memref_slice %arg11[%dma_wait3A_115, %dma_wait3A_116] : memref<125x128xf32, #tpu.memory_space<vmem>> -> memref<64x128xf32, #tpu.memory_space<vmem>>
      tpu.wait_dma2 semaphore(%run_scoped3A : memref<!tpu.dma_semaphore, #tpu.memory_space<semaphore_mem>>) src(%dma_wait3A_117 : memref<64x128xf32, #tpu.memory_space<vmem>>) dst(%dma_wait3A_114 : memref<64x128xf32, #tpu.memory_space<vmem_shared>>)
      tpu.yield
    }) : () -> ()
    %mul3A_23 = arith.constant 640 : i32
    %mul3A_24 = arith.muli %arg1, %mul3A_23 : i32
    %add3A_25 = arith.constant 256 : i32
    %add3A_26 = arith.addi %mul3A_24, %add3A_25 : i32
    "tpu.region"() ({
      %run_scoped3A = tpu.sem_alloc : memref<!tpu.dma_semaphore, #tpu.memory_space<semaphore_mem>>
      %dma_start3A_99 = arith.constant 0 : i32
      %dma_start3A_100 = arith.constant 0 : i32
      %dma_start3A_101 = tpu.memref_slice %arg11[%dma_start3A_99, %dma_start3A_100] : memref<125x128xf32, #tpu.memory_space<vmem>> -> memref<64x128xf32, #tpu.memory_space<vmem>>
      %dma_start3A_102 = arith.constant 0 : i32
      %dma_start3A_103 = tpu.memref_slice %arg12[%add3A_26, %dma_start3A_102] : memref<10240x128xf32, #tpu.memory_space<vmem_shared>> -> memref<64x128xf32, #tpu.memory_space<vmem_shared>>
      %dma_start3A_104 = arith.constant 0 : i32
      %dma_start3A_105 = tpu.memref_slice %arg12[%add3A_26, %dma_start3A_104] : memref<10240x128xf32, #tpu.memory_space<vmem_shared>> -> memref<64x128xf32, #tpu.memory_space<vmem_shared>>
      %dma_start3A_106 = arith.constant 0 : i32
      %dma_start3A_107 = arith.constant 0 : i32
      %dma_start3A_108 = tpu.memref_slice %arg11[%dma_start3A_106, %dma_start3A_107] : memref<125x128xf32, #tpu.memory_space<vmem>> -> memref<64x128xf32, #tpu.memory_space<vmem>>
      tpu.enqueue_dma source(%dma_start3A_108 : memref<64x128xf32, #tpu.memory_space<vmem>>) target(%dma_start3A_105 : memref<64x128xf32, #tpu.memory_space<vmem_shared>>) target_semaphore(%run_scoped3A : memref<!tpu.dma_semaphore, #tpu.memory_space<semaphore_mem>>)
      %dma_wait3A = arith.constant 0 : i32
      %dma_wait3A_109 = arith.constant 0 : i32
      %dma_wait3A_110 = tpu.memref_slice %arg11[%dma_wait3A, %dma_wait3A_109] : memref<125x128xf32, #tpu.memory_space<vmem>> -> memref<64x128xf32, #tpu.memory_space<vmem>>
      %dma_wait3A_111 = arith.constant 0 : i32
      %dma_wait3A_112 = tpu.memref_slice %arg12[%add3A_26, %dma_wait3A_111] : memref<10240x128xf32, #tpu.memory_space<vmem_shared>> -> memref<64x128xf32, #tpu.memory_space<vmem_shared>>
      %dma_wait3A_113 = arith.constant 0 : i32
      %dma_wait3A_114 = tpu.memref_slice %arg12[%add3A_26, %dma_wait3A_113] : memref<10240x128xf32, #tpu.memory_space<vmem_shared>> -> memref<64x128xf32, #tpu.memory_space<vmem_shared>>
      %dma_wait3A_115 = arith.constant 0 : i32
      %dma_wait3A_116 = arith.constant 0 : i32
      %dma_wait3A_117 = tpu.memref_slice %arg11[%dma_wait3A_115, %dma_wait3A_116] : memref<125x128xf32, #tpu.memory_space<vmem>> -> memref<64x128xf32, #tpu.memory_space<vmem>>
      tpu.wait_dma2 semaphore(%run_scoped3A : memref<!tpu.dma_semaphore, #tpu.memory_space<semaphore_mem>>) src(%dma_wait3A_117 : memref<64x128xf32, #tpu.memory_space<vmem>>) dst(%dma_wait3A_114 : memref<64x128xf32, #tpu.memory_space<vmem_shared>>)
      tpu.yield
    }) : () -> ()
    %mul3A_27 = arith.constant 640 : i32
    %mul3A_28 = arith.muli %arg1, %mul3A_27 : i32
    %add3A_29 = arith.constant 320 : i32
    %add3A_30 = arith.addi %mul3A_28, %add3A_29 : i32
    "tpu.region"() ({
      %run_scoped3A = tpu.sem_alloc : memref<!tpu.dma_semaphore, #tpu.memory_space<semaphore_mem>>
      %dma_start3A_99 = arith.constant 0 : i32
      %dma_start3A_100 = arith.constant 0 : i32
      %dma_start3A_101 = tpu.memref_slice %arg11[%dma_start3A_99, %dma_start3A_100] : memref<125x128xf32, #tpu.memory_space<vmem>> -> memref<64x128xf32, #tpu.memory_space<vmem>>
      %dma_start3A_102 = arith.constant 0 : i32
      %dma_start3A_103 = tpu.memref_slice %arg12[%add3A_30, %dma_start3A_102] : memref<10240x128xf32, #tpu.memory_space<vmem_shared>> -> memref<64x128xf32, #tpu.memory_space<vmem_shared>>
      %dma_start3A_104 = arith.constant 0 : i32
      %dma_start3A_105 = tpu.memref_slice %arg12[%add3A_30, %dma_start3A_104] : memref<10240x128xf32, #tpu.memory_space<vmem_shared>> -> memref<64x128xf32, #tpu.memory_space<vmem_shared>>
      %dma_start3A_106 = arith.constant 0 : i32
      %dma_start3A_107 = arith.constant 0 : i32
      %dma_start3A_108 = tpu.memref_slice %arg11[%dma_start3A_106, %dma_start3A_107] : memref<125x128xf32, #tpu.memory_space<vmem>> -> memref<64x128xf32, #tpu.memory_space<vmem>>
      tpu.enqueue_dma source(%dma_start3A_108 : memref<64x128xf32, #tpu.memory_space<vmem>>) target(%dma_start3A_105 : memref<64x128xf32, #tpu.memory_space<vmem_shared>>) target_semaphore(%run_scoped3A : memref<!tpu.dma_semaphore, #tpu.memory_space<semaphore_mem>>)
      %dma_wait3A = arith.constant 0 : i32
      %dma_wait3A_109 = arith.constant 0 : i32
      %dma_wait3A_110 = tpu.memref_slice %arg11[%dma_wait3A, %dma_wait3A_109] : memref<125x128xf32, #tpu.memory_space<vmem>> -> memref<64x128xf32, #tpu.memory_space<vmem>>
      %dma_wait3A_111 = arith.constant 0 : i32
      %dma_wait3A_112 = tpu.memref_slice %arg12[%add3A_30, %dma_wait3A_111] : memref<10240x128xf32, #tpu.memory_space<vmem_shared>> -> memref<64x128xf32, #tpu.memory_space<vmem_shared>>
      %dma_wait3A_113 = arith.constant 0 : i32
      %dma_wait3A_114 = tpu.memref_slice %arg12[%add3A_30, %dma_wait3A_113] : memref<10240x128xf32, #tpu.memory_space<vmem_shared>> -> memref<64x128xf32, #tpu.memory_space<vmem_shared>>
      %dma_wait3A_115 = arith.constant 0 : i32
      %dma_wait3A_116 = arith.constant 0 : i32
      %dma_wait3A_117 = tpu.memref_slice %arg11[%dma_wait3A_115, %dma_wait3A_116] : memref<125x128xf32, #tpu.memory_space<vmem>> -> memref<64x128xf32, #tpu.memory_space<vmem>>
      tpu.wait_dma2 semaphore(%run_scoped3A : memref<!tpu.dma_semaphore, #tpu.memory_space<semaphore_mem>>) src(%dma_wait3A_117 : memref<64x128xf32, #tpu.memory_space<vmem>>) dst(%dma_wait3A_114 : memref<64x128xf32, #tpu.memory_space<vmem_shared>>)
      tpu.yield
    }) : () -> ()
    %mul3A_31 = arith.constant 640 : i32
    %mul3A_32 = arith.muli %arg1, %mul3A_31 : i32
    %add3A_33 = arith.constant 384 : i32
    %add3A_34 = arith.addi %mul3A_32, %add3A_33 : i32
    "tpu.region"() ({
      %run_scoped3A = tpu.sem_alloc : memref<!tpu.dma_semaphore, #tpu.memory_space<semaphore_mem>>
      %dma_start3A_99 = arith.constant 0 : i32
      %dma_start3A_100 = arith.constant 0 : i32
      %dma_start3A_101 = tpu.memref_slice %arg11[%dma_start3A_99, %dma_start3A_100] : memref<125x128xf32, #tpu.memory_space<vmem>> -> memref<64x128xf32, #tpu.memory_space<vmem>>
      %dma_start3A_102 = arith.constant 0 : i32
      %dma_start3A_103 = tpu.memref_slice %arg12[%add3A_34, %dma_start3A_102] : memref<10240x128xf32, #tpu.memory_space<vmem_shared>> -> memref<64x128xf32, #tpu.memory_space<vmem_shared>>
      %dma_start3A_104 = arith.constant 0 : i32
      %dma_start3A_105 = tpu.memref_slice %arg12[%add3A_34, %dma_start3A_104] : memref<10240x128xf32, #tpu.memory_space<vmem_shared>> -> memref<64x128xf32, #tpu.memory_space<vmem_shared>>
      %dma_start3A_106 = arith.constant 0 : i32
      %dma_start3A_107 = arith.constant 0 : i32
      %dma_start3A_108 = tpu.memref_slice %arg11[%dma_start3A_106, %dma_start3A_107] : memref<125x128xf32, #tpu.memory_space<vmem>> -> memref<64x128xf32, #tpu.memory_space<vmem>>
      tpu.enqueue_dma source(%dma_start3A_108 : memref<64x128xf32, #tpu.memory_space<vmem>>) target(%dma_start3A_105 : memref<64x128xf32, #tpu.memory_space<vmem_shared>>) target_semaphore(%run_scoped3A : memref<!tpu.dma_semaphore, #tpu.memory_space<semaphore_mem>>)
      %dma_wait3A = arith.constant 0 : i32
      %dma_wait3A_109 = arith.constant 0 : i32
      %dma_wait3A_110 = tpu.memref_slice %arg11[%dma_wait3A, %dma_wait3A_109] : memref<125x128xf32, #tpu.memory_space<vmem>> -> memref<64x128xf32, #tpu.memory_space<vmem>>
      %dma_wait3A_111 = arith.constant 0 : i32
      %dma_wait3A_112 = tpu.memref_slice %arg12[%add3A_34, %dma_wait3A_111] : memref<10240x128xf32, #tpu.memory_space<vmem_shared>> -> memref<64x128xf32, #tpu.memory_space<vmem_shared>>
      %dma_wait3A_113 = arith.constant 0 : i32
      %dma_wait3A_114 = tpu.memref_slice %arg12[%add3A_34, %dma_wait3A_113] : memref<10240x128xf32, #tpu.memory_space<vmem_shared>> -> memref<64x128xf32, #tpu.memory_space<vmem_shared>>
      %dma_wait3A_115 = arith.constant 0 : i32
      %dma_wait3A_116 = arith.constant 0 : i32
      %dma_wait3A_117 = tpu.memref_slice %arg11[%dma_wait3A_115, %dma_wait3A_116] : memref<125x128xf32, #tpu.memory_space<vmem>> -> memref<64x128xf32, #tpu.memory_space<vmem>>
      tpu.wait_dma2 semaphore(%run_scoped3A : memref<!tpu.dma_semaphore, #tpu.memory_space<semaphore_mem>>) src(%dma_wait3A_117 : memref<64x128xf32, #tpu.memory_space<vmem>>) dst(%dma_wait3A_114 : memref<64x128xf32, #tpu.memory_space<vmem_shared>>)
      tpu.yield
    }) : () -> ()
    %mul3A_35 = arith.constant 640 : i32
    %mul3A_36 = arith.muli %arg1, %mul3A_35 : i32
    %add3A_37 = arith.constant 448 : i32
    %add3A_38 = arith.addi %mul3A_36, %add3A_37 : i32
    "tpu.region"() ({
      %run_scoped3A = tpu.sem_alloc : memref<!tpu.dma_semaphore, #tpu.memory_space<semaphore_mem>>
      %dma_start3A_99 = arith.constant 0 : i32
      %dma_start3A_100 = arith.constant 0 : i32
      %dma_start3A_101 = tpu.memref_slice %arg11[%dma_start3A_99, %dma_start3A_100] : memref<125x128xf32, #tpu.memory_space<vmem>> -> memref<64x128xf32, #tpu.memory_space<vmem>>
      %dma_start3A_102 = arith.constant 0 : i32
      %dma_start3A_103 = tpu.memref_slice %arg12[%add3A_38, %dma_start3A_102] : memref<10240x128xf32, #tpu.memory_space<vmem_shared>> -> memref<64x128xf32, #tpu.memory_space<vmem_shared>>
      %dma_start3A_104 = arith.constant 0 : i32
      %dma_start3A_105 = tpu.memref_slice %arg12[%add3A_38, %dma_start3A_104] : memref<10240x128xf32, #tpu.memory_space<vmem_shared>> -> memref<64x128xf32, #tpu.memory_space<vmem_shared>>
      %dma_start3A_106 = arith.constant 0 : i32
      %dma_start3A_107 = arith.constant 0 : i32
      %dma_start3A_108 = tpu.memref_slice %arg11[%dma_start3A_106, %dma_start3A_107] : memref<125x128xf32, #tpu.memory_space<vmem>> -> memref<64x128xf32, #tpu.memory_space<vmem>>
      tpu.enqueue_dma source(%dma_start3A_108 : memref<64x128xf32, #tpu.memory_space<vmem>>) target(%dma_start3A_105 : memref<64x128xf32, #tpu.memory_space<vmem_shared>>) target_semaphore(%run_scoped3A : memref<!tpu.dma_semaphore, #tpu.memory_space<semaphore_mem>>)
      %dma_wait3A = arith.constant 0 : i32
      %dma_wait3A_109 = arith.constant 0 : i32
      %dma_wait3A_110 = tpu.memref_slice %arg11[%dma_wait3A, %dma_wait3A_109] : memref<125x128xf32, #tpu.memory_space<vmem>> -> memref<64x128xf32, #tpu.memory_space<vmem>>
      %dma_wait3A_111 = arith.constant 0 : i32
      %dma_wait3A_112 = tpu.memref_slice %arg12[%add3A_38, %dma_wait3A_111] : memref<10240x128xf32, #tpu.memory_space<vmem_shared>> -> memref<64x128xf32, #tpu.memory_space<vmem_shared>>
      %dma_wait3A_113 = arith.constant 0 : i32
      %dma_wait3A_114 = tpu.memref_slice %arg12[%add3A_38, %dma_wait3A_113] : memref<10240x128xf32, #tpu.memory_space<vmem_shared>> -> memref<64x128xf32, #tpu.memory_space<vmem_shared>>
      %dma_wait3A_115 = arith.constant 0 : i32
      %dma_wait3A_116 = arith.constant 0 : i32
      %dma_wait3A_117 = tpu.memref_slice %arg11[%dma_wait3A_115, %dma_wait3A_116] : memref<125x128xf32, #tpu.memory_space<vmem>> -> memref<64x128xf32, #tpu.memory_space<vmem>>
      tpu.wait_dma2 semaphore(%run_scoped3A : memref<!tpu.dma_semaphore, #tpu.memory_space<semaphore_mem>>) src(%dma_wait3A_117 : memref<64x128xf32, #tpu.memory_space<vmem>>) dst(%dma_wait3A_114 : memref<64x128xf32, #tpu.memory_space<vmem_shared>>)
      tpu.yield
    }) : () -> ()
    %mul3A_39 = arith.constant 640 : i32
    %mul3A_40 = arith.muli %arg1, %mul3A_39 : i32
    %add3A_41 = arith.constant 512 : i32
    %add3A_42 = arith.addi %mul3A_40, %add3A_41 : i32
    "tpu.region"() ({
      %run_scoped3A = tpu.sem_alloc : memref<!tpu.dma_semaphore, #tpu.memory_space<semaphore_mem>>
      %dma_start3A_99 = arith.constant 0 : i32
      %dma_start3A_100 = arith.constant 0 : i32
      %dma_start3A_101 = tpu.memref_slice %arg11[%dma_start3A_99, %dma_start3A_100] : memref<125x128xf32, #tpu.memory_space<vmem>> -> memref<64x128xf32, #tpu.memory_space<vmem>>
      %dma_start3A_102 = arith.constant 0 : i32
      %dma_start3A_103 = tpu.memref_slice %arg12[%add3A_42, %dma_start3A_102] : memref<10240x128xf32, #tpu.memory_space<vmem_shared>> -> memref<64x128xf32, #tpu.memory_space<vmem_shared>>
      %dma_start3A_104 = arith.constant 0 : i32
      %dma_start3A_105 = tpu.memref_slice %arg12[%add3A_42, %dma_start3A_104] : memref<10240x128xf32, #tpu.memory_space<vmem_shared>> -> memref<64x128xf32, #tpu.memory_space<vmem_shared>>
      %dma_start3A_106 = arith.constant 0 : i32
      %dma_start3A_107 = arith.constant 0 : i32
      %dma_start3A_108 = tpu.memref_slice %arg11[%dma_start3A_106, %dma_start3A_107] : memref<125x128xf32, #tpu.memory_space<vmem>> -> memref<64x128xf32, #tpu.memory_space<vmem>>
      tpu.enqueue_dma source(%dma_start3A_108 : memref<64x128xf32, #tpu.memory_space<vmem>>) target(%dma_start3A_105 : memref<64x128xf32, #tpu.memory_space<vmem_shared>>) target_semaphore(%run_scoped3A : memref<!tpu.dma_semaphore, #tpu.memory_space<semaphore_mem>>)
      %dma_wait3A = arith.constant 0 : i32
      %dma_wait3A_109 = arith.constant 0 : i32
      %dma_wait3A_110 = tpu.memref_slice %arg11[%dma_wait3A, %dma_wait3A_109] : memref<125x128xf32, #tpu.memory_space<vmem>> -> memref<64x128xf32, #tpu.memory_space<vmem>>
      %dma_wait3A_111 = arith.constant 0 : i32
      %dma_wait3A_112 = tpu.memref_slice %arg12[%add3A_42, %dma_wait3A_111] : memref<10240x128xf32, #tpu.memory_space<vmem_shared>> -> memref<64x128xf32, #tpu.memory_space<vmem_shared>>
      %dma_wait3A_113 = arith.constant 0 : i32
      %dma_wait3A_114 = tpu.memref_slice %arg12[%add3A_42, %dma_wait3A_113] : memref<10240x128xf32, #tpu.memory_space<vmem_shared>> -> memref<64x128xf32, #tpu.memory_space<vmem_shared>>
      %dma_wait3A_115 = arith.constant 0 : i32
      %dma_wait3A_116 = arith.constant 0 : i32
      %dma_wait3A_117 = tpu.memref_slice %arg11[%dma_wait3A_115, %dma_wait3A_116] : memref<125x128xf32, #tpu.memory_space<vmem>> -> memref<64x128xf32, #tpu.memory_space<vmem>>
      tpu.wait_dma2 semaphore(%run_scoped3A : memref<!tpu.dma_semaphore, #tpu.memory_space<semaphore_mem>>) src(%dma_wait3A_117 : memref<64x128xf32, #tpu.memory_space<vmem>>) dst(%dma_wait3A_114 : memref<64x128xf32, #tpu.memory_space<vmem_shared>>)
      tpu.yield
    }) : () -> ()
    %mul3A_43 = arith.constant 640 : i32
    %mul3A_44 = arith.muli %arg1, %mul3A_43 : i32
    %add3A_45 = arith.constant 576 : i32
    %add3A_46 = arith.addi %mul3A_44, %add3A_45 : i32
    "tpu.region"() ({
      %run_scoped3A = tpu.sem_alloc : memref<!tpu.dma_semaphore, #tpu.memory_space<semaphore_mem>>
      %dma_start3A_99 = arith.constant 0 : i32
      %dma_start3A_100 = arith.constant 0 : i32
      %dma_start3A_101 = tpu.memref_slice %arg11[%dma_start3A_99, %dma_start3A_100] : memref<125x128xf32, #tpu.memory_space<vmem>> -> memref<64x128xf32, #tpu.memory_space<vmem>>
      %dma_start3A_102 = arith.constant 0 : i32
      %dma_start3A_103 = tpu.memref_slice %arg12[%add3A_46, %dma_start3A_102] : memref<10240x128xf32, #tpu.memory_space<vmem_shared>> -> memref<64x128xf32, #tpu.memory_space<vmem_shared>>
      %dma_start3A_104 = arith.constant 0 : i32
      %dma_start3A_105 = tpu.memref_slice %arg12[%add3A_46, %dma_start3A_104] : memref<10240x128xf32, #tpu.memory_space<vmem_shared>> -> memref<64x128xf32, #tpu.memory_space<vmem_shared>>
      %dma_start3A_106 = arith.constant 0 : i32
      %dma_start3A_107 = arith.constant 0 : i32
      %dma_start3A_108 = tpu.memref_slice %arg11[%dma_start3A_106, %dma_start3A_107] : memref<125x128xf32, #tpu.memory_space<vmem>> -> memref<64x128xf32, #tpu.memory_space<vmem>>
      tpu.enqueue_dma source(%dma_start3A_108 : memref<64x128xf32, #tpu.memory_space<vmem>>) target(%dma_start3A_105 : memref<64x128xf32, #tpu.memory_space<vmem_shared>>) target_semaphore(%run_scoped3A : memref<!tpu.dma_semaphore, #tpu.memory_space<semaphore_mem>>)
      %dma_wait3A = arith.constant 0 : i32
      %dma_wait3A_109 = arith.constant 0 : i32
      %dma_wait3A_110 = tpu.memref_slice %arg11[%dma_wait3A, %dma_wait3A_109] : memref<125x128xf32, #tpu.memory_space<vmem>> -> memref<64x128xf32, #tpu.memory_space<vmem>>
      %dma_wait3A_111 = arith.constant 0 : i32
      %dma_wait3A_112 = tpu.memref_slice %arg12[%add3A_46, %dma_wait3A_111] : memref<10240x128xf32, #tpu.memory_space<vmem_shared>> -> memref<64x128xf32, #tpu.memory_space<vmem_shared>>
      %dma_wait3A_113 = arith.constant 0 : i32
      %dma_wait3A_114 = tpu.memref_slice %arg12[%add3A_46, %dma_wait3A_113] : memref<10240x128xf32, #tpu.memory_space<vmem_shared>> -> memref<64x128xf32, #tpu.memory_space<vmem_shared>>
      %dma_wait3A_115 = arith.constant 0 : i32
      %dma_wait3A_116 = arith.constant 0 : i32
      %dma_wait3A_117 = tpu.memref_slice %arg11[%dma_wait3A_115, %dma_wait3A_116] : memref<125x128xf32, #tpu.memory_space<vmem>> -> memref<64x128xf32, #tpu.memory_space<vmem>>
      tpu.wait_dma2 semaphore(%run_scoped3A : memref<!tpu.dma_semaphore, #tpu.memory_space<semaphore_mem>>) src(%dma_wait3A_117 : memref<64x128xf32, #tpu.memory_space<vmem>>) dst(%dma_wait3A_114 : memref<64x128xf32, #tpu.memory_space<vmem_shared>>)
      tpu.yield
    }) : () -> ()
    %barrier3A = arith.constant 0 : index
    tpu.barrier barrier_id(%barrier3A)
    %sub3A = arith.constant 40 : i32
    %sub3A_47 = arith.constant 0 : i32
    %sub3A_48 = arith.subi %sub3A, %sub3A_47 : i32
    %sub3A_49 = arith.constant 2 : i32
    %sub3A_50 = arith.constant 1 : i32
    %sub3A_51 = arith.subi %sub3A_49, %sub3A_50 : i32
    %add3A_52 = arith.addi %sub3A_48, %sub3A_51 : i32
    %div3A = arith.constant 2 : i32
    %div3A_53 = arith.divsi %add3A_52, %div3A : i32
    %while3A = arith.constant 2 : i32
    %while3A_54 = arith.constant 0 : i32
    %while3A_55 = arith.constant 0 : i32
    %while3A_56 = arith.subi %div3A_53, %while3A_55 : i32
    %while3A_57 = arith.addi %while3A_55, %while3A_56 : i32
    %while3A_58 = arith.constant 1 : i32
    %while3A_59 = arith.divsi %while3A_56, %while3A_58 : i32
    %while3A_60 = arith.muli %while3A_59, %while3A_58 : i32
    %while3A_61 = arith.addi %while3A_55, %while3A_60 : i32
    %while3A_62 = arith.constant 1 : i32
    scf.for %while3A_99 = %while3A_55 to %while3A_61 step %while3A_62  : i32 {
      %mul3A_100 = arith.muli %while3A_99, %while3A : i32
      %add3A_101 = arith.addi %while3A_54, %mul3A_100 : i32
      %add3A_102 = arith.constant 1 : i32
      %add3A_103 = arith.addi %add3A_101, %add3A_102 : i32
      %dma_start3A_104 = arith.constant 0 : i32
      %dma_start3A_105 = tpu.memref_slice %arg8[%add3A_103, %dma_start3A_104] : memref<40x125xi32, #tpu.memory_space<vmem>> -> memref<1x125xi32, #tpu.memory_space<vmem>>
      %dma_start3A_106 = tpu.memref_squeeze %dma_start3A_105 : memref<1x125xi32, #tpu.memory_space<vmem>> -> memref<125xi32, #tpu.memory_space<vmem>>
      %dma_start3A_107 = arith.constant 0 : i32
      %dma_start3A_108 = arith.constant 0 : i32
      %dma_start3A_109 = tpu.memref_slice %arg2[%dma_start3A_107, %dma_start3A_108] : memref<10240x128xf32, #tpu.memory_space<hbm>> -> memref<10240x128xf32, #tpu.memory_space<hbm>>
      tpu.enqueue_indirect_dma source(%dma_start3A_109 : memref<10240x128xf32, #tpu.memory_space<hbm>>) target(%arg11 : memref<125x128xf32, #tpu.memory_space<vmem>>) offsets(%dma_start3A_106 : memref<125xi32, #tpu.memory_space<vmem>>) semaphore(%arg14 : memref<!tpu.dma_semaphore, #tpu.memory_space<semaphore_mem>>)
      %dma_wait3A = arith.constant 0 : i32
      %dma_wait3A_110 = tpu.memref_slice %arg8[%add3A_101, %dma_wait3A] : memref<40x125xi32, #tpu.memory_space<vmem>> -> memref<1x125xi32, #tpu.memory_space<vmem>>
      %dma_wait3A_111 = tpu.memref_squeeze %dma_wait3A_110 : memref<1x125xi32, #tpu.memory_space<vmem>> -> memref<125xi32, #tpu.memory_space<vmem>>
      %dma_wait3A_112 = arith.constant 0 : i32
      %dma_wait3A_113 = arith.constant 0 : i32
      %dma_wait3A_114 = tpu.memref_slice %arg2[%dma_wait3A_112, %dma_wait3A_113] : memref<10240x128xf32, #tpu.memory_space<hbm>> -> memref<10240x128xf32, #tpu.memory_space<hbm>>
      tpu.wait_indirect_dma semaphore(%arg13 : memref<!tpu.dma_semaphore, #tpu.memory_space<semaphore_mem>>) src(%dma_wait3A_114 : memref<10240x128xf32, #tpu.memory_space<hbm>>) dst(%arg10 : memref<125x128xf32, #tpu.memory_space<vmem>>)
      "tpu.region"() ({
        %run_scoped3A = tpu.sem_alloc : memref<!tpu.dma_semaphore, #tpu.memory_space<semaphore_mem>>
        %dma_start3A_131 = arith.constant 0 : i32
        %dma_start3A_132 = tpu.memref_slice %arg9[%add3A_101, %dma_start3A_131] : memref<40x125xi32, #tpu.memory_space<vmem>> -> memref<1x125xi32, #tpu.memory_space<vmem>>
        %dma_start3A_133 = tpu.memref_squeeze %dma_start3A_132 : memref<1x125xi32, #tpu.memory_space<vmem>> -> memref<125xi32, #tpu.memory_space<vmem>>
        %dma_start3A_134 = arith.constant 0 : i32
        %dma_start3A_135 = arith.constant 0 : i32
        %dma_start3A_136 = tpu.memref_slice %arg12[%dma_start3A_134, %dma_start3A_135] : memref<10240x128xf32, #tpu.memory_space<vmem_shared>> -> memref<10240x128xf32, #tpu.memory_space<vmem_shared>>
        tpu.enqueue_indirect_dma source(%arg10 : memref<125x128xf32, #tpu.memory_space<vmem>>) target(%dma_start3A_136 : memref<10240x128xf32, #tpu.memory_space<vmem_shared>>) offsets(%dma_start3A_133 : memref<125xi32, #tpu.memory_space<vmem>>) semaphore(%run_scoped3A : memref<!tpu.dma_semaphore, #tpu.memory_space<semaphore_mem>>) {add = true}
        %dma_wait3A_137 = arith.constant 0 : i32
        %dma_wait3A_138 = tpu.memref_slice %arg9[%add3A_101, %dma_wait3A_137] : memref<40x125xi32, #tpu.memory_space<vmem>> -> memref<1x125xi32, #tpu.memory_space<vmem>>
        %dma_wait3A_139 = tpu.memref_squeeze %dma_wait3A_138 : memref<1x125xi32, #tpu.memory_space<vmem>> -> memref<125xi32, #tpu.memory_space<vmem>>
        %dma_wait3A_140 = arith.constant 0 : i32
        %dma_wait3A_141 = arith.constant 0 : i32
        %dma_wait3A_142 = tpu.memref_slice %arg12[%dma_wait3A_140, %dma_wait3A_141] : memref<10240x128xf32, #tpu.memory_space<vmem_shared>> -> memref<10240x128xf32, #tpu.memory_space<vmem_shared>>
        tpu.wait_indirect_dma semaphore(%run_scoped3A : memref<!tpu.dma_semaphore, #tpu.memory_space<semaphore_mem>>) src(%arg10 : memref<125x128xf32, #tpu.memory_space<vmem>>) dst(%dma_wait3A_142 : memref<10240x128xf32, #tpu.memory_space<vmem_shared>>)
        tpu.yield
      }) : () -> ()
      %add3A_115 = arith.constant 2 : i32
      %add3A_116 = arith.addi %add3A_101, %add3A_115 : i32
      %lt3A = arith.constant 40 : i32
      %lt3A_117 = arith.cmpi slt, %add3A_116, %lt3A : i32
      %convert_element_type3A_118 = arith.extui %lt3A_117 : i1 to i32
      %cond3A_119 = arith.constant 0 : i32
      %cond3A_120 = arith.cmpi ne, %convert_element_type3A_118, %cond3A_119 : i32
      scf.if %cond3A_120 {
        %add3A_131 = arith.constant 2 : i32
        %add3A_132 = arith.addi %add3A_101, %add3A_131 : i32
        %dma_start3A_133 = arith.constant 0 : i32
        %dma_start3A_134 = tpu.memref_slice %arg8[%add3A_132, %dma_start3A_133] : memref<40x125xi32, #tpu.memory_space<vmem>> -> memref<1x125xi32, #tpu.memory_space<vmem>>
        %dma_start3A_135 = tpu.memref_squeeze %dma_start3A_134 : memref<1x125xi32, #tpu.memory_space<vmem>> -> memref<125xi32, #tpu.memory_space<vmem>>
        %dma_start3A_136 = arith.constant 0 : i32
        %dma_start3A_137 = arith.constant 0 : i32
        %dma_start3A_138 = tpu.memref_slice %arg2[%dma_start3A_136, %dma_start3A_137] : memref<10240x128xf32, #tpu.memory_space<hbm>> -> memref<10240x128xf32, #tpu.memory_space<hbm>>
        tpu.enqueue_indirect_dma source(%dma_start3A_138 : memref<10240x128xf32, #tpu.memory_space<hbm>>) target(%arg10 : memref<125x128xf32, #tpu.memory_space<vmem>>) offsets(%dma_start3A_135 : memref<125xi32, #tpu.memory_space<vmem>>) semaphore(%arg13 : memref<!tpu.dma_semaphore, #tpu.memory_space<semaphore_mem>>)
      } else {
      }
      %add3A_121 = arith.constant 1 : i32
      %add3A_122 = arith.addi %add3A_101, %add3A_121 : i32
      %dma_wait3A_123 = arith.constant 0 : i32
      %dma_wait3A_124 = tpu.memref_slice %arg8[%add3A_122, %dma_wait3A_123] : memref<40x125xi32, #tpu.memory_space<vmem>> -> memref<1x125xi32, #tpu.memory_space<vmem>>
      %dma_wait3A_125 = tpu.memref_squeeze %dma_wait3A_124 : memref<1x125xi32, #tpu.memory_space<vmem>> -> memref<125xi32, #tpu.memory_space<vmem>>
      %dma_wait3A_126 = arith.constant 0 : i32
      %dma_wait3A_127 = arith.constant 0 : i32
      %dma_wait3A_128 = tpu.memref_slice %arg2[%dma_wait3A_126, %dma_wait3A_127] : memref<10240x128xf32, #tpu.memory_space<hbm>> -> memref<10240x128xf32, #tpu.memory_space<hbm>>
      tpu.wait_indirect_dma semaphore(%arg14 : memref<!tpu.dma_semaphore, #tpu.memory_space<semaphore_mem>>) src(%dma_wait3A_128 : memref<10240x128xf32, #tpu.memory_space<hbm>>) dst(%arg11 : memref<125x128xf32, #tpu.memory_space<vmem>>)
      %add3A_129 = arith.constant 1 : i32
      %add3A_130 = arith.addi %add3A_101, %add3A_129 : i32
      "tpu.region"() ({
        %run_scoped3A = tpu.sem_alloc : memref<!tpu.dma_semaphore, #tpu.memory_space<semaphore_mem>>
        %dma_start3A_131 = arith.constant 0 : i32
        %dma_start3A_132 = tpu.memref_slice %arg9[%add3A_130, %dma_start3A_131] : memref<40x125xi32, #tpu.memory_space<vmem>> -> memref<1x125xi32, #tpu.memory_space<vmem>>
        %dma_start3A_133 = tpu.memref_squeeze %dma_start3A_132 : memref<1x125xi32, #tpu.memory_space<vmem>> -> memref<125xi32, #tpu.memory_space<vmem>>
        %dma_start3A_134 = arith.constant 0 : i32
        %dma_start3A_135 = arith.constant 0 : i32
        %dma_start3A_136 = tpu.memref_slice %arg12[%dma_start3A_134, %dma_start3A_135] : memref<10240x128xf32, #tpu.memory_space<vmem_shared>> -> memref<10240x128xf32, #tpu.memory_space<vmem_shared>>
        tpu.enqueue_indirect_dma source(%arg11 : memref<125x128xf32, #tpu.memory_space<vmem>>) target(%dma_start3A_136 : memref<10240x128xf32, #tpu.memory_space<vmem_shared>>) offsets(%dma_start3A_133 : memref<125xi32, #tpu.memory_space<vmem>>) semaphore(%run_scoped3A : memref<!tpu.dma_semaphore, #tpu.memory_space<semaphore_mem>>) {add = true}
        %dma_wait3A_137 = arith.constant 0 : i32
        %dma_wait3A_138 = tpu.memref_slice %arg9[%add3A_130, %dma_wait3A_137] : memref<40x125xi32, #tpu.memory_space<vmem>> -> memref<1x125xi32, #tpu.memory_space<vmem>>
        %dma_wait3A_139 = tpu.memref_squeeze %dma_wait3A_138 : memref<1x125xi32, #tpu.memory_space<vmem>> -> memref<125xi32, #tpu.memory_space<vmem>>
        %dma_wait3A_140 = arith.constant 0 : i32
        %dma_wait3A_141 = arith.constant 0 : i32
        %dma_wait3A_142 = tpu.memref_slice %arg12[%dma_wait3A_140, %dma_wait3A_141] : memref<10240x128xf32, #tpu.memory_space<vmem_shared>> -> memref<10240x128xf32, #tpu.memory_space<vmem_shared>>
        tpu.wait_indirect_dma semaphore(%run_scoped3A : memref<!tpu.dma_semaphore, #tpu.memory_space<semaphore_mem>>) src(%arg11 : memref<125x128xf32, #tpu.memory_space<vmem>>) dst(%dma_wait3A_142 : memref<10240x128xf32, #tpu.memory_space<vmem_shared>>)
        tpu.yield
      }) : () -> ()
    }
    %while3A_63 = arith.constant 1 : i32
    scf.for %while3A_99 = %while3A_61 to %while3A_57 step %while3A_63  : i32 {
      %mul3A_100 = arith.muli %while3A_99, %while3A : i32
      %add3A_101 = arith.addi %while3A_54, %mul3A_100 : i32
      %add3A_102 = arith.constant 1 : i32
      %add3A_103 = arith.addi %add3A_101, %add3A_102 : i32
      %dma_start3A_104 = arith.constant 0 : i32
      %dma_start3A_105 = tpu.memref_slice %arg8[%add3A_103, %dma_start3A_104] : memref<40x125xi32, #tpu.memory_space<vmem>> -> memref<1x125xi32, #tpu.memory_space<vmem>>
      %dma_start3A_106 = tpu.memref_squeeze %dma_start3A_105 : memref<1x125xi32, #tpu.memory_space<vmem>> -> memref<125xi32, #tpu.memory_space<vmem>>
      %dma_start3A_107 = arith.constant 0 : i32
      %dma_start3A_108 = arith.constant 0 : i32
      %dma_start3A_109 = tpu.memref_slice %arg2[%dma_start3A_107, %dma_start3A_108] : memref<10240x128xf32, #tpu.memory_space<hbm>> -> memref<10240x128xf32, #tpu.memory_space<hbm>>
      tpu.enqueue_indirect_dma source(%dma_start3A_109 : memref<10240x128xf32, #tpu.memory_space<hbm>>) target(%arg11 : memref<125x128xf32, #tpu.memory_space<vmem>>) offsets(%dma_start3A_106 : memref<125xi32, #tpu.memory_space<vmem>>) semaphore(%arg14 : memref<!tpu.dma_semaphore, #tpu.memory_space<semaphore_mem>>)
      %dma_wait3A = arith.constant 0 : i32
      %dma_wait3A_110 = tpu.memref_slice %arg8[%add3A_101, %dma_wait3A] : memref<40x125xi32, #tpu.memory_space<vmem>> -> memref<1x125xi32, #tpu.memory_space<vmem>>
      %dma_wait3A_111 = tpu.memref_squeeze %dma_wait3A_110 : memref<1x125xi32, #tpu.memory_space<vmem>> -> memref<125xi32, #tpu.memory_space<vmem>>
      %dma_wait3A_112 = arith.constant 0 : i32
      %dma_wait3A_113 = arith.constant 0 : i32
      %dma_wait3A_114 = tpu.memref_slice %arg2[%dma_wait3A_112, %dma_wait3A_113] : memref<10240x128xf32, #tpu.memory_space<hbm>> -> memref<10240x128xf32, #tpu.memory_space<hbm>>
      tpu.wait_indirect_dma semaphore(%arg13 : memref<!tpu.dma_semaphore, #tpu.memory_space<semaphore_mem>>) src(%dma_wait3A_114 : memref<10240x128xf32, #tpu.memory_space<hbm>>) dst(%arg10 : memref<125x128xf32, #tpu.memory_space<vmem>>)
      "tpu.region"() ({
        %run_scoped3A = tpu.sem_alloc : memref<!tpu.dma_semaphore, #tpu.memory_space<semaphore_mem>>
        %dma_start3A_131 = arith.constant 0 : i32
        %dma_start3A_132 = tpu.memref_slice %arg9[%add3A_101, %dma_start3A_131] : memref<40x125xi32, #tpu.memory_space<vmem>> -> memref<1x125xi32, #tpu.memory_space<vmem>>
        %dma_start3A_133 = tpu.memref_squeeze %dma_start3A_132 : memref<1x125xi32, #tpu.memory_space<vmem>> -> memref<125xi32, #tpu.memory_space<vmem>>
        %dma_start3A_134 = arith.constant 0 : i32
        %dma_start3A_135 = arith.constant 0 : i32
        %dma_start3A_136 = tpu.memref_slice %arg12[%dma_start3A_134, %dma_start3A_135] : memref<10240x128xf32, #tpu.memory_space<vmem_shared>> -> memref<10240x128xf32, #tpu.memory_space<vmem_shared>>
        tpu.enqueue_indirect_dma source(%arg10 : memref<125x128xf32, #tpu.memory_space<vmem>>) target(%dma_start3A_136 : memref<10240x128xf32, #tpu.memory_space<vmem_shared>>) offsets(%dma_start3A_133 : memref<125xi32, #tpu.memory_space<vmem>>) semaphore(%run_scoped3A : memref<!tpu.dma_semaphore, #tpu.memory_space<semaphore_mem>>) {add = true}
        %dma_wait3A_137 = arith.constant 0 : i32
        %dma_wait3A_138 = tpu.memref_slice %arg9[%add3A_101, %dma_wait3A_137] : memref<40x125xi32, #tpu.memory_space<vmem>> -> memref<1x125xi32, #tpu.memory_space<vmem>>
        %dma_wait3A_139 = tpu.memref_squeeze %dma_wait3A_138 : memref<1x125xi32, #tpu.memory_space<vmem>> -> memref<125xi32, #tpu.memory_space<vmem>>
        %dma_wait3A_140 = arith.constant 0 : i32
        %dma_wait3A_141 = arith.constant 0 : i32
        %dma_wait3A_142 = tpu.memref_slice %arg12[%dma_wait3A_140, %dma_wait3A_141] : memref<10240x128xf32, #tpu.memory_space<vmem_shared>> -> memref<10240x128xf32, #tpu.memory_space<vmem_shared>>
        tpu.wait_indirect_dma semaphore(%run_scoped3A : memref<!tpu.dma_semaphore, #tpu.memory_space<semaphore_mem>>) src(%arg10 : memref<125x128xf32, #tpu.memory_space<vmem>>) dst(%dma_wait3A_142 : memref<10240x128xf32, #tpu.memory_space<vmem_shared>>)
        tpu.yield
      }) : () -> ()
      %add3A_115 = arith.constant 2 : i32
      %add3A_116 = arith.addi %add3A_101, %add3A_115 : i32
      %lt3A = arith.constant 40 : i32
      %lt3A_117 = arith.cmpi slt, %add3A_116, %lt3A : i32
      %convert_element_type3A_118 = arith.extui %lt3A_117 : i1 to i32
      %cond3A_119 = arith.constant 0 : i32
      %cond3A_120 = arith.cmpi ne, %convert_element_type3A_118, %cond3A_119 : i32
      scf.if %cond3A_120 {
        %add3A_131 = arith.constant 2 : i32
        %add3A_132 = arith.addi %add3A_101, %add3A_131 : i32
        %dma_start3A_133 = arith.constant 0 : i32
        %dma_start3A_134 = tpu.memref_slice %arg8[%add3A_132, %dma_start3A_133] : memref<40x125xi32, #tpu.memory_space<vmem>> -> memref<1x125xi32, #tpu.memory_space<vmem>>
        %dma_start3A_135 = tpu.memref_squeeze %dma_start3A_134 : memref<1x125xi32, #tpu.memory_space<vmem>> -> memref<125xi32, #tpu.memory_space<vmem>>
        %dma_start3A_136 = arith.constant 0 : i32
        %dma_start3A_137 = arith.constant 0 : i32
        %dma_start3A_138 = tpu.memref_slice %arg2[%dma_start3A_136, %dma_start3A_137] : memref<10240x128xf32, #tpu.memory_space<hbm>> -> memref<10240x128xf32, #tpu.memory_space<hbm>>
        tpu.enqueue_indirect_dma source(%dma_start3A_138 : memref<10240x128xf32, #tpu.memory_space<hbm>>) target(%arg10 : memref<125x128xf32, #tpu.memory_space<vmem>>) offsets(%dma_start3A_135 : memref<125xi32, #tpu.memory_space<vmem>>) semaphore(%arg13 : memref<!tpu.dma_semaphore, #tpu.memory_space<semaphore_mem>>)
      } else {
      }
      %add3A_121 = arith.constant 1 : i32
      %add3A_122 = arith.addi %add3A_101, %add3A_121 : i32
      %dma_wait3A_123 = arith.constant 0 : i32
      %dma_wait3A_124 = tpu.memref_slice %arg8[%add3A_122, %dma_wait3A_123] : memref<40x125xi32, #tpu.memory_space<vmem>> -> memref<1x125xi32, #tpu.memory_space<vmem>>
      %dma_wait3A_125 = tpu.memref_squeeze %dma_wait3A_124 : memref<1x125xi32, #tpu.memory_space<vmem>> -> memref<125xi32, #tpu.memory_space<vmem>>
      %dma_wait3A_126 = arith.constant 0 : i32
      %dma_wait3A_127 = arith.constant 0 : i32
      %dma_wait3A_128 = tpu.memref_slice %arg2[%dma_wait3A_126, %dma_wait3A_127] : memref<10240x128xf32, #tpu.memory_space<hbm>> -> memref<10240x128xf32, #tpu.memory_space<hbm>>
      tpu.wait_indirect_dma semaphore(%arg14 : memref<!tpu.dma_semaphore, #tpu.memory_space<semaphore_mem>>) src(%dma_wait3A_128 : memref<10240x128xf32, #tpu.memory_space<hbm>>) dst(%arg11 : memref<125x128xf32, #tpu.memory_space<vmem>>)
      %add3A_129 = arith.constant 1 : i32
      %add3A_130 = arith.addi %add3A_101, %add3A_129 : i32
      "tpu.region"() ({
        %run_scoped3A = tpu.sem_alloc : memref<!tpu.dma_semaphore, #tpu.memory_space<semaphore_mem>>
        %dma_start3A_131 = arith.constant 0 : i32
        %dma_start3A_132 = tpu.memref_slice %arg9[%add3A_130, %dma_start3A_131] : memref<40x125xi32, #tpu.memory_space<vmem>> -> memref<1x125xi32, #tpu.memory_space<vmem>>
        %dma_start3A_133 = tpu.memref_squeeze %dma_start3A_132 : memref<1x125xi32, #tpu.memory_space<vmem>> -> memref<125xi32, #tpu.memory_space<vmem>>
        %dma_start3A_134 = arith.constant 0 : i32
        %dma_start3A_135 = arith.constant 0 : i32
        %dma_start3A_136 = tpu.memref_slice %arg12[%dma_start3A_134, %dma_start3A_135] : memref<10240x128xf32, #tpu.memory_space<vmem_shared>> -> memref<10240x128xf32, #tpu.memory_space<vmem_shared>>
        tpu.enqueue_indirect_dma source(%arg11 : memref<125x128xf32, #tpu.memory_space<vmem>>) target(%dma_start3A_136 : memref<10240x128xf32, #tpu.memory_space<vmem_shared>>) offsets(%dma_start3A_133 : memref<125xi32, #tpu.memory_space<vmem>>) semaphore(%run_scoped3A : memref<!tpu.dma_semaphore, #tpu.memory_space<semaphore_mem>>) {add = true}
        %dma_wait3A_137 = arith.constant 0 : i32
        %dma_wait3A_138 = tpu.memref_slice %arg9[%add3A_130, %dma_wait3A_137] : memref<40x125xi32, #tpu.memory_space<vmem>> -> memref<1x125xi32, #tpu.memory_space<vmem>>
        %dma_wait3A_139 = tpu.memref_squeeze %dma_wait3A_138 : memref<1x125xi32, #tpu.memory_space<vmem>> -> memref<125xi32, #tpu.memory_space<vmem>>
        %dma_wait3A_140 = arith.constant 0 : i32
        %dma_wait3A_141 = arith.constant 0 : i32
        %dma_wait3A_142 = tpu.memref_slice %arg12[%dma_wait3A_140, %dma_wait3A_141] : memref<10240x128xf32, #tpu.memory_space<vmem_shared>> -> memref<10240x128xf32, #tpu.memory_space<vmem_shared>>
        tpu.wait_indirect_dma semaphore(%run_scoped3A : memref<!tpu.dma_semaphore, #tpu.memory_space<semaphore_mem>>) src(%arg11 : memref<125x128xf32, #tpu.memory_space<vmem>>) dst(%dma_wait3A_142 : memref<10240x128xf32, #tpu.memory_space<vmem_shared>>)
        tpu.yield
      }) : () -> ()
    }
    "tpu.region"() ({
      %run_scoped3A = tpu.sem_alloc : memref<!tpu.dma_semaphore, #tpu.memory_space<semaphore_mem>>
      %dma_start3A_99 = arith.constant 40 : i32
      %dma_start3A_100 = arith.constant 0 : i32
      %dma_start3A_101 = tpu.memref_slice %arg3[%add3A, %dma_start3A_99, %dma_start3A_100] : memref<32x80x125xi32, #tpu.memory_space<hbm>> -> memref<1x40x125xi32, #tpu.memory_space<hbm>>
      %dma_start3A_102 = tpu.memref_squeeze %dma_start3A_101 : memref<1x40x125xi32, #tpu.memory_space<hbm>> -> memref<40x125xi32, #tpu.memory_space<hbm>>
      %dma_start3A_103 = arith.constant 40 : i32
      %dma_start3A_104 = arith.constant 0 : i32
      %dma_start3A_105 = tpu.memref_slice %arg3[%add3A, %dma_start3A_103, %dma_start3A_104] : memref<32x80x125xi32, #tpu.memory_space<hbm>> -> memref<1x40x125xi32, #tpu.memory_space<hbm>>
      %dma_start3A_106 = tpu.memref_squeeze %dma_start3A_105 : memref<1x40x125xi32, #tpu.memory_space<hbm>> -> memref<40x125xi32, #tpu.memory_space<hbm>>
      tpu.enqueue_dma source(%dma_start3A_106 : memref<40x125xi32, #tpu.memory_space<hbm>>) target(%arg8 : memref<40x125xi32, #tpu.memory_space<vmem>>) target_semaphore(%run_scoped3A : memref<!tpu.dma_semaphore, #tpu.memory_space<semaphore_mem>>)
      %dma_wait3A = arith.constant 40 : i32
      %dma_wait3A_107 = arith.constant 0 : i32
      %dma_wait3A_108 = tpu.memref_slice %arg3[%add3A, %dma_wait3A, %dma_wait3A_107] : memref<32x80x125xi32, #tpu.memory_space<hbm>> -> memref<1x40x125xi32, #tpu.memory_space<hbm>>
      %dma_wait3A_109 = tpu.memref_squeeze %dma_wait3A_108 : memref<1x40x125xi32, #tpu.memory_space<hbm>> -> memref<40x125xi32, #tpu.memory_space<hbm>>
      %dma_wait3A_110 = arith.constant 40 : i32
      %dma_wait3A_111 = arith.constant 0 : i32
      %dma_wait3A_112 = tpu.memref_slice %arg3[%add3A, %dma_wait3A_110, %dma_wait3A_111] : memref<32x80x125xi32, #tpu.memory_space<hbm>> -> memref<1x40x125xi32, #tpu.memory_space<hbm>>
      %dma_wait3A_113 = tpu.memref_squeeze %dma_wait3A_112 : memref<1x40x125xi32, #tpu.memory_space<hbm>> -> memref<40x125xi32, #tpu.memory_space<hbm>>
      tpu.wait_dma2 semaphore(%run_scoped3A : memref<!tpu.dma_semaphore, #tpu.memory_space<semaphore_mem>>) src(%dma_wait3A_113 : memref<40x125xi32, #tpu.memory_space<hbm>>) dst(%arg8 : memref<40x125xi32, #tpu.memory_space<vmem>>)
      tpu.yield
    }) : () -> ()
    "tpu.region"() ({
      %run_scoped3A = tpu.sem_alloc : memref<!tpu.dma_semaphore, #tpu.memory_space<semaphore_mem>>
      %dma_start3A_99 = arith.constant 40 : i32
      %dma_start3A_100 = arith.constant 0 : i32
      %dma_start3A_101 = tpu.memref_slice %arg4[%add3A, %dma_start3A_99, %dma_start3A_100] : memref<32x80x125xi32, #tpu.memory_space<hbm>> -> memref<1x40x125xi32, #tpu.memory_space<hbm>>
      %dma_start3A_102 = tpu.memref_squeeze %dma_start3A_101 : memref<1x40x125xi32, #tpu.memory_space<hbm>> -> memref<40x125xi32, #tpu.memory_space<hbm>>
      %dma_start3A_103 = arith.constant 40 : i32
      %dma_start3A_104 = arith.constant 0 : i32
      %dma_start3A_105 = tpu.memref_slice %arg4[%add3A, %dma_start3A_103, %dma_start3A_104] : memref<32x80x125xi32, #tpu.memory_space<hbm>> -> memref<1x40x125xi32, #tpu.memory_space<hbm>>
      %dma_start3A_106 = tpu.memref_squeeze %dma_start3A_105 : memref<1x40x125xi32, #tpu.memory_space<hbm>> -> memref<40x125xi32, #tpu.memory_space<hbm>>
      tpu.enqueue_dma source(%dma_start3A_106 : memref<40x125xi32, #tpu.memory_space<hbm>>) target(%arg9 : memref<40x125xi32, #tpu.memory_space<vmem>>) target_semaphore(%run_scoped3A : memref<!tpu.dma_semaphore, #tpu.memory_space<semaphore_mem>>)
      %dma_wait3A = arith.constant 40 : i32
      %dma_wait3A_107 = arith.constant 0 : i32
      %dma_wait3A_108 = tpu.memref_slice %arg4[%add3A, %dma_wait3A, %dma_wait3A_107] : memref<32x80x125xi32, #tpu.memory_space<hbm>> -> memref<1x40x125xi32, #tpu.memory_space<hbm>>
      %dma_wait3A_109 = tpu.memref_squeeze %dma_wait3A_108 : memref<1x40x125xi32, #tpu.memory_space<hbm>> -> memref<40x125xi32, #tpu.memory_space<hbm>>
      %dma_wait3A_110 = arith.constant 40 : i32
      %dma_wait3A_111 = arith.constant 0 : i32
      %dma_wait3A_112 = tpu.memref_slice %arg4[%add3A, %dma_wait3A_110, %dma_wait3A_111] : memref<32x80x125xi32, #tpu.memory_space<hbm>> -> memref<1x40x125xi32, #tpu.memory_space<hbm>>
      %dma_wait3A_113 = tpu.memref_squeeze %dma_wait3A_112 : memref<1x40x125xi32, #tpu.memory_space<hbm>> -> memref<40x125xi32, #tpu.memory_space<hbm>>
      tpu.wait_dma2 semaphore(%run_scoped3A : memref<!tpu.dma_semaphore, #tpu.memory_space<semaphore_mem>>) src(%dma_wait3A_113 : memref<40x125xi32, #tpu.memory_space<hbm>>) dst(%arg9 : memref<40x125xi32, #tpu.memory_space<vmem>>)
      tpu.yield
    }) : () -> ()
    %dma_start3A_64 = arith.constant 0 : i32
    %dma_start3A_65 = arith.constant 0 : i32
    %dma_start3A_66 = tpu.memref_slice %arg8[%dma_start3A_64, %dma_start3A_65] : memref<40x125xi32, #tpu.memory_space<vmem>> -> memref<1x125xi32, #tpu.memory_space<vmem>>
    %dma_start3A_67 = tpu.memref_squeeze %dma_start3A_66 : memref<1x125xi32, #tpu.memory_space<vmem>> -> memref<125xi32, #tpu.memory_space<vmem>>
    %dma_start3A_68 = arith.constant 0 : i32
    %dma_start3A_69 = arith.constant 0 : i32
    %dma_start3A_70 = tpu.memref_slice %arg2[%dma_start3A_68, %dma_start3A_69] : memref<10240x128xf32, #tpu.memory_space<hbm>> -> memref<10240x128xf32, #tpu.memory_space<hbm>>
    tpu.enqueue_indirect_dma source(%dma_start3A_70 : memref<10240x128xf32, #tpu.memory_space<hbm>>) target(%arg10 : memref<125x128xf32, #tpu.memory_space<vmem>>) offsets(%dma_start3A_67 : memref<125xi32, #tpu.memory_space<vmem>>) semaphore(%arg13 : memref<!tpu.dma_semaphore, #tpu.memory_space<semaphore_mem>>)
    %sub3A_71 = arith.constant 40 : i32
    %sub3A_72 = arith.constant 0 : i32
    %sub3A_73 = arith.subi %sub3A_71, %sub3A_72 : i32
    %sub3A_74 = arith.constant 2 : i32
    %sub3A_75 = arith.constant 1 : i32
    %sub3A_76 = arith.subi %sub3A_74, %sub3A_75 : i32
    %add3A_77 = arith.addi %sub3A_73, %sub3A_76 : i32
    %div3A_78 = arith.constant 2 : i32
    %div3A_79 = arith.divsi %add3A_77, %div3A_78 : i32
    %while3A_80 = arith.constant 2 : i32
    %while3A_81 = arith.constant 0 : i32
    %while3A_82 = arith.constant 0 : i32
    %while3A_83 = arith.subi %div3A_79, %while3A_82 : i32
    %while3A_84 = arith.addi %while3A_82, %while3A_83 : i32
    %while3A_85 = arith.constant 1 : i32
    %while3A_86 = arith.divsi %while3A_83, %while3A_85 : i32
    %while3A_87 = arith.muli %while3A_86, %while3A_85 : i32
    %while3A_88 = arith.addi %while3A_82, %while3A_87 : i32
    %while3A_89 = arith.constant 1 : i32
    scf.for %while3A_99 = %while3A_82 to %while3A_88 step %while3A_89  : i32 {
      %mul3A_100 = arith.muli %while3A_99, %while3A_80 : i32
      %add3A_101 = arith.addi %while3A_81, %mul3A_100 : i32
      %add3A_102 = arith.constant 1 : i32
      %add3A_103 = arith.addi %add3A_101, %add3A_102 : i32
      %dma_start3A_104 = arith.constant 0 : i32
      %dma_start3A_105 = tpu.memref_slice %arg8[%add3A_103, %dma_start3A_104] : memref<40x125xi32, #tpu.memory_space<vmem>> -> memref<1x125xi32, #tpu.memory_space<vmem>>
      %dma_start3A_106 = tpu.memref_squeeze %dma_start3A_105 : memref<1x125xi32, #tpu.memory_space<vmem>> -> memref<125xi32, #tpu.memory_space<vmem>>
      %dma_start3A_107 = arith.constant 0 : i32
      %dma_start3A_108 = arith.constant 0 : i32
      %dma_start3A_109 = tpu.memref_slice %arg2[%dma_start3A_107, %dma_start3A_108] : memref<10240x128xf32, #tpu.memory_space<hbm>> -> memref<10240x128xf32, #tpu.memory_space<hbm>>
      tpu.enqueue_indirect_dma source(%dma_start3A_109 : memref<10240x128xf32, #tpu.memory_space<hbm>>) target(%arg11 : memref<125x128xf32, #tpu.memory_space<vmem>>) offsets(%dma_start3A_106 : memref<125xi32, #tpu.memory_space<vmem>>) semaphore(%arg14 : memref<!tpu.dma_semaphore, #tpu.memory_space<semaphore_mem>>)
      %dma_wait3A = arith.constant 0 : i32
      %dma_wait3A_110 = tpu.memref_slice %arg8[%add3A_101, %dma_wait3A] : memref<40x125xi32, #tpu.memory_space<vmem>> -> memref<1x125xi32, #tpu.memory_space<vmem>>
      %dma_wait3A_111 = tpu.memref_squeeze %dma_wait3A_110 : memref<1x125xi32, #tpu.memory_space<vmem>> -> memref<125xi32, #tpu.memory_space<vmem>>
      %dma_wait3A_112 = arith.constant 0 : i32
      %dma_wait3A_113 = arith.constant 0 : i32
      %dma_wait3A_114 = tpu.memref_slice %arg2[%dma_wait3A_112, %dma_wait3A_113] : memref<10240x128xf32, #tpu.memory_space<hbm>> -> memref<10240x128xf32, #tpu.memory_space<hbm>>
      tpu.wait_indirect_dma semaphore(%arg13 : memref<!tpu.dma_semaphore, #tpu.memory_space<semaphore_mem>>) src(%dma_wait3A_114 : memref<10240x128xf32, #tpu.memory_space<hbm>>) dst(%arg10 : memref<125x128xf32, #tpu.memory_space<vmem>>)
      "tpu.region"() ({
        %run_scoped3A = tpu.sem_alloc : memref<!tpu.dma_semaphore, #tpu.memory_space<semaphore_mem>>
        %dma_start3A_131 = arith.constant 0 : i32
        %dma_start3A_132 = tpu.memref_slice %arg9[%add3A_101, %dma_start3A_131] : memref<40x125xi32, #tpu.memory_space<vmem>> -> memref<1x125xi32, #tpu.memory_space<vmem>>
        %dma_start3A_133 = tpu.memref_squeeze %dma_start3A_132 : memref<1x125xi32, #tpu.memory_space<vmem>> -> memref<125xi32, #tpu.memory_space<vmem>>
        %dma_start3A_134 = arith.constant 0 : i32
        %dma_start3A_135 = arith.constant 0 : i32
        %dma_start3A_136 = tpu.memref_slice %arg12[%dma_start3A_134, %dma_start3A_135] : memref<10240x128xf32, #tpu.memory_space<vmem_shared>> -> memref<10240x128xf32, #tpu.memory_space<vmem_shared>>
        tpu.enqueue_indirect_dma source(%arg10 : memref<125x128xf32, #tpu.memory_space<vmem>>) target(%dma_start3A_136 : memref<10240x128xf32, #tpu.memory_space<vmem_shared>>) offsets(%dma_start3A_133 : memref<125xi32, #tpu.memory_space<vmem>>) semaphore(%run_scoped3A : memref<!tpu.dma_semaphore, #tpu.memory_space<semaphore_mem>>) {add = true}
        %dma_wait3A_137 = arith.constant 0 : i32
        %dma_wait3A_138 = tpu.memref_slice %arg9[%add3A_101, %dma_wait3A_137] : memref<40x125xi32, #tpu.memory_space<vmem>> -> memref<1x125xi32, #tpu.memory_space<vmem>>
        %dma_wait3A_139 = tpu.memref_squeeze %dma_wait3A_138 : memref<1x125xi32, #tpu.memory_space<vmem>> -> memref<125xi32, #tpu.memory_space<vmem>>
        %dma_wait3A_140 = arith.constant 0 : i32
        %dma_wait3A_141 = arith.constant 0 : i32
        %dma_wait3A_142 = tpu.memref_slice %arg12[%dma_wait3A_140, %dma_wait3A_141] : memref<10240x128xf32, #tpu.memory_space<vmem_shared>> -> memref<10240x128xf32, #tpu.memory_space<vmem_shared>>
        tpu.wait_indirect_dma semaphore(%run_scoped3A : memref<!tpu.dma_semaphore, #tpu.memory_space<semaphore_mem>>) src(%arg10 : memref<125x128xf32, #tpu.memory_space<vmem>>) dst(%dma_wait3A_142 : memref<10240x128xf32, #tpu.memory_space<vmem_shared>>)
        tpu.yield
      }) : () -> ()
      %add3A_115 = arith.constant 2 : i32
      %add3A_116 = arith.addi %add3A_101, %add3A_115 : i32
      %lt3A = arith.constant 40 : i32
      %lt3A_117 = arith.cmpi slt, %add3A_116, %lt3A : i32
      %convert_element_type3A_118 = arith.extui %lt3A_117 : i1 to i32
      %cond3A_119 = arith.constant 0 : i32
      %cond3A_120 = arith.cmpi ne, %convert_element_type3A_118, %cond3A_119 : i32
      scf.if %cond3A_120 {
        %add3A_131 = arith.constant 2 : i32
        %add3A_132 = arith.addi %add3A_101, %add3A_131 : i32
        %dma_start3A_133 = arith.constant 0 : i32
        %dma_start3A_134 = tpu.memref_slice %arg8[%add3A_132, %dma_start3A_133] : memref<40x125xi32, #tpu.memory_space<vmem>> -> memref<1x125xi32, #tpu.memory_space<vmem>>
        %dma_start3A_135 = tpu.memref_squeeze %dma_start3A_134 : memref<1x125xi32, #tpu.memory_space<vmem>> -> memref<125xi32, #tpu.memory_space<vmem>>
        %dma_start3A_136 = arith.constant 0 : i32
        %dma_start3A_137 = arith.constant 0 : i32
        %dma_start3A_138 = tpu.memref_slice %arg2[%dma_start3A_136, %dma_start3A_137] : memref<10240x128xf32, #tpu.memory_space<hbm>> -> memref<10240x128xf32, #tpu.memory_space<hbm>>
        tpu.enqueue_indirect_dma source(%dma_start3A_138 : memref<10240x128xf32, #tpu.memory_space<hbm>>) target(%arg10 : memref<125x128xf32, #tpu.memory_space<vmem>>) offsets(%dma_start3A_135 : memref<125xi32, #tpu.memory_space<vmem>>) semaphore(%arg13 : memref<!tpu.dma_semaphore, #tpu.memory_space<semaphore_mem>>)
      } else {
      }
      %add3A_121 = arith.constant 1 : i32
      %add3A_122 = arith.addi %add3A_101, %add3A_121 : i32
      %dma_wait3A_123 = arith.constant 0 : i32
      %dma_wait3A_124 = tpu.memref_slice %arg8[%add3A_122, %dma_wait3A_123] : memref<40x125xi32, #tpu.memory_space<vmem>> -> memref<1x125xi32, #tpu.memory_space<vmem>>
      %dma_wait3A_125 = tpu.memref_squeeze %dma_wait3A_124 : memref<1x125xi32, #tpu.memory_space<vmem>> -> memref<125xi32, #tpu.memory_space<vmem>>
      %dma_wait3A_126 = arith.constant 0 : i32
      %dma_wait3A_127 = arith.constant 0 : i32
      %dma_wait3A_128 = tpu.memref_slice %arg2[%dma_wait3A_126, %dma_wait3A_127] : memref<10240x128xf32, #tpu.memory_space<hbm>> -> memref<10240x128xf32, #tpu.memory_space<hbm>>
      tpu.wait_indirect_dma semaphore(%arg14 : memref<!tpu.dma_semaphore, #tpu.memory_space<semaphore_mem>>) src(%dma_wait3A_128 : memref<10240x128xf32, #tpu.memory_space<hbm>>) dst(%arg11 : memref<125x128xf32, #tpu.memory_space<vmem>>)
      %add3A_129 = arith.constant 1 : i32
      %add3A_130 = arith.addi %add3A_101, %add3A_129 : i32
      "tpu.region"() ({
        %run_scoped3A = tpu.sem_alloc : memref<!tpu.dma_semaphore, #tpu.memory_space<semaphore_mem>>
        %dma_start3A_131 = arith.constant 0 : i32
        %dma_start3A_132 = tpu.memref_slice %arg9[%add3A_130, %dma_start3A_131] : memref<40x125xi32, #tpu.memory_space<vmem>> -> memref<1x125xi32, #tpu.memory_space<vmem>>
        %dma_start3A_133 = tpu.memref_squeeze %dma_start3A_132 : memref<1x125xi32, #tpu.memory_space<vmem>> -> memref<125xi32, #tpu.memory_space<vmem>>
        %dma_start3A_134 = arith.constant 0 : i32
        %dma_start3A_135 = arith.constant 0 : i32
        %dma_start3A_136 = tpu.memref_slice %arg12[%dma_start3A_134, %dma_start3A_135] : memref<10240x128xf32, #tpu.memory_space<vmem_shared>> -> memref<10240x128xf32, #tpu.memory_space<vmem_shared>>
        tpu.enqueue_indirect_dma source(%arg11 : memref<125x128xf32, #tpu.memory_space<vmem>>) target(%dma_start3A_136 : memref<10240x128xf32, #tpu.memory_space<vmem_shared>>) offsets(%dma_start3A_133 : memref<125xi32, #tpu.memory_space<vmem>>) semaphore(%run_scoped3A : memref<!tpu.dma_semaphore, #tpu.memory_space<semaphore_mem>>) {add = true}
        %dma_wait3A_137 = arith.constant 0 : i32
        %dma_wait3A_138 = tpu.memref_slice %arg9[%add3A_130, %dma_wait3A_137] : memref<40x125xi32, #tpu.memory_space<vmem>> -> memref<1x125xi32, #tpu.memory_space<vmem>>
        %dma_wait3A_139 = tpu.memref_squeeze %dma_wait3A_138 : memref<1x125xi32, #tpu.memory_space<vmem>> -> memref<125xi32, #tpu.memory_space<vmem>>
        %dma_wait3A_140 = arith.constant 0 : i32
        %dma_wait3A_141 = arith.constant 0 : i32
        %dma_wait3A_142 = tpu.memref_slice %arg12[%dma_wait3A_140, %dma_wait3A_141] : memref<10240x128xf32, #tpu.memory_space<vmem_shared>> -> memref<10240x128xf32, #tpu.memory_space<vmem_shared>>
        tpu.wait_indirect_dma semaphore(%run_scoped3A : memref<!tpu.dma_semaphore, #tpu.memory_space<semaphore_mem>>) src(%arg11 : memref<125x128xf32, #tpu.memory_space<vmem>>) dst(%dma_wait3A_142 : memref<10240x128xf32, #tpu.memory_space<vmem_shared>>)
        tpu.yield
      }) : () -> ()
    }
    %while3A_90 = arith.constant 1 : i32
    scf.for %while3A_99 = %while3A_88 to %while3A_84 step %while3A_90  : i32 {
      %mul3A_100 = arith.muli %while3A_99, %while3A_80 : i32
      %add3A_101 = arith.addi %while3A_81, %mul3A_100 : i32
      %add3A_102 = arith.constant 1 : i32
      %add3A_103 = arith.addi %add3A_101, %add3A_102 : i32
      %dma_start3A_104 = arith.constant 0 : i32
      %dma_start3A_105 = tpu.memref_slice %arg8[%add3A_103, %dma_start3A_104] : memref<40x125xi32, #tpu.memory_space<vmem>> -> memref<1x125xi32, #tpu.memory_space<vmem>>
      %dma_start3A_106 = tpu.memref_squeeze %dma_start3A_105 : memref<1x125xi32, #tpu.memory_space<vmem>> -> memref<125xi32, #tpu.memory_space<vmem>>
      %dma_start3A_107 = arith.constant 0 : i32
      %dma_start3A_108 = arith.constant 0 : i32
      %dma_start3A_109 = tpu.memref_slice %arg2[%dma_start3A_107, %dma_start3A_108] : memref<10240x128xf32, #tpu.memory_space<hbm>> -> memref<10240x128xf32, #tpu.memory_space<hbm>>
      tpu.enqueue_indirect_dma source(%dma_start3A_109 : memref<10240x128xf32, #tpu.memory_space<hbm>>) target(%arg11 : memref<125x128xf32, #tpu.memory_space<vmem>>) offsets(%dma_start3A_106 : memref<125xi32, #tpu.memory_space<vmem>>) semaphore(%arg14 : memref<!tpu.dma_semaphore, #tpu.memory_space<semaphore_mem>>)
      %dma_wait3A = arith.constant 0 : i32
      %dma_wait3A_110 = tpu.memref_slice %arg8[%add3A_101, %dma_wait3A] : memref<40x125xi32, #tpu.memory_space<vmem>> -> memref<1x125xi32, #tpu.memory_space<vmem>>
      %dma_wait3A_111 = tpu.memref_squeeze %dma_wait3A_110 : memref<1x125xi32, #tpu.memory_space<vmem>> -> memref<125xi32, #tpu.memory_space<vmem>>
      %dma_wait3A_112 = arith.constant 0 : i32
      %dma_wait3A_113 = arith.constant 0 : i32
      %dma_wait3A_114 = tpu.memref_slice %arg2[%dma_wait3A_112, %dma_wait3A_113] : memref<10240x128xf32, #tpu.memory_space<hbm>> -> memref<10240x128xf32, #tpu.memory_space<hbm>>
      tpu.wait_indirect_dma semaphore(%arg13 : memref<!tpu.dma_semaphore, #tpu.memory_space<semaphore_mem>>) src(%dma_wait3A_114 : memref<10240x128xf32, #tpu.memory_space<hbm>>) dst(%arg10 : memref<125x128xf32, #tpu.memory_space<vmem>>)
      "tpu.region"() ({
        %run_scoped3A = tpu.sem_alloc : memref<!tpu.dma_semaphore, #tpu.memory_space<semaphore_mem>>
        %dma_start3A_131 = arith.constant 0 : i32
        %dma_start3A_132 = tpu.memref_slice %arg9[%add3A_101, %dma_start3A_131] : memref<40x125xi32, #tpu.memory_space<vmem>> -> memref<1x125xi32, #tpu.memory_space<vmem>>
        %dma_start3A_133 = tpu.memref_squeeze %dma_start3A_132 : memref<1x125xi32, #tpu.memory_space<vmem>> -> memref<125xi32, #tpu.memory_space<vmem>>
        %dma_start3A_134 = arith.constant 0 : i32
        %dma_start3A_135 = arith.constant 0 : i32
        %dma_start3A_136 = tpu.memref_slice %arg12[%dma_start3A_134, %dma_start3A_135] : memref<10240x128xf32, #tpu.memory_space<vmem_shared>> -> memref<10240x128xf32, #tpu.memory_space<vmem_shared>>
        tpu.enqueue_indirect_dma source(%arg10 : memref<125x128xf32, #tpu.memory_space<vmem>>) target(%dma_start3A_136 : memref<10240x128xf32, #tpu.memory_space<vmem_shared>>) offsets(%dma_start3A_133 : memref<125xi32, #tpu.memory_space<vmem>>) semaphore(%run_scoped3A : memref<!tpu.dma_semaphore, #tpu.memory_space<semaphore_mem>>) {add = true}
        %dma_wait3A_137 = arith.constant 0 : i32
        %dma_wait3A_138 = tpu.memref_slice %arg9[%add3A_101, %dma_wait3A_137] : memref<40x125xi32, #tpu.memory_space<vmem>> -> memref<1x125xi32, #tpu.memory_space<vmem>>
        %dma_wait3A_139 = tpu.memref_squeeze %dma_wait3A_138 : memref<1x125xi32, #tpu.memory_space<vmem>> -> memref<125xi32, #tpu.memory_space<vmem>>
        %dma_wait3A_140 = arith.constant 0 : i32
        %dma_wait3A_141 = arith.constant 0 : i32
        %dma_wait3A_142 = tpu.memref_slice %arg12[%dma_wait3A_140, %dma_wait3A_141] : memref<10240x128xf32, #tpu.memory_space<vmem_shared>> -> memref<10240x128xf32, #tpu.memory_space<vmem_shared>>
        tpu.wait_indirect_dma semaphore(%run_scoped3A : memref<!tpu.dma_semaphore, #tpu.memory_space<semaphore_mem>>) src(%arg10 : memref<125x128xf32, #tpu.memory_space<vmem>>) dst(%dma_wait3A_142 : memref<10240x128xf32, #tpu.memory_space<vmem_shared>>)
        tpu.yield
      }) : () -> ()
      %add3A_115 = arith.constant 2 : i32
      %add3A_116 = arith.addi %add3A_101, %add3A_115 : i32
      %lt3A = arith.constant 40 : i32
      %lt3A_117 = arith.cmpi slt, %add3A_116, %lt3A : i32
      %convert_element_type3A_118 = arith.extui %lt3A_117 : i1 to i32
      %cond3A_119 = arith.constant 0 : i32
      %cond3A_120 = arith.cmpi ne, %convert_element_type3A_118, %cond3A_119 : i32
      scf.if %cond3A_120 {
        %add3A_131 = arith.constant 2 : i32
        %add3A_132 = arith.addi %add3A_101, %add3A_131 : i32
        %dma_start3A_133 = arith.constant 0 : i32
        %dma_start3A_134 = tpu.memref_slice %arg8[%add3A_132, %dma_start3A_133] : memref<40x125xi32, #tpu.memory_space<vmem>> -> memref<1x125xi32, #tpu.memory_space<vmem>>
        %dma_start3A_135 = tpu.memref_squeeze %dma_start3A_134 : memref<1x125xi32, #tpu.memory_space<vmem>> -> memref<125xi32, #tpu.memory_space<vmem>>
        %dma_start3A_136 = arith.constant 0 : i32
        %dma_start3A_137 = arith.constant 0 : i32
        %dma_start3A_138 = tpu.memref_slice %arg2[%dma_start3A_136, %dma_start3A_137] : memref<10240x128xf32, #tpu.memory_space<hbm>> -> memref<10240x128xf32, #tpu.memory_space<hbm>>
        tpu.enqueue_indirect_dma source(%dma_start3A_138 : memref<10240x128xf32, #tpu.memory_space<hbm>>) target(%arg10 : memref<125x128xf32, #tpu.memory_space<vmem>>) offsets(%dma_start3A_135 : memref<125xi32, #tpu.memory_space<vmem>>) semaphore(%arg13 : memref<!tpu.dma_semaphore, #tpu.memory_space<semaphore_mem>>)
      } else {
      }
      %add3A_121 = arith.constant 1 : i32
      %add3A_122 = arith.addi %add3A_101, %add3A_121 : i32
      %dma_wait3A_123 = arith.constant 0 : i32
      %dma_wait3A_124 = tpu.memref_slice %arg8[%add3A_122, %dma_wait3A_123] : memref<40x125xi32, #tpu.memory_space<vmem>> -> memref<1x125xi32, #tpu.memory_space<vmem>>
      %dma_wait3A_125 = tpu.memref_squeeze %dma_wait3A_124 : memref<1x125xi32, #tpu.memory_space<vmem>> -> memref<125xi32, #tpu.memory_space<vmem>>
      %dma_wait3A_126 = arith.constant 0 : i32
      %dma_wait3A_127 = arith.constant 0 : i32
      %dma_wait3A_128 = tpu.memref_slice %arg2[%dma_wait3A_126, %dma_wait3A_127] : memref<10240x128xf32, #tpu.memory_space<hbm>> -> memref<10240x128xf32, #tpu.memory_space<hbm>>
      tpu.wait_indirect_dma semaphore(%arg14 : memref<!tpu.dma_semaphore, #tpu.memory_space<semaphore_mem>>) src(%dma_wait3A_128 : memref<10240x128xf32, #tpu.memory_space<hbm>>) dst(%arg11 : memref<125x128xf32, #tpu.memory_space<vmem>>)
      %add3A_129 = arith.constant 1 : i32
      %add3A_130 = arith.addi %add3A_101, %add3A_129 : i32
      "tpu.region"() ({
        %run_scoped3A = tpu.sem_alloc : memref<!tpu.dma_semaphore, #tpu.memory_space<semaphore_mem>>
        %dma_start3A_131 = arith.constant 0 : i32
        %dma_start3A_132 = tpu.memref_slice %arg9[%add3A_130, %dma_start3A_131] : memref<40x125xi32, #tpu.memory_space<vmem>> -> memref<1x125xi32, #tpu.memory_space<vmem>>
        %dma_start3A_133 = tpu.memref_squeeze %dma_start3A_132 : memref<1x125xi32, #tpu.memory_space<vmem>> -> memref<125xi32, #tpu.memory_space<vmem>>
        %dma_start3A_134 = arith.constant 0 : i32
        %dma_start3A_135 = arith.constant 0 : i32
        %dma_start3A_136 = tpu.memref_slice %arg12[%dma_start3A_134, %dma_start3A_135] : memref<10240x128xf32, #tpu.memory_space<vmem_shared>> -> memref<10240x128xf32, #tpu.memory_space<vmem_shared>>
        tpu.enqueue_indirect_dma source(%arg11 : memref<125x128xf32, #tpu.memory_space<vmem>>) target(%dma_start3A_136 : memref<10240x128xf32, #tpu.memory_space<vmem_shared>>) offsets(%dma_start3A_133 : memref<125xi32, #tpu.memory_space<vmem>>) semaphore(%run_scoped3A : memref<!tpu.dma_semaphore, #tpu.memory_space<semaphore_mem>>) {add = true}
        %dma_wait3A_137 = arith.constant 0 : i32
        %dma_wait3A_138 = tpu.memref_slice %arg9[%add3A_130, %dma_wait3A_137] : memref<40x125xi32, #tpu.memory_space<vmem>> -> memref<1x125xi32, #tpu.memory_space<vmem>>
        %dma_wait3A_139 = tpu.memref_squeeze %dma_wait3A_138 : memref<1x125xi32, #tpu.memory_space<vmem>> -> memref<125xi32, #tpu.memory_space<vmem>>
        %dma_wait3A_140 = arith.constant 0 : i32
        %dma_wait3A_141 = arith.constant 0 : i32
        %dma_wait3A_142 = tpu.memref_slice %arg12[%dma_wait3A_140, %dma_wait3A_141] : memref<10240x128xf32, #tpu.memory_space<vmem_shared>> -> memref<10240x128xf32, #tpu.memory_space<vmem_shared>>
        tpu.wait_indirect_dma semaphore(%run_scoped3A : memref<!tpu.dma_semaphore, #tpu.memory_space<semaphore_mem>>) src(%arg11 : memref<125x128xf32, #tpu.memory_space<vmem>>) dst(%dma_wait3A_142 : memref<10240x128xf32, #tpu.memory_space<vmem_shared>>)
        tpu.yield
      }) : () -> ()
    }
    %barrier3A_91 = arith.constant 0 : index
    tpu.barrier barrier_id(%barrier3A_91)
    %eq3A = arith.constant 0 : i32
    %eq3A_92 = arith.cmpi eq, %arg0, %eq3A : i32
    %convert_element_type3A = arith.extui %eq3A_92 : i1 to i32
    %cond3A = arith.constant 0 : i32
    %cond3A_93 = arith.cmpi ne, %convert_element_type3A, %cond3A : i32
    scf.if %cond3A_93 {
      %mul3A_99 = arith.constant 640 : i32
      %mul3A_100 = arith.muli %arg1, %mul3A_99 : i32
      %mul3A_101 = arith.constant 640 : i32
      %mul3A_102 = arith.muli %arg1, %mul3A_101 : i32
      "tpu.region"() ({
        %run_scoped3A = tpu.sem_alloc : memref<!tpu.dma_semaphore, #tpu.memory_space<semaphore_mem>>
        %dma_start3A_103 = arith.constant 0 : i32
        %dma_start3A_104 = tpu.memref_slice %arg6[%mul3A_102, %dma_start3A_103] : memref<10240x128xf32, #tpu.memory_space<hbm>> -> memref<640x128xf32, #tpu.memory_space<hbm>>
        %dma_start3A_105 = arith.constant 0 : i32
        %dma_start3A_106 = tpu.memref_slice %arg12[%mul3A_100, %dma_start3A_105] : memref<10240x128xf32, #tpu.memory_space<vmem_shared>> -> memref<640x128xf32, #tpu.memory_space<vmem_shared>>
        tpu.enqueue_dma source(%dma_start3A_106 : memref<640x128xf32, #tpu.memory_space<vmem_shared>>) target(%dma_start3A_104 : memref<640x128xf32, #tpu.memory_space<hbm>>) target_semaphore(%run_scoped3A : memref<!tpu.dma_semaphore, #tpu.memory_space<semaphore_mem>>)
        %dma_wait3A = arith.constant 0 : i32
        %dma_wait3A_107 = tpu.memref_slice %arg6[%mul3A_102, %dma_wait3A] : memref<10240x128xf32, #tpu.memory_space<hbm>> -> memref<640x128xf32, #tpu.memory_space<hbm>>
        %dma_wait3A_108 = arith.constant 0 : i32
        %dma_wait3A_109 = tpu.memref_slice %arg12[%mul3A_100, %dma_wait3A_108] : memref<10240x128xf32, #tpu.memory_space<vmem_shared>> -> memref<640x128xf32, #tpu.memory_space<vmem_shared>>
        tpu.wait_dma2 semaphore(%run_scoped3A : memref<!tpu.dma_semaphore, #tpu.memory_space<semaphore_mem>>) src(%dma_wait3A_109 : memref<640x128xf32, #tpu.memory_space<vmem_shared>>) dst(%dma_wait3A_107 : memref<640x128xf32, #tpu.memory_space<hbm>>)
        tpu.yield
      }) : () -> ()
    } else {
    }
    %eq3A_94 = arith.constant 1 : i32
    %eq3A_95 = arith.cmpi eq, %arg0, %eq3A_94 : i32
    %convert_element_type3A_96 = arith.extui %eq3A_95 : i1 to i32
    %cond3A_97 = arith.constant 0 : i32
    %cond3A_98 = arith.cmpi ne, %convert_element_type3A_96, %cond3A_97 : i32
    scf.if %cond3A_98 {
      %mul3A_99 = arith.constant 640 : i32
      %mul3A_100 = arith.muli %arg1, %mul3A_99 : i32
      %mul3A_101 = arith.constant 640 : i32
      %mul3A_102 = arith.muli %arg1, %mul3A_101 : i32
      "tpu.region"() ({
        %run_scoped3A = tpu.sem_alloc : memref<!tpu.dma_semaphore, #tpu.memory_space<semaphore_mem>>
        %dma_start3A_103 = arith.constant 0 : i32
        %dma_start3A_104 = tpu.memref_slice %arg7[%mul3A_102, %dma_start3A_103] : memref<10240x128xf32, #tpu.memory_space<hbm>> -> memref<640x128xf32, #tpu.memory_space<hbm>>
        %dma_start3A_105 = arith.constant 0 : i32
        %dma_start3A_106 = tpu.memref_slice %arg12[%mul3A_100, %dma_start3A_105] : memref<10240x128xf32, #tpu.memory_space<vmem_shared>> -> memref<640x128xf32, #tpu.memory_space<vmem_shared>>
        tpu.enqueue_dma source(%dma_start3A_106 : memref<640x128xf32, #tpu.memory_space<vmem_shared>>) target(%dma_start3A_104 : memref<640x128xf32, #tpu.memory_space<hbm>>) target_semaphore(%run_scoped3A : memref<!tpu.dma_semaphore, #tpu.memory_space<semaphore_mem>>)
        %dma_wait3A = arith.constant 0 : i32
        %dma_wait3A_107 = tpu.memref_slice %arg7[%mul3A_102, %dma_wait3A] : memref<10240x128xf32, #tpu.memory_space<hbm>> -> memref<640x128xf32, #tpu.memory_space<hbm>>
        %dma_wait3A_108 = arith.constant 0 : i32
        %dma_wait3A_109 = tpu.memref_slice %arg12[%mul3A_100, %dma_wait3A_108] : memref<10240x128xf32, #tpu.memory_space<vmem_shared>> -> memref<640x128xf32, #tpu.memory_space<vmem_shared>>
        tpu.wait_dma2 semaphore(%run_scoped3A : memref<!tpu.dma_semaphore, #tpu.memory_space<semaphore_mem>>) src(%dma_wait3A_109 : memref<640x128xf32, #tpu.memory_space<vmem_shared>>) dst(%dma_wait3A_107 : memref<640x128xf32, #tpu.memory_space<hbm>>)
        tpu.yield
      }) : () -> ()
    } else {
    }
    return
  }
}

module attributes {stable_mosaic.version = 14 : i64} {
  func.func @_xg_body(%arg0: i32, %arg1: memref<1024x128xf32, #tpu.memory_space<vmem>>, %arg2: memref<1024x128xf32, #tpu.memory_space<vmem>>, %arg3: memref<1024x128xf32, #tpu.memory_space<vmem>>, %arg4: memref<1024x128xf32, #tpu.memory_space<vmem>>, %arg5: memref<1x128xf32, #tpu.memory_space<vmem>>, %arg6: memref<128x128xf32, #tpu.memory_space<vmem>>, %arg7: memref<1024x128xf32, #tpu.memory_space<vmem>>, %arg8: memref<1024x128xf32, #tpu.memory_space<vmem>>) attributes {dimension_semantics = [#tpu.dimension_semantics<arbitrary>], iteration_bounds = array<i64: 10>, scalar_prefetch = 0 : i64, scratch_operands = 0 : i64, tpu.core_type = #tpu.core_type<tc>, window_params = [{transform_indices = @transform_0, window_bounds = array<i64: 1024, 128>}, {transform_indices = @transform_1, window_bounds = array<i64: 1024, 128>}, {transform_indices = @transform_2, window_bounds = array<i64: 1024, 128>}, {transform_indices = @transform_3, window_bounds = array<i64: 1024, 128>}, {pipeline_mode = #tpu.pipeline_mode<synchronous>, transform_indices = @transform_4, window_bounds = array<i64: 1, 128>}, {pipeline_mode = #tpu.pipeline_mode<synchronous>, transform_indices = @transform_5, window_bounds = array<i64: 128, 128>}, {transform_indices = @transform_6, window_bounds = array<i64: 1024, 128>}, {transform_indices = @transform_7, window_bounds = array<i64: 1024, 128>}]} {
    %get3A = arith.constant 0 : index
    %get3A_0 = arith.constant 0 : index
    %get3A_1 = vector.load %arg4[%get3A, %get3A_0] : memref<1024x128xf32, #tpu.memory_space<vmem>>, vector<1024x128xf32>
    %get3A_2 = arith.constant 0 : index
    %get3A_3 = arith.constant 0 : index
    %get3A_4 = vector.load %arg1[%get3A_2, %get3A_3] : memref<1024x128xf32, #tpu.memory_space<vmem>>, vector<1024x128xf32>
    %get3A_5 = arith.constant 0 : index
    %get3A_6 = arith.constant 0 : index
    %get3A_7 = vector.load %arg2[%get3A_5, %get3A_6] : memref<1024x128xf32, #tpu.memory_space<vmem>>, vector<1024x128xf32>
    %add3A = arith.addf %get3A_4, %get3A_7 : vector<1024x128xf32>
    %get3A_8 = arith.constant 0 : index
    %get3A_9 = arith.constant 0 : index
    %get3A_10 = vector.load %arg3[%get3A_8, %get3A_9] : memref<1024x128xf32, #tpu.memory_space<vmem>>, vector<1024x128xf32>
    %add3A_11 = arith.addf %add3A, %get3A_10 : vector<1024x128xf32>
    %mul3A = arith.mulf %get3A_1, %add3A_11 : vector<1024x128xf32>
    %get3A_12 = arith.constant 0 : index
    %get3A_13 = arith.constant 0 : index
    %get3A_14 = vector.load %arg5[%get3A_12, %get3A_13] : memref<1x128xf32, #tpu.memory_space<vmem>>, vector<1x128xf32>
    %add3A_15 = vector.broadcast %get3A_14 : vector<1x128xf32> to vector<1024x128xf32>
    %add3A_16 = arith.addf %mul3A, %add3A_15 : vector<1024x128xf32>
    %gt3A = arith.constant 0.000000e+00 : f32
    %gt3A_17 = vector.broadcast %gt3A : f32 to vector<1024x128xf32>
    %gt3A_18 = arith.cmpf ogt, %add3A_16, %gt3A_17 : vector<1024x128xf32>
    %min3A = arith.constant 0.000000e+00 : f32
    %min3A_19 = vector.broadcast %min3A : f32 to vector<1024x128xf32>
    %min3A_20 = arith.minimumf %add3A_16, %min3A_19 : vector<1024x128xf32>
    %exp3A = math.exp %min3A_20 : vector<1024x128xf32>
    %sub3A = arith.constant 1.000000e+00 : f32
    %sub3A_21 = vector.broadcast %sub3A : f32 to vector<1024x128xf32>
    %sub3A_22 = arith.subf %exp3A, %sub3A_21 : vector<1024x128xf32>
    %select_n3A = arith.select %gt3A_18, %add3A_16, %sub3A_22 : vector<1024x128xi1>, vector<1024x128xf32>
    %swap3A = arith.constant 0 : index
    %swap3A_23 = arith.constant 0 : index
    %swap3A_24 = vector.load %arg7[%swap3A, %swap3A_23] : memref<1024x128xf32, #tpu.memory_space<vmem>>, vector<1024x128xf32>
    tpu.vector_store %arg7[%swap3A, %swap3A_23], %select_n3A {strides = array<i32>} : memref<1024x128xf32, #tpu.memory_space<vmem>>, vector<1024x128xf32>,
    %get3A_25 = arith.constant 0 : index
    %get3A_26 = arith.constant 0 : index
    %get3A_27 = vector.load %arg6[%get3A_25, %get3A_26] : memref<128x128xf32, #tpu.memory_space<vmem>>, vector<128x128xf32>
    %dot_general3A = arith.constant dense<0.000000e+00> : vector<1024x128xf32>
    %dot_general3A_28 = tpu.matmul %select_n3A, %get3A_27, %dot_general3A {dimension_numbers = #tpu.dot_dimension_numbers<[1], [0], [0], [1], [0, 0, 1, 1], [], []>, transpose_lhs_hint = false} : vector<1024x128xf32>, vector<128x128xf32>, vector<1024x128xf32> -> vector<1024x128xf32>
    %get3A_29 = arith.constant 0 : index
    %get3A_30 = arith.constant 0 : index
    %get3A_31 = vector.load %arg4[%get3A_29, %get3A_30] : memref<1024x128xf32, #tpu.memory_space<vmem>>, vector<1024x128xf32>
    %mul3A_32 = arith.mulf %dot_general3A_28, %get3A_31 : vector<1024x128xf32>
    %swap3A_33 = arith.constant 0 : index
    %swap3A_34 = arith.constant 0 : index
    %swap3A_35 = vector.load %arg8[%swap3A_33, %swap3A_34] : memref<1024x128xf32, #tpu.memory_space<vmem>>, vector<1024x128xf32>
    tpu.vector_store %arg8[%swap3A_33, %swap3A_34], %mul3A_32 {strides = array<i32>} : memref<1024x128xf32, #tpu.memory_space<vmem>>, vector<1024x128xf32>,
    return
  }
  func.func @transform_0(%arg0: i32) -> (i32, i32) {
    %c0_i32 = arith.constant 0 : i32
    %c0_i32_0 = arith.constant 0 : i32
    return %arg0, %c0_i32 : i32, i32
  }
  func.func @transform_1(%arg0: i32) -> (i32, i32) {
    %c0_i32 = arith.constant 0 : i32
    %c0_i32_0 = arith.constant 0 : i32
    return %arg0, %c0_i32 : i32, i32
  }
  func.func @transform_2(%arg0: i32) -> (i32, i32) {
    %c0_i32 = arith.constant 0 : i32
    %c0_i32_0 = arith.constant 0 : i32
    return %arg0, %c0_i32 : i32, i32
  }
  func.func @transform_3(%arg0: i32) -> (i32, i32) {
    %c0_i32 = arith.constant 0 : i32
    %c0_i32_0 = arith.constant 0 : i32
    return %arg0, %c0_i32 : i32, i32
  }
  func.func @transform_4(%arg0: i32) -> (i32, i32) {
    %c0_i32 = arith.constant 0 : i32
    %c0_i32_0 = arith.constant 0 : i32
    %c0_i32_1 = arith.constant 0 : i32
    return %c0_i32, %c0_i32_0 : i32, i32
  }
  func.func @transform_5(%arg0: i32) -> (i32, i32) {
    %c0_i32 = arith.constant 0 : i32
    %c0_i32_0 = arith.constant 0 : i32
    %c0_i32_1 = arith.constant 0 : i32
    return %c0_i32, %c0_i32_0 : i32, i32
  }
  func.func @transform_6(%arg0: i32) -> (i32, i32) {
    %c0_i32 = arith.constant 0 : i32
    %c0_i32_0 = arith.constant 0 : i32
    return %arg0, %c0_i32 : i32, i32
  }
  func.func @transform_7(%arg0: i32) -> (i32, i32) {
    %c0_i32 = arith.constant 0 : i32
    %c0_i32_0 = arith.constant 0 : i32
    return %arg0, %c0_i32 : i32, i32
  }
}

module attributes {stable_mosaic.version = 14 : i64} {
  func.func @_y_body(%arg0: i32, %arg1: memref<1024x128xf32, #tpu.memory_space<vmem>>, %arg2: memref<128x128xf32, #tpu.memory_space<vmem>>, %arg3: memref<1x128xf32, #tpu.memory_space<vmem>>, %arg4: memref<1024x128xf32, #tpu.memory_space<vmem>>) attributes {dimension_semantics = [#tpu.dimension_semantics<arbitrary>], iteration_bounds = array<i64: 10>, scalar_prefetch = 0 : i64, scratch_operands = 0 : i64, tpu.core_type = #tpu.core_type<tc>, window_params = [{transform_indices = @transform_0, window_bounds = array<i64: 1024, 128>}, {pipeline_mode = #tpu.pipeline_mode<synchronous>, transform_indices = @transform_1, window_bounds = array<i64: 128, 128>}, {pipeline_mode = #tpu.pipeline_mode<synchronous>, transform_indices = @transform_2, window_bounds = array<i64: 1, 128>}, {transform_indices = @transform_3, window_bounds = array<i64: 1024, 128>}]} {
    %get3A = arith.constant 0 : index
    %get3A_0 = arith.constant 0 : index
    %get3A_1 = vector.load %arg1[%get3A, %get3A_0] : memref<1024x128xf32, #tpu.memory_space<vmem>>, vector<1024x128xf32>
    %get3A_2 = arith.constant 0 : index
    %get3A_3 = arith.constant 0 : index
    %get3A_4 = vector.load %arg2[%get3A_2, %get3A_3] : memref<128x128xf32, #tpu.memory_space<vmem>>, vector<128x128xf32>
    %dot_general3A = arith.constant dense<0.000000e+00> : vector<1024x128xf32>
    %dot_general3A_5 = tpu.matmul %get3A_1, %get3A_4, %dot_general3A {dimension_numbers = #tpu.dot_dimension_numbers<[1], [0], [0], [1], [0, 0, 1, 1], [], []>, transpose_lhs_hint = false} : vector<1024x128xf32>, vector<128x128xf32>, vector<1024x128xf32> -> vector<1024x128xf32>
    %get3A_6 = arith.constant 0 : index
    %get3A_7 = arith.constant 0 : index
    %get3A_8 = vector.load %arg3[%get3A_6, %get3A_7] : memref<1x128xf32, #tpu.memory_space<vmem>>, vector<1x128xf32>
    %add3A = vector.broadcast %get3A_8 : vector<1x128xf32> to vector<1024x128xf32>
    %add3A_9 = arith.addf %dot_general3A_5, %add3A : vector<1024x128xf32>
    %swap3A = arith.constant 0 : index
    %swap3A_10 = arith.constant 0 : index
    %swap3A_11 = vector.load %arg4[%swap3A, %swap3A_10] : memref<1024x128xf32, #tpu.memory_space<vmem>>, vector<1024x128xf32>
    tpu.vector_store %arg4[%swap3A, %swap3A_10], %add3A_9 {strides = array<i32>} : memref<1024x128xf32, #tpu.memory_space<vmem>>, vector<1024x128xf32>,
    return
  }
  func.func @transform_0(%arg0: i32) -> (i32, i32) {
    %c0_i32 = arith.constant 0 : i32
    %c0_i32_0 = arith.constant 0 : i32
    return %arg0, %c0_i32 : i32, i32
  }
  func.func @transform_1(%arg0: i32) -> (i32, i32) {
    %c0_i32 = arith.constant 0 : i32
    %c0_i32_0 = arith.constant 0 : i32
    %c0_i32_1 = arith.constant 0 : i32
    return %c0_i32, %c0_i32_0 : i32, i32
  }
  func.func @transform_2(%arg0: i32) -> (i32, i32) {
    %c0_i32 = arith.constant 0 : i32
    %c0_i32_0 = arith.constant 0 : i32
    %c0_i32_1 = arith.constant 0 : i32
    return %c0_i32, %c0_i32_0 : i32, i32
  }
  func.func @transform_3(%arg0: i32) -> (i32, i32) {
    %c0_i32 = arith.constant 0 : i32
    %c0_i32_0 = arith.constant 0 : i32
    return %arg0, %c0_i32 : i32, i32
  }
}

module attributes {stable_mosaic.version = 14 : i64} {
  func.func @_tg_body(%arg0: i32, %arg1: memref<32x5x2048xf32, #tpu.memory_space<vmem>>, %arg2: memref<2048x128xf32, #tpu.memory_space<vmem>>, %arg3: memref<128x128xf32, #tpu.memory_space<vmem>>, %arg4: memref<2048x128xf32, #tpu.memory_space<vmem>>, %arg5: memref<2048x128xf32, #tpu.memory_space<vmem>>) attributes {dimension_semantics = [#tpu.dimension_semantics<arbitrary>], iteration_bounds = array<i64: 5>, scalar_prefetch = 0 : i64, scratch_operands = 0 : i64, tpu.core_type = #tpu.core_type<tc>, window_params = [{pipeline_mode = #tpu.pipeline_mode<synchronous>, transform_indices = @transform_0, window_bounds = array<i64: 32, 5, 2048>}, {transform_indices = @transform_1, window_bounds = array<i64: 2048, 128>}, {pipeline_mode = #tpu.pipeline_mode<synchronous>, transform_indices = @transform_2, window_bounds = array<i64: 128, 128>}, {transform_indices = @transform_3, window_bounds = array<i64: 2048, 128>}, {transform_indices = @transform_4, window_bounds = array<i64: 2048, 128>}]} {
    %get3A = arith.constant 0 : index
    %get3A_0 = arith.constant 0 : index
    %get3A_1 = arith.constant 0 : index
    %get3A_2 = vector.load %arg1[%get3A, %get3A_0, %get3A_1] : memref<32x5x2048xf32, #tpu.memory_space<vmem>>, vector<32x5x2048xf32>
    %reduce_sum3A = arith.constant dense<0.000000e+00> : vector<5x2048xf32>
    %reduce_sum3A_3 = vector.multi_reduction <add>, %get3A_2, %reduce_sum3A [0] : vector<32x5x2048xf32> to vector<5x2048xf32>
    %add3A = arith.constant 1.000000e+00 : f32
    %add3A_4 = vector.broadcast %add3A : f32 to vector<5x2048xf32>
    %add3A_5 = arith.addf %reduce_sum3A_3, %add3A_4 : vector<5x2048xf32>
    %rsqrt3A = math.rsqrt %add3A_5 : vector<5x2048xf32>
    %transpose3A = tpu.transpose %rsqrt3A, [1, 0] : vector<5x2048xf32> -> vector<2048x5xf32>
    %iota3A = tpu.iota {dimensions = array<i32: 1>} : vector<2048x5xi32>
    %eq3A = vector.broadcast %arg0 : i32 to vector<2048x5xi32>
    %eq3A_6 = arith.cmpi eq, %iota3A, %eq3A : vector<2048x5xi32>
    %jit3A = arith.constant 0.000000e+00 : f32
    %broadcast_in_dim3A = vector.broadcast %jit3A : f32 to vector<2048x5xf32>
    %select_n3A = arith.select %eq3A_6, %transpose3A, %broadcast_in_dim3A : vector<2048x5xi1>, vector<2048x5xf32>
    %reduce_sum3A_7 = arith.constant dense<0.000000e+00> : vector<2048xf32>
    %reduce_sum3A_8 = vector.multi_reduction <add>, %select_n3A, %reduce_sum3A_7 [1] : vector<2048x5xf32> to vector<2048xf32>
    %broadcast_in_dim3A_9 = vector.shape_cast %reduce_sum3A_8 : vector<2048xf32> to vector<2048x1xf32>
    %broadcast_in_dim3A_10 = vector.shape_cast %broadcast_in_dim3A_9 : vector<2048x1xf32> to vector<2048x1xf32>
    %broadcast_in_dim3A_11 = vector.broadcast %broadcast_in_dim3A_10 : vector<2048x1xf32> to vector<2048x128xf32>
    %swap3A = arith.constant 0 : index
    %swap3A_12 = arith.constant 0 : index
    %swap3A_13 = vector.load %arg4[%swap3A, %swap3A_12] : memref<2048x128xf32, #tpu.memory_space<vmem>>, vector<2048x128xf32>
    tpu.vector_store %arg4[%swap3A, %swap3A_12], %broadcast_in_dim3A_11 {strides = array<i32>} : memref<2048x128xf32, #tpu.memory_space<vmem>>, vector<2048x128xf32>,
    %get3A_14 = arith.constant 0 : index
    %get3A_15 = arith.constant 0 : index
    %get3A_16 = vector.load %arg2[%get3A_14, %get3A_15] : memref<2048x128xf32, #tpu.memory_space<vmem>>, vector<2048x128xf32>
    %get3A_17 = arith.constant 0 : index
    %get3A_18 = arith.constant 0 : index
    %get3A_19 = vector.load %arg3[%get3A_17, %get3A_18] : memref<128x128xf32, #tpu.memory_space<vmem>>, vector<128x128xf32>
    %dot_general3A = arith.constant dense<0.000000e+00> : vector<2048x128xf32>
    %dot_general3A_20 = tpu.matmul %get3A_16, %get3A_19, %dot_general3A {dimension_numbers = #tpu.dot_dimension_numbers<[1], [0], [0], [1], [0, 0, 1, 1], [], []>, transpose_lhs_hint = false} : vector<2048x128xf32>, vector<128x128xf32>, vector<2048x128xf32> -> vector<2048x128xf32>
    %mul3A = arith.mulf %dot_general3A_20, %broadcast_in_dim3A_11 : vector<2048x128xf32>
    %swap3A_21 = arith.constant 0 : index
    %swap3A_22 = arith.constant 0 : index
    %swap3A_23 = vector.load %arg5[%swap3A_21, %swap3A_22] : memref<2048x128xf32, #tpu.memory_space<vmem>>, vector<2048x128xf32>
    tpu.vector_store %arg5[%swap3A_21, %swap3A_22], %mul3A {strides = array<i32>} : memref<2048x128xf32, #tpu.memory_space<vmem>>, vector<2048x128xf32>,
    return
  }
  func.func @transform_0(%arg0: i32) -> (i32, i32, i32) {
    %c0_i32 = arith.constant 0 : i32
    %c0_i32_0 = arith.constant 0 : i32
    %c0_i32_1 = arith.constant 0 : i32
    %c0_i32_2 = arith.constant 0 : i32
    return %c0_i32, %c0_i32_0, %c0_i32_1 : i32, i32, i32
  }
  func.func @transform_1(%arg0: i32) -> (i32, i32) {
    %c0_i32 = arith.constant 0 : i32
    %c0_i32_0 = arith.constant 0 : i32
    return %arg0, %c0_i32 : i32, i32
  }
  func.func @transform_2(%arg0: i32) -> (i32, i32) {
    %c0_i32 = arith.constant 0 : i32
    %c0_i32_0 = arith.constant 0 : i32
    %c0_i32_1 = arith.constant 0 : i32
    return %c0_i32, %c0_i32_0 : i32, i32
  }
  func.func @transform_3(%arg0: i32) -> (i32, i32) {
    %c0_i32 = arith.constant 0 : i32
    %c0_i32_0 = arith.constant 0 : i32
    return %arg0, %c0_i32 : i32, i32
  }
  func.func @transform_4(%arg0: i32) -> (i32, i32) {
    %c0_i32 = arith.constant 0 : i32
    %c0_i32_0 = arith.constant 0 : i32
    return %arg0, %c0_i32 : i32, i32
  }
}

module attributes {stable_mosaic.version = 14 : i64} {
  func.func @_y_body(%arg0: i32, %arg1: memref<1024x128xf32, #tpu.memory_space<vmem>>, %arg2: memref<128x128xf32, #tpu.memory_space<vmem>>, %arg3: memref<1024x128xf32, #tpu.memory_space<vmem>>) attributes {dimension_semantics = [#tpu.dimension_semantics<arbitrary>], iteration_bounds = array<i64: 10>, scalar_prefetch = 0 : i64, scratch_operands = 0 : i64, tpu.core_type = #tpu.core_type<tc>, window_params = [{transform_indices = @transform_0, window_bounds = array<i64: 1024, 128>}, {pipeline_mode = #tpu.pipeline_mode<synchronous>, transform_indices = @transform_1, window_bounds = array<i64: 128, 128>}, {transform_indices = @transform_2, window_bounds = array<i64: 1024, 128>}]} {
    %get3A = arith.constant 0 : index
    %get3A_0 = arith.constant 0 : index
    %get3A_1 = vector.load %arg1[%get3A, %get3A_0] : memref<1024x128xf32, #tpu.memory_space<vmem>>, vector<1024x128xf32>
    %get3A_2 = arith.constant 0 : index
    %get3A_3 = arith.constant 0 : index
    %get3A_4 = vector.load %arg2[%get3A_2, %get3A_3] : memref<128x128xf32, #tpu.memory_space<vmem>>, vector<128x128xf32>
    %dot_general3A = arith.constant dense<0.000000e+00> : vector<1024x128xf32>
    %dot_general3A_5 = tpu.matmul %get3A_1, %get3A_4, %dot_general3A {dimension_numbers = #tpu.dot_dimension_numbers<[1], [0], [0], [1], [0, 0, 1, 1], [], []>, transpose_lhs_hint = false} : vector<1024x128xf32>, vector<128x128xf32>, vector<1024x128xf32> -> vector<1024x128xf32>
    %swap3A = arith.constant 0 : index
    %swap3A_6 = arith.constant 0 : index
    %swap3A_7 = vector.load %arg3[%swap3A, %swap3A_6] : memref<1024x128xf32, #tpu.memory_space<vmem>>, vector<1024x128xf32>
    tpu.vector_store %arg3[%swap3A, %swap3A_6], %dot_general3A_5 {strides = array<i32>} : memref<1024x128xf32, #tpu.memory_space<vmem>>, vector<1024x128xf32>,
    return
  }
  func.func @transform_0(%arg0: i32) -> (i32, i32) {
    %c0_i32 = arith.constant 0 : i32
    %c0_i32_0 = arith.constant 0 : i32
    return %arg0, %c0_i32 : i32, i32
  }
  func.func @transform_1(%arg0: i32) -> (i32, i32) {
    %c0_i32 = arith.constant 0 : i32
    %c0_i32_0 = arith.constant 0 : i32
    %c0_i32_1 = arith.constant 0 : i32
    return %c0_i32, %c0_i32_0 : i32, i32
  }
  func.func @transform_2(%arg0: i32) -> (i32, i32) {
    %c0_i32 = arith.constant 0 : i32
    %c0_i32_0 = arith.constant 0 : i32
    return %arg0, %c0_i32 : i32, i32
  }
}

module attributes {stable_mosaic.version = 14 : i64} {
  func.func @_last_body(%arg0: i32, %arg1: memref<1024x128xf32, #tpu.memory_space<vmem>>, %arg2: memref<1024x128xf32, #tpu.memory_space<vmem>>, %arg3: memref<1024x128xf32, #tpu.memory_space<vmem>>, %arg4: memref<1024x128xf32, #tpu.memory_space<vmem>>, %arg5: memref<1x128xf32, #tpu.memory_space<vmem>>, %arg6: memref<128x128xf32, #tpu.memory_space<vmem>>, %arg7: memref<1024x128xf32, #tpu.memory_space<vmem>>, %arg8: memref<1024x128xf32, #tpu.memory_space<vmem>>, %arg9: memref<1024x128xf32, #tpu.memory_space<vmem>>, %arg10: memref<1024x128xf32, #tpu.memory_space<vmem>>) attributes {dimension_semantics = [#tpu.dimension_semantics<arbitrary>], iteration_bounds = array<i64: 10>, scalar_prefetch = 0 : i64, scratch_operands = 0 : i64, tpu.core_type = #tpu.core_type<tc>, window_params = [{transform_indices = @transform_0, window_bounds = array<i64: 1024, 128>}, {transform_indices = @transform_1, window_bounds = array<i64: 1024, 128>}, {transform_indices = @transform_2, window_bounds = array<i64: 1024, 128>}, {transform_indices = @transform_3, window_bounds = array<i64: 1024, 128>}, {pipeline_mode = #tpu.pipeline_mode<synchronous>, transform_indices = @transform_4, window_bounds = array<i64: 1, 128>}, {pipeline_mode = #tpu.pipeline_mode<synchronous>, transform_indices = @transform_5, window_bounds = array<i64: 128, 128>}, {transform_indices = @transform_6, window_bounds = array<i64: 1024, 128>}, {transform_indices = @transform_7, window_bounds = array<i64: 1024, 128>}, {transform_indices = @transform_8, window_bounds = array<i64: 1024, 128>}, {transform_indices = @transform_9, window_bounds = array<i64: 1024, 128>}]} {
    %get3A = arith.constant 0 : index
    %get3A_0 = arith.constant 0 : index
    %get3A_1 = vector.load %arg4[%get3A, %get3A_0] : memref<1024x128xf32, #tpu.memory_space<vmem>>, vector<1024x128xf32>
    %get3A_2 = arith.constant 0 : index
    %get3A_3 = arith.constant 0 : index
    %get3A_4 = vector.load %arg1[%get3A_2, %get3A_3] : memref<1024x128xf32, #tpu.memory_space<vmem>>, vector<1024x128xf32>
    %get3A_5 = arith.constant 0 : index
    %get3A_6 = arith.constant 0 : index
    %get3A_7 = vector.load %arg2[%get3A_5, %get3A_6] : memref<1024x128xf32, #tpu.memory_space<vmem>>, vector<1024x128xf32>
    %add3A = arith.addf %get3A_4, %get3A_7 : vector<1024x128xf32>
    %get3A_8 = arith.constant 0 : index
    %get3A_9 = arith.constant 0 : index
    %get3A_10 = vector.load %arg3[%get3A_8, %get3A_9] : memref<1024x128xf32, #tpu.memory_space<vmem>>, vector<1024x128xf32>
    %add3A_11 = arith.addf %add3A, %get3A_10 : vector<1024x128xf32>
    %mul3A = arith.mulf %get3A_1, %add3A_11 : vector<1024x128xf32>
    %get3A_12 = arith.constant 0 : index
    %get3A_13 = arith.constant 0 : index
    %get3A_14 = vector.load %arg5[%get3A_12, %get3A_13] : memref<1x128xf32, #tpu.memory_space<vmem>>, vector<1x128xf32>
    %add3A_15 = vector.broadcast %get3A_14 : vector<1x128xf32> to vector<1024x128xf32>
    %add3A_16 = arith.addf %mul3A, %add3A_15 : vector<1024x128xf32>
    %gt3A = arith.constant 0.000000e+00 : f32
    %gt3A_17 = vector.broadcast %gt3A : f32 to vector<1024x128xf32>
    %gt3A_18 = arith.cmpf ogt, %add3A_16, %gt3A_17 : vector<1024x128xf32>
    %min3A = arith.constant 0.000000e+00 : f32
    %min3A_19 = vector.broadcast %min3A : f32 to vector<1024x128xf32>
    %min3A_20 = arith.minimumf %add3A_16, %min3A_19 : vector<1024x128xf32>
    %exp3A = math.exp %min3A_20 : vector<1024x128xf32>
    %sub3A = arith.constant 1.000000e+00 : f32
    %sub3A_21 = vector.broadcast %sub3A : f32 to vector<1024x128xf32>
    %sub3A_22 = arith.subf %exp3A, %sub3A_21 : vector<1024x128xf32>
    %select_n3A = arith.select %gt3A_18, %add3A_16, %sub3A_22 : vector<1024x128xi1>, vector<1024x128xf32>
    %get3A_23 = arith.constant 0 : index
    %get3A_24 = arith.constant 0 : index
    %get3A_25 = vector.load %arg6[%get3A_23, %get3A_24] : memref<128x128xf32, #tpu.memory_space<vmem>>, vector<128x128xf32>
    %dot_general3A = arith.constant dense<0.000000e+00> : vector<1024x128xf32>
    %dot_general3A_26 = tpu.matmul %select_n3A, %get3A_25, %dot_general3A {dimension_numbers = #tpu.dot_dimension_numbers<[1], [0], [0], [1], [0, 0, 1, 1], [], []>, transpose_lhs_hint = false} : vector<1024x128xf32>, vector<128x128xf32>, vector<1024x128xf32> -> vector<1024x128xf32>
    %get3A_27 = arith.constant 0 : index
    %get3A_28 = arith.constant 0 : index
    %get3A_29 = vector.load %arg7[%get3A_27, %get3A_28] : memref<1024x128xf32, #tpu.memory_space<vmem>>, vector<1024x128xf32>
    %add3A_30 = arith.addf %dot_general3A_26, %get3A_29 : vector<1024x128xf32>
    %get3A_31 = arith.constant 0 : index
    %get3A_32 = arith.constant 0 : index
    %get3A_33 = vector.load %arg8[%get3A_31, %get3A_32] : memref<1024x128xf32, #tpu.memory_space<vmem>>, vector<1024x128xf32>
    %add3A_34 = arith.addf %add3A_30, %get3A_33 : vector<1024x128xf32>
    %get3A_35 = arith.constant 0 : index
    %get3A_36 = arith.constant 0 : index
    %get3A_37 = vector.load %arg9[%get3A_35, %get3A_36] : memref<1024x128xf32, #tpu.memory_space<vmem>>, vector<1024x128xf32>
    %add3A_38 = arith.addf %add3A_34, %get3A_37 : vector<1024x128xf32>
    %swap3A = arith.constant 0 : index
    %swap3A_39 = arith.constant 0 : index
    %swap3A_40 = vector.load %arg10[%swap3A, %swap3A_39] : memref<1024x128xf32, #tpu.memory_space<vmem>>, vector<1024x128xf32>
    tpu.vector_store %arg10[%swap3A, %swap3A_39], %add3A_38 {strides = array<i32>} : memref<1024x128xf32, #tpu.memory_space<vmem>>, vector<1024x128xf32>,
    return
  }
  func.func @transform_0(%arg0: i32) -> (i32, i32) {
    %c0_i32 = arith.constant 0 : i32
    %c0_i32_0 = arith.constant 0 : i32
    return %arg0, %c0_i32 : i32, i32
  }
  func.func @transform_1(%arg0: i32) -> (i32, i32) {
    %c0_i32 = arith.constant 0 : i32
    %c0_i32_0 = arith.constant 0 : i32
    return %arg0, %c0_i32 : i32, i32
  }
  func.func @transform_2(%arg0: i32) -> (i32, i32) {
    %c0_i32 = arith.constant 0 : i32
    %c0_i32_0 = arith.constant 0 : i32
    return %arg0, %c0_i32 : i32, i32
  }
  func.func @transform_3(%arg0: i32) -> (i32, i32) {
    %c0_i32 = arith.constant 0 : i32
    %c0_i32_0 = arith.constant 0 : i32
    return %arg0, %c0_i32 : i32, i32
  }
  func.func @transform_4(%arg0: i32) -> (i32, i32) {
    %c0_i32 = arith.constant 0 : i32
    %c0_i32_0 = arith.constant 0 : i32
    %c0_i32_1 = arith.constant 0 : i32
    return %c0_i32, %c0_i32_0 : i32, i32
  }
  func.func @transform_5(%arg0: i32) -> (i32, i32) {
    %c0_i32 = arith.constant 0 : i32
    %c0_i32_0 = arith.constant 0 : i32
    %c0_i32_1 = arith.constant 0 : i32
    return %c0_i32, %c0_i32_0 : i32, i32
  }
  func.func @transform_6(%arg0: i32) -> (i32, i32) {
    %c0_i32 = arith.constant 0 : i32
    %c0_i32_0 = arith.constant 0 : i32
    return %arg0, %c0_i32 : i32, i32
  }
  func.func @transform_7(%arg0: i32) -> (i32, i32) {
    %c0_i32 = arith.constant 0 : i32
    %c0_i32_0 = arith.constant 0 : i32
    return %arg0, %c0_i32 : i32, i32
  }
  func.func @transform_8(%arg0: i32) -> (i32, i32) {
    %c0_i32 = arith.constant 0 : i32
    %c0_i32_0 = arith.constant 0 : i32
    return %arg0, %c0_i32 : i32, i32
  }
  func.func @transform_9(%arg0: i32) -> (i32, i32) {
    %c0_i32 = arith.constant 0 : i32
    %c0_i32_0 = arith.constant 0 : i32
    return %arg0, %c0_i32 : i32, i32
  }
}

</mosaic_0001>

<sc_bundles>
// kernel: _run.15.cloned.1.call-start
scs
__scs_entry_jumppad:
0x0: {  	(pc) =	sbr.rel $0x88, $3  }
0x1: {  	(tag) =	ssettag $0x0;
	lr =	simm.s32 $0x1  }
0x2: {  	[smem:$0x3F95] =	sst lr;
	_ =	strace $0xD0000000  }
0x3: {  	_ = 	snop  }
0x4: {  	_ = 	snop  }
0x5: {  	_ = 	snop  }
0x6: {  	_ = 	snop  }
0x7: {  	_ = 	snop  }
__scs_overlays_trampoline_lowered:
0x8: {  	[smem:$0x3FA4] =	sst s0  }
0x9: {  	[smem:$0x3FA5] =	sst s1  }
0xa: {  	[smem:$0x3FA6] =	sst s2  }
0xb: {  	[smem:$0x3FA7] =	sst s3  }
0xc: {  	[smem:$0x3FA8] =	sst s4  }
0xd: {  	[smem:$0x3FA9] =	sst s5  }
0xe: {  	[smem:$0x3FAA] =	sst s6  }
0xf: {  	[smem:$0x3FAB] =	sst s7  }
0x10: {  	[smem:$0x3FAC] =	sst s8  }
0x11: {  	[smem:$0x3FAD] =	sst s9;
	s0 =	simm.s32 @!p0 $0x0  }
0x12: {  	s1 =	sld [smem:$0x3F93];
	s0 =	simm.s32 @p0 $0x1  }
0x13: {  	[smem:$0x3FAE] =	sst s0;
	s0 =	simm.s32 @!p1 $0x0  }
0x14: {  	s2 =	sld [smem:$0x3F92];
	s0 =	simm.s32 @p1 $0x1  }
0x15: {  	[smem:$0x3FAF] =	sst s0;
	s0 =	simm.s32 @!p2 $0x0  }
0x16: {  	s3 =	sld [smem:$0x3FDB];
	s0 =	simm.s32 @p2 $0x1  }
0x17: {  	s4 =	simm.s32 $0x1BF5;
	[smem:$0x3FB1] =	sst s0  }
0x18: {  	s0 =	sld [smem:$0x3F94];
	_ =	swait.ge [sflag:s4], $0x0  }
0x19: {  	s7 =	sld [smem:$0x3F95]  }
0x1a: {  	s8 =	sadd.s32 $0xFFFFE003, lr  }
0x1b: {  	s9 =	sadd.s32 $0xFFFFFEF7, lr;
	s5 =	simm.s32 $0xFFFFFFFF;
	p2 =	slt.u32 s8, $0xFFFFF086  }
0x1c: {  	p1 =	slt.u32 s9, $0xF7A;
	s5 =	simm.s32 @!p2 $0x0  }
0x1d: {  	s5 =	simm.s32 @p1 $0x1;
	p0 =	seq.s32 s7, s2  }
0x1e: {  	s7 =	smul.u32 @!p0 $0xF7A, s2;
	p2 =	seq.s32 @!p0 s5, $0x0  }
0x1f: {  	s9 =	smul.u32 $0xF7A, s1;
	s8 =	simm.s32 @!p0 $0x1BF5;
	p2 =	por !p2, p0  }
0x20: {  	[sflag:s8] =	ssyncset.s32 @!p0 $0xFFFFF086;
	s6 =	sadd.s32 @!p0 s3, s7;
	s7 =	simm.s32 @!p0 $0x108  }
0x21: {  	s3 =	sadd.s32 s3, s9;
	s6 =	sadd.s32 @!p0 $0x88, s6;
	s7 =	simm.s32 @p2 $0x1082  }
0x22: {  	[simem:s7], [sflag:s8] =	dma.local @!p0 [hbm:s6], $0xF7A  }
0x23: {  	s9 =	sor.u32 $0xD0000000, s2;
	s6 =	simm.s32 $0x108;
	_ =	swait.ge @!p0 [sflag:s8], $0x0  }
0x24: {  	s3 =	sadd.s32 $0x88, s3;
	s6 =	simm.s32 @!p1 $0x1082;
	[sflag:s4] =	ssyncset.s32 $0xFFFFF086  }
0x25: {  	[simem:s6], [sflag:s4] =	dma.local [hbm:s3], $0xF7A  }
0x26: {  	[smem:$0x3F95] =	sst s1;
	(tag) =	ssettag s2;
	_ =	strace s9  }
0x27: {  	s1 =	sld [smem:$0x3FA5]  }
0x28: {  	s2 =	sld [smem:$0x3FA6]  }
0x29: {  	s4 =	sld [smem:$0x3FA8]  }
0x2a: {  	p0 =	seq.s32 s5, $0x0;
	s5 =	sld [smem:$0x3FA9]  }
0x2b: {  	s6 =	sld [smem:$0x3FAA]  }
0x2c: {  	s7 =	sld [smem:$0x3FAB]  }
0x2d: {  	s3 =	simm.s32 $0x108;
	s8 =	sld [smem:$0x3FAC]  }
0x2e: {  	s3 =	simm.s32 @!p0 $0x1082;
	s9 =	sld [smem:$0x3FAD]  }
0x2f: {  	lr =	sadd.s32 s0, s3;
	s0 =	sld [smem:$0x3FA4]  }
0x30: {  	s3 =	sld [smem:$0x3FA7]  }
0x31: {  	[smem:$0x3FB0] =	sst s10  }
0x32: {  	s10 =	sld [smem:$0x3FAE];
	_ =	sdelay $0x3  }
0x33: {  	p0 =	seq.s32 s10, $0x1;
	s10 =	sld [smem:$0x3FB0];
	_ =	sdelay $0x3  }
0x34: {  	[smem:$0x3FB0] =	sst s10  }
0x35: {  	s10 =	sld [smem:$0x3FAF];
	_ =	sdelay $0x3  }
0x36: {  	p1 =	seq.s32 s10, $0x1;
	s10 =	sld [smem:$0x3FB0];
	_ =	sdelay $0x3  }
0x37: {  	[smem:$0x3FB0] =	sst s10  }
0x38: {  	s10 =	sld [smem:$0x3FB1]  }
0x39: {  	_ = 	snop;
	(pc) =	sbr.ind lr, $3  }
0x3a: {  	_ = 	snop  }
0x3b: {  	_ = 	snop  }
0x3c: {  	p2 =	seq.s32 s10, $0x1;
	s10 =	sld [smem:$0x3FB0]  }
0x3d: {  	_ =	shalt  }
0x3e: {  	_ =	shalt  }
0x3f: {  	_ =	shalt  }
0x40: {  	_ =	shalt  }
0x41: {  	_ =	shalt  }
0x42: {  	_ =	shalt  }
0x43: {  	_ =	shalt  }
0x44: {  	_ =	shalt  }
0x45: {  	_ =	shalt  }
0x46: {  	_ =	shalt  }
0x47: {  	_ =	shalt  }
0x48: {  	_ =	shalt  }
0x49: {  	_ =	shalt  }
0x4a: {  	_ =	shalt  }
0x4b: {  	_ =	shalt  }
0x4c: {  	_ =	shalt  }
0x4d: {  	_ =	shalt  }
0x4e: {  	_ =	shalt  }
0x4f: {  	_ =	shalt  }
0x50: {  	_ =	shalt  }
0x51: {  	_ =	shalt  }
0x52: {  	_ =	shalt  }
0x53: {  	_ =	shalt  }
0x54: {  	_ =	shalt  }
0x55: {  	_ =	shalt  }
0x56: {  	_ =	shalt  }
0x57: {  	_ =	shalt  }
0x58: {  	_ =	shalt  }
0x59: {  	_ =	shalt  }
0x5a: {  	_ =	shalt  }
0x5b: {  	_ =	shalt  }
0x5c: {  	_ =	shalt  }
0x5d: {  	_ =	shalt  }
0x5e: {  	_ =	shalt  }
0x5f: {  	_ =	shalt  }
0x60: {  	_ =	shalt  }
0x61: {  	_ =	shalt  }
0x62: {  	_ =	shalt  }
0x63: {  	_ =	shalt  }
0x64: {  	_ =	shalt  }
0x65: {  	_ =	shalt  }
0x66: {  	_ =	shalt  }
0x67: {  	_ =	shalt  }
0x68: {  	_ =	shalt  }
0x69: {  	_ =	shalt  }
0x6a: {  	_ =	shalt  }
0x6b: {  	_ =	shalt  }
0x6c: {  	_ =	shalt  }
0x6d: {  	_ =	shalt  }
0x6e: {  	_ =	shalt  }
0x6f: {  	_ =	shalt  }
0x70: {  	_ =	shalt  }
0x71: {  	_ =	shalt  }
0x72: {  	_ =	shalt  }
0x73: {  	_ =	shalt  }
0x74: {  	_ =	shalt  }
0x75: {  	_ =	shalt  }
0x76: {  	_ =	shalt  }
0x77: {  	_ =	shalt  }
0x78: {  	_ =	shalt  }
0x79: {  	_ =	shalt  }
0x7a: {  	_ =	shalt  }
0x7b: {  	_ =	shalt  }
0x7c: {  	_ =	shalt  }
0x7d: {  	_ =	shalt  }
0x7e: {  	_ =	shalt  }
0x7f: {  	_ =	shalt  }
0x80: {  	_ =	shalt  }
0x81: {  	_ =	shalt  }
0x82: {  	_ =	shalt  }
0x83: {  	_ =	shalt  }
0x84: {  	_ =	shalt  }
0x85: {  	_ =	shalt  }
0x86: {  	_ =	shalt  }
0x87: {  	_ =	shalt  }
.Lfunc_end0:
.L_simem_size_0:
called_computation_lowered:
.L_overlay_start_0:
0x88: {  	s2 =	sld [smem:$0x3FD9]  }
0x89: {  	s3 =	sld [smem:$0x3FFE];
	_ =	sdelay $0x1  }
0x8a: {  	s1 =	srdreg.scid  }
0x8b: {  	s0 =	sand.u32 $0x1, s1  }
0x8c: {  	s17 =	sshll.u32 s0, $0xA;
	s2 =	sadd.s32 s3, s2  }
0x8d: {  	s2 =	sadd.s32 s2, s17  }
0x8e: {  	[smem:$0x3FBC] =	sst s2  }
0x8f: {  	_ = 	snop  }
0x90: {  	s2 =	sld [smem:$0x3FD0];
	(tm) =	ssettm $0x1  }
0x91: {  	s18 =	sld [smem:$0x3FFB];
	_ =	sdelay $0x3  }
0x92: {  	_ =	strace s18  }
0x93: {  	s3 =	sld [smem:$0x3FFC];
	_ =	sdelay $0x3  }
0x94: {  	_ =	strace s3  }
0x95: {  	s3 =	sld [smem:$0x3FFD];
	_ =	sdelay $0x3  }
0x96: {  	_ =	strace s3  }
0x97: {  	_ =	strace $0x8FFFFFFF  }
0x98: {  	s19 =	sld [smem:$0x3FDB];
	_ =	sdelay $0x1  }
0x99: {  	s4 =	simm.s32 $_scs_section_size  }
0x9a: {  	s5 =	simm.s32 $_size__tile_overlayer_lowered;
	s6 =	simm.s32 $_tile_overlayer_lowered  }
0x9b: {  	s22 =	simm.s32 $0x1BFF;
	s21 =	sshll.u32 s6, $0x1;
	s3 =	sadd.s32 s4, s19  }
0x9c: {  	s7 =	simm.s32 $0x0;
	s20 =	sshll.u32 s5, $0x1;
	s5 =	sadd.s32 s21, s3  }
0x9d: {  	[timem:s7], [sflag:s22] =	dma.local [hbm:s5], s20  }
0x9e: {  	_ =	swait.ge [sflag:s22], s20  }
0x9f: {  	s4 =	ssub.s32 $0x0, s20;
	[sflag:s22] =	ssyncset.done $0x0  }
0xa0: {  	[sflag:s22] =	ssyncadd.s32 s4;
	_ =	sdelay $0x1  }
0xa1: {  	s23 =	simm.s32 $0x1B8B  }
0xa2: {  	_ =	swait.ge [sflag:s23], $0x1  }
0xa3: {  	[sflag:s23] =	ssyncset.done $0x0  }
0xa4: {  	s25 =	simm.s32 $0x1B8E;
	s24 =	sld [smem:$0x3FFE];
	[sflag:s23] =	ssyncadd.s32 $0xFFFFFFFF  }
0xa5: {  	s26 =	simm.s32 $execute0_lowered;
	[smem:$0x3FD2] =	sst s25  }
0xa6: {  	s5 =	sshll.u32 s26, $0x1;
	_ =	strace $0x80000046;
	[dreg:$0x1] =	wrdreg $0xFFFFFFFF  }
0xa7: {  	s28 =	simm.s32 $_size_execute0_lowered;
	s3 =	sadd.s32 s3, s5;
	[dreg:$0x0] =	wrdreg $0x0  }
0xa8: {  	s5 =	sshll.u32 s28, $0x1;
	[dreg:$0x2] =	wrdreg s3  }
0xa9: {  	[dreg:$0x3] =	wrdreg s5  }
0xaa: {  	[dreg:$0x4] =	wrdreg $0xC0  }
0xab: {  	_ =	task [dreg:s7], $0x5FFFF  }
0xac: {  	[dreg:$0x1] =	wrdreg $0xFFFFFFFF  }
0xad: {  	[dreg:$0x0] =	wrdreg $0x60  }
0xae: {  	[dreg:$0x2] =	wrdreg s24  }
0xaf: {  	[dreg:$0x3] =	wrdreg s2  }
0xb0: {  	[dreg:$0x4] =	wrdreg $0x9  }
0xb1: {  	_ =	task.clear_ibuf [dreg:s7], $0x5FFFF;
	_ =	strace $0x90000046  }
0xb2: {  	s29 =	simm.s32 $0x9;
	_ =	strace $0x80000048  }
0xb3: {  	_ =	swait.ge [sflag:s29], $0x1  }
0xb4: {  	[sflag:s29] =	ssyncadd.s32 $0xFFFFFFFF  }
0xb5: {  	_ =	strace $0x90000048  }
0xb6: {  	_ =	sfence  }
0xb7: {  	s30 =	sld [smem:$0x0];
	_ =	sdelay $0x2  }
0xb8: {  	s31 =	sshll.u32 s1, $0xD;
	s1 =	sshrl.u32 s1, $0x2  }
0xb9: {  	s3 =	sand.u32 $0x4000, s31;
	s1 =	sadd.s32 s1, s30  }
0xba: {  	s0 =	sor.u32 s3, s0;
	s1 =	sshll.u32 s1, $0x11  }
0xbb: {  	s0 =	sor.u32 s1, s0  }
0xbc: {  	s0 =	sadd.s32 $0x8F2B, s0  }
0xbd: {  	[sflag:s0] =	ssyncadd.remote.s32 $0x1  }
0xbe: {  	_ =	sfence.sel $0xFFFF  }
0xbf: {  	[dreg:$0x0] =	wrdreg $0xFFFFFFFF;
	(pc) =	sbr.abs _section_cstart, $3  }
0xc0: {  	[dreg:$0x1] =	wrdreg $0xFFFFFFFF  }
0xc1: {  	_ =	task.clear_ibuf [dreg:s7], $0x2FFFF;
	_ =	strace $0x9FFFFFFF  }
0xc2: {  	(tm) =	ssettm $0x7FFFFFFF  }
0xc3: {  	_ =	shalt  }
tec
execute0_lowered:
.L_overlay_start_1:
0x0: {  	(tag) =	ssettag $0x1  }
0x1: {  	s4 =	rddreg [dreg:$0x0]  }
0x2: {  	s0 =	srdreg.scid;
	s5 =	rddreg [dreg:$0x1]  }
0x3: {  	s2 =	simm.s32 $0x0;
	s3 =	sand.u32 $0x1, s0;
	s0 =	stileid.u32  }
0x4: {  	[smem:$0x7FF] =	sst s2;
	s1 =	sshll.u32 s3, $0x4;
	s8 =	ssub.s32 $0x2, s3  }
0x5: {  	s3 =	sadd.s32 $0x57000, s4;
	s6 =	sor.u32 s0, s1;
	s1 =	rddreg [dreg:$0x2]  }
0x6: {  	_ =	strace $0x80000047;
	s9 =	sshrl.u32 s8, $0x1;
	s7 =	smul.u32 $0x2780, s6  }
0x7: {  	s8 =	ssub.s32 s8, s9;
	s6 =	sshll.u32 s6, $0xB;
	s9 =	simm.s32 $0x0  }
0x8: {  	s5 =	sadd.s32 s5, s6;
	s6 =	smax.u32 s8, $0x1;
	s7 =	sadd.s32 s7, s4  }
0x9: {  	v0 =	vimm.f32 $1.000000000e+00;
	s8 =	simm.s32 $0x13C00;
	s4 =	sadd.s32 $0x8000, s7;
	s7 =	simm.s32 $0x1  }
.LBB2_1:
0xa: {  	[tilespmem:s2], [sflag:$0x1] =	stream.linear.gather [hbm4b:s4+s2], $0x13880, $0x38;
	[tilespmem:$0x17C00] =	vst v63  }
0xb: {  	_ =	swait.ge [sflag:s7], $0x13880  }
0xc: {  	[sflag:s7] =	ssyncset.done $0x0  }
0xd: {  	[sflag:s7] =	ssyncadd.s32 $0xFFFEC780  }
0xe: {  	[tilespmem:s8], [sflag:$0x1] =	stream.linear.gather [hbm4b:s3+s2], $0x4000, $0x38;
	[tilespmem:$0x17C00] =	vst v63  }
0xf: {  	_ =	swait.ge [sflag:s7], $0x4000  }
0x10: {  	[sflag:s7] =	ssyncset.done $0x0  }
0x11: {  	s11 =	simm.s32 $0x0;
	s10 =	simm.s32 $0x200;
	[sflag:s7] =	ssyncadd.s32 $0xFFFFC000  }
.LBB2_2:
0x12: {  	p0 =	sne.s32 s10, $0x4E000;
	v1 =	vld [tilespmem:s11+$0x0];
	_ =	sdelay $0x4  }
0x13: {  	v2 =	vshll.u32 v1, $0x3  }
0x14: {  	v3 =	vshrl.u32 v1, $0x4;
	v1 =	vand.u32 $0xFFFFC07F, v1;
	v2 =	vand.u32 $0x3C00, v2  }
0x15: {  	v3 =	vand.u32 $0x380, v3;
	v1 =	vor.u32 v2, v1  }
0x16: {  	v1 =	vor.u32 v3, v1  }
.Ltmp0:
0x17: {  	(pc) =	sbr.rel @p0 .LBB2_2-.Ltmp0, $2  }
0x18: {  	_ =	sdelay $0x2  }
0x19: {  	s11 =	sshra.s32 s10, $0x2;
	s10 =	sadd.s32 $0x200, s10;
	[tilespmem:v1+s8+$0x0] =	vst.idx.add.f32.msk $0xffff, v0  }
0x1a: {  	v1 =	vld [tilespmem:s11+$0x0];
	_ =	sdelay $0x4  }
0x1b: {  	v2 =	vshll.u32 v1, $0x3  }
0x1c: {  	v3 =	vshrl.u32 v1, $0x4;
	v1 =	vand.u32 $0xFFFFC07F, v1;
	v2 =	vand.u32 $0x3C00, v2  }
0x1d: {  	v3 =	vand.u32 $0x380, v3;
	v1 =	vor.u32 v2, v1  }
0x1e: {  	v1 =	vor.u32 v3, v1;
	_ =	sdelay $0x2  }
0x1f: {  	s9 =	sadd.s32 $0x1, s9  }
0x20: {  	p0 =	sne.s32 s9, s6  }
.Ltmp1:
0x21: {  	[tilespmem:v1+s8+$0x0] =	vst.idx.add.f32.msk $0xffff, v0;
	(pc) =	sbr.rel @p0 .LBB2_1-.Ltmp1, $4  }
0x22: {  	[hbm4b:s5+s2] =	stream.linear.scatter [tilespmem:s8], [sflag:$0x1], $0x4000, $0x38;
	[tilespmem:$0x17C00] =	vst v63  }
0x23: {  	_ =	swait.ge [sflag:s7], $0x4000  }
0x24: {  	[sflag:s7] =	ssyncset.done $0x0  }
0x25: {  	[sflag:s7] =	ssyncadd.s32 $0xFFFFC000  }
0x26: {  	_ =	sfence.sel $0x180000  }
0x27: {  	[bflag:$0x0] =	sbarrier.arrive $0xFFFF  }
0x28: {  	p0 =	sne.s32 s0, $0x0;
	_ =	strace $0x90000047  }
0x29: {  	s0 =	sadd.s32 @!p0 $0x100000, s1;
	[bflag:$0x2] =	sbarrier.arrive $0xFFFF  }
0x2a: {  	[sflag:s0] =	ssyncadd.tile.s32 @!p0 $0x1;
	_ =	shalt  }
.Lfunc_end2:
_tile_overlayer_lowered:
.L_overlay_start_2:
0x2b: {  	(tag) =	ssettag $0x2  }
0x2c: {  	s0 =	rddreg [dreg:$0x0];
	s2 =	stileid.u32  }
0x2d: {  	s1 =	rddreg [dreg:$0x1];
	p0 =	sne.s32 s2, $0x0  }
0x2e: {  	s3 =	rddreg [dreg:$0x2];
	[bflag:$0x3] =	sbarrier.arrive $0xFFFF;
	s2 =	simm.s32 @!p0 $0x1C01  }
0x2f: {  	[timem:s3], [sflag:s2] =	dma.local @!p0 [hbm:s0], s1  }
0x30: {  	s0 =	simm.s32 @!p0 $0x1  }
0x31: {  	_ =	swait.ge @!p0 [sflag:s0], s1  }
0x32: {  	s1 =	ssub.s32 @!p0 $0x0, s1;
	[sflag:s0] =	ssyncset.done @!p0 $0x0  }
0x33: {  	[sflag:s0] =	ssyncadd.s32 @!p0 s1  }
0x34: {  	[bflag:$0x3] =	sbarrier.arrive $0xFFFF  }
0x35: {  	_ =	shalt  }

// kernel: _run.18.cloned.1.call-start
scs
__scs_entry_jumppad:
0x0: {  	(pc) =	sbr.rel $0x88, $3  }
0x1: {  	(tag) =	ssettag $0x0;
	lr =	simm.s32 $0x1  }
0x2: {  	[smem:$0x3F95] =	sst lr;
	_ =	strace $0xD0000000  }
0x3: {  	_ = 	snop  }
0x4: {  	_ = 	snop  }
0x5: {  	_ = 	snop  }
0x6: {  	_ = 	snop  }
0x7: {  	_ = 	snop  }
__scs_overlays_trampoline_lowered:
0x8: {  	[smem:$0x3FA4] =	sst s0  }
0x9: {  	[smem:$0x3FA5] =	sst s1  }
0xa: {  	[smem:$0x3FA6] =	sst s2  }
0xb: {  	[smem:$0x3FA7] =	sst s3  }
0xc: {  	[smem:$0x3FA8] =	sst s4  }
0xd: {  	[smem:$0x3FA9] =	sst s5  }
0xe: {  	[smem:$0x3FAA] =	sst s6  }
0xf: {  	[smem:$0x3FAB] =	sst s7  }
0x10: {  	[smem:$0x3FAC] =	sst s8  }
0x11: {  	[smem:$0x3FAD] =	sst s9;
	s0 =	simm.s32 @!p0 $0x0  }
0x12: {  	s1 =	sld [smem:$0x3F93];
	s0 =	simm.s32 @p0 $0x1  }
0x13: {  	[smem:$0x3FAE] =	sst s0;
	s0 =	simm.s32 @!p1 $0x0  }
0x14: {  	s2 =	sld [smem:$0x3F92];
	s0 =	simm.s32 @p1 $0x1  }
0x15: {  	[smem:$0x3FAF] =	sst s0;
	s0 =	simm.s32 @!p2 $0x0  }
0x16: {  	s3 =	sld [smem:$0x3FDB];
	s0 =	simm.s32 @p2 $0x1  }
0x17: {  	s4 =	simm.s32 $0x1BF5;
	[smem:$0x3FB1] =	sst s0  }
0x18: {  	s0 =	sld [smem:$0x3F94];
	_ =	swait.ge [sflag:s4], $0x0  }
0x19: {  	s7 =	sld [smem:$0x3F95]  }
0x1a: {  	s8 =	sadd.s32 $0xFFFFE003, lr  }
0x1b: {  	s9 =	sadd.s32 $0xFFFFFEF7, lr;
	s5 =	simm.s32 $0xFFFFFFFF;
	p2 =	slt.u32 s8, $0xFFFFF086  }
0x1c: {  	p1 =	slt.u32 s9, $0xF7A;
	s5 =	simm.s32 @!p2 $0x0  }
0x1d: {  	s5 =	simm.s32 @p1 $0x1;
	p0 =	seq.s32 s7, s2  }
0x1e: {  	s7 =	smul.u32 @!p0 $0xF7A, s2;
	p2 =	seq.s32 @!p0 s5, $0x0  }
0x1f: {  	s9 =	smul.u32 $0xF7A, s1;
	s8 =	simm.s32 @!p0 $0x1BF5;
	p2 =	por !p2, p0  }
0x20: {  	[sflag:s8] =	ssyncset.s32 @!p0 $0xFFFFF086;
	s6 =	sadd.s32 @!p0 s3, s7;
	s7 =	simm.s32 @!p0 $0x108  }
0x21: {  	s3 =	sadd.s32 s3, s9;
	s6 =	sadd.s32 @!p0 $0x88, s6;
	s7 =	simm.s32 @p2 $0x1082  }
0x22: {  	[simem:s7], [sflag:s8] =	dma.local @!p0 [hbm:s6], $0xF7A  }
0x23: {  	s9 =	sor.u32 $0xD0000000, s2;
	s6 =	simm.s32 $0x108;
	_ =	swait.ge @!p0 [sflag:s8], $0x0  }
0x24: {  	s3 =	sadd.s32 $0x88, s3;
	s6 =	simm.s32 @!p1 $0x1082;
	[sflag:s4] =	ssyncset.s32 $0xFFFFF086  }
0x25: {  	[simem:s6], [sflag:s4] =	dma.local [hbm:s3], $0xF7A  }
0x26: {  	[smem:$0x3F95] =	sst s1;
	(tag) =	ssettag s2;
	_ =	strace s9  }
0x27: {  	s1 =	sld [smem:$0x3FA5]  }
0x28: {  	s2 =	sld [smem:$0x3FA6]  }
0x29: {  	s4 =	sld [smem:$0x3FA8]  }
0x2a: {  	p0 =	seq.s32 s5, $0x0;
	s5 =	sld [smem:$0x3FA9]  }
0x2b: {  	s6 =	sld [smem:$0x3FAA]  }
0x2c: {  	s7 =	sld [smem:$0x3FAB]  }
0x2d: {  	s3 =	simm.s32 $0x108;
	s8 =	sld [smem:$0x3FAC]  }
0x2e: {  	s3 =	simm.s32 @!p0 $0x1082;
	s9 =	sld [smem:$0x3FAD]  }
0x2f: {  	lr =	sadd.s32 s0, s3;
	s0 =	sld [smem:$0x3FA4]  }
0x30: {  	s3 =	sld [smem:$0x3FA7]  }
0x31: {  	[smem:$0x3FB0] =	sst s10  }
0x32: {  	s10 =	sld [smem:$0x3FAE];
	_ =	sdelay $0x3  }
0x33: {  	p0 =	seq.s32 s10, $0x1;
	s10 =	sld [smem:$0x3FB0];
	_ =	sdelay $0x3  }
0x34: {  	[smem:$0x3FB0] =	sst s10  }
0x35: {  	s10 =	sld [smem:$0x3FAF];
	_ =	sdelay $0x3  }
0x36: {  	p1 =	seq.s32 s10, $0x1;
	s10 =	sld [smem:$0x3FB0];
	_ =	sdelay $0x3  }
0x37: {  	[smem:$0x3FB0] =	sst s10  }
0x38: {  	s10 =	sld [smem:$0x3FB1]  }
0x39: {  	_ = 	snop;
	(pc) =	sbr.ind lr, $3  }
0x3a: {  	_ = 	snop  }
0x3b: {  	_ = 	snop  }
0x3c: {  	p2 =	seq.s32 s10, $0x1;
	s10 =	sld [smem:$0x3FB0]  }
0x3d: {  	_ =	shalt  }
0x3e: {  	_ =	shalt  }
0x3f: {  	_ =	shalt  }
0x40: {  	_ =	shalt  }
0x41: {  	_ =	shalt  }
0x42: {  	_ =	shalt  }
0x43: {  	_ =	shalt  }
0x44: {  	_ =	shalt  }
0x45: {  	_ =	shalt  }
0x46: {  	_ =	shalt  }
0x47: {  	_ =	shalt  }
0x48: {  	_ =	shalt  }
0x49: {  	_ =	shalt  }
0x4a: {  	_ =	shalt  }
0x4b: {  	_ =	shalt  }
0x4c: {  	_ =	shalt  }
0x4d: {  	_ =	shalt  }
0x4e: {  	_ =	shalt  }
0x4f: {  	_ =	shalt  }
0x50: {  	_ =	shalt  }
0x51: {  	_ =	shalt  }
0x52: {  	_ =	shalt  }
0x53: {  	_ =	shalt  }
0x54: {  	_ =	shalt  }
0x55: {  	_ =	shalt  }
0x56: {  	_ =	shalt  }
0x57: {  	_ =	shalt  }
0x58: {  	_ =	shalt  }
0x59: {  	_ =	shalt  }
0x5a: {  	_ =	shalt  }
0x5b: {  	_ =	shalt  }
0x5c: {  	_ =	shalt  }
0x5d: {  	_ =	shalt  }
0x5e: {  	_ =	shalt  }
0x5f: {  	_ =	shalt  }
0x60: {  	_ =	shalt  }
0x61: {  	_ =	shalt  }
0x62: {  	_ =	shalt  }
0x63: {  	_ =	shalt  }
0x64: {  	_ =	shalt  }
0x65: {  	_ =	shalt  }
0x66: {  	_ =	shalt  }
0x67: {  	_ =	shalt  }
0x68: {  	_ =	shalt  }
0x69: {  	_ =	shalt  }
0x6a: {  	_ =	shalt  }
0x6b: {  	_ =	shalt  }
0x6c: {  	_ =	shalt  }
0x6d: {  	_ =	shalt  }
0x6e: {  	_ =	shalt  }
0x6f: {  	_ =	shalt  }
0x70: {  	_ =	shalt  }
0x71: {  	_ =	shalt  }
0x72: {  	_ =	shalt  }
0x73: {  	_ =	shalt  }
0x74: {  	_ =	shalt  }
0x75: {  	_ =	shalt  }
0x76: {  	_ =	shalt  }
0x77: {  	_ =	shalt  }
0x78: {  	_ =	shalt  }
0x79: {  	_ =	shalt  }
0x7a: {  	_ =	shalt  }
0x7b: {  	_ =	shalt  }
0x7c: {  	_ =	shalt  }
0x7d: {  	_ =	shalt  }
0x7e: {  	_ =	shalt  }
0x7f: {  	_ =	shalt  }
0x80: {  	_ =	shalt  }
0x81: {  	_ =	shalt  }
0x82: {  	_ =	shalt  }
0x83: {  	_ =	shalt  }
0x84: {  	_ =	shalt  }
0x85: {  	_ =	shalt  }
0x86: {  	_ =	shalt  }
0x87: {  	_ =	shalt  }
.Lfunc_end0:
.L_simem_size_0:
called_computation.1_lowered:
.L_overlay_start_0:
0x88: {  	s2 =	sld [smem:$0x3FD9]  }
0x89: {  	s3 =	sld [smem:$0x3FFE];
	_ =	sdelay $0x1  }
0x8a: {  	s1 =	srdreg.scid  }
0x8b: {  	s0 =	sand.u32 $0x1, s1  }
0x8c: {  	s17 =	sshll.u32 s0, $0xA;
	s2 =	sadd.s32 s3, s2  }
0x8d: {  	s2 =	sadd.s32 s2, s17  }
0x8e: {  	[smem:$0x3FBC] =	sst s2  }
0x8f: {  	_ = 	snop  }
0x90: {  	s2 =	sld [smem:$0x3FC8]  }
0x91: {  	s18 =	sld [smem:$0x3FC7]  }
0x92: {  	s4 =	sld [smem:$0x3FD0];
	(tm) =	ssettm $0x1  }
0x93: {  	s5 =	sld [smem:$0x3FFB];
	_ =	sdelay $0x3  }
0x94: {  	_ =	strace s5  }
0x95: {  	s5 =	sld [smem:$0x3FFC];
	_ =	sdelay $0x3  }
0x96: {  	_ =	strace s5  }
0x97: {  	s5 =	sld [smem:$0x3FFD];
	_ =	sdelay $0x3  }
0x98: {  	_ =	strace s5  }
0x99: {  	_ =	strace $0x8FFFFFFF  }
0x9a: {  	s19 =	sld [smem:$0x3FDB];
	_ =	sdelay $0x1  }
0x9b: {  	s6 =	simm.s32 $_scs_section_size  }
0x9c: {  	s7 =	simm.s32 $_size__tile_overlayer_lowered;
	s8 =	simm.s32 $_tile_overlayer_lowered  }
0x9d: {  	s22 =	simm.s32 $0x1BFF;
	s21 =	sshll.u32 s8, $0x1;
	s5 =	sadd.s32 s6, s19  }
0x9e: {  	s9 =	simm.s32 $0x0;
	s20 =	sshll.u32 s7, $0x1;
	s7 =	sadd.s32 s21, s5  }
0x9f: {  	[timem:s9], [sflag:s22] =	dma.local [hbm:s7], s20  }
0xa0: {  	_ =	swait.ge [sflag:s22], s20  }
0xa1: {  	s6 =	ssub.s32 $0x0, s20;
	[sflag:s22] =	ssyncset.done $0x0  }
0xa2: {  	[sflag:s22] =	ssyncadd.s32 s6;
	_ =	sdelay $0x1  }
0xa3: {  	s23 =	simm.s32 $0x1B8B  }
0xa4: {  	_ =	swait.ge [sflag:s23], $0x1  }
0xa5: {  	[sflag:s23] =	ssyncset.done $0x0  }
0xa6: {  	s25 =	simm.s32 $0x1B8E;
	s24 =	sld [smem:$0x3FFE];
	[sflag:s23] =	ssyncadd.s32 $0xFFFFFFFF  }
0xa7: {  	s26 =	simm.s32 $execute0_lowered;
	[smem:$0x3FD2] =	sst s25  }
0xa8: {  	s7 =	sshll.u32 s26, $0x1;
	_ =	strace $0x80000049;
	[dreg:$0x1] =	wrdreg $0xFFFFFFFF  }
0xa9: {  	s28 =	simm.s32 $_size_execute0_lowered;
	s5 =	sadd.s32 s5, s7;
	[dreg:$0x0] =	wrdreg $0x0  }
0xaa: {  	s7 =	sshll.u32 s28, $0x1;
	[dreg:$0x2] =	wrdreg s5  }
0xab: {  	[dreg:$0x3] =	wrdreg s7  }
0xac: {  	[dreg:$0x4] =	wrdreg $0xC0  }
0xad: {  	_ =	task [dreg:s9], $0x5FFFF  }
0xae: {  	[dreg:$0x1] =	wrdreg $0xFFFFFFFF  }
0xaf: {  	[dreg:$0x0] =	wrdreg $0x60  }
0xb0: {  	[dreg:$0x2] =	wrdreg s24  }
0xb1: {  	[dreg:$0x3] =	wrdreg s2  }
0xb2: {  	[dreg:$0x4] =	wrdreg s18  }
0xb3: {  	[dreg:$0x5] =	wrdreg s4  }
0xb4: {  	[dreg:$0x6] =	wrdreg $0xA8000  }
0xb5: {  	[dreg:$0x7] =	wrdreg $0x9  }
0xb6: {  	_ =	task.clear_ibuf [dreg:s9], $0x8FFFF;
	_ =	strace $0x90000049  }
0xb7: {  	s29 =	simm.s32 $0x9;
	_ =	strace $0x8000004B  }
0xb8: {  	_ =	swait.ge [sflag:s29], $0x1  }
0xb9: {  	[sflag:s29] =	ssyncadd.s32 $0xFFFFFFFF  }
0xba: {  	_ =	strace $0x9000004B  }
0xbb: {  	_ =	sfence  }
0xbc: {  	s30 =	sld [smem:$0x0];
	_ =	sdelay $0x2  }
0xbd: {  	s31 =	sshll.u32 s1, $0xD;
	s1 =	sshrl.u32 s1, $0x2  }
0xbe: {  	s3 =	sand.u32 $0x4000, s31;
	s1 =	sadd.s32 s1, s30  }
0xbf: {  	s0 =	sor.u32 s3, s0;
	s1 =	sshll.u32 s1, $0x11  }
0xc0: {  	s0 =	sor.u32 s1, s0  }
0xc1: {  	s0 =	sadd.s32 $0x8F2B, s0  }
0xc2: {  	[sflag:s0] =	ssyncadd.remote.s32 $0x1  }
0xc3: {  	_ =	sfence.sel $0xFFFF  }
0xc4: {  	[dreg:$0x0] =	wrdreg $0xFFFFFFFF;
	(pc) =	sbr.abs _section_cstart, $3  }
0xc5: {  	[dreg:$0x1] =	wrdreg $0xFFFFFFFF  }
0xc6: {  	_ =	task.clear_ibuf [dreg:s9], $0x2FFFF;
	_ =	strace $0x9FFFFFFF  }
0xc7: {  	(tm) =	ssettm $0x7FFFFFFF  }
tec
execute0_lowered:
.L_overlay_start_1:
0x0: {  	(tag) =	ssettag $0x1  }
0x1: {  	s0 =	rddreg [dreg:$0x0]  }
0x2: {  	s1 =	rddreg [dreg:$0x1]  }
0x3: {  	s2 =	srdreg.scid;
	s6 =	rddreg [dreg:$0x2]  }
0x4: {  	s21 =	stileid.u32;
	s3 =	rddreg [dreg:$0x4]  }
0x5: {  	s28 =	simm.s32 $0x1;
	s29 =	simm.s32 $0x2;
	s30 =	simm.s32 $0x1380  }
0x6: {  	s31 =	simm.s32 $0x2700;
	s2 =	sand.u32 $0x1, s2;
	s9 =	smul.u32 $0x50000, s21  }
0x7: {  	s26 =	smul.u32 $0x2800, s21;
	s4 =	sshll.u32 s2, $0x4;
	s8 =	ssub.s32 $0x2, s2  }
0x8: {  	p0 =	seq.s32 s2, $0x1;
	s2 =	simm.s32 $0x80000;
	s5 =	sor.u32 s21, s4  }
0x9: {  	s4 =	simm.s32 $0x0;
	s10 =	sshrl.u32 s8, $0x1;
	s22 =	sshrl.u32 s9, $0x2  }
0xa: {  	s2 =	simm.s32 @!p0 $0x58000;
	s7 =	smul.u32 $0x2800, s5;
	[smem:$0x7FF] =	sst s4  }
0xb: {  	s5 =	sadd.s32 $0x8000, s0;
	s20 =	ssub.s32 s8, s10;
	s8 =	sadd.s32 s22, s3  }
0xc: {  	s0 =	sadd.s32 s2, s0;
	s22 =	simm.s32 $0x3;
	s2 =	simm.s32 $0x0  }
0xd: {  	_ =	strace $0x8000004A;
	s24 =	sadd.s32 $0x2000, s8;
	s25 =	sadd.s32 $0x4000, s8  }
0xe: {  	s11 =	sadd.s32 $0x6000, s8;
	s12 =	sadd.s32 $0x8000, s8;
	s13 =	sadd.s32 $0xA000, s8  }
0xf: {  	s14 =	sadd.s32 $0xC000, s8;
	s15 =	sadd.s32 $0xE000, s8;
	s16 =	sadd.s32 $0x10000, s8  }
0x10: {  	s17 =	sadd.s32 $0x12000, s8;
	s20 =	smax.u32 s20, $0x1;
	s21 =	sadd.s32 s0, s26  }
0x11: {  	s26 =	simm.s32 $0x6800;
	s18 =	sshrl.u32 s7, $0x3;
	[dreg:$0x8] =	wrdreg s24  }
0x12: {  	[dreg:$0x9] =	wrdreg s25;
	s24 =	simm.s32 $0x7D;
	s7 =	sadd.s32 s1, s18  }
0x13: {  	s23 =	sadd.s32 s6, s18;
	s19 =	sadd.s32 $0x280, s18;
	[dreg:$0x6] =	wrdreg s7  }
0x14: {  	s25 =	simm.s32 $0x2800;
	[dreg:$0x7] =	wrdreg s23;
	s18 =	sadd.s32 s1, s19  }
0x15: {  	s19 =	sadd.s32 s6, s19;
	s23 =	simm.s32 $0x1400;
	s1 =	simm.s32 $0x2780  }
.LBB2_1:
0x16: {  	s0 =	rddreg [dreg:$0x6]  }
0x17: {  	[tilespmem:s4], [sflag:$0x3] =	stream.linear.gather [hbm4b:s0+s4], $0x1400, $0x38;
	[tilespmem:$0x1E800] =	vst v63  }
0x18: {  	_ =	swait.ge [sflag:s22], $0x1400  }
0x19: {  	[sflag:s22] =	ssyncset.done $0x0  }
0x1a: {  	s6 =	rddreg [dreg:$0x7];
	[sflag:s22] =	ssyncadd.s32 $0xFFFFEC00  }
0x1b: {  	[tilespmem:s23], [sflag:$0x3] =	stream.linear.gather [hbm4b:s6+s4], $0x1400, $0x38;
	[tilespmem:$0x1E800] =	vst v63  }
0x1c: {  	_ =	swait.ge [sflag:s22], $0x1400  }
0x1d: {  	[sflag:s22] =	ssyncset.done $0x0  }
0x1e: {  	[sflag:s22] =	ssyncadd.s32 $0xFFFFEC00  }
0x1f: {  	[tilespmem:s25], [sflag:$0x1] =	stream.indirect.gather [hbm4b:s5+s24], $0x80, s4, s24, $0xb8;
	[tilespmem:$0x1E800] =	vst v63  }
0x20: {  	s7 =	rddreg [dreg:$0x3]  }
0x21: {  	[tilespmem:s26], [sflag:$0x3] =	stream.linear.gather [hbm4b:s7+s4], $0x2000, $0x38;
	[tilespmem:$0x1E800] =	vst v63  }
0x22: {  	_ =	swait.ge [sflag:s22], $0x2000  }
0x23: {  	[sflag:s22] =	ssyncset.done $0x0  }
0x24: {  	[sflag:s22] =	ssyncadd.s32 $0xFFFFE000  }
0x25: {  	[spmem:s8] =	stream.linear.scatter [tilespmem:s26], [sflag:$0x3], $0x2000, $0x38;
	[tilespmem:$0x1E800] =	vst v63  }
0x26: {  	_ =	swait.ge [sflag:s22], $0x2000  }
0x27: {  	[sflag:s22] =	ssyncset.done $0x0  }
0x28: {  	s9 =	rddreg [dreg:$0x8];
	[sflag:s22] =	ssyncadd.s32 $0xFFFFE000  }
0x29: {  	[spmem:s9] =	stream.linear.scatter [tilespmem:s26], [sflag:$0x3], $0x2000, $0x38;
	[tilespmem:$0x1E800] =	vst v63  }
0x2a: {  	_ =	swait.ge [sflag:s22], $0x2000  }
0x2b: {  	[sflag:s22] =	ssyncset.done $0x0  }
0x2c: {  	s10 =	rddreg [dreg:$0x9];
	[sflag:s22] =	ssyncadd.s32 $0xFFFFE000  }
0x2d: {  	[spmem:s10] =	stream.linear.scatter [tilespmem:s26], [sflag:$0x3], $0x2000, $0x38;
	[tilespmem:$0x1E800] =	vst v63  }
0x2e: {  	_ =	swait.ge [sflag:s22], $0x2000  }
0x2f: {  	[sflag:s22] =	ssyncset.done $0x0  }
0x30: {  	[sflag:s22] =	ssyncadd.s32 $0xFFFFE000  }
0x31: {  	[spmem:s11] =	stream.linear.scatter [tilespmem:s26], [sflag:$0x3], $0x2000, $0x38;
	[tilespmem:$0x1E800] =	vst v63  }
0x32: {  	_ =	swait.ge [sflag:s22], $0x2000  }
0x33: {  	[sflag:s22] =	ssyncset.done $0x0  }
0x34: {  	[sflag:s22] =	ssyncadd.s32 $0xFFFFE000  }
0x35: {  	[spmem:s12] =	stream.linear.scatter [tilespmem:s26], [sflag:$0x3], $0x2000, $0x38;
	[tilespmem:$0x1E800] =	vst v63  }
0x36: {  	_ =	swait.ge [sflag:s22], $0x2000  }
0x37: {  	[sflag:s22] =	ssyncset.done $0x0  }
0x38: {  	[sflag:s22] =	ssyncadd.s32 $0xFFFFE000  }
0x39: {  	[spmem:s13] =	stream.linear.scatter [tilespmem:s26], [sflag:$0x3], $0x2000, $0x38;
	[tilespmem:$0x1E800] =	vst v63  }
0x3a: {  	_ =	swait.ge [sflag:s22], $0x2000  }
0x3b: {  	[sflag:s22] =	ssyncset.done $0x0  }
0x3c: {  	[sflag:s22] =	ssyncadd.s32 $0xFFFFE000  }
0x3d: {  	[spmem:s14] =	stream.linear.scatter [tilespmem:s26], [sflag:$0x3], $0x2000, $0x38;
	[tilespmem:$0x1E800] =	vst v63  }
0x3e: {  	_ =	swait.ge [sflag:s22], $0x2000  }
0x3f: {  	[sflag:s22] =	ssyncset.done $0x0  }
0x40: {  	[sflag:s22] =	ssyncadd.s32 $0xFFFFE000  }
0x41: {  	[spmem:s15] =	stream.linear.scatter [tilespmem:s26], [sflag:$0x3], $0x2000, $0x38;
	[tilespmem:$0x1E800] =	vst v63  }
0x42: {  	_ =	swait.ge [sflag:s22], $0x2000  }
0x43: {  	[sflag:s22] =	ssyncset.done $0x0  }
0x44: {  	[sflag:s22] =	ssyncadd.s32 $0xFFFFE000  }
0x45: {  	[spmem:s16] =	stream.linear.scatter [tilespmem:s26], [sflag:$0x3], $0x2000, $0x38;
	[tilespmem:$0x1E800] =	vst v63  }
0x46: {  	_ =	swait.ge [sflag:s22], $0x2000  }
0x47: {  	[sflag:s22] =	ssyncset.done $0x0  }
0x48: {  	[sflag:s22] =	ssyncadd.s32 $0xFFFFE000  }
0x49: {  	[spmem:s17] =	stream.linear.scatter [tilespmem:s26], [sflag:$0x3], $0x2000, $0x38;
	[tilespmem:$0x1E800] =	vst v63  }
0x4a: {  	_ =	swait.ge [sflag:s22], $0x2000  }
0x4b: {  	[sflag:s22] =	ssyncset.done $0x0  }
0x4c: {  	[sflag:s22] =	ssyncadd.s32 $0xFFFFE000  }
0x4d: {  	s6 =	simm.s32 $0x80;
	[bflag:$0x0] =	sbarrier.arrive $0xFFFF  }
0x4e: {  	[tilespmem:s26], [sflag:$0x2] =	stream.indirect.gather [hbm4b:s5+s24], $0x80, s6, s24, $0xb8;
	[tilespmem:$0x1E800] =	vst v63  }
0x4f: {  	_ =	swait.ge [sflag:s28], $0x3E80  }
0x50: {  	[sflag:s28] =	ssyncset.done $0x0  }
0x51: {  	s7 =	simm.s32 $0x1400;
	[sflag:s28] =	ssyncadd.s32 $0xFFFFC180  }
0x52: {  	[spmem:s3] =	stream.indirect.scatter.add.f32 [tilespmem:s25], [sflag:$0x3], $0x80, s7, s24, $0xb8;
	[tilespmem:$0x1E800] =	vst v63  }
0x53: {  	_ =	swait.ge [sflag:s22], $0x3E80  }
0x54: {  	[sflag:s22] =	ssyncset.done $0x0  }
0x55: {  	s9 =	simm.s32 $0x100;
	[sflag:s22] =	ssyncadd.s32 $0xFFFFC180  }
0x56: {  	[tilespmem:s25], [sflag:$0x1] =	stream.indirect.gather [hbm4b:s5+s24], $0x80, s9, s24, $0xb8;
	[tilespmem:$0x1E800] =	vst v63  }
0x57: {  	_ =	swait.ge [sflag:s29], $0x3E80  }
0x58: {  	[sflag:s29] =	ssyncset.done $0x0  }
0x59: {  	s10 =	simm.s32 $0x1480;
	[sflag:s29] =	ssyncadd.s32 $0xFFFFC180  }
0x5a: {  	[spmem:s3] =	stream.indirect.scatter.add.f32 [tilespmem:s26], [sflag:$0x3], $0x80, s10, s24, $0xb8;
	[tilespmem:$0x1E800] =	vst v63  }
0x5b: {  	_ =	swait.ge [sflag:s22], $0x3E80  }
0x5c: {  	s0 =	simm.s32 $0x100;
	s6 =	simm.s32 $0x800;
	[sflag:s22] =	ssyncset.done $0x0  }
.LBB2_2:
0x5d: {  	s7 =	sadd.s32 $0x80, s0  }
0x5e: {  	[sflag:s22] =	ssyncadd.s32 $0xFFFFC180;
	s9 =	smov.u32 s6;
	s10 =	sadd.s32 $0x400, s6  }
0x5f: {  	[tilespmem:s26], [sflag:$0x2] =	stream.indirect.gather [hbm4b:s5+s24], $0x80, s7, s24, $0xb8;
	[tilespmem:$0x1E800] =	vst v63  }
0x60: {  	p0 =	sne.s32 s6, $0x4800;
	_ =	swait.ge [sflag:s28], $0x3E80  }
0x61: {  	[sflag:s28] =	ssyncset.done $0x0  }
0x62: {  	s6 =	sadd.s32 $0x1400, s0;
	[sflag:s28] =	ssyncadd.s32 $0xFFFFC180  }
0x63: {  	[spmem:s3] =	stream.indirect.scatter.add.f32 [tilespmem:s25], [sflag:$0x3], $0x80, s6, s24, $0xb8;
	[tilespmem:$0x1E800] =	vst v63  }
0x64: {  	_ =	swait.ge [sflag:s22], $0x3E80  }
0x65: {  	[sflag:s22] =	ssyncset.done $0x0  }
0x66: {  	s6 =	sadd.s32 $0x100, s0;
	[sflag:s22] =	ssyncadd.s32 $0xFFFFC180  }
0x67: {  	[tilespmem:s25], [sflag:$0x1] =	stream.indirect.gather [hbm4b:s5+s24], $0x80, s6, s24, $0xb8;
	[tilespmem:$0x1E800] =	vst v63  }
0x68: {  	_ =	swait.ge [sflag:s29], $0x3E80  }
.Ltmp0:
0x69: {  	[sflag:s29] =	ssyncset.done $0x0;
	(pc) =	sbr.rel @p0 .LBB2_2-.Ltmp0, $4  }
0x6a: {  	s0 =	sadd.s32 $0x1480, s0;
	[sflag:s29] =	ssyncadd.s32 $0xFFFFC180  }
0x6b: {  	[spmem:s3] =	stream.indirect.scatter.add.f32 [tilespmem:s26], [sflag:$0x3], $0x80, s0, s24, $0xb8;
	[tilespmem:$0x1E800] =	vst v63  }
0x6c: {  	_ =	swait.ge [sflag:s22], $0x3E80  }
0x6d: {  	s6 =	smov.u32 s10;
	s0 =	sshra.s32 s9, $0x2;
	[sflag:s22] =	ssyncset.done $0x0  }
0x6e: {  	s6 =	sadd.s32 $0x80, s0;
	[sflag:s22] =	ssyncadd.s32 $0xFFFFC180  }
0x6f: {  	[tilespmem:s26], [sflag:$0x2] =	stream.indirect.gather [hbm4b:s5+s24], $0x80, s6, s24, $0xb8;
	[tilespmem:$0x1E800] =	vst v63  }
0x70: {  	_ =	swait.ge [sflag:s28], $0x3E80  }
0x71: {  	[sflag:s28] =	ssyncset.done $0x0  }
0x72: {  	s10 =	sadd.s32 $0x1400, s0;
	[sflag:s28] =	ssyncadd.s32 $0xFFFFC180  }
0x73: {  	[spmem:s3] =	stream.indirect.scatter.add.f32 [tilespmem:s25], [sflag:$0x3], $0x80, s10, s24, $0xb8;
	[tilespmem:$0x1E800] =	vst v63  }
0x74: {  	_ =	swait.ge [sflag:s22], $0x3E80  }
0x75: {  	[sflag:s22] =	ssyncset.done $0x0  }
0x76: {  	s7 =	sadd.s32 $0x100, s0;
	[sflag:s22] =	ssyncadd.s32 $0xFFFFC180  }
0x77: {  	[tilespmem:s25], [sflag:$0x1] =	stream.indirect.gather [hbm4b:s5+s24], $0x80, s7, s24, $0xb8;
	[tilespmem:$0x1E800] =	vst v63  }
0x78: {  	_ =	swait.ge [sflag:s29], $0x3E80  }
0x79: {  	[sflag:s29] =	ssyncset.done $0x0  }
0x7a: {  	s9 =	sadd.s32 $0x1480, s0;
	[sflag:s29] =	ssyncadd.s32 $0xFFFFC180  }
0x7b: {  	[spmem:s3] =	stream.indirect.scatter.add.f32 [tilespmem:s26], [sflag:$0x3], $0x80, s9, s24, $0xb8;
	[tilespmem:$0x1E800] =	vst v63  }
0x7c: {  	_ =	swait.ge [sflag:s22], $0x3E80  }
0x7d: {  	[sflag:s22] =	ssyncset.done $0x0  }
0x7e: {  	[sflag:s22] =	ssyncadd.s32 $0xFFFFC180  }
0x7f: {  	[tilespmem:s26], [sflag:$0x2] =	stream.indirect.gather [hbm4b:s5+s24], $0x80, s30, s24, $0xb8;
	[tilespmem:$0x1E800] =	vst v63  }
0x80: {  	_ =	swait.ge [sflag:s28], $0x3E80  }
0x81: {  	[sflag:s28] =	ssyncset.done $0x0  }
0x82: {  	[sflag:s28] =	ssyncadd.s32 $0xFFFFC180  }
0x83: {  	[spmem:s3] =	stream.indirect.scatter.add.f32 [tilespmem:s25], [sflag:$0x3], $0x80, s31, s24, $0xb8;
	[tilespmem:$0x1E800] =	vst v63  }
0x84: {  	_ =	swait.ge [sflag:s22], $0x3E80  }
0x85: {  	[sflag:s22] =	ssyncset.done $0x0  }
0x86: {  	[sflag:s22] =	ssyncadd.s32 $0xFFFFC180  }
0x87: {  	_ =	swait.ge [sflag:s29], $0x3E80  }
0x88: {  	[sflag:s29] =	ssyncset.done $0x0  }
0x89: {  	[sflag:s29] =	ssyncadd.s32 $0xFFFFC180  }
0x8a: {  	[spmem:s3] =	stream.indirect.scatter.add.f32 [tilespmem:s26], [sflag:$0x3], $0x80, s1, s24, $0xb8;
	[tilespmem:$0x1E800] =	vst v63  }
0x8b: {  	_ =	swait.ge [sflag:s22], $0x3E80  }
0x8c: {  	[sflag:s22] =	ssyncset.done $0x0  }
0x8d: {  	s10 =	simm.s32 $0x0;
	[sflag:s22] =	ssyncadd.s32 $0xFFFFC180  }
0x8e: {  	[tilespmem:s10], [sflag:$0x3] =	stream.linear.gather [hbm4b:s18+s10], $0x1400, $0x38;
	[tilespmem:$0x1E800] =	vst v63  }
0x8f: {  	_ =	swait.ge [sflag:s22], $0x1400  }
0x90: {  	[sflag:s22] =	ssyncset.done $0x0  }
0x91: {  	[sflag:s22] =	ssyncadd.s32 $0xFFFFEC00  }
0x92: {  	[tilespmem:s23], [sflag:$0x3] =	stream.linear.gather [hbm4b:s19+s10], $0x1400, $0x38;
	[tilespmem:$0x1E800] =	vst v63  }
0x93: {  	_ =	swait.ge [sflag:s22], $0x1400  }
0x94: {  	[sflag:s22] =	ssyncset.done $0x0  }
0x95: {  	[sflag:s22] =	ssyncadd.s32 $0xFFFFEC00  }
0x96: {  	[tilespmem:s25], [sflag:$0x1] =	stream.indirect.gather [hbm4b:s5+s24], $0x80, s10, s24, $0xb8;
	[tilespmem:$0x1E800] =	vst v63  }
0x97: {  	s6 =	simm.s32 $0x80  }
0x98: {  	[tilespmem:s26], [sflag:$0x2] =	stream.indirect.gather [hbm4b:s5+s24], $0x80, s6, s24, $0xb8;
	[tilespmem:$0x1E800] =	vst v63  }
0x99: {  	_ =	swait.ge [sflag:s28], $0x3E80  }
0x9a: {  	[sflag:s28] =	ssyncset.done $0x0  }
0x9b: {  	s7 =	simm.s32 $0x1400;
	[sflag:s28] =	ssyncadd.s32 $0xFFFFC180  }
0x9c: {  	[spmem:s3] =	stream.indirect.scatter.add.f32 [tilespmem:s25], [sflag:$0x3], $0x80, s7, s24, $0xb8;
	[tilespmem:$0x1E800] =	vst v63  }
0x9d: {  	_ =	swait.ge [sflag:s22], $0x3E80  }
0x9e: {  	[sflag:s22] =	ssyncset.done $0x0  }
0x9f: {  	s9 =	simm.s32 $0x100;
	[sflag:s22] =	ssyncadd.s32 $0xFFFFC180  }
0xa0: {  	[tilespmem:s25], [sflag:$0x1] =	stream.indirect.gather [hbm4b:s5+s24], $0x80, s9, s24, $0xb8;
	[tilespmem:$0x1E800] =	vst v63  }
0xa1: {  	_ =	swait.ge [sflag:s29], $0x3E80  }
0xa2: {  	[sflag:s29] =	ssyncset.done $0x0  }
0xa3: {  	s10 =	simm.s32 $0x1480;
	[sflag:s29] =	ssyncadd.s32 $0xFFFFC180  }
0xa4: {  	[spmem:s3] =	stream.indirect.scatter.add.f32 [tilespmem:s26], [sflag:$0x3], $0x80, s10, s24, $0xb8;
	[tilespmem:$0x1E800] =	vst v63  }
0xa5: {  	_ =	swait.ge [sflag:s22], $0x3E80  }
0xa6: {  	s0 =	simm.s32 $0x100;
	s6 =	simm.s32 $0x800;
	[sflag:s22] =	ssyncset.done $0x0  }
.LBB2_4:
0xa7: {  	s7 =	sadd.s32 $0x80, s0  }
0xa8: {  	[sflag:s22] =	ssyncadd.s32 $0xFFFFC180;
	s9 =	smov.u32 s6;
	s10 =	sadd.s32 $0x400, s6  }
0xa9: {  	[tilespmem:s26], [sflag:$0x2] =	stream.indirect.gather [hbm4b:s5+s24], $0x80, s7, s24, $0xb8;
	[tilespmem:$0x1E800] =	vst v63  }
0xaa: {  	p0 =	sne.s32 s6, $0x4800;
	_ =	swait.ge [sflag:s28], $0x3E80  }
0xab: {  	[sflag:s28] =	ssyncset.done $0x0  }
0xac: {  	s6 =	sadd.s32 $0x1400, s0;
	[sflag:s28] =	ssyncadd.s32 $0xFFFFC180  }
0xad: {  	[spmem:s3] =	stream.indirect.scatter.add.f32 [tilespmem:s25], [sflag:$0x3], $0x80, s6, s24, $0xb8;
	[tilespmem:$0x1E800] =	vst v63  }
0xae: {  	_ =	swait.ge [sflag:s22], $0x3E80  }
0xaf: {  	[sflag:s22] =	ssyncset.done $0x0  }
0xb0: {  	s6 =	sadd.s32 $0x100, s0;
	[sflag:s22] =	ssyncadd.s32 $0xFFFFC180  }
0xb1: {  	[tilespmem:s25], [sflag:$0x1] =	stream.indirect.gather [hbm4b:s5+s24], $0x80, s6, s24, $0xb8;
	[tilespmem:$0x1E800] =	vst v63  }
0xb2: {  	_ =	swait.ge [sflag:s29], $0x3E80  }
.Ltmp1:
0xb3: {  	[sflag:s29] =	ssyncset.done $0x0;
	(pc) =	sbr.rel @p0 .LBB2_4-.Ltmp1, $4  }
0xb4: {  	s0 =	sadd.s32 $0x1480, s0;
	[sflag:s29] =	ssyncadd.s32 $0xFFFFC180  }
0xb5: {  	[spmem:s3] =	stream.indirect.scatter.add.f32 [tilespmem:s26], [sflag:$0x3], $0x80, s0, s24, $0xb8;
	[tilespmem:$0x1E800] =	vst v63  }
0xb6: {  	_ =	swait.ge [sflag:s22], $0x3E80  }
0xb7: {  	s6 =	smov.u32 s10;
	s0 =	sshra.s32 s9, $0x2;
	[sflag:s22] =	ssyncset.done $0x0  }
0xb8: {  	s6 =	sadd.s32 $0x80, s0;
	[sflag:s22] =	ssyncadd.s32 $0xFFFFC180  }
0xb9: {  	[tilespmem:s26], [sflag:$0x2] =	stream.indirect.gather [hbm4b:s5+s24], $0x80, s6, s24, $0xb8;
	[tilespmem:$0x1E800] =	vst v63  }
0xba: {  	_ =	swait.ge [sflag:s28], $0x3E80  }
0xbb: {  	[sflag:s28] =	ssyncset.done $0x0  }
0xbc: {  	s9 =	sadd.s32 $0x1400, s0;
	[sflag:s28] =	ssyncadd.s32 $0xFFFFC180  }
0xbd: {  	[spmem:s3] =	stream.indirect.scatter.add.f32 [tilespmem:s25], [sflag:$0x3], $0x80, s9, s24, $0xb8;
	[tilespmem:$0x1E800] =	vst v63  }
0xbe: {  	_ =	swait.ge [sflag:s22], $0x3E80  }
0xbf: {  	[sflag:s22] =	ssyncset.done $0x0  }
0xc0: {  	s10 =	sadd.s32 $0x100, s0;
	[sflag:s22] =	ssyncadd.s32 $0xFFFFC180  }
0xc1: {  	[tilespmem:s25], [sflag:$0x1] =	stream.indirect.gather [hbm4b:s5+s24], $0x80, s10, s24, $0xb8;
	[tilespmem:$0x1E800] =	vst v63  }
0xc2: {  	_ =	swait.ge [sflag:s29], $0x3E80  }
0xc3: {  	[sflag:s29] =	ssyncset.done $0x0  }
0xc4: {  	s7 =	sadd.s32 $0x1480, s0;
	[sflag:s29] =	ssyncadd.s32 $0xFFFFC180  }
0xc5: {  	[spmem:s3] =	stream.indirect.scatter.add.f32 [tilespmem:s26], [sflag:$0x3], $0x80, s7, s24, $0xb8;
	[tilespmem:$0x1E800] =	vst v63  }
0xc6: {  	_ =	swait.ge [sflag:s22], $0x3E80  }
0xc7: {  	[sflag:s22] =	ssyncset.done $0x0  }
0xc8: {  	[sflag:s22] =	ssyncadd.s32 $0xFFFFC180  }
0xc9: {  	[tilespmem:s26], [sflag:$0x2] =	stream.indirect.gather [hbm4b:s5+s24], $0x80, s30, s24, $0xb8;
	[tilespmem:$0x1E800] =	vst v63  }
0xca: {  	_ =	swait.ge [sflag:s28], $0x3E80  }
0xcb: {  	[sflag:s28] =	ssyncset.done $0x0  }
0xcc: {  	[sflag:s28] =	ssyncadd.s32 $0xFFFFC180  }
0xcd: {  	[spmem:s3] =	stream.indirect.scatter.add.f32 [tilespmem:s25], [sflag:$0x3], $0x80, s31, s24, $0xb8;
	[tilespmem:$0x1E800] =	vst v63  }
0xce: {  	_ =	swait.ge [sflag:s22], $0x3E80  }
0xcf: {  	[sflag:s22] =	ssyncset.done $0x0  }
0xd0: {  	[sflag:s22] =	ssyncadd.s32 $0xFFFFC180  }
0xd1: {  	_ =	swait.ge [sflag:s29], $0x3E80  }
0xd2: {  	[sflag:s29] =	ssyncset.done $0x0  }
0xd3: {  	[sflag:s29] =	ssyncadd.s32 $0xFFFFC180  }
0xd4: {  	[spmem:s3] =	stream.indirect.scatter.add.f32 [tilespmem:s26], [sflag:$0x3], $0x80, s1, s24, $0xb8;
	[tilespmem:$0x1E800] =	vst v63  }
0xd5: {  	s9 =	stileid.u32;
	_ =	swait.ge [sflag:s22], $0x3E80  }
0xd6: {  	s2 =	sadd.s32 $0x1, s2;
	s0 =	sshll.u32 s9, $0x6;
	[sflag:s22] =	ssyncset.done $0x0  }
0xd7: {  	p0 =	sne.s32 s2, s20;
	s0 =	sor.u32 $0x1C03, s0;
	[sflag:s22] =	ssyncadd.s32 $0xFFFFC180  }
.Ltmp2:
0xd8: {  	s10 =	sshrl.u32 s8, $0x3;
	[bflag:$0x0] =	sbarrier.arrive $0xFFFF;
	(pc) =	sbr.rel @p0 .LBB2_1-.Ltmp2, $4  }
0xd9: {  	[hbm:s21], [sflag:s0] =	dma.local [spmem:s10], $0x2800  }
0xda: {  	_ =	swait.ge [sflag:s22], $0x2800  }
0xdb: {  	[sflag:s22] =	ssyncset.done $0x0  }
0xdc: {  	[sflag:s22] =	ssyncadd.s32 $0xFFFFD800  }
0xdd: {  	_ =	sfence.sel $0x180000  }
0xde: {  	[bflag:$0x0] =	sbarrier.arrive $0xFFFF  }
0xdf: {  	_ =	strace $0x9000004A  }
0xe0: {  	s0 =	stileid.u32;
	[bflag:$0x2] =	sbarrier.arrive $0xFFFF  }
0xe1: {  	p0 =	sne.s32 s0, $0x0;
	s0 =	rddreg [dreg:$0x5]  }
0xe2: {  	s0 =	sadd.s32 @!p0 $0x100000, s0  }
0xe3: {  	[sflag:s0] =	ssyncadd.tile.s32 @!p0 $0x1;
	_ =	shalt  }
.Lfunc_end2:
_tile_overlayer_lowered:
.L_overlay_start_2:
0xe4: {  	(tag) =	ssettag $0x2  }
0xe5: {  	s0 =	rddreg [dreg:$0x0];
	s2 =	stileid.u32  }
0xe6: {  	s1 =	rddreg [dreg:$0x1];
	p0 =	sne.s32 s2, $0x0  }
0xe7: {  	s3 =	rddreg [dreg:$0x2];
	[bflag:$0x3] =	sbarrier.arrive $0xFFFF;
	s2 =	simm.s32 @!p0 $0x1C03  }
0xe8: {  	[timem:s3], [sflag:s2] =	dma.local @!p0 [hbm:s0], s1  }
0xe9: {  	s0 =	simm.s32 @!p0 $0x3  }
0xea: {  	_ =	swait.ge @!p0 [sflag:s0], s1  }
0xeb: {  	s1 =	ssub.s32 @!p0 $0x0, s1;
	[sflag:s0] =	ssyncset.done @!p0 $0x0  }
0xec: {  	[sflag:s0] =	ssyncadd.s32 @!p0 s1  }
0xed: {  	[bflag:$0x3] =	sbarrier.arrive $0xFFFF  }
0xee: {  	_ =	shalt  }

// kernel: _run.21.cloned.1.call-start
scs
__scs_entry_jumppad:
0x0: {  	(pc) =	sbr.rel $0x88, $3  }
0x1: {  	(tag) =	ssettag $0x0;
	lr =	simm.s32 $0x1  }
0x2: {  	[smem:$0x3F95] =	sst lr;
	_ =	strace $0xD0000000  }
0x3: {  	_ = 	snop  }
0x4: {  	_ = 	snop  }
0x5: {  	_ = 	snop  }
0x6: {  	_ = 	snop  }
0x7: {  	_ = 	snop  }
__scs_overlays_trampoline_lowered:
0x8: {  	[smem:$0x3FA4] =	sst s0  }
0x9: {  	[smem:$0x3FA5] =	sst s1  }
0xa: {  	[smem:$0x3FA6] =	sst s2  }
0xb: {  	[smem:$0x3FA7] =	sst s3  }
0xc: {  	[smem:$0x3FA8] =	sst s4  }
0xd: {  	[smem:$0x3FA9] =	sst s5  }
0xe: {  	[smem:$0x3FAA] =	sst s6  }
0xf: {  	[smem:$0x3FAB] =	sst s7  }
0x10: {  	[smem:$0x3FAC] =	sst s8  }
0x11: {  	[smem:$0x3FAD] =	sst s9;
	s0 =	simm.s32 @!p0 $0x0  }
0x12: {  	s1 =	sld [smem:$0x3F93];
	s0 =	simm.s32 @p0 $0x1  }
0x13: {  	[smem:$0x3FAE] =	sst s0;
	s0 =	simm.s32 @!p1 $0x0  }
0x14: {  	s2 =	sld [smem:$0x3F92];
	s0 =	simm.s32 @p1 $0x1  }
0x15: {  	[smem:$0x3FAF] =	sst s0;
	s0 =	simm.s32 @!p2 $0x0  }
0x16: {  	s3 =	sld [smem:$0x3FDB];
	s0 =	simm.s32 @p2 $0x1  }
0x17: {  	s4 =	simm.s32 $0x1BF5;
	[smem:$0x3FB1] =	sst s0  }
0x18: {  	s0 =	sld [smem:$0x3F94];
	_ =	swait.ge [sflag:s4], $0x0  }
0x19: {  	s7 =	sld [smem:$0x3F95]  }
0x1a: {  	s8 =	sadd.s32 $0xFFFFE003, lr  }
0x1b: {  	s9 =	sadd.s32 $0xFFFFFEF7, lr;
	s5 =	simm.s32 $0xFFFFFFFF;
	p2 =	slt.u32 s8, $0xFFFFF086  }
0x1c: {  	p1 =	slt.u32 s9, $0xF7A;
	s5 =	simm.s32 @!p2 $0x0  }
0x1d: {  	s5 =	simm.s32 @p1 $0x1;
	p0 =	seq.s32 s7, s2  }
0x1e: {  	s7 =	smul.u32 @!p0 $0xF7A, s2;
	p2 =	seq.s32 @!p0 s5, $0x0  }
0x1f: {  	s9 =	smul.u32 $0xF7A, s1;
	s8 =	simm.s32 @!p0 $0x1BF5;
	p2 =	por !p2, p0  }
0x20: {  	[sflag:s8] =	ssyncset.s32 @!p0 $0xFFFFF086;
	s6 =	sadd.s32 @!p0 s3, s7;
	s7 =	simm.s32 @!p0 $0x108  }
0x21: {  	s3 =	sadd.s32 s3, s9;
	s6 =	sadd.s32 @!p0 $0x88, s6;
	s7 =	simm.s32 @p2 $0x1082  }
0x22: {  	[simem:s7], [sflag:s8] =	dma.local @!p0 [hbm:s6], $0xF7A  }
0x23: {  	s9 =	sor.u32 $0xD0000000, s2;
	s6 =	simm.s32 $0x108;
	_ =	swait.ge @!p0 [sflag:s8], $0x0  }
0x24: {  	s3 =	sadd.s32 $0x88, s3;
	s6 =	simm.s32 @!p1 $0x1082;
	[sflag:s4] =	ssyncset.s32 $0xFFFFF086  }
0x25: {  	[simem:s6], [sflag:s4] =	dma.local [hbm:s3], $0xF7A  }
0x26: {  	[smem:$0x3F95] =	sst s1;
	(tag) =	ssettag s2;
	_ =	strace s9  }
0x27: {  	s1 =	sld [smem:$0x3FA5]  }
0x28: {  	s2 =	sld [smem:$0x3FA6]  }
0x29: {  	s4 =	sld [smem:$0x3FA8]  }
0x2a: {  	p0 =	seq.s32 s5, $0x0;
	s5 =	sld [smem:$0x3FA9]  }
0x2b: {  	s6 =	sld [smem:$0x3FAA]  }
0x2c: {  	s7 =	sld [smem:$0x3FAB]  }
0x2d: {  	s3 =	simm.s32 $0x108;
	s8 =	sld [smem:$0x3FAC]  }
0x2e: {  	s3 =	simm.s32 @!p0 $0x1082;
	s9 =	sld [smem:$0x3FAD]  }
0x2f: {  	lr =	sadd.s32 s0, s3;
	s0 =	sld [smem:$0x3FA4]  }
0x30: {  	s3 =	sld [smem:$0x3FA7]  }
0x31: {  	[smem:$0x3FB0] =	sst s10  }
0x32: {  	s10 =	sld [smem:$0x3FAE];
	_ =	sdelay $0x3  }
0x33: {  	p0 =	seq.s32 s10, $0x1;
	s10 =	sld [smem:$0x3FB0];
	_ =	sdelay $0x3  }
0x34: {  	[smem:$0x3FB0] =	sst s10  }
0x35: {  	s10 =	sld [smem:$0x3FAF];
	_ =	sdelay $0x3  }
0x36: {  	p1 =	seq.s32 s10, $0x1;
	s10 =	sld [smem:$0x3FB0];
	_ =	sdelay $0x3  }
0x37: {  	[smem:$0x3FB0] =	sst s10  }
0x38: {  	s10 =	sld [smem:$0x3FB1]  }
0x39: {  	_ = 	snop;
	(pc) =	sbr.ind lr, $3  }
0x3a: {  	_ = 	snop  }
0x3b: {  	_ = 	snop  }
0x3c: {  	p2 =	seq.s32 s10, $0x1;
	s10 =	sld [smem:$0x3FB0]  }
0x3d: {  	_ =	shalt  }
0x3e: {  	_ =	shalt  }
0x3f: {  	_ =	shalt  }
0x40: {  	_ =	shalt  }
0x41: {  	_ =	shalt  }
0x42: {  	_ =	shalt  }
0x43: {  	_ =	shalt  }
0x44: {  	_ =	shalt  }
0x45: {  	_ =	shalt  }
0x46: {  	_ =	shalt  }
0x47: {  	_ =	shalt  }
0x48: {  	_ =	shalt  }
0x49: {  	_ =	shalt  }
0x4a: {  	_ =	shalt  }
0x4b: {  	_ =	shalt  }
0x4c: {  	_ =	shalt  }
0x4d: {  	_ =	shalt  }
0x4e: {  	_ =	shalt  }
0x4f: {  	_ =	shalt  }
0x50: {  	_ =	shalt  }
0x51: {  	_ =	shalt  }
0x52: {  	_ =	shalt  }
0x53: {  	_ =	shalt  }
0x54: {  	_ =	shalt  }
0x55: {  	_ =	shalt  }
0x56: {  	_ =	shalt  }
0x57: {  	_ =	shalt  }
0x58: {  	_ =	shalt  }
0x59: {  	_ =	shalt  }
0x5a: {  	_ =	shalt  }
0x5b: {  	_ =	shalt  }
0x5c: {  	_ =	shalt  }
0x5d: {  	_ =	shalt  }
0x5e: {  	_ =	shalt  }
0x5f: {  	_ =	shalt  }
0x60: {  	_ =	shalt  }
0x61: {  	_ =	shalt  }
0x62: {  	_ =	shalt  }
0x63: {  	_ =	shalt  }
0x64: {  	_ =	shalt  }
0x65: {  	_ =	shalt  }
0x66: {  	_ =	shalt  }
0x67: {  	_ =	shalt  }
0x68: {  	_ =	shalt  }
0x69: {  	_ =	shalt  }
0x6a: {  	_ =	shalt  }
0x6b: {  	_ =	shalt  }
0x6c: {  	_ =	shalt  }
0x6d: {  	_ =	shalt  }
0x6e: {  	_ =	shalt  }
0x6f: {  	_ =	shalt  }
0x70: {  	_ =	shalt  }
0x71: {  	_ =	shalt  }
0x72: {  	_ =	shalt  }
0x73: {  	_ =	shalt  }
0x74: {  	_ =	shalt  }
0x75: {  	_ =	shalt  }
0x76: {  	_ =	shalt  }
0x77: {  	_ =	shalt  }
0x78: {  	_ =	shalt  }
0x79: {  	_ =	shalt  }
0x7a: {  	_ =	shalt  }
0x7b: {  	_ =	shalt  }
0x7c: {  	_ =	shalt  }
0x7d: {  	_ =	shalt  }
0x7e: {  	_ =	shalt  }
0x7f: {  	_ =	shalt  }
0x80: {  	_ =	shalt  }
0x81: {  	_ =	shalt  }
0x82: {  	_ =	shalt  }
0x83: {  	_ =	shalt  }
0x84: {  	_ =	shalt  }
0x85: {  	_ =	shalt  }
0x86: {  	_ =	shalt  }
0x87: {  	_ =	shalt  }
.Lfunc_end0:
.L_simem_size_0:
called_computation.2_lowered:
.L_overlay_start_0:
0x88: {  	s2 =	sld [smem:$0x3FD9]  }
0x89: {  	s3 =	sld [smem:$0x3FFE];
	_ =	sdelay $0x1  }
0x8a: {  	s1 =	srdreg.scid  }
0x8b: {  	s0 =	sand.u32 $0x1, s1  }
0x8c: {  	s17 =	sshll.u32 s0, $0xA;
	s2 =	sadd.s32 s3, s2  }
0x8d: {  	s2 =	sadd.s32 s2, s17  }
0x8e: {  	[smem:$0x3FBC] =	sst s2  }
0x8f: {  	_ = 	snop  }
0x90: {  	s2 =	sld [smem:$0x3FC8]  }
0x91: {  	s18 =	sld [smem:$0x3FC7]  }
0x92: {  	s4 =	sld [smem:$0x3FD0];
	(tm) =	ssettm $0x1  }
0x93: {  	s5 =	sld [smem:$0x3FFB];
	_ =	sdelay $0x3  }
0x94: {  	_ =	strace s5  }
0x95: {  	s5 =	sld [smem:$0x3FFC];
	_ =	sdelay $0x3  }
0x96: {  	_ =	strace s5  }
0x97: {  	s5 =	sld [smem:$0x3FFD];
	_ =	sdelay $0x3  }
0x98: {  	_ =	strace s5  }
0x99: {  	_ =	strace $0x8FFFFFFF  }
0x9a: {  	s19 =	sld [smem:$0x3FDB];
	_ =	sdelay $0x1  }
0x9b: {  	s6 =	simm.s32 $_scs_section_size  }
0x9c: {  	s7 =	simm.s32 $_size__tile_overlayer_lowered;
	s8 =	simm.s32 $_tile_overlayer_lowered  }
0x9d: {  	s22 =	simm.s32 $0x1BFF;
	s21 =	sshll.u32 s8, $0x1;
	s5 =	sadd.s32 s6, s19  }
0x9e: {  	s9 =	simm.s32 $0x0;
	s20 =	sshll.u32 s7, $0x1;
	s7 =	sadd.s32 s21, s5  }
0x9f: {  	[timem:s9], [sflag:s22] =	dma.local [hbm:s7], s20  }
0xa0: {  	_ =	swait.ge [sflag:s22], s20  }
0xa1: {  	s6 =	ssub.s32 $0x0, s20;
	[sflag:s22] =	ssyncset.done $0x0  }
0xa2: {  	[sflag:s22] =	ssyncadd.s32 s6;
	_ =	sdelay $0x1  }
0xa3: {  	s23 =	simm.s32 $0x1B8B  }
0xa4: {  	_ =	swait.ge [sflag:s23], $0x1  }
0xa5: {  	[sflag:s23] =	ssyncset.done $0x0  }
0xa6: {  	s25 =	simm.s32 $0x1B8E;
	s24 =	sld [smem:$0x3FFE];
	[sflag:s23] =	ssyncadd.s32 $0xFFFFFFFF  }
0xa7: {  	s26 =	simm.s32 $execute0_lowered;
	[smem:$0x3FD2] =	sst s25  }
0xa8: {  	s7 =	sshll.u32 s26, $0x1;
	_ =	strace $0x8000004C;
	[dreg:$0x1] =	wrdreg $0xFFFFFFFF  }
0xa9: {  	s28 =	simm.s32 $_size_execute0_lowered;
	s5 =	sadd.s32 s5, s7;
	[dreg:$0x0] =	wrdreg $0x0  }
0xaa: {  	s7 =	sshll.u32 s28, $0x1;
	[dreg:$0x2] =	wrdreg s5  }
0xab: {  	[dreg:$0x3] =	wrdreg s7  }
0xac: {  	[dreg:$0x4] =	wrdreg $0xC0  }
0xad: {  	_ =	task [dreg:s9], $0x5FFFF  }
0xae: {  	[dreg:$0x1] =	wrdreg $0xFFFFFFFF  }
0xaf: {  	[dreg:$0x0] =	wrdreg $0x60  }
0xb0: {  	[dreg:$0x2] =	wrdreg s24  }
0xb1: {  	[dreg:$0x3] =	wrdreg s2  }
0xb2: {  	[dreg:$0x4] =	wrdreg s18  }
0xb3: {  	[dreg:$0x5] =	wrdreg s4  }
0xb4: {  	[dreg:$0x6] =	wrdreg $0xA8000  }
0xb5: {  	[dreg:$0x7] =	wrdreg $0x9  }
0xb6: {  	_ =	task.clear_ibuf [dreg:s9], $0x8FFFF;
	_ =	strace $0x9000004C  }
0xb7: {  	s29 =	simm.s32 $0x9;
	_ =	strace $0x8000004E  }
0xb8: {  	_ =	swait.ge [sflag:s29], $0x1  }
0xb9: {  	[sflag:s29] =	ssyncadd.s32 $0xFFFFFFFF  }
0xba: {  	_ =	strace $0x9000004E  }
0xbb: {  	_ =	sfence  }
0xbc: {  	s30 =	sld [smem:$0x0];
	_ =	sdelay $0x2  }
0xbd: {  	s31 =	sshll.u32 s1, $0xD;
	s1 =	sshrl.u32 s1, $0x2  }
0xbe: {  	s3 =	sand.u32 $0x4000, s31;
	s1 =	sadd.s32 s1, s30  }
0xbf: {  	s0 =	sor.u32 s3, s0;
	s1 =	sshll.u32 s1, $0x11  }
0xc0: {  	s0 =	sor.u32 s1, s0  }
0xc1: {  	s0 =	sadd.s32 $0x8F2B, s0  }
0xc2: {  	[sflag:s0] =	ssyncadd.remote.s32 $0x1  }
0xc3: {  	_ =	sfence.sel $0xFFFF  }
0xc4: {  	[dreg:$0x0] =	wrdreg $0xFFFFFFFF;
	(pc) =	sbr.abs _section_cstart, $3  }
0xc5: {  	[dreg:$0x1] =	wrdreg $0xFFFFFFFF  }
0xc6: {  	_ =	task.clear_ibuf [dreg:s9], $0x2FFFF;
	_ =	strace $0x9FFFFFFF  }
0xc7: {  	(tm) =	ssettm $0x7FFFFFFF  }
tec
execute0_lowered:
.L_overlay_start_1:
0x0: {  	(tag) =	ssettag $0x1  }
0x1: {  	s0 =	rddreg [dreg:$0x0]  }
0x2: {  	s1 =	rddreg [dreg:$0x1]  }
0x3: {  	s2 =	srdreg.scid;
	s6 =	rddreg [dreg:$0x2]  }
0x4: {  	s21 =	stileid.u32;
	s3 =	rddreg [dreg:$0x4]  }
0x5: {  	s28 =	simm.s32 $0x1;
	s29 =	simm.s32 $0x2;
	s30 =	simm.s32 $0x1380  }
0x6: {  	s31 =	simm.s32 $0x2700;
	s2 =	sand.u32 $0x1, s2;
	s9 =	smul.u32 $0x50000, s21  }
0x7: {  	s26 =	smul.u32 $0x2800, s21;
	s4 =	sshll.u32 s2, $0x4;
	s8 =	ssub.s32 $0x2, s2  }
0x8: {  	p0 =	seq.s32 s2, $0x1;
	s2 =	simm.s32 $0xA8000;
	s5 =	sor.u32 s21, s4  }
0x9: {  	s4 =	simm.s32 $0x0;
	s10 =	sshrl.u32 s8, $0x1;
	s22 =	sshrl.u32 s9, $0x2  }
0xa: {  	s2 =	simm.s32 @!p0 $0x80000;
	s7 =	smul.u32 $0x2800, s5;
	[smem:$0x7FF] =	sst s4  }
0xb: {  	s5 =	sadd.s32 $0x8000, s0;
	s20 =	ssub.s32 s8, s10;
	s8 =	sadd.s32 s22, s3  }
0xc: {  	s0 =	sadd.s32 s2, s0;
	s22 =	simm.s32 $0x3;
	s2 =	simm.s32 $0x0  }
0xd: {  	_ =	strace $0x8000004D;
	s24 =	sadd.s32 $0x2000, s8;
	s25 =	sadd.s32 $0x4000, s8  }
0xe: {  	s11 =	sadd.s32 $0x6000, s8;
	s12 =	sadd.s32 $0x8000, s8;
	s13 =	sadd.s32 $0xA000, s8  }
0xf: {  	s14 =	sadd.s32 $0xC000, s8;
	s15 =	sadd.s32 $0xE000, s8;
	s16 =	sadd.s32 $0x10000, s8  }
0x10: {  	s17 =	sadd.s32 $0x12000, s8;
	s20 =	smax.u32 s20, $0x1;
	s21 =	sadd.s32 s0, s26  }
0x11: {  	s26 =	simm.s32 $0x6800;
	s18 =	sshrl.u32 s7, $0x3;
	[dreg:$0x8] =	wrdreg s24  }
0x12: {  	[dreg:$0x9] =	wrdreg s25;
	s24 =	simm.s32 $0x7D;
	s7 =	sadd.s32 s1, s18  }
0x13: {  	s23 =	sadd.s32 s6, s18;
	s19 =	sadd.s32 $0x280, s18;
	[dreg:$0x6] =	wrdreg s7  }
0x14: {  	s25 =	simm.s32 $0x2800;
	[dreg:$0x7] =	wrdreg s23;
	s18 =	sadd.s32 s1, s19  }
0x15: {  	s19 =	sadd.s32 s6, s19;
	s23 =	simm.s32 $0x1400;
	s1 =	simm.s32 $0x2780  }
.LBB2_1:
0x16: {  	s0 =	rddreg [dreg:$0x6]  }
0x17: {  	[tilespmem:s4], [sflag:$0x3] =	stream.linear.gather [hbm4b:s0+s4], $0x1400, $0x38;
	[tilespmem:$0x1E800] =	vst v63  }
0x18: {  	_ =	swait.ge [sflag:s22], $0x1400  }
0x19: {  	[sflag:s22] =	ssyncset.done $0x0  }
0x1a: {  	s6 =	rddreg [dreg:$0x7];
	[sflag:s22] =	ssyncadd.s32 $0xFFFFEC00  }
0x1b: {  	[tilespmem:s23], [sflag:$0x3] =	stream.linear.gather [hbm4b:s6+s4], $0x1400, $0x38;
	[tilespmem:$0x1E800] =	vst v63  }
0x1c: {  	_ =	swait.ge [sflag:s22], $0x1400  }
0x1d: {  	[sflag:s22] =	ssyncset.done $0x0  }
0x1e: {  	[sflag:s22] =	ssyncadd.s32 $0xFFFFEC00  }
0x1f: {  	[tilespmem:s25], [sflag:$0x1] =	stream.indirect.gather [hbm4b:s5+s24], $0x80, s4, s24, $0xb8;
	[tilespmem:$0x1E800] =	vst v63  }
0x20: {  	s7 =	rddreg [dreg:$0x3]  }
0x21: {  	[tilespmem:s26], [sflag:$0x3] =	stream.linear.gather [hbm4b:s7+s4], $0x2000, $0x38;
	[tilespmem:$0x1E800] =	vst v63  }
0x22: {  	_ =	swait.ge [sflag:s22], $0x2000  }
0x23: {  	[sflag:s22] =	ssyncset.done $0x0  }
0x24: {  	[sflag:s22] =	ssyncadd.s32 $0xFFFFE000  }
0x25: {  	[spmem:s8] =	stream.linear.scatter [tilespmem:s26], [sflag:$0x3], $0x2000, $0x38;
	[tilespmem:$0x1E800] =	vst v63  }
0x26: {  	_ =	swait.ge [sflag:s22], $0x2000  }
0x27: {  	[sflag:s22] =	ssyncset.done $0x0  }
0x28: {  	s9 =	rddreg [dreg:$0x8];
	[sflag:s22] =	ssyncadd.s32 $0xFFFFE000  }
0x29: {  	[spmem:s9] =	stream.linear.scatter [tilespmem:s26], [sflag:$0x3], $0x2000, $0x38;
	[tilespmem:$0x1E800] =	vst v63  }
0x2a: {  	_ =	swait.ge [sflag:s22], $0x2000  }
0x2b: {  	[sflag:s22] =	ssyncset.done $0x0  }
0x2c: {  	s10 =	rddreg [dreg:$0x9];
	[sflag:s22] =	ssyncadd.s32 $0xFFFFE000  }
0x2d: {  	[spmem:s10] =	stream.linear.scatter [tilespmem:s26], [sflag:$0x3], $0x2000, $0x38;
	[tilespmem:$0x1E800] =	vst v63  }
0x2e: {  	_ =	swait.ge [sflag:s22], $0x2000  }
0x2f: {  	[sflag:s22] =	ssyncset.done $0x0  }
0x30: {  	[sflag:s22] =	ssyncadd.s32 $0xFFFFE000  }
0x31: {  	[spmem:s11] =	stream.linear.scatter [tilespmem:s26], [sflag:$0x3], $0x2000, $0x38;
	[tilespmem:$0x1E800] =	vst v63  }
0x32: {  	_ =	swait.ge [sflag:s22], $0x2000  }
0x33: {  	[sflag:s22] =	ssyncset.done $0x0  }
0x34: {  	[sflag:s22] =	ssyncadd.s32 $0xFFFFE000  }
0x35: {  	[spmem:s12] =	stream.linear.scatter [tilespmem:s26], [sflag:$0x3], $0x2000, $0x38;
	[tilespmem:$0x1E800] =	vst v63  }
0x36: {  	_ =	swait.ge [sflag:s22], $0x2000  }
0x37: {  	[sflag:s22] =	ssyncset.done $0x0  }
0x38: {  	[sflag:s22] =	ssyncadd.s32 $0xFFFFE000  }
0x39: {  	[spmem:s13] =	stream.linear.scatter [tilespmem:s26], [sflag:$0x3], $0x2000, $0x38;
	[tilespmem:$0x1E800] =	vst v63  }
0x3a: {  	_ =	swait.ge [sflag:s22], $0x2000  }
0x3b: {  	[sflag:s22] =	ssyncset.done $0x0  }
0x3c: {  	[sflag:s22] =	ssyncadd.s32 $0xFFFFE000  }
0x3d: {  	[spmem:s14] =	stream.linear.scatter [tilespmem:s26], [sflag:$0x3], $0x2000, $0x38;
	[tilespmem:$0x1E800] =	vst v63  }
0x3e: {  	_ =	swait.ge [sflag:s22], $0x2000  }
0x3f: {  	[sflag:s22] =	ssyncset.done $0x0  }
0x40: {  	[sflag:s22] =	ssyncadd.s32 $0xFFFFE000  }
0x41: {  	[spmem:s15] =	stream.linear.scatter [tilespmem:s26], [sflag:$0x3], $0x2000, $0x38;
	[tilespmem:$0x1E800] =	vst v63  }
0x42: {  	_ =	swait.ge [sflag:s22], $0x2000  }
0x43: {  	[sflag:s22] =	ssyncset.done $0x0  }
0x44: {  	[sflag:s22] =	ssyncadd.s32 $0xFFFFE000  }
0x45: {  	[spmem:s16] =	stream.linear.scatter [tilespmem:s26], [sflag:$0x3], $0x2000, $0x38;
	[tilespmem:$0x1E800] =	vst v63  }
0x46: {  	_ =	swait.ge [sflag:s22], $0x2000  }
0x47: {  	[sflag:s22] =	ssyncset.done $0x0  }
0x48: {  	[sflag:s22] =	ssyncadd.s32 $0xFFFFE000  }
0x49: {  	[spmem:s17] =	stream.linear.scatter [tilespmem:s26], [sflag:$0x3], $0x2000, $0x38;
	[tilespmem:$0x1E800] =	vst v63  }
0x4a: {  	_ =	swait.ge [sflag:s22], $0x2000  }
0x4b: {  	[sflag:s22] =	ssyncset.done $0x0  }
0x4c: {  	[sflag:s22] =	ssyncadd.s32 $0xFFFFE000  }
0x4d: {  	s6 =	simm.s32 $0x80;
	[bflag:$0x0] =	sbarrier.arrive $0xFFFF  }
0x4e: {  	[tilespmem:s26], [sflag:$0x2] =	stream.indirect.gather [hbm4b:s5+s24], $0x80, s6, s24, $0xb8;
	[tilespmem:$0x1E800] =	vst v63  }
0x4f: {  	_ =	swait.ge [sflag:s28], $0x3E80  }
0x50: {  	[sflag:s28] =	ssyncset.done $0x0  }
0x51: {  	s7 =	simm.s32 $0x1400;
	[sflag:s28] =	ssyncadd.s32 $0xFFFFC180  }
0x52: {  	[spmem:s3] =	stream.indirect.scatter.add.f32 [tilespmem:s25], [sflag:$0x3], $0x80, s7, s24, $0xb8;
	[tilespmem:$0x1E800] =	vst v63  }
0x53: {  	_ =	swait.ge [sflag:s22], $0x3E80  }
0x54: {  	[sflag:s22] =	ssyncset.done $0x0  }
0x55: {  	s9 =	simm.s32 $0x100;
	[sflag:s22] =	ssyncadd.s32 $0xFFFFC180  }
0x56: {  	[tilespmem:s25], [sflag:$0x1] =	stream.indirect.gather [hbm4b:s5+s24], $0x80, s9, s24, $0xb8;
	[tilespmem:$0x1E800] =	vst v63  }
0x57: {  	_ =	swait.ge [sflag:s29], $0x3E80  }
0x58: {  	[sflag:s29] =	ssyncset.done $0x0  }
0x59: {  	s10 =	simm.s32 $0x1480;
	[sflag:s29] =	ssyncadd.s32 $0xFFFFC180  }
0x5a: {  	[spmem:s3] =	stream.indirect.scatter.add.f32 [tilespmem:s26], [sflag:$0x3], $0x80, s10, s24, $0xb8;
	[tilespmem:$0x1E800] =	vst v63  }
0x5b: {  	_ =	swait.ge [sflag:s22], $0x3E80  }
0x5c: {  	s0 =	simm.s32 $0x100;
	s6 =	simm.s32 $0x800;
	[sflag:s22] =	ssyncset.done $0x0  }
.LBB2_2:
0x5d: {  	s7 =	sadd.s32 $0x80, s0  }
0x5e: {  	[sflag:s22] =	ssyncadd.s32 $0xFFFFC180;
	s9 =	smov.u32 s6;
	s10 =	sadd.s32 $0x400, s6  }
0x5f: {  	[tilespmem:s26], [sflag:$0x2] =	stream.indirect.gather [hbm4b:s5+s24], $0x80, s7, s24, $0xb8;
	[tilespmem:$0x1E800] =	vst v63  }
0x60: {  	p0 =	sne.s32 s6, $0x4800;
	_ =	swait.ge [sflag:s28], $0x3E80  }
0x61: {  	[sflag:s28] =	ssyncset.done $0x0  }
0x62: {  	s6 =	sadd.s32 $0x1400, s0;
	[sflag:s28] =	ssyncadd.s32 $0xFFFFC180  }
0x63: {  	[spmem:s3] =	stream.indirect.scatter.add.f32 [tilespmem:s25], [sflag:$0x3], $0x80, s6, s24, $0xb8;
	[tilespmem:$0x1E800] =	vst v63  }
0x64: {  	_ =	swait.ge [sflag:s22], $0x3E80  }
0x65: {  	[sflag:s22] =	ssyncset.done $0x0  }
0x66: {  	s6 =	sadd.s32 $0x100, s0;
	[sflag:s22] =	ssyncadd.s32 $0xFFFFC180  }
0x67: {  	[tilespmem:s25], [sflag:$0x1] =	stream.indirect.gather [hbm4b:s5+s24], $0x80, s6, s24, $0xb8;
	[tilespmem:$0x1E800] =	vst v63  }
0x68: {  	_ =	swait.ge [sflag:s29], $0x3E80  }
.Ltmp0:
0x69: {  	[sflag:s29] =	ssyncset.done $0x0;
	(pc) =	sbr.rel @p0 .LBB2_2-.Ltmp0, $4  }
0x6a: {  	s0 =	sadd.s32 $0x1480, s0;
	[sflag:s29] =	ssyncadd.s32 $0xFFFFC180  }
0x6b: {  	[spmem:s3] =	stream.indirect.scatter.add.f32 [tilespmem:s26], [sflag:$0x3], $0x80, s0, s24, $0xb8;
	[tilespmem:$0x1E800] =	vst v63  }
0x6c: {  	_ =	swait.ge [sflag:s22], $0x3E80  }
0x6d: {  	s6 =	smov.u32 s10;
	s0 =	sshra.s32 s9, $0x2;
	[sflag:s22] =	ssyncset.done $0x0  }
0x6e: {  	s6 =	sadd.s32 $0x80, s0;
	[sflag:s22] =	ssyncadd.s32 $0xFFFFC180  }
0x6f: {  	[tilespmem:s26], [sflag:$0x2] =	stream.indirect.gather [hbm4b:s5+s24], $0x80, s6, s24, $0xb8;
	[tilespmem:$0x1E800] =	vst v63  }
0x70: {  	_ =	swait.ge [sflag:s28], $0x3E80  }
0x71: {  	[sflag:s28] =	ssyncset.done $0x0  }
0x72: {  	s10 =	sadd.s32 $0x1400, s0;
	[sflag:s28] =	ssyncadd.s32 $0xFFFFC180  }
0x73: {  	[spmem:s3] =	stream.indirect.scatter.add.f32 [tilespmem:s25], [sflag:$0x3], $0x80, s10, s24, $0xb8;
	[tilespmem:$0x1E800] =	vst v63  }
0x74: {  	_ =	swait.ge [sflag:s22], $0x3E80  }
0x75: {  	[sflag:s22] =	ssyncset.done $0x0  }
0x76: {  	s7 =	sadd.s32 $0x100, s0;
	[sflag:s22] =	ssyncadd.s32 $0xFFFFC180  }
0x77: {  	[tilespmem:s25], [sflag:$0x1] =	stream.indirect.gather [hbm4b:s5+s24], $0x80, s7, s24, $0xb8;
	[tilespmem:$0x1E800] =	vst v63  }
0x78: {  	_ =	swait.ge [sflag:s29], $0x3E80  }
0x79: {  	[sflag:s29] =	ssyncset.done $0x0  }
0x7a: {  	s9 =	sadd.s32 $0x1480, s0;
	[sflag:s29] =	ssyncadd.s32 $0xFFFFC180  }
0x7b: {  	[spmem:s3] =	stream.indirect.scatter.add.f32 [tilespmem:s26], [sflag:$0x3], $0x80, s9, s24, $0xb8;
	[tilespmem:$0x1E800] =	vst v63  }
0x7c: {  	_ =	swait.ge [sflag:s22], $0x3E80  }
0x7d: {  	[sflag:s22] =	ssyncset.done $0x0  }
0x7e: {  	[sflag:s22] =	ssyncadd.s32 $0xFFFFC180  }
0x7f: {  	[tilespmem:s26], [sflag:$0x2] =	stream.indirect.gather [hbm4b:s5+s24], $0x80, s30, s24, $0xb8;
	[tilespmem:$0x1E800] =	vst v63  }
0x80: {  	_ =	swait.ge [sflag:s28], $0x3E80  }
0x81: {  	[sflag:s28] =	ssyncset.done $0x0  }
0x82: {  	[sflag:s28] =	ssyncadd.s32 $0xFFFFC180  }
0x83: {  	[spmem:s3] =	stream.indirect.scatter.add.f32 [tilespmem:s25], [sflag:$0x3], $0x80, s31, s24, $0xb8;
	[tilespmem:$0x1E800] =	vst v63  }
0x84: {  	_ =	swait.ge [sflag:s22], $0x3E80  }
0x85: {  	[sflag:s22] =	ssyncset.done $0x0  }
0x86: {  	[sflag:s22] =	ssyncadd.s32 $0xFFFFC180  }
0x87: {  	_ =	swait.ge [sflag:s29], $0x3E80  }
0x88: {  	[sflag:s29] =	ssyncset.done $0x0  }
0x89: {  	[sflag:s29] =	ssyncadd.s32 $0xFFFFC180  }
0x8a: {  	[spmem:s3] =	stream.indirect.scatter.add.f32 [tilespmem:s26], [sflag:$0x3], $0x80, s1, s24, $0xb8;
	[tilespmem:$0x1E800] =	vst v63  }
0x8b: {  	_ =	swait.ge [sflag:s22], $0x3E80  }
0x8c: {  	[sflag:s22] =	ssyncset.done $0x0  }
0x8d: {  	s10 =	simm.s32 $0x0;
	[sflag:s22] =	ssyncadd.s32 $0xFFFFC180  }
0x8e: {  	[tilespmem:s10], [sflag:$0x3] =	stream.linear.gather [hbm4b:s18+s10], $0x1400, $0x38;
	[tilespmem:$0x1E800] =	vst v63  }
0x8f: {  	_ =	swait.ge [sflag:s22], $0x1400  }
0x90: {  	[sflag:s22] =	ssyncset.done $0x0  }
0x91: {  	[sflag:s22] =	ssyncadd.s32 $0xFFFFEC00  }
0x92: {  	[tilespmem:s23], [sflag:$0x3] =	stream.linear.gather [hbm4b:s19+s10], $0x1400, $0x38;
	[tilespmem:$0x1E800] =	vst v63  }
0x93: {  	_ =	swait.ge [sflag:s22], $0x1400  }
0x94: {  	[sflag:s22] =	ssyncset.done $0x0  }
0x95: {  	[sflag:s22] =	ssyncadd.s32 $0xFFFFEC00  }
0x96: {  	[tilespmem:s25], [sflag:$0x1] =	stream.indirect.gather [hbm4b:s5+s24], $0x80, s10, s24, $0xb8;
	[tilespmem:$0x1E800] =	vst v63  }
0x97: {  	s6 =	simm.s32 $0x80  }
0x98: {  	[tilespmem:s26], [sflag:$0x2] =	stream.indirect.gather [hbm4b:s5+s24], $0x80, s6, s24, $0xb8;
	[tilespmem:$0x1E800] =	vst v63  }
0x99: {  	_ =	swait.ge [sflag:s28], $0x3E80  }
0x9a: {  	[sflag:s28] =	ssyncset.done $0x0  }
0x9b: {  	s7 =	simm.s32 $0x1400;
	[sflag:s28] =	ssyncadd.s32 $0xFFFFC180  }
0x9c: {  	[spmem:s3] =	stream.indirect.scatter.add.f32 [tilespmem:s25], [sflag:$0x3], $0x80, s7, s24, $0xb8;
	[tilespmem:$0x1E800] =	vst v63  }
0x9d: {  	_ =	swait.ge [sflag:s22], $0x3E80  }
0x9e: {  	[sflag:s22] =	ssyncset.done $0x0  }
0x9f: {  	s9 =	simm.s32 $0x100;
	[sflag:s22] =	ssyncadd.s32 $0xFFFFC180  }
0xa0: {  	[tilespmem:s25], [sflag:$0x1] =	stream.indirect.gather [hbm4b:s5+s24], $0x80, s9, s24, $0xb8;
	[tilespmem:$0x1E800] =	vst v63  }
0xa1: {  	_ =	swait.ge [sflag:s29], $0x3E80  }
0xa2: {  	[sflag:s29] =	ssyncset.done $0x0  }
0xa3: {  	s10 =	simm.s32 $0x1480;
	[sflag:s29] =	ssyncadd.s32 $0xFFFFC180  }
0xa4: {  	[spmem:s3] =	stream.indirect.scatter.add.f32 [tilespmem:s26], [sflag:$0x3], $0x80, s10, s24, $0xb8;
	[tilespmem:$0x1E800] =	vst v63  }
0xa5: {  	_ =	swait.ge [sflag:s22], $0x3E80  }
0xa6: {  	s0 =	simm.s32 $0x100;
	s6 =	simm.s32 $0x800;
	[sflag:s22] =	ssyncset.done $0x0  }
.LBB2_4:
0xa7: {  	s7 =	sadd.s32 $0x80, s0  }
0xa8: {  	[sflag:s22] =	ssyncadd.s32 $0xFFFFC180;
	s9 =	smov.u32 s6;
	s10 =	sadd.s32 $0x400, s6  }
0xa9: {  	[tilespmem:s26], [sflag:$0x2] =	stream.indirect.gather [hbm4b:s5+s24], $0x80, s7, s24, $0xb8;
	[tilespmem:$0x1E800] =	vst v63  }
0xaa: {  	p0 =	sne.s32 s6, $0x4800;
	_ =	swait.ge [sflag:s28], $0x3E80  }
0xab: {  	[sflag:s28] =	ssyncset.done $0x0  }
0xac: {  	s6 =	sadd.s32 $0x1400, s0;
	[sflag:s28] =	ssyncadd.s32 $0xFFFFC180  }
0xad: {  	[spmem:s3] =	stream.indirect.scatter.add.f32 [tilespmem:s25], [sflag:$0x3], $0x80, s6, s24, $0xb8;
	[tilespmem:$0x1E800] =	vst v63  }
0xae: {  	_ =	swait.ge [sflag:s22], $0x3E80  }
0xaf: {  	[sflag:s22] =	ssyncset.done $0x0  }
0xb0: {  	s6 =	sadd.s32 $0x100, s0;
	[sflag:s22] =	ssyncadd.s32 $0xFFFFC180  }
0xb1: {  	[tilespmem:s25], [sflag:$0x1] =	stream.indirect.gather [hbm4b:s5+s24], $0x80, s6, s24, $0xb8;
	[tilespmem:$0x1E800] =	vst v63  }
0xb2: {  	_ =	swait.ge [sflag:s29], $0x3E80  }
.Ltmp1:
0xb3: {  	[sflag:s29] =	ssyncset.done $0x0;
	(pc) =	sbr.rel @p0 .LBB2_4-.Ltmp1, $4  }
0xb4: {  	s0 =	sadd.s32 $0x1480, s0;
	[sflag:s29] =	ssyncadd.s32 $0xFFFFC180  }
0xb5: {  	[spmem:s3] =	stream.indirect.scatter.add.f32 [tilespmem:s26], [sflag:$0x3], $0x80, s0, s24, $0xb8;
	[tilespmem:$0x1E800] =	vst v63  }
0xb6: {  	_ =	swait.ge [sflag:s22], $0x3E80  }
0xb7: {  	s6 =	smov.u32 s10;
	s0 =	sshra.s32 s9, $0x2;
	[sflag:s22] =	ssyncset.done $0x0  }
0xb8: {  	s6 =	sadd.s32 $0x80, s0;
	[sflag:s22] =	ssyncadd.s32 $0xFFFFC180  }
0xb9: {  	[tilespmem:s26], [sflag:$0x2] =	stream.indirect.gather [hbm4b:s5+s24], $0x80, s6, s24, $0xb8;
	[tilespmem:$0x1E800] =	vst v63  }
0xba: {  	_ =	swait.ge [sflag:s28], $0x3E80  }
0xbb: {  	[sflag:s28] =	ssyncset.done $0x0  }
0xbc: {  	s9 =	sadd.s32 $0x1400, s0;
	[sflag:s28] =	ssyncadd.s32 $0xFFFFC180  }
0xbd: {  	[spmem:s3] =	stream.indirect.scatter.add.f32 [tilespmem:s25], [sflag:$0x3], $0x80, s9, s24, $0xb8;
	[tilespmem:$0x1E800] =	vst v63  }
0xbe: {  	_ =	swait.ge [sflag:s22], $0x3E80  }
0xbf: {  	[sflag:s22] =	ssyncset.done $0x0  }
0xc0: {  	s10 =	sadd.s32 $0x100, s0;
	[sflag:s22] =	ssyncadd.s32 $0xFFFFC180  }
0xc1: {  	[tilespmem:s25], [sflag:$0x1] =	stream.indirect.gather [hbm4b:s5+s24], $0x80, s10, s24, $0xb8;
	[tilespmem:$0x1E800] =	vst v63  }
0xc2: {  	_ =	swait.ge [sflag:s29], $0x3E80  }
0xc3: {  	[sflag:s29] =	ssyncset.done $0x0  }
0xc4: {  	s7 =	sadd.s32 $0x1480, s0;
	[sflag:s29] =	ssyncadd.s32 $0xFFFFC180  }
0xc5: {  	[spmem:s3] =	stream.indirect.scatter.add.f32 [tilespmem:s26], [sflag:$0x3], $0x80, s7, s24, $0xb8;
	[tilespmem:$0x1E800] =	vst v63  }
0xc6: {  	_ =	swait.ge [sflag:s22], $0x3E80  }
0xc7: {  	[sflag:s22] =	ssyncset.done $0x0  }
0xc8: {  	[sflag:s22] =	ssyncadd.s32 $0xFFFFC180  }
0xc9: {  	[tilespmem:s26], [sflag:$0x2] =	stream.indirect.gather [hbm4b:s5+s24], $0x80, s30, s24, $0xb8;
	[tilespmem:$0x1E800] =	vst v63  }
0xca: {  	_ =	swait.ge [sflag:s28], $0x3E80  }
0xcb: {  	[sflag:s28] =	ssyncset.done $0x0  }
0xcc: {  	[sflag:s28] =	ssyncadd.s32 $0xFFFFC180  }
0xcd: {  	[spmem:s3] =	stream.indirect.scatter.add.f32 [tilespmem:s25], [sflag:$0x3], $0x80, s31, s24, $0xb8;
	[tilespmem:$0x1E800] =	vst v63  }
0xce: {  	_ =	swait.ge [sflag:s22], $0x3E80  }
0xcf: {  	[sflag:s22] =	ssyncset.done $0x0  }
0xd0: {  	[sflag:s22] =	ssyncadd.s32 $0xFFFFC180  }
0xd1: {  	_ =	swait.ge [sflag:s29], $0x3E80  }
0xd2: {  	[sflag:s29] =	ssyncset.done $0x0  }
0xd3: {  	[sflag:s29] =	ssyncadd.s32 $0xFFFFC180  }
0xd4: {  	[spmem:s3] =	stream.indirect.scatter.add.f32 [tilespmem:s26], [sflag:$0x3], $0x80, s1, s24, $0xb8;
	[tilespmem:$0x1E800] =	vst v63  }
0xd5: {  	s9 =	stileid.u32;
	_ =	swait.ge [sflag:s22], $0x3E80  }
0xd6: {  	s2 =	sadd.s32 $0x1, s2;
	s0 =	sshll.u32 s9, $0x6;
	[sflag:s22] =	ssyncset.done $0x0  }
0xd7: {  	p0 =	sne.s32 s2, s20;
	s0 =	sor.u32 $0x1C03, s0;
	[sflag:s22] =	ssyncadd.s32 $0xFFFFC180  }
.Ltmp2:
0xd8: {  	s10 =	sshrl.u32 s8, $0x3;
	[bflag:$0x0] =	sbarrier.arrive $0xFFFF;
	(pc) =	sbr.rel @p0 .LBB2_1-.Ltmp2, $4  }
0xd9: {  	[hbm:s21], [sflag:s0] =	dma.local [spmem:s10], $0x2800  }
0xda: {  	_ =	swait.ge [sflag:s22], $0x2800  }
0xdb: {  	[sflag:s22] =	ssyncset.done $0x0  }
0xdc: {  	[sflag:s22] =	ssyncadd.s32 $0xFFFFD800  }
0xdd: {  	_ =	sfence.sel $0x180000  }
0xde: {  	[bflag:$0x0] =	sbarrier.arrive $0xFFFF  }
0xdf: {  	_ =	strace $0x9000004D  }
0xe0: {  	s0 =	stileid.u32;
	[bflag:$0x2] =	sbarrier.arrive $0xFFFF  }
0xe1: {  	p0 =	sne.s32 s0, $0x0;
	s0 =	rddreg [dreg:$0x5]  }
0xe2: {  	s0 =	sadd.s32 @!p0 $0x100000, s0  }
0xe3: {  	[sflag:s0] =	ssyncadd.tile.s32 @!p0 $0x1;
	_ =	shalt  }
.Lfunc_end2:
_tile_overlayer_lowered:
.L_overlay_start_2:
0xe4: {  	(tag) =	ssettag $0x2  }
0xe5: {  	s0 =	rddreg [dreg:$0x0];
	s2 =	stileid.u32  }
0xe6: {  	s1 =	rddreg [dreg:$0x1];
	p0 =	sne.s32 s2, $0x0  }
0xe7: {  	s3 =	rddreg [dreg:$0x2];
	[bflag:$0x3] =	sbarrier.arrive $0xFFFF;
	s2 =	simm.s32 @!p0 $0x1C03  }
0xe8: {  	[timem:s3], [sflag:s2] =	dma.local @!p0 [hbm:s0], s1  }
0xe9: {  	s0 =	simm.s32 @!p0 $0x3  }
0xea: {  	_ =	swait.ge @!p0 [sflag:s0], s1  }
0xeb: {  	s1 =	ssub.s32 @!p0 $0x0, s1;
	[sflag:s0] =	ssyncset.done @!p0 $0x0  }
0xec: {  	[sflag:s0] =	ssyncadd.s32 @!p0 s1  }
0xed: {  	[bflag:$0x3] =	sbarrier.arrive $0xFFFF  }
0xee: {  	_ =	shalt  }

// kernel: _run.24.cloned.1.call-start
scs
__scs_entry_jumppad:
0x0: {  	(pc) =	sbr.rel $0x88, $3  }
0x1: {  	(tag) =	ssettag $0x0;
	lr =	simm.s32 $0x1  }
0x2: {  	[smem:$0x3F95] =	sst lr;
	_ =	strace $0xD0000000  }
0x3: {  	_ = 	snop  }
0x4: {  	_ = 	snop  }
0x5: {  	_ = 	snop  }
0x6: {  	_ = 	snop  }
0x7: {  	_ = 	snop  }
__scs_overlays_trampoline_lowered:
0x8: {  	[smem:$0x3FA4] =	sst s0  }
0x9: {  	[smem:$0x3FA5] =	sst s1  }
0xa: {  	[smem:$0x3FA6] =	sst s2  }
0xb: {  	[smem:$0x3FA7] =	sst s3  }
0xc: {  	[smem:$0x3FA8] =	sst s4  }
0xd: {  	[smem:$0x3FA9] =	sst s5  }
0xe: {  	[smem:$0x3FAA] =	sst s6  }
0xf: {  	[smem:$0x3FAB] =	sst s7  }
0x10: {  	[smem:$0x3FAC] =	sst s8  }
0x11: {  	[smem:$0x3FAD] =	sst s9;
	s0 =	simm.s32 @!p0 $0x0  }
0x12: {  	s1 =	sld [smem:$0x3F93];
	s0 =	simm.s32 @p0 $0x1  }
0x13: {  	[smem:$0x3FAE] =	sst s0;
	s0 =	simm.s32 @!p1 $0x0  }
0x14: {  	s2 =	sld [smem:$0x3F92];
	s0 =	simm.s32 @p1 $0x1  }
0x15: {  	[smem:$0x3FAF] =	sst s0;
	s0 =	simm.s32 @!p2 $0x0  }
0x16: {  	s3 =	sld [smem:$0x3FDB];
	s0 =	simm.s32 @p2 $0x1  }
0x17: {  	s4 =	simm.s32 $0x1BF5;
	[smem:$0x3FB1] =	sst s0  }
0x18: {  	s0 =	sld [smem:$0x3F94];
	_ =	swait.ge [sflag:s4], $0x0  }
0x19: {  	s7 =	sld [smem:$0x3F95]  }
0x1a: {  	s8 =	sadd.s32 $0xFFFFE003, lr  }
0x1b: {  	s9 =	sadd.s32 $0xFFFFFEF7, lr;
	s5 =	simm.s32 $0xFFFFFFFF;
	p2 =	slt.u32 s8, $0xFFFFF086  }
0x1c: {  	p1 =	slt.u32 s9, $0xF7A;
	s5 =	simm.s32 @!p2 $0x0  }
0x1d: {  	s5 =	simm.s32 @p1 $0x1;
	p0 =	seq.s32 s7, s2  }
0x1e: {  	s7 =	smul.u32 @!p0 $0xF7A, s2;
	p2 =	seq.s32 @!p0 s5, $0x0  }
0x1f: {  	s9 =	smul.u32 $0xF7A, s1;
	s8 =	simm.s32 @!p0 $0x1BF5;
	p2 =	por !p2, p0  }
0x20: {  	[sflag:s8] =	ssyncset.s32 @!p0 $0xFFFFF086;
	s6 =	sadd.s32 @!p0 s3, s7;
	s7 =	simm.s32 @!p0 $0x108  }
0x21: {  	s3 =	sadd.s32 s3, s9;
	s6 =	sadd.s32 @!p0 $0x88, s6;
	s7 =	simm.s32 @p2 $0x1082  }
0x22: {  	[simem:s7], [sflag:s8] =	dma.local @!p0 [hbm:s6], $0xF7A  }
0x23: {  	s9 =	sor.u32 $0xD0000000, s2;
	s6 =	simm.s32 $0x108;
	_ =	swait.ge @!p0 [sflag:s8], $0x0  }
0x24: {  	s3 =	sadd.s32 $0x88, s3;
	s6 =	simm.s32 @!p1 $0x1082;
	[sflag:s4] =	ssyncset.s32 $0xFFFFF086  }
0x25: {  	[simem:s6], [sflag:s4] =	dma.local [hbm:s3], $0xF7A  }
0x26: {  	[smem:$0x3F95] =	sst s1;
	(tag) =	ssettag s2;
	_ =	strace s9  }
0x27: {  	s1 =	sld [smem:$0x3FA5]  }
0x28: {  	s2 =	sld [smem:$0x3FA6]  }
0x29: {  	s4 =	sld [smem:$0x3FA8]  }
0x2a: {  	p0 =	seq.s32 s5, $0x0;
	s5 =	sld [smem:$0x3FA9]  }
0x2b: {  	s6 =	sld [smem:$0x3FAA]  }
0x2c: {  	s7 =	sld [smem:$0x3FAB]  }
0x2d: {  	s3 =	simm.s32 $0x108;
	s8 =	sld [smem:$0x3FAC]  }
0x2e: {  	s3 =	simm.s32 @!p0 $0x1082;
	s9 =	sld [smem:$0x3FAD]  }
0x2f: {  	lr =	sadd.s32 s0, s3;
	s0 =	sld [smem:$0x3FA4]  }
0x30: {  	s3 =	sld [smem:$0x3FA7]  }
0x31: {  	[smem:$0x3FB0] =	sst s10  }
0x32: {  	s10 =	sld [smem:$0x3FAE];
	_ =	sdelay $0x3  }
0x33: {  	p0 =	seq.s32 s10, $0x1;
	s10 =	sld [smem:$0x3FB0];
	_ =	sdelay $0x3  }
0x34: {  	[smem:$0x3FB0] =	sst s10  }
0x35: {  	s10 =	sld [smem:$0x3FAF];
	_ =	sdelay $0x3  }
0x36: {  	p1 =	seq.s32 s10, $0x1;
	s10 =	sld [smem:$0x3FB0];
	_ =	sdelay $0x3  }
0x37: {  	[smem:$0x3FB0] =	sst s10  }
0x38: {  	s10 =	sld [smem:$0x3FB1]  }
0x39: {  	_ = 	snop;
	(pc) =	sbr.ind lr, $3  }
0x3a: {  	_ = 	snop  }
0x3b: {  	_ = 	snop  }
0x3c: {  	p2 =	seq.s32 s10, $0x1;
	s10 =	sld [smem:$0x3FB0]  }
0x3d: {  	_ =	shalt  }
0x3e: {  	_ =	shalt  }
0x3f: {  	_ =	shalt  }
0x40: {  	_ =	shalt  }
0x41: {  	_ =	shalt  }
0x42: {  	_ =	shalt  }
0x43: {  	_ =	shalt  }
0x44: {  	_ =	shalt  }
0x45: {  	_ =	shalt  }
0x46: {  	_ =	shalt  }
0x47: {  	_ =	shalt  }
0x48: {  	_ =	shalt  }
0x49: {  	_ =	shalt  }
0x4a: {  	_ =	shalt  }
0x4b: {  	_ =	shalt  }
0x4c: {  	_ =	shalt  }
0x4d: {  	_ =	shalt  }
0x4e: {  	_ =	shalt  }
0x4f: {  	_ =	shalt  }
0x50: {  	_ =	shalt  }
0x51: {  	_ =	shalt  }
0x52: {  	_ =	shalt  }
0x53: {  	_ =	shalt  }
0x54: {  	_ =	shalt  }
0x55: {  	_ =	shalt  }
0x56: {  	_ =	shalt  }
0x57: {  	_ =	shalt  }
0x58: {  	_ =	shalt  }
0x59: {  	_ =	shalt  }
0x5a: {  	_ =	shalt  }
0x5b: {  	_ =	shalt  }
0x5c: {  	_ =	shalt  }
0x5d: {  	_ =	shalt  }
0x5e: {  	_ =	shalt  }
0x5f: {  	_ =	shalt  }
0x60: {  	_ =	shalt  }
0x61: {  	_ =	shalt  }
0x62: {  	_ =	shalt  }
0x63: {  	_ =	shalt  }
0x64: {  	_ =	shalt  }
0x65: {  	_ =	shalt  }
0x66: {  	_ =	shalt  }
0x67: {  	_ =	shalt  }
0x68: {  	_ =	shalt  }
0x69: {  	_ =	shalt  }
0x6a: {  	_ =	shalt  }
0x6b: {  	_ =	shalt  }
0x6c: {  	_ =	shalt  }
0x6d: {  	_ =	shalt  }
0x6e: {  	_ =	shalt  }
0x6f: {  	_ =	shalt  }
0x70: {  	_ =	shalt  }
0x71: {  	_ =	shalt  }
0x72: {  	_ =	shalt  }
0x73: {  	_ =	shalt  }
0x74: {  	_ =	shalt  }
0x75: {  	_ =	shalt  }
0x76: {  	_ =	shalt  }
0x77: {  	_ =	shalt  }
0x78: {  	_ =	shalt  }
0x79: {  	_ =	shalt  }
0x7a: {  	_ =	shalt  }
0x7b: {  	_ =	shalt  }
0x7c: {  	_ =	shalt  }
0x7d: {  	_ =	shalt  }
0x7e: {  	_ =	shalt  }
0x7f: {  	_ =	shalt  }
0x80: {  	_ =	shalt  }
0x81: {  	_ =	shalt  }
0x82: {  	_ =	shalt  }
0x83: {  	_ =	shalt  }
0x84: {  	_ =	shalt  }
0x85: {  	_ =	shalt  }
0x86: {  	_ =	shalt  }
0x87: {  	_ =	shalt  }
.Lfunc_end0:
.L_simem_size_0:
called_computation.3_lowered:
.L_overlay_start_0:
0x88: {  	s2 =	sld [smem:$0x3FD9]  }
0x89: {  	s3 =	sld [smem:$0x3FFE];
	_ =	sdelay $0x1  }
0x8a: {  	s1 =	srdreg.scid  }
0x8b: {  	s0 =	sand.u32 $0x1, s1  }
0x8c: {  	s17 =	sshll.u32 s0, $0xA;
	s2 =	sadd.s32 s3, s2  }
0x8d: {  	s2 =	sadd.s32 s2, s17  }
0x8e: {  	[smem:$0x3FBC] =	sst s2  }
0x8f: {  	_ = 	snop  }
0x90: {  	s2 =	sld [smem:$0x3FC8]  }
0x91: {  	s18 =	sld [smem:$0x3FC7]  }
0x92: {  	s4 =	sld [smem:$0x3FD0];
	(tm) =	ssettm $0x1  }
0x93: {  	s5 =	sld [smem:$0x3FFB];
	_ =	sdelay $0x3  }
0x94: {  	_ =	strace s5  }
0x95: {  	s5 =	sld [smem:$0x3FFC];
	_ =	sdelay $0x3  }
0x96: {  	_ =	strace s5  }
0x97: {  	s5 =	sld [smem:$0x3FFD];
	_ =	sdelay $0x3  }
0x98: {  	_ =	strace s5  }
0x99: {  	_ =	strace $0x8FFFFFFF  }
0x9a: {  	s19 =	sld [smem:$0x3FDB];
	_ =	sdelay $0x1  }
0x9b: {  	s6 =	simm.s32 $_scs_section_size  }
0x9c: {  	s7 =	simm.s32 $_size__tile_overlayer_lowered;
	s8 =	simm.s32 $_tile_overlayer_lowered  }
0x9d: {  	s22 =	simm.s32 $0x1BFF;
	s21 =	sshll.u32 s8, $0x1;
	s5 =	sadd.s32 s6, s19  }
0x9e: {  	s9 =	simm.s32 $0x0;
	s20 =	sshll.u32 s7, $0x1;
	s7 =	sadd.s32 s21, s5  }
0x9f: {  	[timem:s9], [sflag:s22] =	dma.local [hbm:s7], s20  }
0xa0: {  	_ =	swait.ge [sflag:s22], s20  }
0xa1: {  	s6 =	ssub.s32 $0x0, s20;
	[sflag:s22] =	ssyncset.done $0x0  }
0xa2: {  	[sflag:s22] =	ssyncadd.s32 s6;
	_ =	sdelay $0x1  }
0xa3: {  	s23 =	simm.s32 $0x1B8B  }
0xa4: {  	_ =	swait.ge [sflag:s23], $0x1  }
0xa5: {  	[sflag:s23] =	ssyncset.done $0x0  }
0xa6: {  	s25 =	simm.s32 $0x1B8E;
	s24 =	sld [smem:$0x3FFE];
	[sflag:s23] =	ssyncadd.s32 $0xFFFFFFFF  }
0xa7: {  	s26 =	simm.s32 $execute0_lowered;
	[smem:$0x3FD2] =	sst s25  }
0xa8: {  	s7 =	sshll.u32 s26, $0x1;
	_ =	strace $0x8000004F;
	[dreg:$0x1] =	wrdreg $0xFFFFFFFF  }
0xa9: {  	s28 =	simm.s32 $_size_execute0_lowered;
	s5 =	sadd.s32 s5, s7;
	[dreg:$0x0] =	wrdreg $0x0  }
0xaa: {  	s7 =	sshll.u32 s28, $0x1;
	[dreg:$0x2] =	wrdreg s5  }
0xab: {  	[dreg:$0x3] =	wrdreg s7  }
0xac: {  	[dreg:$0x4] =	wrdreg $0xC0  }
0xad: {  	_ =	task [dreg:s9], $0x5FFFF  }
0xae: {  	[dreg:$0x1] =	wrdreg $0xFFFFFFFF  }
0xaf: {  	[dreg:$0x0] =	wrdreg $0x60  }
0xb0: {  	[dreg:$0x2] =	wrdreg s24  }
0xb1: {  	[dreg:$0x3] =	wrdreg s2  }
0xb2: {  	[dreg:$0x4] =	wrdreg s18  }
0xb3: {  	[dreg:$0x5] =	wrdreg s4  }
0xb4: {  	[dreg:$0x6] =	wrdreg $0xA8000  }
0xb5: {  	[dreg:$0x7] =	wrdreg $0x9  }
0xb6: {  	_ =	task.clear_ibuf [dreg:s9], $0x8FFFF;
	_ =	strace $0x9000004F  }
0xb7: {  	s29 =	simm.s32 $0x9;
	_ =	strace $0x80000051  }
0xb8: {  	_ =	swait.ge [sflag:s29], $0x1  }
0xb9: {  	[sflag:s29] =	ssyncadd.s32 $0xFFFFFFFF  }
0xba: {  	_ =	strace $0x90000051  }
0xbb: {  	_ =	sfence  }
0xbc: {  	s30 =	sld [smem:$0x0];
	_ =	sdelay $0x2  }
0xbd: {  	s31 =	sshll.u32 s1, $0xD;
	s1 =	sshrl.u32 s1, $0x2  }
0xbe: {  	s3 =	sand.u32 $0x4000, s31;
	s1 =	sadd.s32 s1, s30  }
0xbf: {  	s0 =	sor.u32 s3, s0;
	s1 =	sshll.u32 s1, $0x11  }
0xc0: {  	s0 =	sor.u32 s1, s0  }
0xc1: {  	s0 =	sadd.s32 $0x8F2B, s0  }
0xc2: {  	[sflag:s0] =	ssyncadd.remote.s32 $0x1  }
0xc3: {  	_ =	sfence.sel $0xFFFF  }
0xc4: {  	[dreg:$0x0] =	wrdreg $0xFFFFFFFF;
	(pc) =	sbr.abs _section_cstart, $3  }
0xc5: {  	[dreg:$0x1] =	wrdreg $0xFFFFFFFF  }
0xc6: {  	_ =	task.clear_ibuf [dreg:s9], $0x2FFFF;
	_ =	strace $0x9FFFFFFF  }
0xc7: {  	(tm) =	ssettm $0x7FFFFFFF  }
tec
execute0_lowered:
.L_overlay_start_1:
0x0: {  	(tag) =	ssettag $0x1  }
0x1: {  	s0 =	rddreg [dreg:$0x0]  }
0x2: {  	s1 =	rddreg [dreg:$0x1]  }
0x3: {  	s2 =	srdreg.scid;
	s6 =	rddreg [dreg:$0x2]  }
0x4: {  	s21 =	stileid.u32;
	s3 =	rddreg [dreg:$0x4]  }
0x5: {  	s28 =	simm.s32 $0x1;
	s29 =	simm.s32 $0x2;
	s30 =	simm.s32 $0x1380  }
0x6: {  	s31 =	simm.s32 $0x2700;
	s2 =	sand.u32 $0x1, s2;
	s9 =	smul.u32 $0x50000, s21  }
0x7: {  	s26 =	smul.u32 $0x2800, s21;
	s4 =	sshll.u32 s2, $0x4;
	s8 =	ssub.s32 $0x2, s2  }
0x8: {  	p0 =	seq.s32 s2, $0x1;
	s2 =	simm.s32 $0xA8000;
	s5 =	sor.u32 s21, s4  }
0x9: {  	s4 =	simm.s32 $0x0;
	s10 =	sshrl.u32 s8, $0x1;
	s22 =	sshrl.u32 s9, $0x2  }
0xa: {  	s2 =	simm.s32 @!p0 $0x80000;
	s7 =	smul.u32 $0x2800, s5;
	[smem:$0x7FF] =	sst s4  }
0xb: {  	s5 =	sadd.s32 $0x8000, s0;
	s20 =	ssub.s32 s8, s10;
	s8 =	sadd.s32 s22, s3  }
0xc: {  	s0 =	sadd.s32 s2, s0;
	s22 =	simm.s32 $0x3;
	s2 =	simm.s32 $0x0  }
0xd: {  	_ =	strace $0x80000050;
	s24 =	sadd.s32 $0x2000, s8;
	s25 =	sadd.s32 $0x4000, s8  }
0xe: {  	s11 =	sadd.s32 $0x6000, s8;
	s12 =	sadd.s32 $0x8000, s8;
	s13 =	sadd.s32 $0xA000, s8  }
0xf: {  	s14 =	sadd.s32 $0xC000, s8;
	s15 =	sadd.s32 $0xE000, s8;
	s16 =	sadd.s32 $0x10000, s8  }
0x10: {  	s17 =	sadd.s32 $0x12000, s8;
	s20 =	smax.u32 s20, $0x1;
	s21 =	sadd.s32 s0, s26  }
0x11: {  	s26 =	simm.s32 $0x6800;
	s18 =	sshrl.u32 s7, $0x3;
	[dreg:$0x8] =	wrdreg s24  }
0x12: {  	[dreg:$0x9] =	wrdreg s25;
	s24 =	simm.s32 $0x7D;
	s7 =	sadd.s32 s1, s18  }
0x13: {  	s23 =	sadd.s32 s6, s18;
	s19 =	sadd.s32 $0x280, s18;
	[dreg:$0x6] =	wrdreg s7  }
0x14: {  	s25 =	simm.s32 $0x2800;
	[dreg:$0x7] =	wrdreg s23;
	s18 =	sadd.s32 s1, s19  }
0x15: {  	s19 =	sadd.s32 s6, s19;
	s23 =	simm.s32 $0x1400;
	s1 =	simm.s32 $0x2780  }
.LBB2_1:
0x16: {  	s0 =	rddreg [dreg:$0x6]  }
0x17: {  	[tilespmem:s4], [sflag:$0x3] =	stream.linear.gather [hbm4b:s0+s4], $0x1400, $0x38;
	[tilespmem:$0x1E800] =	vst v63  }
0x18: {  	_ =	swait.ge [sflag:s22], $0x1400  }
0x19: {  	[sflag:s22] =	ssyncset.done $0x0  }
0x1a: {  	s6 =	rddreg [dreg:$0x7];
	[sflag:s22] =	ssyncadd.s32 $0xFFFFEC00  }
0x1b: {  	[tilespmem:s23], [sflag:$0x3] =	stream.linear.gather [hbm4b:s6+s4], $0x1400, $0x38;
	[tilespmem:$0x1E800] =	vst v63  }
0x1c: {  	_ =	swait.ge [sflag:s22], $0x1400  }
0x1d: {  	[sflag:s22] =	ssyncset.done $0x0  }
0x1e: {  	[sflag:s22] =	ssyncadd.s32 $0xFFFFEC00  }
0x1f: {  	[tilespmem:s25], [sflag:$0x1] =	stream.indirect.gather [hbm4b:s5+s24], $0x80, s4, s24, $0xb8;
	[tilespmem:$0x1E800] =	vst v63  }
0x20: {  	s7 =	rddreg [dreg:$0x3]  }
0x21: {  	[tilespmem:s26], [sflag:$0x3] =	stream.linear.gather [hbm4b:s7+s4], $0x2000, $0x38;
	[tilespmem:$0x1E800] =	vst v63  }
0x22: {  	_ =	swait.ge [sflag:s22], $0x2000  }
0x23: {  	[sflag:s22] =	ssyncset.done $0x0  }
0x24: {  	[sflag:s22] =	ssyncadd.s32 $0xFFFFE000  }
0x25: {  	[spmem:s8] =	stream.linear.scatter [tilespmem:s26], [sflag:$0x3], $0x2000, $0x38;
	[tilespmem:$0x1E800] =	vst v63  }
0x26: {  	_ =	swait.ge [sflag:s22], $0x2000  }
0x27: {  	[sflag:s22] =	ssyncset.done $0x0  }
0x28: {  	s9 =	rddreg [dreg:$0x8];
	[sflag:s22] =	ssyncadd.s32 $0xFFFFE000  }
0x29: {  	[spmem:s9] =	stream.linear.scatter [tilespmem:s26], [sflag:$0x3], $0x2000, $0x38;
	[tilespmem:$0x1E800] =	vst v63  }
0x2a: {  	_ =	swait.ge [sflag:s22], $0x2000  }
0x2b: {  	[sflag:s22] =	ssyncset.done $0x0  }
0x2c: {  	s10 =	rddreg [dreg:$0x9];
	[sflag:s22] =	ssyncadd.s32 $0xFFFFE000  }
0x2d: {  	[spmem:s10] =	stream.linear.scatter [tilespmem:s26], [sflag:$0x3], $0x2000, $0x38;
	[tilespmem:$0x1E800] =	vst v63  }
0x2e: {  	_ =	swait.ge [sflag:s22], $0x2000  }
0x2f: {  	[sflag:s22] =	ssyncset.done $0x0  }
0x30: {  	[sflag:s22] =	ssyncadd.s32 $0xFFFFE000  }
0x31: {  	[spmem:s11] =	stream.linear.scatter [tilespmem:s26], [sflag:$0x3], $0x2000, $0x38;
	[tilespmem:$0x1E800] =	vst v63  }
0x32: {  	_ =	swait.ge [sflag:s22], $0x2000  }
0x33: {  	[sflag:s22] =	ssyncset.done $0x0  }
0x34: {  	[sflag:s22] =	ssyncadd.s32 $0xFFFFE000  }
0x35: {  	[spmem:s12] =	stream.linear.scatter [tilespmem:s26], [sflag:$0x3], $0x2000, $0x38;
	[tilespmem:$0x1E800] =	vst v63  }
0x36: {  	_ =	swait.ge [sflag:s22], $0x2000  }
0x37: {  	[sflag:s22] =	ssyncset.done $0x0  }
0x38: {  	[sflag:s22] =	ssyncadd.s32 $0xFFFFE000  }
0x39: {  	[spmem:s13] =	stream.linear.scatter [tilespmem:s26], [sflag:$0x3], $0x2000, $0x38;
	[tilespmem:$0x1E800] =	vst v63  }
0x3a: {  	_ =	swait.ge [sflag:s22], $0x2000  }
0x3b: {  	[sflag:s22] =	ssyncset.done $0x0  }
0x3c: {  	[sflag:s22] =	ssyncadd.s32 $0xFFFFE000  }
0x3d: {  	[spmem:s14] =	stream.linear.scatter [tilespmem:s26], [sflag:$0x3], $0x2000, $0x38;
	[tilespmem:$0x1E800] =	vst v63  }
0x3e: {  	_ =	swait.ge [sflag:s22], $0x2000  }
0x3f: {  	[sflag:s22] =	ssyncset.done $0x0  }
0x40: {  	[sflag:s22] =	ssyncadd.s32 $0xFFFFE000  }
0x41: {  	[spmem:s15] =	stream.linear.scatter [tilespmem:s26], [sflag:$0x3], $0x2000, $0x38;
	[tilespmem:$0x1E800] =	vst v63  }
0x42: {  	_ =	swait.ge [sflag:s22], $0x2000  }
0x43: {  	[sflag:s22] =	ssyncset.done $0x0  }
0x44: {  	[sflag:s22] =	ssyncadd.s32 $0xFFFFE000  }
0x45: {  	[spmem:s16] =	stream.linear.scatter [tilespmem:s26], [sflag:$0x3], $0x2000, $0x38;
	[tilespmem:$0x1E800] =	vst v63  }
0x46: {  	_ =	swait.ge [sflag:s22], $0x2000  }
0x47: {  	[sflag:s22] =	ssyncset.done $0x0  }
0x48: {  	[sflag:s22] =	ssyncadd.s32 $0xFFFFE000  }
0x49: {  	[spmem:s17] =	stream.linear.scatter [tilespmem:s26], [sflag:$0x3], $0x2000, $0x38;
	[tilespmem:$0x1E800] =	vst v63  }
0x4a: {  	_ =	swait.ge [sflag:s22], $0x2000  }
0x4b: {  	[sflag:s22] =	ssyncset.done $0x0  }
0x4c: {  	[sflag:s22] =	ssyncadd.s32 $0xFFFFE000  }
0x4d: {  	s6 =	simm.s32 $0x80;
	[bflag:$0x0] =	sbarrier.arrive $0xFFFF  }
0x4e: {  	[tilespmem:s26], [sflag:$0x2] =	stream.indirect.gather [hbm4b:s5+s24], $0x80, s6, s24, $0xb8;
	[tilespmem:$0x1E800] =	vst v63  }
0x4f: {  	_ =	swait.ge [sflag:s28], $0x3E80  }
0x50: {  	[sflag:s28] =	ssyncset.done $0x0  }
0x51: {  	s7 =	simm.s32 $0x1400;
	[sflag:s28] =	ssyncadd.s32 $0xFFFFC180  }
0x52: {  	[spmem:s3] =	stream.indirect.scatter.add.f32 [tilespmem:s25], [sflag:$0x3], $0x80, s7, s24, $0xb8;
	[tilespmem:$0x1E800] =	vst v63  }
0x53: {  	_ =	swait.ge [sflag:s22], $0x3E80  }
0x54: {  	[sflag:s22] =	ssyncset.done $0x0  }
0x55: {  	s9 =	simm.s32 $0x100;
	[sflag:s22] =	ssyncadd.s32 $0xFFFFC180  }
0x56: {  	[tilespmem:s25], [sflag:$0x1] =	stream.indirect.gather [hbm4b:s5+s24], $0x80, s9, s24, $0xb8;
	[tilespmem:$0x1E800] =	vst v63  }
0x57: {  	_ =	swait.ge [sflag:s29], $0x3E80  }
0x58: {  	[sflag:s29] =	ssyncset.done $0x0  }
0x59: {  	s10 =	simm.s32 $0x1480;
	[sflag:s29] =	ssyncadd.s32 $0xFFFFC180  }
0x5a: {  	[spmem:s3] =	stream.indirect.scatter.add.f32 [tilespmem:s26], [sflag:$0x3], $0x80, s10, s24, $0xb8;
	[tilespmem:$0x1E800] =	vst v63  }
0x5b: {  	_ =	swait.ge [sflag:s22], $0x3E80  }
0x5c: {  	s0 =	simm.s32 $0x100;
	s6 =	simm.s32 $0x800;
	[sflag:s22] =	ssyncset.done $0x0  }
.LBB2_2:
0x5d: {  	s7 =	sadd.s32 $0x80, s0  }
0x5e: {  	[sflag:s22] =	ssyncadd.s32 $0xFFFFC180;
	s9 =	smov.u32 s6;
	s10 =	sadd.s32 $0x400, s6  }
0x5f: {  	[tilespmem:s26], [sflag:$0x2] =	stream.indirect.gather [hbm4b:s5+s24], $0x80, s7, s24, $0xb8;
	[tilespmem:$0x1E800] =	vst v63  }
0x60: {  	p0 =	sne.s32 s6, $0x4800;
	_ =	swait.ge [sflag:s28], $0x3E80  }
0x61: {  	[sflag:s28] =	ssyncset.done $0x0  }
0x62: {  	s6 =	sadd.s32 $0x1400, s0;
	[sflag:s28] =	ssyncadd.s32 $0xFFFFC180  }
0x63: {  	[spmem:s3] =	stream.indirect.scatter.add.f32 [tilespmem:s25], [sflag:$0x3], $0x80, s6, s24, $0xb8;
	[tilespmem:$0x1E800] =	vst v63  }
0x64: {  	_ =	swait.ge [sflag:s22], $0x3E80  }
0x65: {  	[sflag:s22] =	ssyncset.done $0x0  }
0x66: {  	s6 =	sadd.s32 $0x100, s0;
	[sflag:s22] =	ssyncadd.s32 $0xFFFFC180  }
0x67: {  	[tilespmem:s25], [sflag:$0x1] =	stream.indirect.gather [hbm4b:s5+s24], $0x80, s6, s24, $0xb8;
	[tilespmem:$0x1E800] =	vst v63  }
0x68: {  	_ =	swait.ge [sflag:s29], $0x3E80  }
.Ltmp0:
0x69: {  	[sflag:s29] =	ssyncset.done $0x0;
	(pc) =	sbr.rel @p0 .LBB2_2-.Ltmp0, $4  }
0x6a: {  	s0 =	sadd.s32 $0x1480, s0;
	[sflag:s29] =	ssyncadd.s32 $0xFFFFC180  }
0x6b: {  	[spmem:s3] =	stream.indirect.scatter.add.f32 [tilespmem:s26], [sflag:$0x3], $0x80, s0, s24, $0xb8;
	[tilespmem:$0x1E800] =	vst v63  }
0x6c: {  	_ =	swait.ge [sflag:s22], $0x3E80  }
0x6d: {  	s6 =	smov.u32 s10;
	s0 =	sshra.s32 s9, $0x2;
	[sflag:s22] =	ssyncset.done $0x0  }
0x6e: {  	s6 =	sadd.s32 $0x80, s0;
	[sflag:s22] =	ssyncadd.s32 $0xFFFFC180  }
0x6f: {  	[tilespmem:s26], [sflag:$0x2] =	stream.indirect.gather [hbm4b:s5+s24], $0x80, s6, s24, $0xb8;
	[tilespmem:$0x1E800] =	vst v63  }
0x70: {  	_ =	swait.ge [sflag:s28], $0x3E80  }
0x71: {  	[sflag:s28] =	ssyncset.done $0x0  }
0x72: {  	s10 =	sadd.s32 $0x1400, s0;
	[sflag:s28] =	ssyncadd.s32 $0xFFFFC180  }
0x73: {  	[spmem:s3] =	stream.indirect.scatter.add.f32 [tilespmem:s25], [sflag:$0x3], $0x80, s10, s24, $0xb8;
	[tilespmem:$0x1E800] =	vst v63  }
0x74: {  	_ =	swait.ge [sflag:s22], $0x3E80  }
0x75: {  	[sflag:s22] =	ssyncset.done $0x0  }
0x76: {  	s7 =	sadd.s32 $0x100, s0;
	[sflag:s22] =	ssyncadd.s32 $0xFFFFC180  }
0x77: {  	[tilespmem:s25], [sflag:$0x1] =	stream.indirect.gather [hbm4b:s5+s24], $0x80, s7, s24, $0xb8;
	[tilespmem:$0x1E800] =	vst v63  }
0x78: {  	_ =	swait.ge [sflag:s29], $0x3E80  }
0x79: {  	[sflag:s29] =	ssyncset.done $0x0  }
0x7a: {  	s9 =	sadd.s32 $0x1480, s0;
	[sflag:s29] =	ssyncadd.s32 $0xFFFFC180  }
0x7b: {  	[spmem:s3] =	stream.indirect.scatter.add.f32 [tilespmem:s26], [sflag:$0x3], $0x80, s9, s24, $0xb8;
	[tilespmem:$0x1E800] =	vst v63  }
0x7c: {  	_ =	swait.ge [sflag:s22], $0x3E80  }
0x7d: {  	[sflag:s22] =	ssyncset.done $0x0  }
0x7e: {  	[sflag:s22] =	ssyncadd.s32 $0xFFFFC180  }
0x7f: {  	[tilespmem:s26], [sflag:$0x2] =	stream.indirect.gather [hbm4b:s5+s24], $0x80, s30, s24, $0xb8;
	[tilespmem:$0x1E800] =	vst v63  }
0x80: {  	_ =	swait.ge [sflag:s28], $0x3E80  }
0x81: {  	[sflag:s28] =	ssyncset.done $0x0  }
0x82: {  	[sflag:s28] =	ssyncadd.s32 $0xFFFFC180  }
0x83: {  	[spmem:s3] =	stream.indirect.scatter.add.f32 [tilespmem:s25], [sflag:$0x3], $0x80, s31, s24, $0xb8;
	[tilespmem:$0x1E800] =	vst v63  }
0x84: {  	_ =	swait.ge [sflag:s22], $0x3E80  }
0x85: {  	[sflag:s22] =	ssyncset.done $0x0  }
0x86: {  	[sflag:s22] =	ssyncadd.s32 $0xFFFFC180  }
0x87: {  	_ =	swait.ge [sflag:s29], $0x3E80  }
0x88: {  	[sflag:s29] =	ssyncset.done $0x0  }
0x89: {  	[sflag:s29] =	ssyncadd.s32 $0xFFFFC180  }
0x8a: {  	[spmem:s3] =	stream.indirect.scatter.add.f32 [tilespmem:s26], [sflag:$0x3], $0x80, s1, s24, $0xb8;
	[tilespmem:$0x1E800] =	vst v63  }
0x8b: {  	_ =	swait.ge [sflag:s22], $0x3E80  }
0x8c: {  	[sflag:s22] =	ssyncset.done $0x0  }
0x8d: {  	s10 =	simm.s32 $0x0;
	[sflag:s22] =	ssyncadd.s32 $0xFFFFC180  }
0x8e: {  	[tilespmem:s10], [sflag:$0x3] =	stream.linear.gather [hbm4b:s18+s10], $0x1400, $0x38;
	[tilespmem:$0x1E800] =	vst v63  }
0x8f: {  	_ =	swait.ge [sflag:s22], $0x1400  }
0x90: {  	[sflag:s22] =	ssyncset.done $0x0  }
0x91: {  	[sflag:s22] =	ssyncadd.s32 $0xFFFFEC00  }
0x92: {  	[tilespmem:s23], [sflag:$0x3] =	stream.linear.gather [hbm4b:s19+s10], $0x1400, $0x38;
	[tilespmem:$0x1E800] =	vst v63  }
0x93: {  	_ =	swait.ge [sflag:s22], $0x1400  }
0x94: {  	[sflag:s22] =	ssyncset.done $0x0  }
0x95: {  	[sflag:s22] =	ssyncadd.s32 $0xFFFFEC00  }
0x96: {  	[tilespmem:s25], [sflag:$0x1] =	stream.indirect.gather [hbm4b:s5+s24], $0x80, s10, s24, $0xb8;
	[tilespmem:$0x1E800] =	vst v63  }
0x97: {  	s6 =	simm.s32 $0x80  }
0x98: {  	[tilespmem:s26], [sflag:$0x2] =	stream.indirect.gather [hbm4b:s5+s24], $0x80, s6, s24, $0xb8;
	[tilespmem:$0x1E800] =	vst v63  }
0x99: {  	_ =	swait.ge [sflag:s28], $0x3E80  }
0x9a: {  	[sflag:s28] =	ssyncset.done $0x0  }
0x9b: {  	s7 =	simm.s32 $0x1400;
	[sflag:s28] =	ssyncadd.s32 $0xFFFFC180  }
0x9c: {  	[spmem:s3] =	stream.indirect.scatter.add.f32 [tilespmem:s25], [sflag:$0x3], $0x80, s7, s24, $0xb8;
	[tilespmem:$0x1E800] =	vst v63  }
0x9d: {  	_ =	swait.ge [sflag:s22], $0x3E80  }
0x9e: {  	[sflag:s22] =	ssyncset.done $0x0  }
0x9f: {  	s9 =	simm.s32 $0x100;
	[sflag:s22] =	ssyncadd.s32 $0xFFFFC180  }
0xa0: {  	[tilespmem:s25], [sflag:$0x1] =	stream.indirect.gather [hbm4b:s5+s24], $0x80, s9, s24, $0xb8;
	[tilespmem:$0x1E800] =	vst v63  }
0xa1: {  	_ =	swait.ge [sflag:s29], $0x3E80  }
0xa2: {  	[sflag:s29] =	ssyncset.done $0x0  }
0xa3: {  	s10 =	simm.s32 $0x1480;
	[sflag:s29] =	ssyncadd.s32 $0xFFFFC180  }
0xa4: {  	[spmem:s3] =	stream.indirect.scatter.add.f32 [tilespmem:s26], [sflag:$0x3], $0x80, s10, s24, $0xb8;
	[tilespmem:$0x1E800] =	vst v63  }
0xa5: {  	_ =	swait.ge [sflag:s22], $0x3E80  }
0xa6: {  	s0 =	simm.s32 $0x100;
	s6 =	simm.s32 $0x800;
	[sflag:s22] =	ssyncset.done $0x0  }
.LBB2_4:
0xa7: {  	s7 =	sadd.s32 $0x80, s0  }
0xa8: {  	[sflag:s22] =	ssyncadd.s32 $0xFFFFC180;
	s9 =	smov.u32 s6;
	s10 =	sadd.s32 $0x400, s6  }
0xa9: {  	[tilespmem:s26], [sflag:$0x2] =	stream.indirect.gather [hbm4b:s5+s24], $0x80, s7, s24, $0xb8;
	[tilespmem:$0x1E800] =	vst v63  }
0xaa: {  	p0 =	sne.s32 s6, $0x4800;
	_ =	swait.ge [sflag:s28], $0x3E80  }
0xab: {  	[sflag:s28] =	ssyncset.done $0x0  }
0xac: {  	s6 =	sadd.s32 $0x1400, s0;
	[sflag:s28] =	ssyncadd.s32 $0xFFFFC180  }
0xad: {  	[spmem:s3] =	stream.indirect.scatter.add.f32 [tilespmem:s25], [sflag:$0x3], $0x80, s6, s24, $0xb8;
	[tilespmem:$0x1E800] =	vst v63  }
0xae: {  	_ =	swait.ge [sflag:s22], $0x3E80  }
0xaf: {  	[sflag:s22] =	ssyncset.done $0x0  }
0xb0: {  	s6 =	sadd.s32 $0x100, s0;
	[sflag:s22] =	ssyncadd.s32 $0xFFFFC180  }
0xb1: {  	[tilespmem:s25], [sflag:$0x1] =	stream.indirect.gather [hbm4b:s5+s24], $0x80, s6, s24, $0xb8;
	[tilespmem:$0x1E800] =	vst v63  }
0xb2: {  	_ =	swait.ge [sflag:s29], $0x3E80  }
.Ltmp1:
0xb3: {  	[sflag:s29] =	ssyncset.done $0x0;
	(pc) =	sbr.rel @p0 .LBB2_4-.Ltmp1, $4  }
0xb4: {  	s0 =	sadd.s32 $0x1480, s0;
	[sflag:s29] =	ssyncadd.s32 $0xFFFFC180  }
0xb5: {  	[spmem:s3] =	stream.indirect.scatter.add.f32 [tilespmem:s26], [sflag:$0x3], $0x80, s0, s24, $0xb8;
	[tilespmem:$0x1E800] =	vst v63  }
0xb6: {  	_ =	swait.ge [sflag:s22], $0x3E80  }
0xb7: {  	s6 =	smov.u32 s10;
	s0 =	sshra.s32 s9, $0x2;
	[sflag:s22] =	ssyncset.done $0x0  }
0xb8: {  	s6 =	sadd.s32 $0x80, s0;
	[sflag:s22] =	ssyncadd.s32 $0xFFFFC180  }
0xb9: {  	[tilespmem:s26], [sflag:$0x2] =	stream.indirect.gather [hbm4b:s5+s24], $0x80, s6, s24, $0xb8;
	[tilespmem:$0x1E800] =	vst v63  }
0xba: {  	_ =	swait.ge [sflag:s28], $0x3E80  }
0xbb: {  	[sflag:s28] =	ssyncset.done $0x0  }
0xbc: {  	s9 =	sadd.s32 $0x1400, s0;
	[sflag:s28] =	ssyncadd.s32 $0xFFFFC180  }
0xbd: {  	[spmem:s3] =	stream.indirect.scatter.add.f32 [tilespmem:s25], [sflag:$0x3], $0x80, s9, s24, $0xb8;
	[tilespmem:$0x1E800] =	vst v63  }
0xbe: {  	_ =	swait.ge [sflag:s22], $0x3E80  }
0xbf: {  	[sflag:s22] =	ssyncset.done $0x0  }
0xc0: {  	s10 =	sadd.s32 $0x100, s0;
	[sflag:s22] =	ssyncadd.s32 $0xFFFFC180  }
0xc1: {  	[tilespmem:s25], [sflag:$0x1] =	stream.indirect.gather [hbm4b:s5+s24], $0x80, s10, s24, $0xb8;
	[tilespmem:$0x1E800] =	vst v63  }
0xc2: {  	_ =	swait.ge [sflag:s29], $0x3E80  }
0xc3: {  	[sflag:s29] =	ssyncset.done $0x0  }
0xc4: {  	s7 =	sadd.s32 $0x1480, s0;
	[sflag:s29] =	ssyncadd.s32 $0xFFFFC180  }
0xc5: {  	[spmem:s3] =	stream.indirect.scatter.add.f32 [tilespmem:s26], [sflag:$0x3], $0x80, s7, s24, $0xb8;
	[tilespmem:$0x1E800] =	vst v63  }
0xc6: {  	_ =	swait.ge [sflag:s22], $0x3E80  }
0xc7: {  	[sflag:s22] =	ssyncset.done $0x0  }
0xc8: {  	[sflag:s22] =	ssyncadd.s32 $0xFFFFC180  }
0xc9: {  	[tilespmem:s26], [sflag:$0x2] =	stream.indirect.gather [hbm4b:s5+s24], $0x80, s30, s24, $0xb8;
	[tilespmem:$0x1E800] =	vst v63  }
0xca: {  	_ =	swait.ge [sflag:s28], $0x3E80  }
0xcb: {  	[sflag:s28] =	ssyncset.done $0x0  }
0xcc: {  	[sflag:s28] =	ssyncadd.s32 $0xFFFFC180  }
0xcd: {  	[spmem:s3] =	stream.indirect.scatter.add.f32 [tilespmem:s25], [sflag:$0x3], $0x80, s31, s24, $0xb8;
	[tilespmem:$0x1E800] =	vst v63  }
0xce: {  	_ =	swait.ge [sflag:s22], $0x3E80  }
0xcf: {  	[sflag:s22] =	ssyncset.done $0x0  }
0xd0: {  	[sflag:s22] =	ssyncadd.s32 $0xFFFFC180  }
0xd1: {  	_ =	swait.ge [sflag:s29], $0x3E80  }
0xd2: {  	[sflag:s29] =	ssyncset.done $0x0  }
0xd3: {  	[sflag:s29] =	ssyncadd.s32 $0xFFFFC180  }
0xd4: {  	[spmem:s3] =	stream.indirect.scatter.add.f32 [tilespmem:s26], [sflag:$0x3], $0x80, s1, s24, $0xb8;
	[tilespmem:$0x1E800] =	vst v63  }
0xd5: {  	s9 =	stileid.u32;
	_ =	swait.ge [sflag:s22], $0x3E80  }
0xd6: {  	s2 =	sadd.s32 $0x1, s2;
	s0 =	sshll.u32 s9, $0x6;
	[sflag:s22] =	ssyncset.done $0x0  }
0xd7: {  	p0 =	sne.s32 s2, s20;
	s0 =	sor.u32 $0x1C03, s0;
	[sflag:s22] =	ssyncadd.s32 $0xFFFFC180  }
.Ltmp2:
0xd8: {  	s10 =	sshrl.u32 s8, $0x3;
	[bflag:$0x0] =	sbarrier.arrive $0xFFFF;
	(pc) =	sbr.rel @p0 .LBB2_1-.Ltmp2, $4  }
0xd9: {  	[hbm:s21], [sflag:s0] =	dma.local [spmem:s10], $0x2800  }
0xda: {  	_ =	swait.ge [sflag:s22], $0x2800  }
0xdb: {  	[sflag:s22] =	ssyncset.done $0x0  }
0xdc: {  	[sflag:s22] =	ssyncadd.s32 $0xFFFFD800  }
0xdd: {  	_ =	sfence.sel $0x180000  }
0xde: {  	[bflag:$0x0] =	sbarrier.arrive $0xFFFF  }
0xdf: {  	_ =	strace $0x90000050  }
0xe0: {  	s0 =	stileid.u32;
	[bflag:$0x2] =	sbarrier.arrive $0xFFFF  }
0xe1: {  	p0 =	sne.s32 s0, $0x0;
	s0 =	rddreg [dreg:$0x5]  }
0xe2: {  	s0 =	sadd.s32 @!p0 $0x100000, s0  }
0xe3: {  	[sflag:s0] =	ssyncadd.tile.s32 @!p0 $0x1;
	_ =	shalt  }
.Lfunc_end2:
_tile_overlayer_lowered:
.L_overlay_start_2:
0xe4: {  	(tag) =	ssettag $0x2  }
0xe5: {  	s0 =	rddreg [dreg:$0x0];
	s2 =	stileid.u32  }
0xe6: {  	s1 =	rddreg [dreg:$0x1];
	p0 =	sne.s32 s2, $0x0  }
0xe7: {  	s3 =	rddreg [dreg:$0x2];
	[bflag:$0x3] =	sbarrier.arrive $0xFFFF;
	s2 =	simm.s32 @!p0 $0x1C03  }
0xe8: {  	[timem:s3], [sflag:s2] =	dma.local @!p0 [hbm:s0], s1  }
0xe9: {  	s0 =	simm.s32 @!p0 $0x3  }
0xea: {  	_ =	swait.ge @!p0 [sflag:s0], s1  }
0xeb: {  	s1 =	ssub.s32 @!p0 $0x0, s1;
	[sflag:s0] =	ssyncset.done @!p0 $0x0  }
0xec: {  	[sflag:s0] =	ssyncadd.s32 @!p0 s1  }
0xed: {  	[bflag:$0x3] =	sbarrier.arrive $0xFFFF  }
0xee: {  	_ =	shalt  }

// kernel: _run.27.cloned.1.call-start
scs
__scs_entry_jumppad:
0x0: {  	(pc) =	sbr.rel $0x88, $3  }
0x1: {  	(tag) =	ssettag $0x0;
	lr =	simm.s32 $0x1  }
0x2: {  	[smem:$0x3F95] =	sst lr;
	_ =	strace $0xD0000000  }
0x3: {  	_ = 	snop  }
0x4: {  	_ = 	snop  }
0x5: {  	_ = 	snop  }
0x6: {  	_ = 	snop  }
0x7: {  	_ = 	snop  }
__scs_overlays_trampoline_lowered:
0x8: {  	[smem:$0x3FA4] =	sst s0  }
0x9: {  	[smem:$0x3FA5] =	sst s1  }
0xa: {  	[smem:$0x3FA6] =	sst s2  }
0xb: {  	[smem:$0x3FA7] =	sst s3  }
0xc: {  	[smem:$0x3FA8] =	sst s4  }
0xd: {  	[smem:$0x3FA9] =	sst s5  }
0xe: {  	[smem:$0x3FAA] =	sst s6  }
0xf: {  	[smem:$0x3FAB] =	sst s7  }
0x10: {  	[smem:$0x3FAC] =	sst s8  }
0x11: {  	[smem:$0x3FAD] =	sst s9;
	s0 =	simm.s32 @!p0 $0x0  }
0x12: {  	s1 =	sld [smem:$0x3F93];
	s0 =	simm.s32 @p0 $0x1  }
0x13: {  	[smem:$0x3FAE] =	sst s0;
	s0 =	simm.s32 @!p1 $0x0  }
0x14: {  	s2 =	sld [smem:$0x3F92];
	s0 =	simm.s32 @p1 $0x1  }
0x15: {  	[smem:$0x3FAF] =	sst s0;
	s0 =	simm.s32 @!p2 $0x0  }
0x16: {  	s3 =	sld [smem:$0x3FDB];
	s0 =	simm.s32 @p2 $0x1  }
0x17: {  	s4 =	simm.s32 $0x1BF5;
	[smem:$0x3FB1] =	sst s0  }
0x18: {  	s0 =	sld [smem:$0x3F94];
	_ =	swait.ge [sflag:s4], $0x0  }
0x19: {  	s7 =	sld [smem:$0x3F95]  }
0x1a: {  	s8 =	sadd.s32 $0xFFFFE003, lr  }
0x1b: {  	s9 =	sadd.s32 $0xFFFFFEF7, lr;
	s5 =	simm.s32 $0xFFFFFFFF;
	p2 =	slt.u32 s8, $0xFFFFF086  }
0x1c: {  	p1 =	slt.u32 s9, $0xF7A;
	s5 =	simm.s32 @!p2 $0x0  }
0x1d: {  	s5 =	simm.s32 @p1 $0x1;
	p0 =	seq.s32 s7, s2  }
0x1e: {  	s7 =	smul.u32 @!p0 $0xF7A, s2;
	p2 =	seq.s32 @!p0 s5, $0x0  }
0x1f: {  	s9 =	smul.u32 $0xF7A, s1;
	s8 =	simm.s32 @!p0 $0x1BF5;
	p2 =	por !p2, p0  }
0x20: {  	[sflag:s8] =	ssyncset.s32 @!p0 $0xFFFFF086;
	s6 =	sadd.s32 @!p0 s3, s7;
	s7 =	simm.s32 @!p0 $0x108  }
0x21: {  	s3 =	sadd.s32 s3, s9;
	s6 =	sadd.s32 @!p0 $0x88, s6;
	s7 =	simm.s32 @p2 $0x1082  }
0x22: {  	[simem:s7], [sflag:s8] =	dma.local @!p0 [hbm:s6], $0xF7A  }
0x23: {  	s9 =	sor.u32 $0xD0000000, s2;
	s6 =	simm.s32 $0x108;
	_ =	swait.ge @!p0 [sflag:s8], $0x0  }
0x24: {  	s3 =	sadd.s32 $0x88, s3;
	s6 =	simm.s32 @!p1 $0x1082;
	[sflag:s4] =	ssyncset.s32 $0xFFFFF086  }
0x25: {  	[simem:s6], [sflag:s4] =	dma.local [hbm:s3], $0xF7A  }
0x26: {  	[smem:$0x3F95] =	sst s1;
	(tag) =	ssettag s2;
	_ =	strace s9  }
0x27: {  	s1 =	sld [smem:$0x3FA5]  }
0x28: {  	s2 =	sld [smem:$0x3FA6]  }
0x29: {  	s4 =	sld [smem:$0x3FA8]  }
0x2a: {  	p0 =	seq.s32 s5, $0x0;
	s5 =	sld [smem:$0x3FA9]  }
0x2b: {  	s6 =	sld [smem:$0x3FAA]  }
0x2c: {  	s7 =	sld [smem:$0x3FAB]  }
0x2d: {  	s3 =	simm.s32 $0x108;
	s8 =	sld [smem:$0x3FAC]  }
0x2e: {  	s3 =	simm.s32 @!p0 $0x1082;
	s9 =	sld [smem:$0x3FAD]  }
0x2f: {  	lr =	sadd.s32 s0, s3;
	s0 =	sld [smem:$0x3FA4]  }
0x30: {  	s3 =	sld [smem:$0x3FA7]  }
0x31: {  	[smem:$0x3FB0] =	sst s10  }
0x32: {  	s10 =	sld [smem:$0x3FAE];
	_ =	sdelay $0x3  }
0x33: {  	p0 =	seq.s32 s10, $0x1;
	s10 =	sld [smem:$0x3FB0];
	_ =	sdelay $0x3  }
0x34: {  	[smem:$0x3FB0] =	sst s10  }
0x35: {  	s10 =	sld [smem:$0x3FAF];
	_ =	sdelay $0x3  }
0x36: {  	p1 =	seq.s32 s10, $0x1;
	s10 =	sld [smem:$0x3FB0];
	_ =	sdelay $0x3  }
0x37: {  	[smem:$0x3FB0] =	sst s10  }
0x38: {  	s10 =	sld [smem:$0x3FB1]  }
0x39: {  	_ = 	snop;
	(pc) =	sbr.ind lr, $3  }
0x3a: {  	_ = 	snop  }
0x3b: {  	_ = 	snop  }
0x3c: {  	p2 =	seq.s32 s10, $0x1;
	s10 =	sld [smem:$0x3FB0]  }
0x3d: {  	_ =	shalt  }
0x3e: {  	_ =	shalt  }
0x3f: {  	_ =	shalt  }
0x40: {  	_ =	shalt  }
0x41: {  	_ =	shalt  }
0x42: {  	_ =	shalt  }
0x43: {  	_ =	shalt  }
0x44: {  	_ =	shalt  }
0x45: {  	_ =	shalt  }
0x46: {  	_ =	shalt  }
0x47: {  	_ =	shalt  }
0x48: {  	_ =	shalt  }
0x49: {  	_ =	shalt  }
0x4a: {  	_ =	shalt  }
0x4b: {  	_ =	shalt  }
0x4c: {  	_ =	shalt  }
0x4d: {  	_ =	shalt  }
0x4e: {  	_ =	shalt  }
0x4f: {  	_ =	shalt  }
0x50: {  	_ =	shalt  }
0x51: {  	_ =	shalt  }
0x52: {  	_ =	shalt  }
0x53: {  	_ =	shalt  }
0x54: {  	_ =	shalt  }
0x55: {  	_ =	shalt  }
0x56: {  	_ =	shalt  }
0x57: {  	_ =	shalt  }
0x58: {  	_ =	shalt  }
0x59: {  	_ =	shalt  }
0x5a: {  	_ =	shalt  }
0x5b: {  	_ =	shalt  }
0x5c: {  	_ =	shalt  }
0x5d: {  	_ =	shalt  }
0x5e: {  	_ =	shalt  }
0x5f: {  	_ =	shalt  }
0x60: {  	_ =	shalt  }
0x61: {  	_ =	shalt  }
0x62: {  	_ =	shalt  }
0x63: {  	_ =	shalt  }
0x64: {  	_ =	shalt  }
0x65: {  	_ =	shalt  }
0x66: {  	_ =	shalt  }
0x67: {  	_ =	shalt  }
0x68: {  	_ =	shalt  }
0x69: {  	_ =	shalt  }
0x6a: {  	_ =	shalt  }
0x6b: {  	_ =	shalt  }
0x6c: {  	_ =	shalt  }
0x6d: {  	_ =	shalt  }
0x6e: {  	_ =	shalt  }
0x6f: {  	_ =	shalt  }
0x70: {  	_ =	shalt  }
0x71: {  	_ =	shalt  }
0x72: {  	_ =	shalt  }
0x73: {  	_ =	shalt  }
0x74: {  	_ =	shalt  }
0x75: {  	_ =	shalt  }
0x76: {  	_ =	shalt  }
0x77: {  	_ =	shalt  }
0x78: {  	_ =	shalt  }
0x79: {  	_ =	shalt  }
0x7a: {  	_ =	shalt  }
0x7b: {  	_ =	shalt  }
0x7c: {  	_ =	shalt  }
0x7d: {  	_ =	shalt  }
0x7e: {  	_ =	shalt  }
0x7f: {  	_ =	shalt  }
0x80: {  	_ =	shalt  }
0x81: {  	_ =	shalt  }
0x82: {  	_ =	shalt  }
0x83: {  	_ =	shalt  }
0x84: {  	_ =	shalt  }
0x85: {  	_ =	shalt  }
0x86: {  	_ =	shalt  }
0x87: {  	_ =	shalt  }
.Lfunc_end0:
.L_simem_size_0:
called_computation.4_lowered:
.L_overlay_start_0:
0x88: {  	s2 =	sld [smem:$0x3FD9]  }
0x89: {  	s3 =	sld [smem:$0x3FFE];
	_ =	sdelay $0x1  }
0x8a: {  	s1 =	srdreg.scid  }
0x8b: {  	s0 =	sand.u32 $0x1, s1  }
0x8c: {  	s17 =	sshll.u32 s0, $0xA;
	s2 =	sadd.s32 s3, s2  }
0x8d: {  	s2 =	sadd.s32 s2, s17  }
0x8e: {  	[smem:$0x3FBC] =	sst s2  }
0x8f: {  	_ = 	snop  }
0x90: {  	s2 =	sld [smem:$0x3FC8]  }
0x91: {  	s18 =	sld [smem:$0x3FC7]  }
0x92: {  	s4 =	sld [smem:$0x3FD0];
	(tm) =	ssettm $0x1  }
0x93: {  	s5 =	sld [smem:$0x3FFB];
	_ =	sdelay $0x3  }
0x94: {  	_ =	strace s5  }
0x95: {  	s5 =	sld [smem:$0x3FFC];
	_ =	sdelay $0x3  }
0x96: {  	_ =	strace s5  }
0x97: {  	s5 =	sld [smem:$0x3FFD];
	_ =	sdelay $0x3  }
0x98: {  	_ =	strace s5  }
0x99: {  	_ =	strace $0x8FFFFFFF  }
0x9a: {  	s19 =	sld [smem:$0x3FDB];
	_ =	sdelay $0x1  }
0x9b: {  	s6 =	simm.s32 $_scs_section_size  }
0x9c: {  	s7 =	simm.s32 $_size__tile_overlayer_lowered;
	s8 =	simm.s32 $_tile_overlayer_lowered  }
0x9d: {  	s22 =	simm.s32 $0x1BFF;
	s21 =	sshll.u32 s8, $0x1;
	s5 =	sadd.s32 s6, s19  }
0x9e: {  	s9 =	simm.s32 $0x0;
	s20 =	sshll.u32 s7, $0x1;
	s7 =	sadd.s32 s21, s5  }
0x9f: {  	[timem:s9], [sflag:s22] =	dma.local [hbm:s7], s20  }
0xa0: {  	_ =	swait.ge [sflag:s22], s20  }
0xa1: {  	s6 =	ssub.s32 $0x0, s20;
	[sflag:s22] =	ssyncset.done $0x0  }
0xa2: {  	[sflag:s22] =	ssyncadd.s32 s6;
	_ =	sdelay $0x1  }
0xa3: {  	s23 =	simm.s32 $0x1B8B  }
0xa4: {  	_ =	swait.ge [sflag:s23], $0x1  }
0xa5: {  	[sflag:s23] =	ssyncset.done $0x0  }
0xa6: {  	s25 =	simm.s32 $0x1B8E;
	s24 =	sld [smem:$0x3FFE];
	[sflag:s23] =	ssyncadd.s32 $0xFFFFFFFF  }
0xa7: {  	s26 =	simm.s32 $execute0_lowered;
	[smem:$0x3FD2] =	sst s25  }
0xa8: {  	s7 =	sshll.u32 s26, $0x1;
	_ =	strace $0x80000052;
	[dreg:$0x1] =	wrdreg $0xFFFFFFFF  }
0xa9: {  	s28 =	simm.s32 $_size_execute0_lowered;
	s5 =	sadd.s32 s5, s7;
	[dreg:$0x0] =	wrdreg $0x0  }
0xaa: {  	s7 =	sshll.u32 s28, $0x1;
	[dreg:$0x2] =	wrdreg s5  }
0xab: {  	[dreg:$0x3] =	wrdreg s7  }
0xac: {  	[dreg:$0x4] =	wrdreg $0xC0  }
0xad: {  	_ =	task [dreg:s9], $0x5FFFF  }
0xae: {  	[dreg:$0x1] =	wrdreg $0xFFFFFFFF  }
0xaf: {  	[dreg:$0x0] =	wrdreg $0x60  }
0xb0: {  	[dreg:$0x2] =	wrdreg s24  }
0xb1: {  	[dreg:$0x3] =	wrdreg s2  }
0xb2: {  	[dreg:$0x4] =	wrdreg s18  }
0xb3: {  	[dreg:$0x5] =	wrdreg s4  }
0xb4: {  	[dreg:$0x6] =	wrdreg $0xA8000  }
0xb5: {  	[dreg:$0x7] =	wrdreg $0x9  }
0xb6: {  	_ =	task.clear_ibuf [dreg:s9], $0x8FFFF;
	_ =	strace $0x90000052  }
0xb7: {  	s29 =	simm.s32 $0x9;
	_ =	strace $0x80000054  }
0xb8: {  	_ =	swait.ge [sflag:s29], $0x1  }
0xb9: {  	[sflag:s29] =	ssyncadd.s32 $0xFFFFFFFF  }
0xba: {  	_ =	strace $0x90000054  }
0xbb: {  	_ =	sfence  }
0xbc: {  	s30 =	sld [smem:$0x0];
	_ =	sdelay $0x2  }
0xbd: {  	s31 =	sshll.u32 s1, $0xD;
	s1 =	sshrl.u32 s1, $0x2  }
0xbe: {  	s3 =	sand.u32 $0x4000, s31;
	s1 =	sadd.s32 s1, s30  }
0xbf: {  	s0 =	sor.u32 s3, s0;
	s1 =	sshll.u32 s1, $0x11  }
0xc0: {  	s0 =	sor.u32 s1, s0  }
0xc1: {  	s0 =	sadd.s32 $0x8F2B, s0  }
0xc2: {  	[sflag:s0] =	ssyncadd.remote.s32 $0x1  }
0xc3: {  	_ =	sfence.sel $0xFFFF  }
0xc4: {  	[dreg:$0x0] =	wrdreg $0xFFFFFFFF;
	(pc) =	sbr.abs _section_cstart, $3  }
0xc5: {  	[dreg:$0x1] =	wrdreg $0xFFFFFFFF  }
0xc6: {  	_ =	task.clear_ibuf [dreg:s9], $0x2FFFF;
	_ =	strace $0x9FFFFFFF  }
0xc7: {  	(tm) =	ssettm $0x7FFFFFFF  }
tec
execute0_lowered:
.L_overlay_start_1:
0x0: {  	(tag) =	ssettag $0x1  }
0x1: {  	s0 =	rddreg [dreg:$0x0]  }
0x2: {  	s1 =	rddreg [dreg:$0x1]  }
0x3: {  	s2 =	srdreg.scid;
	s6 =	rddreg [dreg:$0x2]  }
0x4: {  	s21 =	stileid.u32;
	s3 =	rddreg [dreg:$0x4]  }
0x5: {  	s28 =	simm.s32 $0x1;
	s29 =	simm.s32 $0x2;
	s30 =	simm.s32 $0x1380  }
0x6: {  	s31 =	simm.s32 $0x2700;
	s2 =	sand.u32 $0x1, s2;
	s9 =	smul.u32 $0x50000, s21  }
0x7: {  	s26 =	smul.u32 $0x2800, s21;
	s4 =	sshll.u32 s2, $0x4;
	s8 =	ssub.s32 $0x2, s2  }
0x8: {  	p0 =	seq.s32 s2, $0x1;
	s2 =	simm.s32 $0xD0000;
	s5 =	sor.u32 s21, s4  }
0x9: {  	s4 =	simm.s32 $0x0;
	s10 =	sshrl.u32 s8, $0x1;
	s22 =	sshrl.u32 s9, $0x2  }
0xa: {  	s2 =	simm.s32 @!p0 $0xA8000;
	s7 =	smul.u32 $0x2800, s5;
	[smem:$0x7FF] =	sst s4  }
0xb: {  	s5 =	sadd.s32 $0x8000, s0;
	s20 =	ssub.s32 s8, s10;
	s8 =	sadd.s32 s22, s3  }
0xc: {  	s0 =	sadd.s32 s2, s0;
	s22 =	simm.s32 $0x3;
	s2 =	simm.s32 $0x0  }
0xd: {  	_ =	strace $0x80000053;
	s24 =	sadd.s32 $0x2000, s8;
	s25 =	sadd.s32 $0x4000, s8  }
0xe: {  	s11 =	sadd.s32 $0x6000, s8;
	s12 =	sadd.s32 $0x8000, s8;
	s13 =	sadd.s32 $0xA000, s8  }
0xf: {  	s14 =	sadd.s32 $0xC000, s8;
	s15 =	sadd.s32 $0xE000, s8;
	s16 =	sadd.s32 $0x10000, s8  }
0x10: {  	s17 =	sadd.s32 $0x12000, s8;
	s20 =	smax.u32 s20, $0x1;
	s21 =	sadd.s32 s0, s26  }
0x11: {  	s26 =	simm.s32 $0x6800;
	s18 =	sshrl.u32 s7, $0x3;
	[dreg:$0x8] =	wrdreg s24  }
0x12: {  	[dreg:$0x9] =	wrdreg s25;
	s24 =	simm.s32 $0x7D;
	s7 =	sadd.s32 s1, s18  }
0x13: {  	s23 =	sadd.s32 s6, s18;
	s19 =	sadd.s32 $0x280, s18;
	[dreg:$0x6] =	wrdreg s7  }
0x14: {  	s25 =	simm.s32 $0x2800;
	[dreg:$0x7] =	wrdreg s23;
	s18 =	sadd.s32 s1, s19  }
0x15: {  	s19 =	sadd.s32 s6, s19;
	s23 =	simm.s32 $0x1400;
	s1 =	simm.s32 $0x2780  }
.LBB2_1:
0x16: {  	s0 =	rddreg [dreg:$0x6]  }
0x17: {  	[tilespmem:s4], [sflag:$0x3] =	stream.linear.gather [hbm4b:s0+s4], $0x1400, $0x38;
	[tilespmem:$0x1E800] =	vst v63  }
0x18: {  	_ =	swait.ge [sflag:s22], $0x1400  }
0x19: {  	[sflag:s22] =	ssyncset.done $0x0  }
0x1a: {  	s6 =	rddreg [dreg:$0x7];
	[sflag:s22] =	ssyncadd.s32 $0xFFFFEC00  }
0x1b: {  	[tilespmem:s23], [sflag:$0x3] =	stream.linear.gather [hbm4b:s6+s4], $0x1400, $0x38;
	[tilespmem:$0x1E800] =	vst v63  }
0x1c: {  	_ =	swait.ge [sflag:s22], $0x1400  }
0x1d: {  	[sflag:s22] =	ssyncset.done $0x0  }
0x1e: {  	[sflag:s22] =	ssyncadd.s32 $0xFFFFEC00  }
0x1f: {  	[tilespmem:s25], [sflag:$0x1] =	stream.indirect.gather [hbm4b:s5+s24], $0x80, s4, s24, $0xb8;
	[tilespmem:$0x1E800] =	vst v63  }
0x20: {  	s7 =	rddreg [dreg:$0x3]  }
0x21: {  	[tilespmem:s26], [sflag:$0x3] =	stream.linear.gather [hbm4b:s7+s4], $0x2000, $0x38;
	[tilespmem:$0x1E800] =	vst v63  }
0x22: {  	_ =	swait.ge [sflag:s22], $0x2000  }
0x23: {  	[sflag:s22] =	ssyncset.done $0x0  }
0x24: {  	[sflag:s22] =	ssyncadd.s32 $0xFFFFE000  }
0x25: {  	[spmem:s8] =	stream.linear.scatter [tilespmem:s26], [sflag:$0x3], $0x2000, $0x38;
	[tilespmem:$0x1E800] =	vst v63  }
0x26: {  	_ =	swait.ge [sflag:s22], $0x2000  }
0x27: {  	[sflag:s22] =	ssyncset.done $0x0  }
0x28: {  	s9 =	rddreg [dreg:$0x8];
	[sflag:s22] =	ssyncadd.s32 $0xFFFFE000  }
0x29: {  	[spmem:s9] =	stream.linear.scatter [tilespmem:s26], [sflag:$0x3], $0x2000, $0x38;
	[tilespmem:$0x1E800] =	vst v63  }
0x2a: {  	_ =	swait.ge [sflag:s22], $0x2000  }
0x2b: {  	[sflag:s22] =	ssyncset.done $0x0  }
0x2c: {  	s10 =	rddreg [dreg:$0x9];
	[sflag:s22] =	ssyncadd.s32 $0xFFFFE000  }
0x2d: {  	[spmem:s10] =	stream.linear.scatter [tilespmem:s26], [sflag:$0x3], $0x2000, $0x38;
	[tilespmem:$0x1E800] =	vst v63  }
0x2e: {  	_ =	swait.ge [sflag:s22], $0x2000  }
0x2f: {  	[sflag:s22] =	ssyncset.done $0x0  }
0x30: {  	[sflag:s22] =	ssyncadd.s32 $0xFFFFE000  }
0x31: {  	[spmem:s11] =	stream.linear.scatter [tilespmem:s26], [sflag:$0x3], $0x2000, $0x38;
	[tilespmem:$0x1E800] =	vst v63  }
0x32: {  	_ =	swait.ge [sflag:s22], $0x2000  }
0x33: {  	[sflag:s22] =	ssyncset.done $0x0  }
0x34: {  	[sflag:s22] =	ssyncadd.s32 $0xFFFFE000  }
0x35: {  	[spmem:s12] =	stream.linear.scatter [tilespmem:s26], [sflag:$0x3], $0x2000, $0x38;
	[tilespmem:$0x1E800] =	vst v63  }
0x36: {  	_ =	swait.ge [sflag:s22], $0x2000  }
0x37: {  	[sflag:s22] =	ssyncset.done $0x0  }
0x38: {  	[sflag:s22] =	ssyncadd.s32 $0xFFFFE000  }
0x39: {  	[spmem:s13] =	stream.linear.scatter [tilespmem:s26], [sflag:$0x3], $0x2000, $0x38;
	[tilespmem:$0x1E800] =	vst v63  }
0x3a: {  	_ =	swait.ge [sflag:s22], $0x2000  }
0x3b: {  	[sflag:s22] =	ssyncset.done $0x0  }
0x3c: {  	[sflag:s22] =	ssyncadd.s32 $0xFFFFE000  }
0x3d: {  	[spmem:s14] =	stream.linear.scatter [tilespmem:s26], [sflag:$0x3], $0x2000, $0x38;
	[tilespmem:$0x1E800] =	vst v63  }
0x3e: {  	_ =	swait.ge [sflag:s22], $0x2000  }
0x3f: {  	[sflag:s22] =	ssyncset.done $0x0  }
0x40: {  	[sflag:s22] =	ssyncadd.s32 $0xFFFFE000  }
0x41: {  	[spmem:s15] =	stream.linear.scatter [tilespmem:s26], [sflag:$0x3], $0x2000, $0x38;
	[tilespmem:$0x1E800] =	vst v63  }
0x42: {  	_ =	swait.ge [sflag:s22], $0x2000  }
0x43: {  	[sflag:s22] =	ssyncset.done $0x0  }
0x44: {  	[sflag:s22] =	ssyncadd.s32 $0xFFFFE000  }
0x45: {  	[spmem:s16] =	stream.linear.scatter [tilespmem:s26], [sflag:$0x3], $0x2000, $0x38;
	[tilespmem:$0x1E800] =	vst v63  }
0x46: {  	_ =	swait.ge [sflag:s22], $0x2000  }
0x47: {  	[sflag:s22] =	ssyncset.done $0x0  }
0x48: {  	[sflag:s22] =	ssyncadd.s32 $0xFFFFE000  }
0x49: {  	[spmem:s17] =	stream.linear.scatter [tilespmem:s26], [sflag:$0x3], $0x2000, $0x38;
	[tilespmem:$0x1E800] =	vst v63  }
0x4a: {  	_ =	swait.ge [sflag:s22], $0x2000  }
0x4b: {  	[sflag:s22] =	ssyncset.done $0x0  }
0x4c: {  	[sflag:s22] =	ssyncadd.s32 $0xFFFFE000  }
0x4d: {  	s6 =	simm.s32 $0x80;
	[bflag:$0x0] =	sbarrier.arrive $0xFFFF  }
0x4e: {  	[tilespmem:s26], [sflag:$0x2] =	stream.indirect.gather [hbm4b:s5+s24], $0x80, s6, s24, $0xb8;
	[tilespmem:$0x1E800] =	vst v63  }
0x4f: {  	_ =	swait.ge [sflag:s28], $0x3E80  }
0x50: {  	[sflag:s28] =	ssyncset.done $0x0  }
0x51: {  	s7 =	simm.s32 $0x1400;
	[sflag:s28] =	ssyncadd.s32 $0xFFFFC180  }
0x52: {  	[spmem:s3] =	stream.indirect.scatter.add.f32 [tilespmem:s25], [sflag:$0x3], $0x80, s7, s24, $0xb8;
	[tilespmem:$0x1E800] =	vst v63  }
0x53: {  	_ =	swait.ge [sflag:s22], $0x3E80  }
0x54: {  	[sflag:s22] =	ssyncset.done $0x0  }
0x55: {  	s9 =	simm.s32 $0x100;
	[sflag:s22] =	ssyncadd.s32 $0xFFFFC180  }
0x56: {  	[tilespmem:s25], [sflag:$0x1] =	stream.indirect.gather [hbm4b:s5+s24], $0x80, s9, s24, $0xb8;
	[tilespmem:$0x1E800] =	vst v63  }
0x57: {  	_ =	swait.ge [sflag:s29], $0x3E80  }
0x58: {  	[sflag:s29] =	ssyncset.done $0x0  }
0x59: {  	s10 =	simm.s32 $0x1480;
	[sflag:s29] =	ssyncadd.s32 $0xFFFFC180  }
0x5a: {  	[spmem:s3] =	stream.indirect.scatter.add.f32 [tilespmem:s26], [sflag:$0x3], $0x80, s10, s24, $0xb8;
	[tilespmem:$0x1E800] =	vst v63  }
0x5b: {  	_ =	swait.ge [sflag:s22], $0x3E80  }
0x5c: {  	s0 =	simm.s32 $0x100;
	s6 =	simm.s32 $0x800;
	[sflag:s22] =	ssyncset.done $0x0  }
.LBB2_2:
0x5d: {  	s7 =	sadd.s32 $0x80, s0  }
0x5e: {  	[sflag:s22] =	ssyncadd.s32 $0xFFFFC180;
	s9 =	smov.u32 s6;
	s10 =	sadd.s32 $0x400, s6  }
0x5f: {  	[tilespmem:s26], [sflag:$0x2] =	stream.indirect.gather [hbm4b:s5+s24], $0x80, s7, s24, $0xb8;
	[tilespmem:$0x1E800] =	vst v63  }
0x60: {  	p0 =	sne.s32 s6, $0x4800;
	_ =	swait.ge [sflag:s28], $0x3E80  }
0x61: {  	[sflag:s28] =	ssyncset.done $0x0  }
0x62: {  	s6 =	sadd.s32 $0x1400, s0;
	[sflag:s28] =	ssyncadd.s32 $0xFFFFC180  }
0x63: {  	[spmem:s3] =	stream.indirect.scatter.add.f32 [tilespmem:s25], [sflag:$0x3], $0x80, s6, s24, $0xb8;
	[tilespmem:$0x1E800] =	vst v63  }
0x64: {  	_ =	swait.ge [sflag:s22], $0x3E80  }
0x65: {  	[sflag:s22] =	ssyncset.done $0x0  }
0x66: {  	s6 =	sadd.s32 $0x100, s0;
	[sflag:s22] =	ssyncadd.s32 $0xFFFFC180  }
0x67: {  	[tilespmem:s25], [sflag:$0x1] =	stream.indirect.gather [hbm4b:s5+s24], $0x80, s6, s24, $0xb8;
	[tilespmem:$0x1E800] =	vst v63  }
0x68: {  	_ =	swait.ge [sflag:s29], $0x3E80  }
.Ltmp0:
0x69: {  	[sflag:s29] =	ssyncset.done $0x0;
	(pc) =	sbr.rel @p0 .LBB2_2-.Ltmp0, $4  }
0x6a: {  	s0 =	sadd.s32 $0x1480, s0;
	[sflag:s29] =	ssyncadd.s32 $0xFFFFC180  }
0x6b: {  	[spmem:s3] =	stream.indirect.scatter.add.f32 [tilespmem:s26], [sflag:$0x3], $0x80, s0, s24, $0xb8;
	[tilespmem:$0x1E800] =	vst v63  }
0x6c: {  	_ =	swait.ge [sflag:s22], $0x3E80  }
0x6d: {  	s6 =	smov.u32 s10;
	s0 =	sshra.s32 s9, $0x2;
	[sflag:s22] =	ssyncset.done $0x0  }
0x6e: {  	s6 =	sadd.s32 $0x80, s0;
	[sflag:s22] =	ssyncadd.s32 $0xFFFFC180  }
0x6f: {  	[tilespmem:s26], [sflag:$0x2] =	stream.indirect.gather [hbm4b:s5+s24], $0x80, s6, s24, $0xb8;
	[tilespmem:$0x1E800] =	vst v63  }
0x70: {  	_ =	swait.ge [sflag:s28], $0x3E80  }
0x71: {  	[sflag:s28] =	ssyncset.done $0x0  }
0x72: {  	s10 =	sadd.s32 $0x1400, s0;
	[sflag:s28] =	ssyncadd.s32 $0xFFFFC180  }
0x73: {  	[spmem:s3] =	stream.indirect.scatter.add.f32 [tilespmem:s25], [sflag:$0x3], $0x80, s10, s24, $0xb8;
	[tilespmem:$0x1E800] =	vst v63  }
0x74: {  	_ =	swait.ge [sflag:s22], $0x3E80  }
0x75: {  	[sflag:s22] =	ssyncset.done $0x0  }
0x76: {  	s7 =	sadd.s32 $0x100, s0;
	[sflag:s22] =	ssyncadd.s32 $0xFFFFC180  }
0x77: {  	[tilespmem:s25], [sflag:$0x1] =	stream.indirect.gather [hbm4b:s5+s24], $0x80, s7, s24, $0xb8;
	[tilespmem:$0x1E800] =	vst v63  }
0x78: {  	_ =	swait.ge [sflag:s29], $0x3E80  }
0x79: {  	[sflag:s29] =	ssyncset.done $0x0  }
0x7a: {  	s9 =	sadd.s32 $0x1480, s0;
	[sflag:s29] =	ssyncadd.s32 $0xFFFFC180  }
0x7b: {  	[spmem:s3] =	stream.indirect.scatter.add.f32 [tilespmem:s26], [sflag:$0x3], $0x80, s9, s24, $0xb8;
	[tilespmem:$0x1E800] =	vst v63  }
0x7c: {  	_ =	swait.ge [sflag:s22], $0x3E80  }
0x7d: {  	[sflag:s22] =	ssyncset.done $0x0  }
0x7e: {  	[sflag:s22] =	ssyncadd.s32 $0xFFFFC180  }
0x7f: {  	[tilespmem:s26], [sflag:$0x2] =	stream.indirect.gather [hbm4b:s5+s24], $0x80, s30, s24, $0xb8;
	[tilespmem:$0x1E800] =	vst v63  }
0x80: {  	_ =	swait.ge [sflag:s28], $0x3E80  }
0x81: {  	[sflag:s28] =	ssyncset.done $0x0  }
0x82: {  	[sflag:s28] =	ssyncadd.s32 $0xFFFFC180  }
0x83: {  	[spmem:s3] =	stream.indirect.scatter.add.f32 [tilespmem:s25], [sflag:$0x3], $0x80, s31, s24, $0xb8;
	[tilespmem:$0x1E800] =	vst v63  }
0x84: {  	_ =	swait.ge [sflag:s22], $0x3E80  }
0x85: {  	[sflag:s22] =	ssyncset.done $0x0  }
0x86: {  	[sflag:s22] =	ssyncadd.s32 $0xFFFFC180  }
0x87: {  	_ =	swait.ge [sflag:s29], $0x3E80  }
0x88: {  	[sflag:s29] =	ssyncset.done $0x0  }
0x89: {  	[sflag:s29] =	ssyncadd.s32 $0xFFFFC180  }
0x8a: {  	[spmem:s3] =	stream.indirect.scatter.add.f32 [tilespmem:s26], [sflag:$0x3], $0x80, s1, s24, $0xb8;
	[tilespmem:$0x1E800] =	vst v63  }
0x8b: {  	_ =	swait.ge [sflag:s22], $0x3E80  }
0x8c: {  	[sflag:s22] =	ssyncset.done $0x0  }
0x8d: {  	s10 =	simm.s32 $0x0;
	[sflag:s22] =	ssyncadd.s32 $0xFFFFC180  }
0x8e: {  	[tilespmem:s10], [sflag:$0x3] =	stream.linear.gather [hbm4b:s18+s10], $0x1400, $0x38;
	[tilespmem:$0x1E800] =	vst v63  }
0x8f: {  	_ =	swait.ge [sflag:s22], $0x1400  }
0x90: {  	[sflag:s22] =	ssyncset.done $0x0  }
0x91: {  	[sflag:s22] =	ssyncadd.s32 $0xFFFFEC00  }
0x92: {  	[tilespmem:s23], [sflag:$0x3] =	stream.linear.gather [hbm4b:s19+s10], $0x1400, $0x38;
	[tilespmem:$0x1E800] =	vst v63  }
0x93: {  	_ =	swait.ge [sflag:s22], $0x1400  }
0x94: {  	[sflag:s22] =	ssyncset.done $0x0  }
0x95: {  	[sflag:s22] =	ssyncadd.s32 $0xFFFFEC00  }
0x96: {  	[tilespmem:s25], [sflag:$0x1] =	stream.indirect.gather [hbm4b:s5+s24], $0x80, s10, s24, $0xb8;
	[tilespmem:$0x1E800] =	vst v63  }
0x97: {  	s6 =	simm.s32 $0x80  }
0x98: {  	[tilespmem:s26], [sflag:$0x2] =	stream.indirect.gather [hbm4b:s5+s24], $0x80, s6, s24, $0xb8;
	[tilespmem:$0x1E800] =	vst v63  }
0x99: {  	_ =	swait.ge [sflag:s28], $0x3E80  }
0x9a: {  	[sflag:s28] =	ssyncset.done $0x0  }
0x9b: {  	s7 =	simm.s32 $0x1400;
	[sflag:s28] =	ssyncadd.s32 $0xFFFFC180  }
0x9c: {  	[spmem:s3] =	stream.indirect.scatter.add.f32 [tilespmem:s25], [sflag:$0x3], $0x80, s7, s24, $0xb8;
	[tilespmem:$0x1E800] =	vst v63  }
0x9d: {  	_ =	swait.ge [sflag:s22], $0x3E80  }
0x9e: {  	[sflag:s22] =	ssyncset.done $0x0  }
0x9f: {  	s9 =	simm.s32 $0x100;
	[sflag:s22] =	ssyncadd.s32 $0xFFFFC180  }
0xa0: {  	[tilespmem:s25], [sflag:$0x1] =	stream.indirect.gather [hbm4b:s5+s24], $0x80, s9, s24, $0xb8;
	[tilespmem:$0x1E800] =	vst v63  }
0xa1: {  	_ =	swait.ge [sflag:s29], $0x3E80  }
0xa2: {  	[sflag:s29] =	ssyncset.done $0x0  }
0xa3: {  	s10 =	simm.s32 $0x1480;
	[sflag:s29] =	ssyncadd.s32 $0xFFFFC180  }
0xa4: {  	[spmem:s3] =	stream.indirect.scatter.add.f32 [tilespmem:s26], [sflag:$0x3], $0x80, s10, s24, $0xb8;
	[tilespmem:$0x1E800] =	vst v63  }
0xa5: {  	_ =	swait.ge [sflag:s22], $0x3E80  }
0xa6: {  	s0 =	simm.s32 $0x100;
	s6 =	simm.s32 $0x800;
	[sflag:s22] =	ssyncset.done $0x0  }
.LBB2_4:
0xa7: {  	s7 =	sadd.s32 $0x80, s0  }
0xa8: {  	[sflag:s22] =	ssyncadd.s32 $0xFFFFC180;
	s9 =	smov.u32 s6;
	s10 =	sadd.s32 $0x400, s6  }
0xa9: {  	[tilespmem:s26], [sflag:$0x2] =	stream.indirect.gather [hbm4b:s5+s24], $0x80, s7, s24, $0xb8;
	[tilespmem:$0x1E800] =	vst v63  }
0xaa: {  	p0 =	sne.s32 s6, $0x4800;
	_ =	swait.ge [sflag:s28], $0x3E80  }
0xab: {  	[sflag:s28] =	ssyncset.done $0x0  }
0xac: {  	s6 =	sadd.s32 $0x1400, s0;
	[sflag:s28] =	ssyncadd.s32 $0xFFFFC180  }
0xad: {  	[spmem:s3] =	stream.indirect.scatter.add.f32 [tilespmem:s25], [sflag:$0x3], $0x80, s6, s24, $0xb8;
	[tilespmem:$0x1E800] =	vst v63  }
0xae: {  	_ =	swait.ge [sflag:s22], $0x3E80  }
0xaf: {  	[sflag:s22] =	ssyncset.done $0x0  }
0xb0: {  	s6 =	sadd.s32 $0x100, s0;
	[sflag:s22] =	ssyncadd.s32 $0xFFFFC180  }
0xb1: {  	[tilespmem:s25], [sflag:$0x1] =	stream.indirect.gather [hbm4b:s5+s24], $0x80, s6, s24, $0xb8;
	[tilespmem:$0x1E800] =	vst v63  }
0xb2: {  	_ =	swait.ge [sflag:s29], $0x3E80  }
.Ltmp1:
0xb3: {  	[sflag:s29] =	ssyncset.done $0x0;
	(pc) =	sbr.rel @p0 .LBB2_4-.Ltmp1, $4  }
0xb4: {  	s0 =	sadd.s32 $0x1480, s0;
	[sflag:s29] =	ssyncadd.s32 $0xFFFFC180  }
0xb5: {  	[spmem:s3] =	stream.indirect.scatter.add.f32 [tilespmem:s26], [sflag:$0x3], $0x80, s0, s24, $0xb8;
	[tilespmem:$0x1E800] =	vst v63  }
0xb6: {  	_ =	swait.ge [sflag:s22], $0x3E80  }
0xb7: {  	s6 =	smov.u32 s10;
	s0 =	sshra.s32 s9, $0x2;
	[sflag:s22] =	ssyncset.done $0x0  }
0xb8: {  	s6 =	sadd.s32 $0x80, s0;
	[sflag:s22] =	ssyncadd.s32 $0xFFFFC180  }
0xb9: {  	[tilespmem:s26], [sflag:$0x2] =	stream.indirect.gather [hbm4b:s5+s24], $0x80, s6, s24, $0xb8;
	[tilespmem:$0x1E800] =	vst v63  }
0xba: {  	_ =	swait.ge [sflag:s28], $0x3E80  }
0xbb: {  	[sflag:s28] =	ssyncset.done $0x0  }
0xbc: {  	s9 =	sadd.s32 $0x1400, s0;
	[sflag:s28] =	ssyncadd.s32 $0xFFFFC180  }
0xbd: {  	[spmem:s3] =	stream.indirect.scatter.add.f32 [tilespmem:s25], [sflag:$0x3], $0x80, s9, s24, $0xb8;
	[tilespmem:$0x1E800] =	vst v63  }
0xbe: {  	_ =	swait.ge [sflag:s22], $0x3E80  }
0xbf: {  	[sflag:s22] =	ssyncset.done $0x0  }
0xc0: {  	s10 =	sadd.s32 $0x100, s0;
	[sflag:s22] =	ssyncadd.s32 $0xFFFFC180  }
0xc1: {  	[tilespmem:s25], [sflag:$0x1] =	stream.indirect.gather [hbm4b:s5+s24], $0x80, s10, s24, $0xb8;
	[tilespmem:$0x1E800] =	vst v63  }
0xc2: {  	_ =	swait.ge [sflag:s29], $0x3E80  }
0xc3: {  	[sflag:s29] =	ssyncset.done $0x0  }
0xc4: {  	s7 =	sadd.s32 $0x1480, s0;
	[sflag:s29] =	ssyncadd.s32 $0xFFFFC180  }
0xc5: {  	[spmem:s3] =	stream.indirect.scatter.add.f32 [tilespmem:s26], [sflag:$0x3], $0x80, s7, s24, $0xb8;
	[tilespmem:$0x1E800] =	vst v63  }
0xc6: {  	_ =	swait.ge [sflag:s22], $0x3E80  }
0xc7: {  	[sflag:s22] =	ssyncset.done $0x0  }
0xc8: {  	[sflag:s22] =	ssyncadd.s32 $0xFFFFC180  }
0xc9: {  	[tilespmem:s26], [sflag:$0x2] =	stream.indirect.gather [hbm4b:s5+s24], $0x80, s30, s24, $0xb8;
	[tilespmem:$0x1E800] =	vst v63  }
0xca: {  	_ =	swait.ge [sflag:s28], $0x3E80  }
0xcb: {  	[sflag:s28] =	ssyncset.done $0x0  }
0xcc: {  	[sflag:s28] =	ssyncadd.s32 $0xFFFFC180  }
0xcd: {  	[spmem:s3] =	stream.indirect.scatter.add.f32 [tilespmem:s25], [sflag:$0x3], $0x80, s31, s24, $0xb8;
	[tilespmem:$0x1E800] =	vst v63  }
0xce: {  	_ =	swait.ge [sflag:s22], $0x3E80  }
0xcf: {  	[sflag:s22] =	ssyncset.done $0x0  }
0xd0: {  	[sflag:s22] =	ssyncadd.s32 $0xFFFFC180  }
0xd1: {  	_ =	swait.ge [sflag:s29], $0x3E80  }
0xd2: {  	[sflag:s29] =	ssyncset.done $0x0  }
0xd3: {  	[sflag:s29] =	ssyncadd.s32 $0xFFFFC180  }
0xd4: {  	[spmem:s3] =	stream.indirect.scatter.add.f32 [tilespmem:s26], [sflag:$0x3], $0x80, s1, s24, $0xb8;
	[tilespmem:$0x1E800] =	vst v63  }
0xd5: {  	s9 =	stileid.u32;
	_ =	swait.ge [sflag:s22], $0x3E80  }
0xd6: {  	s2 =	sadd.s32 $0x1, s2;
	s0 =	sshll.u32 s9, $0x6;
	[sflag:s22] =	ssyncset.done $0x0  }
0xd7: {  	p0 =	sne.s32 s2, s20;
	s0 =	sor.u32 $0x1C03, s0;
	[sflag:s22] =	ssyncadd.s32 $0xFFFFC180  }
.Ltmp2:
0xd8: {  	s10 =	sshrl.u32 s8, $0x3;
	[bflag:$0x0] =	sbarrier.arrive $0xFFFF;
	(pc) =	sbr.rel @p0 .LBB2_1-.Ltmp2, $4  }
0xd9: {  	[hbm:s21], [sflag:s0] =	dma.local [spmem:s10], $0x2800  }
0xda: {  	_ =	swait.ge [sflag:s22], $0x2800  }
0xdb: {  	[sflag:s22] =	ssyncset.done $0x0  }
0xdc: {  	[sflag:s22] =	ssyncadd.s32 $0xFFFFD800  }
0xdd: {  	_ =	sfence.sel $0x180000  }
0xde: {  	[bflag:$0x0] =	sbarrier.arrive $0xFFFF  }
0xdf: {  	_ =	strace $0x90000053  }
0xe0: {  	s0 =	stileid.u32;
	[bflag:$0x2] =	sbarrier.arrive $0xFFFF  }
0xe1: {  	p0 =	sne.s32 s0, $0x0;
	s0 =	rddreg [dreg:$0x5]  }
0xe2: {  	s0 =	sadd.s32 @!p0 $0x100000, s0  }
0xe3: {  	[sflag:s0] =	ssyncadd.tile.s32 @!p0 $0x1;
	_ =	shalt  }
.Lfunc_end2:
_tile_overlayer_lowered:
.L_overlay_start_2:
0xe4: {  	(tag) =	ssettag $0x2  }
0xe5: {  	s0 =	rddreg [dreg:$0x0];
	s2 =	stileid.u32  }
0xe6: {  	s1 =	rddreg [dreg:$0x1];
	p0 =	sne.s32 s2, $0x0  }
0xe7: {  	s3 =	rddreg [dreg:$0x2];
	[bflag:$0x3] =	sbarrier.arrive $0xFFFF;
	s2 =	simm.s32 @!p0 $0x1C03  }
0xe8: {  	[timem:s3], [sflag:s2] =	dma.local @!p0 [hbm:s0], s1  }
0xe9: {  	s0 =	simm.s32 @!p0 $0x3  }
0xea: {  	_ =	swait.ge @!p0 [sflag:s0], s1  }
0xeb: {  	s1 =	ssub.s32 @!p0 $0x0, s1;
	[sflag:s0] =	ssyncset.done @!p0 $0x0  }
0xec: {  	[sflag:s0] =	ssyncadd.s32 @!p0 s1  }
0xed: {  	[bflag:$0x3] =	sbarrier.arrive $0xFFFF  }
0xee: {  	_ =	shalt  }

</sc_bundles>
